<compile_context>
chip_gen: v7x
topology: tpu7x:2x2x1
jax: 0.10.2.dev20260603
libtpu: 0.0.44.dev20260713+nightly
codegen_flags: <defaults>
</compile_context>

<pallas_src>
import functools

import jax
import jax.numpy as jnp
from jax import lax
from jax.experimental import pallas as pl
from jax.experimental.pallas import tpu as pltpu
from jax.experimental.pallas import tpu_sc as plsc

_B = 128
_NBUF = 5
_LEAD = 3
_AW = 64




def _mm_body(F, x_ref, w_ref, b_ref, ei_ref, xw1_ref, z_ref,
             src_ref, dst_ref):
    x = x_ref[...]
    w = w_ref[...]
    xw1_ref[...] = (
        jnp.dot(x, w[:F, :], preferred_element_type=jnp.float32) + b_ref[...]
    )
    z_ref[...] = jnp.dot(x, w[F:, :], preferred_element_type=jnp.float32)
    i = pl.program_id(0)
    e = ei_ref[...]
    eblk = e.shape[1]
    src_ref[pl.ds(i * eblk, eblk)] = e[0]
    dst_ref[pl.ds(i * eblk, eblk)] = e[1]


def _phase1(x, W, b2, ei):
    N, F = x.shape
    CH = W.shape[1]
    E = ei.shape[1]
    g = 5
    blk = N // g
    eblk = E // g
    assert N % g == 0 and E % g == 0 and blk % 8 == 0
    return pl.pallas_call(
        functools.partial(_mm_body, F),
        grid=(g,),
        in_specs=[
            pl.BlockSpec((blk, F), lambda i: (i, 0)),
            pl.BlockSpec((2 * F, CH), lambda i: (0, 0)),
            pl.BlockSpec((1, CH), lambda i: (0, 0)),
            pl.BlockSpec((2, eblk), lambda i: (0, i)),
        ],
        out_specs=(
            pl.BlockSpec((blk, CH), lambda i: (i, 0)),
            pl.BlockSpec((blk, _AW), lambda i: (i, 0)),
            pl.BlockSpec((E,), lambda i: (0,)),
            pl.BlockSpec((E,), lambda i: (0,)),
        ),
        out_shape=(
            jax.ShapeDtypeStruct((N, CH), jnp.float32),
            jax.ShapeDtypeStruct((N, _AW), jnp.float32),
            jax.ShapeDtypeStruct((E,), jnp.int32),
            jax.ShapeDtypeStruct((E,), jnp.int32),
        ),
    )(x, W, b2, ei)




def _sc_body(
    N, NC, NS, ept, cnt_rows,
    z_hbm, src_hbm, dst_hbm,
    seg_out, cnt_out,
    srcv, dstv, dring, dtail, rows, rtail, zbuf, cntl, ridx, cexp,
    acc, cacc, gsems, ssems, psem,
):
    cid = lax.axis_index("c")
    sid = lax.axis_index("s")
    wid = sid * NC + cid

    n_full = ept // _B
    tail = ept - n_full * _B

    zvec = jnp.zeros((16,), jnp.float32)
    iota16 = lax.iota(jnp.int32, 16)
    ones16 = jnp.ones((16,), jnp.float32)
    zidx16 = jnp.zeros((16,), jnp.int32)

    ebase = pl.multiple_of(wid * ept, 8)
    pltpu.async_copy(src_hbm.at[pl.ds(ebase, ept)], srcv, psem)
    pltpu.async_copy(dst_hbm.at[pl.ds(ebase, ept)], dstv, psem)

    for r in range(64):
        for k in range(_AW // 16):
            zbuf[r, pl.ds(k * 16, 16)] = zvec

    def _zc(r, _):
        cntl[r, :] = zvec
        return 0

    lax.fori_loop(0, cnt_rows, _zc, 0)

    for j in range(cnt_rows // _B):
        for k in range(_B // 16):
            ridx[j, pl.ds(k * 16, 16)] = iota16 + (j * _B + k * 16)

    cshare = cnt_rows // NS
    pltpu.sync_copy(
        cntl.at[pl.ds(sid * cshare, cshare)],
        cacc.at[pl.ds(sid * cshare, cshare)],
    )

    n_zfull = N // 64
    z_tail = N - n_zfull * 64
    n_zchunk = n_zfull + (1 if z_tail else 0)
    z_iters = (n_zchunk + NS - 1) // NS

    def _zrun(start):
        def _go(i, _):
            ck = i * NS + sid

            @pl.when(ck < n_zfull)
            def _():
                d = pltpu.make_async_copy(
                    zbuf, acc.at[pl.ds(ck * 64, 64)], ssems.at[0])
                d.start() if start else d.wait()

            if z_tail:
                @pl.when(ck == n_zfull)
                def _():
                    d = pltpu.make_async_copy(
                        zbuf.at[pl.ds(0, z_tail)],
                        acc.at[pl.ds(n_zfull * 64, z_tail)], ssems.at[0])
                    d.start() if start else d.wait()

            return 0

        lax.fori_loop(0, z_iters, _go, 0)

    _zrun(True)
    _zrun(False)

    pltpu.make_async_copy(src_hbm.at[pl.ds(ebase, ept)], srcv, psem).wait()
    pltpu.make_async_copy(dst_hbm.at[pl.ds(ebase, ept)], dstv, psem).wait()

    plsc.subcore_barrier()

    def _stage_dst(c, b):
        for k in range(_B // 16):
            v = dstv[pl.ds(c * _B + k * 16, 16)]
            dring[b, pl.ds(k * 16, 16)] = v
            plsc.addupdate_scatter(
                cntl,
                [lax.shift_right_logical(v, 4), lax.bitwise_and(v, 15)],
                ones16,
            )

    def _gather_start(c, b):
        pltpu.async_copy(
            z_hbm.at[srcv.at[pl.ds(c * _B, _B)]], rows.at[b], gsems.at[b])

    def _gather_wait(c, b):
        pltpu.make_async_copy(
            z_hbm.at[srcv.at[pl.ds(c * _B, _B)]], rows.at[b], gsems.at[b]
        ).wait()

    def _scat_start(b):
        pltpu.async_copy(rows.at[b], acc.at[dring.at[b]], ssems.at[b],
                         add=True)

    def _scat_wait(b):
        pltpu.make_async_copy(
            rows.at[b], acc.at[dring.at[b]], ssems.at[b]
        ).wait()

    n_slots = ((n_full + _LEAD) + _NBUF - 1) // _NBUF * _NBUF

    def _step(j, _):
        for u in range(_NBUF):
            c = j * _NBUF + u
            b = u

            @pl.when(jnp.logical_and(c >= _NBUF, c - _NBUF < n_full))
            def _():
                _scat_wait(b)

            @pl.when(c < n_full)
            def _():
                _gather_start(c, b)
                _stage_dst(c, b)

            bp = (u - _LEAD) % _NBUF

            @pl.when(jnp.logical_and(c >= _LEAD, c - _LEAD < n_full))
            def _():
                _gather_wait(c - _LEAD, bp)
                _scat_start(bp)

        return 0

    lax.fori_loop(0, n_slots // _NBUF, _step, 0)

    for c in range(max(n_slots - _NBUF, 0), n_slots - 1):
        @pl.when(c < n_full)
        def _():
            _scat_wait(c % _NBUF)

    if tail:
        tbase = n_full * _B
        pltpu.async_copy(
            z_hbm.at[srcv.at[pl.ds(tbase, tail)]], rtail, gsems.at[0])
        for k in range(tail // 16):
            v = dstv[pl.ds(tbase + k * 16, 16)]
            dtail[pl.ds(k * 16, 16)] = v
            plsc.addupdate_scatter(
                cntl,
                [lax.shift_right_logical(v, 4), lax.bitwise_and(v, 15)],
                ones16,
            )
        pltpu.make_async_copy(
            z_hbm.at[srcv.at[pl.ds(tbase, tail)]], rtail, gsems.at[0]
        ).wait()
        pltpu.sync_copy(rtail, acc.at[dtail], add=True)

    for j in range(cnt_rows // _B):
        pltpu.sync_copy(
            cntl.at[pl.ds(j * _B, _B)], cacc.at[ridx.at[j]], add=True)

    plsc.subcore_barrier()

    def _wrun(start):
        def _go(i, _):
            ck = i * NS + sid

            @pl.when(ck < n_zfull)
            def _():
                d = pltpu.make_async_copy(
                    acc.at[pl.ds(ck * 64, 64)],
                    seg_out.at[pl.ds(ck * 64, 64),
                               pl.ds(cid * _AW, _AW)],
                    ssems.at[0])
                d.start() if start else d.wait()

            if z_tail:
                @pl.when(ck == n_zfull)
                def _():
                    d = pltpu.make_async_copy(
                        acc.at[pl.ds(n_zfull * 64, z_tail)],
                        seg_out.at[pl.ds(n_zfull * 64, z_tail),
                                   pl.ds(cid * _AW, _AW)],
                        ssems.at[0])
                    d.start() if start else d.wait()

            return 0

        lax.fori_loop(0, z_iters, _go, 0)

    _wrun(True)
    _wrun(False)

    pltpu.sync_copy(cacc.at[pl.ds(sid * cshare, cshare)],
                    cntl.at[pl.ds(0, cshare)])
    for k in range(cshare):
        c16 = cntl[k, :]
        plsc.store_scatter(cexp, [iota16 + k * 16, zidx16], c16)
    pltpu.sync_copy(
        cexp,
        cnt_out.at[pl.ds((cid * NS + sid) * cshare * 16, cshare * 16)])


def _phase2(z, src, dst):
    N = z.shape[0]
    E = src.shape[0]
    info = plsc.get_sparse_core_info()
    NC, NS = info.num_cores, info.num_subcores
    NW = NC * NS
    assert N % 16 == 0 and E % NW == 0
    ept = E // NW
    assert ept % 8 == 0 and (ept % _B) % 16 == 0
    cnt_rows = (N // 16 + _B - 1) // _B * _B
    assert cnt_rows % NS == 0

    mesh = plsc.VectorSubcoreMesh(core_axis_name="c", subcore_axis_name="s")
    body = functools.partial(_sc_body, N, NC, NS, ept, cnt_rows)
    tail = ept - (ept // _B) * _B
    cshare = cnt_rows // NS
    return pl.kernel(
        body,
        out_type=(
            jax.ShapeDtypeStruct((N, 128), jnp.float32),
            jax.ShapeDtypeStruct((NC * cnt_rows * 16, 16), jnp.float32),
        ),
        mesh=mesh,
        compiler_params=pltpu.CompilerParams(use_tc_tiling_on_sc=False,
                                             needs_layout_passes=False),
        scratch_types=(
            pltpu.VMEM((ept,), jnp.int32),
            pltpu.VMEM((ept,), jnp.int32),
            pltpu.VMEM((_NBUF, _B), jnp.int32),
            pltpu.VMEM((max(tail, 16),), jnp.int32),
            pltpu.VMEM((_NBUF, _B, _AW), jnp.float32),
            pltpu.VMEM((max(tail, 16), _AW), jnp.float32),
            pltpu.VMEM((64, _AW), jnp.float32),
            pltpu.VMEM((cnt_rows, 16), jnp.float32),
            pltpu.VMEM((cnt_rows // _B, _B), jnp.int32),
            pltpu.VMEM((cshare * 16, 16), jnp.float32),
            pltpu.VMEM_SHARED((N, _AW), jnp.float32),
            pltpu.VMEM_SHARED((cnt_rows, 16), jnp.float32),
            pltpu.SemaphoreType.DMA((_NBUF,)),
            pltpu.SemaphoreType.DMA((_NBUF,)),
            pltpu.SemaphoreType.DMA,
        ),
    )(z, src, dst)




def _fin_body(g, CH, xw1_ref, seg_ref, cnta_ref, cntb_ref, wd_ref, bd_ref,
              y_ref, pool_ref):
    i = pl.program_id(0)
    seg = seg_ref[...]
    seg = seg[:, :CH] + seg[:, CH:2 * CH]
    cnt = cnta_ref[0][:, :1] + cntb_ref[0][:, :1]
    out = xw1_ref[...] + seg / jnp.maximum(cnt, 1.0)
    sq = jnp.sum(out * out, axis=-1, keepdims=True)
    out = out * lax.rsqrt(jnp.maximum(sq, 1e-12))
    out = jnp.maximum(out, 0.0)
    pooled = jnp.sum(out, axis=0, keepdims=True)

    @pl.when(i == 0)
    def _():
        pool_ref[...] = jnp.zeros_like(pool_ref)

    pool_ref[...] += pooled

    @pl.when(i == g - 1)
    def _():
        y_ref[...] = (
            jnp.dot(pool_ref[...], wd_ref[...],
                    preferred_element_type=jnp.float32) + bd_ref[...]
        )


def _phase3(xw1b, seg, cnt3, Wd, bd2):
    CH, n_out = Wd.shape
    N = xw1b.shape[0]
    g = 5
    blk = N // g
    assert N % g == 0 and blk % 8 == 0
    return pl.pallas_call(
        functools.partial(_fin_body, g, CH),
        grid=(g,),
        in_specs=[
            pl.BlockSpec((blk, CH), lambda i: (i, 0)),
            pl.BlockSpec((blk, 128), lambda i: (i, 0)),
            pl.BlockSpec((1, blk, 16), lambda i: (0, i, 0)),
            pl.BlockSpec((1, blk, 16), lambda i: (1, i, 0)),
            pl.BlockSpec((CH, n_out), lambda i: (0, 0)),
            pl.BlockSpec((1, n_out), lambda i: (0, 0)),
        ],
        out_specs=pl.BlockSpec((1, n_out), lambda i: (0, 0)),
        out_shape=jax.ShapeDtypeStruct((1, n_out), jnp.float32),
        scratch_shapes=[pltpu.VMEM((1, CH), jnp.float32)],
    )(xw1b, seg, cnt3, cnt3, Wd, bd2)




def kernel(x, edge_index, W, b, Wd, bd):
    N, F = x.shape
    CH = W.shape[1]
    xw1b, z, src, dst = _phase1(x, W, b.reshape(1, CH), edge_index)
    seg, cnt = _phase2(z, src, dst)
    npad = cnt.shape[0] // 2
    cnt3 = cnt.reshape(2, npad, 16)
    y = _phase3(xw1b, seg, cnt3, Wd, bd.reshape(1, -1))
    return y.reshape(-1)

# --- scband reference (transcript-rebuilt; emitter-appended) ---
"""Pipeline reference for scband-net-73400991088792 (READ-ONLY COPY).

The authoritative reference and input builder live on the scoring server;
editing this copy changes nothing except your own understanding.
"""

import jax, jax.numpy as jnp
import numpy as np

N = 10000
F = 128
E = 320000
CH = 64
N_OUT = 19


def setup_inputs(seed: int = 0) -> dict:
    key = jax.random.key(seed)
    k1, k2, k3, k4, k5 = jax.random.split(key, 5)
    x = jax.random.normal(k1, (N, F), dtype=jnp.float32)
    edge_index = jax.random.randint(k2, (2, E), 0, N, dtype=jnp.int32)
    # GraphSageConv kernel: concat([x, agg]) @ W, W: [2F, CH]
    W = jax.random.normal(k3, (2 * F, CH), dtype=jnp.float32) * 0.05
    b = jnp.zeros((CH,), dtype=jnp.float32)
    # Final dense: [CH, N_OUT]
    Wd = jax.random.normal(k4, (CH, N_OUT), dtype=jnp.float32) * 0.05
    bd = jnp.zeros((N_OUT,), dtype=jnp.float32)
    return {"x": x, "edge_index": edge_index, "W": W, "b": b, "Wd": Wd, "bd": bd}


def reference(x, edge_index, W, b, Wd, bd):
    # GraphMasking: identity in single-graph (sparse) mode
    src = edge_index[0]
    dst = edge_index[1]
    # GraphSageConv (MessagePassing, aggregate='mean'):
    # message = x gathered at source nodes
    messages = jnp.take(x, src, axis=0)
    # aggregate: mean over incoming edges per destination node
    agg_sum = jax.ops.segment_sum(messages, dst, num_segments=N)
    counts = jax.ops.segment_sum(jnp.ones((E,), dtype=x.dtype), dst, num_segments=N)
    agg = agg_sum / jnp.maximum(counts, 1.0)[:, None]
    # update: concat, dense, l2-normalize, activation
    h = jnp.concatenate([x, agg], axis=-1)
    out = h @ W + b
    sq = jnp.sum(out * out, axis=-1, keepdims=True)
    out = out * jax.lax.rsqrt(jnp.maximum(sq, 1e-12))
    out = jax.nn.relu(out)
    # Dropout: inactive at inference (identity)
    # GlobalSumPool over nodes
    pooled = jnp.sum(out, axis=0)
    # Dense(n_out)
    y = pooled @ Wd + bd
    return y

if __name__ == "__main__":
    import jax
    _d = setup_inputs()
    print(jax.jit(kernel)(*tuple(_d.values())))

</pallas_src>

<mosaic_0001>
#map = affine_map<(d0, d1) -> (0, 0)>
#map1 = affine_map<(d0, d1) -> (0)>
module attributes {stable_mosaic.version = 14 : i64} {
  func.func @_sc_body(%arg0: i32, %arg1: i32, %arg2: memref<10000x64xf32, #tpu.memory_space<hbm>>, %arg3: memref<320000xi32, #tpu.memory_space<hbm>>, %arg4: memref<320000xi32, #tpu.memory_space<hbm>>, %arg5: memref<10000x128xf32, #tpu.memory_space<hbm>>, %arg6: memref<20480x16xf32, #tpu.memory_space<hbm>>, %arg7: memref<10000xi32, #tpu.memory_space<vmem>>, %arg8: memref<10000xi32, #tpu.memory_space<vmem>>, %arg9: memref<5x128xi32, #tpu.memory_space<vmem>>, %arg10: memref<16xi32, #tpu.memory_space<vmem>>, %arg11: memref<5x128x64xf32, #tpu.memory_space<vmem>>, %arg12: memref<16x64xf32, #tpu.memory_space<vmem>>, %arg13: memref<64x64xf32, #tpu.memory_space<vmem>>, %arg14: memref<640x16xf32, #tpu.memory_space<vmem>>, %arg15: memref<5x128xi32, #tpu.memory_space<vmem>>, %arg16: memref<640x16xf32, #tpu.memory_space<vmem>>, %arg17: memref<10000x64xf32, #tpu.memory_space<vmem_shared>>, %arg18: memref<640x16xf32, #tpu.memory_space<vmem_shared>>, %arg19: memref<5x!tpu.dma_semaphore, #tpu.memory_space<semaphore_mem>>, %arg20: memref<5x!tpu.dma_semaphore, #tpu.memory_space<semaphore_mem>>, %arg21: memref<!tpu.dma_semaphore, #tpu.memory_space<semaphore_mem>>) attributes {dimension_semantics = [#tpu.dimension_semantics<core_parallel>, #tpu.dimension_semantics<subcore_parallel>], iteration_bounds = array<i64: 2, 16>, scalar_prefetch = 0 : i64, scratch_operands = 15 : i64, tpu.core_type = #tpu.core_type<sc_vector_subcore>, window_params = [{transform_indices = #map}, {transform_indices = #map1}, {transform_indices = #map1}, {transform_indices = #map}, {transform_indices = #map}]} {
    %mul3A = arith.constant 2 : i32
    %mul3A_0 = arith.muli %arg1, %mul3A : i32
    %add3A = arith.addi %mul3A_0, %arg0 : i32
    %broadcast_in_dim3A = arith.constant 0.000000e+00 : f32
    %broadcast_in_dim3A_1 = vector.broadcast %broadcast_in_dim3A : f32 to vector<16xf32>
    %iota3A = tpu.iota {dimensions = array<i32: 0>} : vector<16xi32>
    %broadcast_in_dim3A_2 = arith.constant 1.000000e+00 : f32
    %broadcast_in_dim3A_3 = vector.broadcast %broadcast_in_dim3A_2 : f32 to vector<16xf32>
    %broadcast_in_dim3A_4 = arith.constant 0 : i32
    %broadcast_in_dim3A_5 = vector.broadcast %broadcast_in_dim3A_4 : i32 to vector<16xi32>
    %mul3A_6 = arith.constant 10000 : i32
    %mul3A_7 = arith.muli %add3A, %mul3A_6 : i32
    %multiple_of3A = tpu.assume_multiple %mul3A_7, 8 : i32
    %dma_start3A = tpu.memref_slice %arg3[%multiple_of3A] : memref<320000xi32, #tpu.memory_space<hbm>> -> memref<10000xi32, #tpu.memory_space<hbm>>
    %dma_start3A_8 = tpu.memref_slice %arg3[%multiple_of3A] : memref<320000xi32, #tpu.memory_space<hbm>> -> memref<10000xi32, #tpu.memory_space<hbm>>
    tpu.enqueue_dma source(%dma_start3A_8 : memref<10000xi32, #tpu.memory_space<hbm>>) target(%arg7 : memref<10000xi32, #tpu.memory_space<vmem>>) target_semaphore(%arg21 : memref<!tpu.dma_semaphore, #tpu.memory_space<semaphore_mem>>)
    %dma_start3A_9 = tpu.memref_slice %arg4[%multiple_of3A] : memref<320000xi32, #tpu.memory_space<hbm>> -> memref<10000xi32, #tpu.memory_space<hbm>>
    %dma_start3A_10 = tpu.memref_slice %arg4[%multiple_of3A] : memref<320000xi32, #tpu.memory_space<hbm>> -> memref<10000xi32, #tpu.memory_space<hbm>>
    tpu.enqueue_dma source(%dma_start3A_10 : memref<10000xi32, #tpu.memory_space<hbm>>) target(%arg8 : memref<10000xi32, #tpu.memory_space<vmem>>) target_semaphore(%arg21 : memref<!tpu.dma_semaphore, #tpu.memory_space<semaphore_mem>>)
    %swap3A = arith.constant 0 : i32
    %swap3A_11 = arith.index_cast %swap3A : i32 to index
    %swap3A_12 = arith.constant 0 : index
    %swap3A_13 = tpu.vector_load %arg13[%swap3A_11, %swap3A_12] {strides = array<i32>} : memref<64x64xf32, #tpu.memory_space<vmem>>, vector<16xf32>,
    tpu.vector_store %arg13[%swap3A_11, %swap3A_12], %broadcast_in_dim3A_1 {strides = array<i32>} : memref<64x64xf32, #tpu.memory_space<vmem>>, vector<16xf32>,
    %swap3A_14 = arith.constant 0 : i32
    %swap3A_15 = arith.index_cast %swap3A_14 : i32 to index
    %swap3A_16 = arith.constant 16 : index
    %swap3A_17 = tpu.vector_load %arg13[%swap3A_15, %swap3A_16] {strides = array<i32>} : memref<64x64xf32, #tpu.memory_space<vmem>>, vector<16xf32>,
    tpu.vector_store %arg13[%swap3A_15, %swap3A_16], %broadcast_in_dim3A_1 {strides = array<i32>} : memref<64x64xf32, #tpu.memory_space<vmem>>, vector<16xf32>,
    %swap3A_18 = arith.constant 0 : i32
    %swap3A_19 = arith.index_cast %swap3A_18 : i32 to index
    %swap3A_20 = arith.constant 32 : index
    %swap3A_21 = tpu.vector_load %arg13[%swap3A_19, %swap3A_20] {strides = array<i32>} : memref<64x64xf32, #tpu.memory_space<vmem>>, vector<16xf32>,
    tpu.vector_store %arg13[%swap3A_19, %swap3A_20], %broadcast_in_dim3A_1 {strides = array<i32>} : memref<64x64xf32, #tpu.memory_space<vmem>>, vector<16xf32>,
    %swap3A_22 = arith.constant 0 : i32
    %swap3A_23 = arith.index_cast %swap3A_22 : i32 to index
    %swap3A_24 = arith.constant 48 : index
    %swap3A_25 = tpu.vector_load %arg13[%swap3A_23, %swap3A_24] {strides = array<i32>} : memref<64x64xf32, #tpu.memory_space<vmem>>, vector<16xf32>,
    tpu.vector_store %arg13[%swap3A_23, %swap3A_24], %broadcast_in_dim3A_1 {strides = array<i32>} : memref<64x64xf32, #tpu.memory_space<vmem>>, vector<16xf32>,
    %swap3A_26 = arith.constant 1 : i32
    %swap3A_27 = arith.index_cast %swap3A_26 : i32 to index
    %swap3A_28 = arith.constant 0 : index
    %swap3A_29 = tpu.vector_load %arg13[%swap3A_27, %swap3A_28] {strides = array<i32>} : memref<64x64xf32, #tpu.memory_space<vmem>>, vector<16xf32>,
    tpu.vector_store %arg13[%swap3A_27, %swap3A_28], %broadcast_in_dim3A_1 {strides = array<i32>} : memref<64x64xf32, #tpu.memory_space<vmem>>, vector<16xf32>,
    %swap3A_30 = arith.constant 1 : i32
    %swap3A_31 = arith.index_cast %swap3A_30 : i32 to index
    %swap3A_32 = arith.constant 16 : index
    %swap3A_33 = tpu.vector_load %arg13[%swap3A_31, %swap3A_32] {strides = array<i32>} : memref<64x64xf32, #tpu.memory_space<vmem>>, vector<16xf32>,
    tpu.vector_store %arg13[%swap3A_31, %swap3A_32], %broadcast_in_dim3A_1 {strides = array<i32>} : memref<64x64xf32, #tpu.memory_space<vmem>>, vector<16xf32>,
    %swap3A_34 = arith.constant 1 : i32
    %swap3A_35 = arith.index_cast %swap3A_34 : i32 to index
    %swap3A_36 = arith.constant 32 : index
    %swap3A_37 = tpu.vector_load %arg13[%swap3A_35, %swap3A_36] {strides = array<i32>} : memref<64x64xf32, #tpu.memory_space<vmem>>, vector<16xf32>,
    tpu.vector_store %arg13[%swap3A_35, %swap3A_36], %broadcast_in_dim3A_1 {strides = array<i32>} : memref<64x64xf32, #tpu.memory_space<vmem>>, vector<16xf32>,
    %swap3A_38 = arith.constant 1 : i32
    %swap3A_39 = arith.index_cast %swap3A_38 : i32 to index
    %swap3A_40 = arith.constant 48 : index
    %swap3A_41 = tpu.vector_load %arg13[%swap3A_39, %swap3A_40] {strides = array<i32>} : memref<64x64xf32, #tpu.memory_space<vmem>>, vector<16xf32>,
    tpu.vector_store %arg13[%swap3A_39, %swap3A_40], %broadcast_in_dim3A_1 {strides = array<i32>} : memref<64x64xf32, #tpu.memory_space<vmem>>, vector<16xf32>,
    %swap3A_42 = arith.constant 2 : i32
    %swap3A_43 = arith.index_cast %swap3A_42 : i32 to index
    %swap3A_44 = arith.constant 0 : index
    %swap3A_45 = tpu.vector_load %arg13[%swap3A_43, %swap3A_44] {strides = array<i32>} : memref<64x64xf32, #tpu.memory_space<vmem>>, vector<16xf32>,
    tpu.vector_store %arg13[%swap3A_43, %swap3A_44], %broadcast_in_dim3A_1 {strides = array<i32>} : memref<64x64xf32, #tpu.memory_space<vmem>>, vector<16xf32>,
    %swap3A_46 = arith.constant 2 : i32
    %swap3A_47 = arith.index_cast %swap3A_46 : i32 to index
    %swap3A_48 = arith.constant 16 : index
    %swap3A_49 = tpu.vector_load %arg13[%swap3A_47, %swap3A_48] {strides = array<i32>} : memref<64x64xf32, #tpu.memory_space<vmem>>, vector<16xf32>,
    tpu.vector_store %arg13[%swap3A_47, %swap3A_48], %broadcast_in_dim3A_1 {strides = array<i32>} : memref<64x64xf32, #tpu.memory_space<vmem>>, vector<16xf32>,
    %swap3A_50 = arith.constant 2 : i32
    %swap3A_51 = arith.index_cast %swap3A_50 : i32 to index
    %swap3A_52 = arith.constant 32 : index
    %swap3A_53 = tpu.vector_load %arg13[%swap3A_51, %swap3A_52] {strides = array<i32>} : memref<64x64xf32, #tpu.memory_space<vmem>>, vector<16xf32>,
    tpu.vector_store %arg13[%swap3A_51, %swap3A_52], %broadcast_in_dim3A_1 {strides = array<i32>} : memref<64x64xf32, #tpu.memory_space<vmem>>, vector<16xf32>,
    %swap3A_54 = arith.constant 2 : i32
    %swap3A_55 = arith.index_cast %swap3A_54 : i32 to index
    %swap3A_56 = arith.constant 48 : index
    %swap3A_57 = tpu.vector_load %arg13[%swap3A_55, %swap3A_56] {strides = array<i32>} : memref<64x64xf32, #tpu.memory_space<vmem>>, vector<16xf32>,
    tpu.vector_store %arg13[%swap3A_55, %swap3A_56], %broadcast_in_dim3A_1 {strides = array<i32>} : memref<64x64xf32, #tpu.memory_space<vmem>>, vector<16xf32>,
    %swap3A_58 = arith.constant 3 : i32
    %swap3A_59 = arith.index_cast %swap3A_58 : i32 to index
    %swap3A_60 = arith.constant 0 : index
    %swap3A_61 = tpu.vector_load %arg13[%swap3A_59, %swap3A_60] {strides = array<i32>} : memref<64x64xf32, #tpu.memory_space<vmem>>, vector<16xf32>,
    tpu.vector_store %arg13[%swap3A_59, %swap3A_60], %broadcast_in_dim3A_1 {strides = array<i32>} : memref<64x64xf32, #tpu.memory_space<vmem>>, vector<16xf32>,
    %swap3A_62 = arith.constant 3 : i32
    %swap3A_63 = arith.index_cast %swap3A_62 : i32 to index
    %swap3A_64 = arith.constant 16 : index
    %swap3A_65 = tpu.vector_load %arg13[%swap3A_63, %swap3A_64] {strides = array<i32>} : memref<64x64xf32, #tpu.memory_space<vmem>>, vector<16xf32>,
    tpu.vector_store %arg13[%swap3A_63, %swap3A_64], %broadcast_in_dim3A_1 {strides = array<i32>} : memref<64x64xf32, #tpu.memory_space<vmem>>, vector<16xf32>,
    %swap3A_66 = arith.constant 3 : i32
    %swap3A_67 = arith.index_cast %swap3A_66 : i32 to index
    %swap3A_68 = arith.constant 32 : index
    %swap3A_69 = tpu.vector_load %arg13[%swap3A_67, %swap3A_68] {strides = array<i32>} : memref<64x64xf32, #tpu.memory_space<vmem>>, vector<16xf32>,
    tpu.vector_store %arg13[%swap3A_67, %swap3A_68], %broadcast_in_dim3A_1 {strides = array<i32>} : memref<64x64xf32, #tpu.memory_space<vmem>>, vector<16xf32>,
    %swap3A_70 = arith.constant 3 : i32
    %swap3A_71 = arith.index_cast %swap3A_70 : i32 to index
    %swap3A_72 = arith.constant 48 : index
    %swap3A_73 = tpu.vector_load %arg13[%swap3A_71, %swap3A_72] {strides = array<i32>} : memref<64x64xf32, #tpu.memory_space<vmem>>, vector<16xf32>,
    tpu.vector_store %arg13[%swap3A_71, %swap3A_72], %broadcast_in_dim3A_1 {strides = array<i32>} : memref<64x64xf32, #tpu.memory_space<vmem>>, vector<16xf32>,
    %swap3A_74 = arith.constant 4 : i32
    %swap3A_75 = arith.index_cast %swap3A_74 : i32 to index
    %swap3A_76 = arith.constant 0 : index
    %swap3A_77 = tpu.vector_load %arg13[%swap3A_75, %swap3A_76] {strides = array<i32>} : memref<64x64xf32, #tpu.memory_space<vmem>>, vector<16xf32>,
    tpu.vector_store %arg13[%swap3A_75, %swap3A_76], %broadcast_in_dim3A_1 {strides = array<i32>} : memref<64x64xf32, #tpu.memory_space<vmem>>, vector<16xf32>,
    %swap3A_78 = arith.constant 4 : i32
    %swap3A_79 = arith.index_cast %swap3A_78 : i32 to index
    %swap3A_80 = arith.constant 16 : index
    %swap3A_81 = tpu.vector_load %arg13[%swap3A_79, %swap3A_80] {strides = array<i32>} : memref<64x64xf32, #tpu.memory_space<vmem>>, vector<16xf32>,
    tpu.vector_store %arg13[%swap3A_79, %swap3A_80], %broadcast_in_dim3A_1 {strides = array<i32>} : memref<64x64xf32, #tpu.memory_space<vmem>>, vector<16xf32>,
    %swap3A_82 = arith.constant 4 : i32
    %swap3A_83 = arith.index_cast %swap3A_82 : i32 to index
    %swap3A_84 = arith.constant 32 : index
    %swap3A_85 = tpu.vector_load %arg13[%swap3A_83, %swap3A_84] {strides = array<i32>} : memref<64x64xf32, #tpu.memory_space<vmem>>, vector<16xf32>,
    tpu.vector_store %arg13[%swap3A_83, %swap3A_84], %broadcast_in_dim3A_1 {strides = array<i32>} : memref<64x64xf32, #tpu.memory_space<vmem>>, vector<16xf32>,
    %swap3A_86 = arith.constant 4 : i32
    %swap3A_87 = arith.index_cast %swap3A_86 : i32 to index
    %swap3A_88 = arith.constant 48 : index
    %swap3A_89 = tpu.vector_load %arg13[%swap3A_87, %swap3A_88] {strides = array<i32>} : memref<64x64xf32, #tpu.memory_space<vmem>>, vector<16xf32>,
    tpu.vector_store %arg13[%swap3A_87, %swap3A_88], %broadcast_in_dim3A_1 {strides = array<i32>} : memref<64x64xf32, #tpu.memory_space<vmem>>, vector<16xf32>,
    %swap3A_90 = arith.constant 5 : i32
    %swap3A_91 = arith.index_cast %swap3A_90 : i32 to index
    %swap3A_92 = arith.constant 0 : index
    %swap3A_93 = tpu.vector_load %arg13[%swap3A_91, %swap3A_92] {strides = array<i32>} : memref<64x64xf32, #tpu.memory_space<vmem>>, vector<16xf32>,
    tpu.vector_store %arg13[%swap3A_91, %swap3A_92], %broadcast_in_dim3A_1 {strides = array<i32>} : memref<64x64xf32, #tpu.memory_space<vmem>>, vector<16xf32>,
    %swap3A_94 = arith.constant 5 : i32
    %swap3A_95 = arith.index_cast %swap3A_94 : i32 to index
    %swap3A_96 = arith.constant 16 : index
    %swap3A_97 = tpu.vector_load %arg13[%swap3A_95, %swap3A_96] {strides = array<i32>} : memref<64x64xf32, #tpu.memory_space<vmem>>, vector<16xf32>,
    tpu.vector_store %arg13[%swap3A_95, %swap3A_96], %broadcast_in_dim3A_1 {strides = array<i32>} : memref<64x64xf32, #tpu.memory_space<vmem>>, vector<16xf32>,
    %swap3A_98 = arith.constant 5 : i32
    %swap3A_99 = arith.index_cast %swap3A_98 : i32 to index
    %swap3A_100 = arith.constant 32 : index
    %swap3A_101 = tpu.vector_load %arg13[%swap3A_99, %swap3A_100] {strides = array<i32>} : memref<64x64xf32, #tpu.memory_space<vmem>>, vector<16xf32>,
    tpu.vector_store %arg13[%swap3A_99, %swap3A_100], %broadcast_in_dim3A_1 {strides = array<i32>} : memref<64x64xf32, #tpu.memory_space<vmem>>, vector<16xf32>,
    %swap3A_102 = arith.constant 5 : i32
    %swap3A_103 = arith.index_cast %swap3A_102 : i32 to index
    %swap3A_104 = arith.constant 48 : index
    %swap3A_105 = tpu.vector_load %arg13[%swap3A_103, %swap3A_104] {strides = array<i32>} : memref<64x64xf32, #tpu.memory_space<vmem>>, vector<16xf32>,
    tpu.vector_store %arg13[%swap3A_103, %swap3A_104], %broadcast_in_dim3A_1 {strides = array<i32>} : memref<64x64xf32, #tpu.memory_space<vmem>>, vector<16xf32>,
    %swap3A_106 = arith.constant 6 : i32
    %swap3A_107 = arith.index_cast %swap3A_106 : i32 to index
    %swap3A_108 = arith.constant 0 : index
    %swap3A_109 = tpu.vector_load %arg13[%swap3A_107, %swap3A_108] {strides = array<i32>} : memref<64x64xf32, #tpu.memory_space<vmem>>, vector<16xf32>,
    tpu.vector_store %arg13[%swap3A_107, %swap3A_108], %broadcast_in_dim3A_1 {strides = array<i32>} : memref<64x64xf32, #tpu.memory_space<vmem>>, vector<16xf32>,
    %swap3A_110 = arith.constant 6 : i32
    %swap3A_111 = arith.index_cast %swap3A_110 : i32 to index
    %swap3A_112 = arith.constant 16 : index
    %swap3A_113 = tpu.vector_load %arg13[%swap3A_111, %swap3A_112] {strides = array<i32>} : memref<64x64xf32, #tpu.memory_space<vmem>>, vector<16xf32>,
    tpu.vector_store %arg13[%swap3A_111, %swap3A_112], %broadcast_in_dim3A_1 {strides = array<i32>} : memref<64x64xf32, #tpu.memory_space<vmem>>, vector<16xf32>,
    %swap3A_114 = arith.constant 6 : i32
    %swap3A_115 = arith.index_cast %swap3A_114 : i32 to index
    %swap3A_116 = arith.constant 32 : index
    %swap3A_117 = tpu.vector_load %arg13[%swap3A_115, %swap3A_116] {strides = array<i32>} : memref<64x64xf32, #tpu.memory_space<vmem>>, vector<16xf32>,
    tpu.vector_store %arg13[%swap3A_115, %swap3A_116], %broadcast_in_dim3A_1 {strides = array<i32>} : memref<64x64xf32, #tpu.memory_space<vmem>>, vector<16xf32>,
    %swap3A_118 = arith.constant 6 : i32
    %swap3A_119 = arith.index_cast %swap3A_118 : i32 to index
    %swap3A_120 = arith.constant 48 : index
    %swap3A_121 = tpu.vector_load %arg13[%swap3A_119, %swap3A_120] {strides = array<i32>} : memref<64x64xf32, #tpu.memory_space<vmem>>, vector<16xf32>,
    tpu.vector_store %arg13[%swap3A_119, %swap3A_120], %broadcast_in_dim3A_1 {strides = array<i32>} : memref<64x64xf32, #tpu.memory_space<vmem>>, vector<16xf32>,
    %swap3A_122 = arith.constant 7 : i32
    %swap3A_123 = arith.index_cast %swap3A_122 : i32 to index
    %swap3A_124 = arith.constant 0 : index
    %swap3A_125 = tpu.vector_load %arg13[%swap3A_123, %swap3A_124] {strides = array<i32>} : memref<64x64xf32, #tpu.memory_space<vmem>>, vector<16xf32>,
    tpu.vector_store %arg13[%swap3A_123, %swap3A_124], %broadcast_in_dim3A_1 {strides = array<i32>} : memref<64x64xf32, #tpu.memory_space<vmem>>, vector<16xf32>,
    %swap3A_126 = arith.constant 7 : i32
    %swap3A_127 = arith.index_cast %swap3A_126 : i32 to index
    %swap3A_128 = arith.constant 16 : index
    %swap3A_129 = tpu.vector_load %arg13[%swap3A_127, %swap3A_128] {strides = array<i32>} : memref<64x64xf32, #tpu.memory_space<vmem>>, vector<16xf32>,
    tpu.vector_store %arg13[%swap3A_127, %swap3A_128], %broadcast_in_dim3A_1 {strides = array<i32>} : memref<64x64xf32, #tpu.memory_space<vmem>>, vector<16xf32>,
    %swap3A_130 = arith.constant 7 : i32
    %swap3A_131 = arith.index_cast %swap3A_130 : i32 to index
    %swap3A_132 = arith.constant 32 : index
    %swap3A_133 = tpu.vector_load %arg13[%swap3A_131, %swap3A_132] {strides = array<i32>} : memref<64x64xf32, #tpu.memory_space<vmem>>, vector<16xf32>,
    tpu.vector_store %arg13[%swap3A_131, %swap3A_132], %broadcast_in_dim3A_1 {strides = array<i32>} : memref<64x64xf32, #tpu.memory_space<vmem>>, vector<16xf32>,
    %swap3A_134 = arith.constant 7 : i32
    %swap3A_135 = arith.index_cast %swap3A_134 : i32 to index
    %swap3A_136 = arith.constant 48 : index
    %swap3A_137 = tpu.vector_load %arg13[%swap3A_135, %swap3A_136] {strides = array<i32>} : memref<64x64xf32, #tpu.memory_space<vmem>>, vector<16xf32>,
    tpu.vector_store %arg13[%swap3A_135, %swap3A_136], %broadcast_in_dim3A_1 {strides = array<i32>} : memref<64x64xf32, #tpu.memory_space<vmem>>, vector<16xf32>,
    %swap3A_138 = arith.constant 8 : i32
    %swap3A_139 = arith.index_cast %swap3A_138 : i32 to index
    %swap3A_140 = arith.constant 0 : index
    %swap3A_141 = tpu.vector_load %arg13[%swap3A_139, %swap3A_140] {strides = array<i32>} : memref<64x64xf32, #tpu.memory_space<vmem>>, vector<16xf32>,
    tpu.vector_store %arg13[%swap3A_139, %swap3A_140], %broadcast_in_dim3A_1 {strides = array<i32>} : memref<64x64xf32, #tpu.memory_space<vmem>>, vector<16xf32>,
    %swap3A_142 = arith.constant 8 : i32
    %swap3A_143 = arith.index_cast %swap3A_142 : i32 to index
    %swap3A_144 = arith.constant 16 : index
    %swap3A_145 = tpu.vector_load %arg13[%swap3A_143, %swap3A_144] {strides = array<i32>} : memref<64x64xf32, #tpu.memory_space<vmem>>, vector<16xf32>,
    tpu.vector_store %arg13[%swap3A_143, %swap3A_144], %broadcast_in_dim3A_1 {strides = array<i32>} : memref<64x64xf32, #tpu.memory_space<vmem>>, vector<16xf32>,
    %swap3A_146 = arith.constant 8 : i32
    %swap3A_147 = arith.index_cast %swap3A_146 : i32 to index
    %swap3A_148 = arith.constant 32 : index
    %swap3A_149 = tpu.vector_load %arg13[%swap3A_147, %swap3A_148] {strides = array<i32>} : memref<64x64xf32, #tpu.memory_space<vmem>>, vector<16xf32>,
    tpu.vector_store %arg13[%swap3A_147, %swap3A_148], %broadcast_in_dim3A_1 {strides = array<i32>} : memref<64x64xf32, #tpu.memory_space<vmem>>, vector<16xf32>,
    %swap3A_150 = arith.constant 8 : i32
    %swap3A_151 = arith.index_cast %swap3A_150 : i32 to index
    %swap3A_152 = arith.constant 48 : index
    %swap3A_153 = tpu.vector_load %arg13[%swap3A_151, %swap3A_152] {strides = array<i32>} : memref<64x64xf32, #tpu.memory_space<vmem>>, vector<16xf32>,
    tpu.vector_store %arg13[%swap3A_151, %swap3A_152], %broadcast_in_dim3A_1 {strides = array<i32>} : memref<64x64xf32, #tpu.memory_space<vmem>>, vector<16xf32>,
    %swap3A_154 = arith.constant 9 : i32
    %swap3A_155 = arith.index_cast %swap3A_154 : i32 to index
    %swap3A_156 = arith.constant 0 : index
    %swap3A_157 = tpu.vector_load %arg13[%swap3A_155, %swap3A_156] {strides = array<i32>} : memref<64x64xf32, #tpu.memory_space<vmem>>, vector<16xf32>,
    tpu.vector_store %arg13[%swap3A_155, %swap3A_156], %broadcast_in_dim3A_1 {strides = array<i32>} : memref<64x64xf32, #tpu.memory_space<vmem>>, vector<16xf32>,
    %swap3A_158 = arith.constant 9 : i32
    %swap3A_159 = arith.index_cast %swap3A_158 : i32 to index
    %swap3A_160 = arith.constant 16 : index
    %swap3A_161 = tpu.vector_load %arg13[%swap3A_159, %swap3A_160] {strides = array<i32>} : memref<64x64xf32, #tpu.memory_space<vmem>>, vector<16xf32>,
    tpu.vector_store %arg13[%swap3A_159, %swap3A_160], %broadcast_in_dim3A_1 {strides = array<i32>} : memref<64x64xf32, #tpu.memory_space<vmem>>, vector<16xf32>,
    %swap3A_162 = arith.constant 9 : i32
    %swap3A_163 = arith.index_cast %swap3A_162 : i32 to index
    %swap3A_164 = arith.constant 32 : index
    %swap3A_165 = tpu.vector_load %arg13[%swap3A_163, %swap3A_164] {strides = array<i32>} : memref<64x64xf32, #tpu.memory_space<vmem>>, vector<16xf32>,
    tpu.vector_store %arg13[%swap3A_163, %swap3A_164], %broadcast_in_dim3A_1 {strides = array<i32>} : memref<64x64xf32, #tpu.memory_space<vmem>>, vector<16xf32>,
    %swap3A_166 = arith.constant 9 : i32
    %swap3A_167 = arith.index_cast %swap3A_166 : i32 to index
    %swap3A_168 = arith.constant 48 : index
    %swap3A_169 = tpu.vector_load %arg13[%swap3A_167, %swap3A_168] {strides = array<i32>} : memref<64x64xf32, #tpu.memory_space<vmem>>, vector<16xf32>,
    tpu.vector_store %arg13[%swap3A_167, %swap3A_168], %broadcast_in_dim3A_1 {strides = array<i32>} : memref<64x64xf32, #tpu.memory_space<vmem>>, vector<16xf32>,
    %swap3A_170 = arith.constant 10 : i32
    %swap3A_171 = arith.index_cast %swap3A_170 : i32 to index
    %swap3A_172 = arith.constant 0 : index
    %swap3A_173 = tpu.vector_load %arg13[%swap3A_171, %swap3A_172] {strides = array<i32>} : memref<64x64xf32, #tpu.memory_space<vmem>>, vector<16xf32>,
    tpu.vector_store %arg13[%swap3A_171, %swap3A_172], %broadcast_in_dim3A_1 {strides = array<i32>} : memref<64x64xf32, #tpu.memory_space<vmem>>, vector<16xf32>,
    %swap3A_174 = arith.constant 10 : i32
    %swap3A_175 = arith.index_cast %swap3A_174 : i32 to index
    %swap3A_176 = arith.constant 16 : index
    %swap3A_177 = tpu.vector_load %arg13[%swap3A_175, %swap3A_176] {strides = array<i32>} : memref<64x64xf32, #tpu.memory_space<vmem>>, vector<16xf32>,
    tpu.vector_store %arg13[%swap3A_175, %swap3A_176], %broadcast_in_dim3A_1 {strides = array<i32>} : memref<64x64xf32, #tpu.memory_space<vmem>>, vector<16xf32>,
    %swap3A_178 = arith.constant 10 : i32
    %swap3A_179 = arith.index_cast %swap3A_178 : i32 to index
    %swap3A_180 = arith.constant 32 : index
    %swap3A_181 = tpu.vector_load %arg13[%swap3A_179, %swap3A_180] {strides = array<i32>} : memref<64x64xf32, #tpu.memory_space<vmem>>, vector<16xf32>,
    tpu.vector_store %arg13[%swap3A_179, %swap3A_180], %broadcast_in_dim3A_1 {strides = array<i32>} : memref<64x64xf32, #tpu.memory_space<vmem>>, vector<16xf32>,
    %swap3A_182 = arith.constant 10 : i32
    %swap3A_183 = arith.index_cast %swap3A_182 : i32 to index
    %swap3A_184 = arith.constant 48 : index
    %swap3A_185 = tpu.vector_load %arg13[%swap3A_183, %swap3A_184] {strides = array<i32>} : memref<64x64xf32, #tpu.memory_space<vmem>>, vector<16xf32>,
    tpu.vector_store %arg13[%swap3A_183, %swap3A_184], %broadcast_in_dim3A_1 {strides = array<i32>} : memref<64x64xf32, #tpu.memory_space<vmem>>, vector<16xf32>,
    %swap3A_186 = arith.constant 11 : i32
    %swap3A_187 = arith.index_cast %swap3A_186 : i32 to index
    %swap3A_188 = arith.constant 0 : index
    %swap3A_189 = tpu.vector_load %arg13[%swap3A_187, %swap3A_188] {strides = array<i32>} : memref<64x64xf32, #tpu.memory_space<vmem>>, vector<16xf32>,
    tpu.vector_store %arg13[%swap3A_187, %swap3A_188], %broadcast_in_dim3A_1 {strides = array<i32>} : memref<64x64xf32, #tpu.memory_space<vmem>>, vector<16xf32>,
    %swap3A_190 = arith.constant 11 : i32
    %swap3A_191 = arith.index_cast %swap3A_190 : i32 to index
    %swap3A_192 = arith.constant 16 : index
    %swap3A_193 = tpu.vector_load %arg13[%swap3A_191, %swap3A_192] {strides = array<i32>} : memref<64x64xf32, #tpu.memory_space<vmem>>, vector<16xf32>,
    tpu.vector_store %arg13[%swap3A_191, %swap3A_192], %broadcast_in_dim3A_1 {strides = array<i32>} : memref<64x64xf32, #tpu.memory_space<vmem>>, vector<16xf32>,
    %swap3A_194 = arith.constant 11 : i32
    %swap3A_195 = arith.index_cast %swap3A_194 : i32 to index
    %swap3A_196 = arith.constant 32 : index
    %swap3A_197 = tpu.vector_load %arg13[%swap3A_195, %swap3A_196] {strides = array<i32>} : memref<64x64xf32, #tpu.memory_space<vmem>>, vector<16xf32>,
    tpu.vector_store %arg13[%swap3A_195, %swap3A_196], %broadcast_in_dim3A_1 {strides = array<i32>} : memref<64x64xf32, #tpu.memory_space<vmem>>, vector<16xf32>,
    %swap3A_198 = arith.constant 11 : i32
    %swap3A_199 = arith.index_cast %swap3A_198 : i32 to index
    %swap3A_200 = arith.constant 48 : index
    %swap3A_201 = tpu.vector_load %arg13[%swap3A_199, %swap3A_200] {strides = array<i32>} : memref<64x64xf32, #tpu.memory_space<vmem>>, vector<16xf32>,
    tpu.vector_store %arg13[%swap3A_199, %swap3A_200], %broadcast_in_dim3A_1 {strides = array<i32>} : memref<64x64xf32, #tpu.memory_space<vmem>>, vector<16xf32>,
    %swap3A_202 = arith.constant 12 : i32
    %swap3A_203 = arith.index_cast %swap3A_202 : i32 to index
    %swap3A_204 = arith.constant 0 : index
    %swap3A_205 = tpu.vector_load %arg13[%swap3A_203, %swap3A_204] {strides = array<i32>} : memref<64x64xf32, #tpu.memory_space<vmem>>, vector<16xf32>,
    tpu.vector_store %arg13[%swap3A_203, %swap3A_204], %broadcast_in_dim3A_1 {strides = array<i32>} : memref<64x64xf32, #tpu.memory_space<vmem>>, vector<16xf32>,
    %swap3A_206 = arith.constant 12 : i32
    %swap3A_207 = arith.index_cast %swap3A_206 : i32 to index
    %swap3A_208 = arith.constant 16 : index
    %swap3A_209 = tpu.vector_load %arg13[%swap3A_207, %swap3A_208] {strides = array<i32>} : memref<64x64xf32, #tpu.memory_space<vmem>>, vector<16xf32>,
    tpu.vector_store %arg13[%swap3A_207, %swap3A_208], %broadcast_in_dim3A_1 {strides = array<i32>} : memref<64x64xf32, #tpu.memory_space<vmem>>, vector<16xf32>,
    %swap3A_210 = arith.constant 12 : i32
    %swap3A_211 = arith.index_cast %swap3A_210 : i32 to index
    %swap3A_212 = arith.constant 32 : index
    %swap3A_213 = tpu.vector_load %arg13[%swap3A_211, %swap3A_212] {strides = array<i32>} : memref<64x64xf32, #tpu.memory_space<vmem>>, vector<16xf32>,
    tpu.vector_store %arg13[%swap3A_211, %swap3A_212], %broadcast_in_dim3A_1 {strides = array<i32>} : memref<64x64xf32, #tpu.memory_space<vmem>>, vector<16xf32>,
    %swap3A_214 = arith.constant 12 : i32
    %swap3A_215 = arith.index_cast %swap3A_214 : i32 to index
    %swap3A_216 = arith.constant 48 : index
    %swap3A_217 = tpu.vector_load %arg13[%swap3A_215, %swap3A_216] {strides = array<i32>} : memref<64x64xf32, #tpu.memory_space<vmem>>, vector<16xf32>,
    tpu.vector_store %arg13[%swap3A_215, %swap3A_216], %broadcast_in_dim3A_1 {strides = array<i32>} : memref<64x64xf32, #tpu.memory_space<vmem>>, vector<16xf32>,
    %swap3A_218 = arith.constant 13 : i32
    %swap3A_219 = arith.index_cast %swap3A_218 : i32 to index
    %swap3A_220 = arith.constant 0 : index
    %swap3A_221 = tpu.vector_load %arg13[%swap3A_219, %swap3A_220] {strides = array<i32>} : memref<64x64xf32, #tpu.memory_space<vmem>>, vector<16xf32>,
    tpu.vector_store %arg13[%swap3A_219, %swap3A_220], %broadcast_in_dim3A_1 {strides = array<i32>} : memref<64x64xf32, #tpu.memory_space<vmem>>, vector<16xf32>,
    %swap3A_222 = arith.constant 13 : i32
    %swap3A_223 = arith.index_cast %swap3A_222 : i32 to index
    %swap3A_224 = arith.constant 16 : index
    %swap3A_225 = tpu.vector_load %arg13[%swap3A_223, %swap3A_224] {strides = array<i32>} : memref<64x64xf32, #tpu.memory_space<vmem>>, vector<16xf32>,
    tpu.vector_store %arg13[%swap3A_223, %swap3A_224], %broadcast_in_dim3A_1 {strides = array<i32>} : memref<64x64xf32, #tpu.memory_space<vmem>>, vector<16xf32>,
    %swap3A_226 = arith.constant 13 : i32
    %swap3A_227 = arith.index_cast %swap3A_226 : i32 to index
    %swap3A_228 = arith.constant 32 : index
    %swap3A_229 = tpu.vector_load %arg13[%swap3A_227, %swap3A_228] {strides = array<i32>} : memref<64x64xf32, #tpu.memory_space<vmem>>, vector<16xf32>,
    tpu.vector_store %arg13[%swap3A_227, %swap3A_228], %broadcast_in_dim3A_1 {strides = array<i32>} : memref<64x64xf32, #tpu.memory_space<vmem>>, vector<16xf32>,
    %swap3A_230 = arith.constant 13 : i32
    %swap3A_231 = arith.index_cast %swap3A_230 : i32 to index
    %swap3A_232 = arith.constant 48 : index
    %swap3A_233 = tpu.vector_load %arg13[%swap3A_231, %swap3A_232] {strides = array<i32>} : memref<64x64xf32, #tpu.memory_space<vmem>>, vector<16xf32>,
    tpu.vector_store %arg13[%swap3A_231, %swap3A_232], %broadcast_in_dim3A_1 {strides = array<i32>} : memref<64x64xf32, #tpu.memory_space<vmem>>, vector<16xf32>,
    %swap3A_234 = arith.constant 14 : i32
    %swap3A_235 = arith.index_cast %swap3A_234 : i32 to index
    %swap3A_236 = arith.constant 0 : index
    %swap3A_237 = tpu.vector_load %arg13[%swap3A_235, %swap3A_236] {strides = array<i32>} : memref<64x64xf32, #tpu.memory_space<vmem>>, vector<16xf32>,
    tpu.vector_store %arg13[%swap3A_235, %swap3A_236], %broadcast_in_dim3A_1 {strides = array<i32>} : memref<64x64xf32, #tpu.memory_space<vmem>>, vector<16xf32>,
    %swap3A_238 = arith.constant 14 : i32
    %swap3A_239 = arith.index_cast %swap3A_238 : i32 to index
    %swap3A_240 = arith.constant 16 : index
    %swap3A_241 = tpu.vector_load %arg13[%swap3A_239, %swap3A_240] {strides = array<i32>} : memref<64x64xf32, #tpu.memory_space<vmem>>, vector<16xf32>,
    tpu.vector_store %arg13[%swap3A_239, %swap3A_240], %broadcast_in_dim3A_1 {strides = array<i32>} : memref<64x64xf32, #tpu.memory_space<vmem>>, vector<16xf32>,
    %swap3A_242 = arith.constant 14 : i32
    %swap3A_243 = arith.index_cast %swap3A_242 : i32 to index
    %swap3A_244 = arith.constant 32 : index
    %swap3A_245 = tpu.vector_load %arg13[%swap3A_243, %swap3A_244] {strides = array<i32>} : memref<64x64xf32, #tpu.memory_space<vmem>>, vector<16xf32>,
    tpu.vector_store %arg13[%swap3A_243, %swap3A_244], %broadcast_in_dim3A_1 {strides = array<i32>} : memref<64x64xf32, #tpu.memory_space<vmem>>, vector<16xf32>,
    %swap3A_246 = arith.constant 14 : i32
    %swap3A_247 = arith.index_cast %swap3A_246 : i32 to index
    %swap3A_248 = arith.constant 48 : index
    %swap3A_249 = tpu.vector_load %arg13[%swap3A_247, %swap3A_248] {strides = array<i32>} : memref<64x64xf32, #tpu.memory_space<vmem>>, vector<16xf32>,
    tpu.vector_store %arg13[%swap3A_247, %swap3A_248], %broadcast_in_dim3A_1 {strides = array<i32>} : memref<64x64xf32, #tpu.memory_space<vmem>>, vector<16xf32>,
    %swap3A_250 = arith.constant 15 : i32
    %swap3A_251 = arith.index_cast %swap3A_250 : i32 to index
    %swap3A_252 = arith.constant 0 : index
    %swap3A_253 = tpu.vector_load %arg13[%swap3A_251, %swap3A_252] {strides = array<i32>} : memref<64x64xf32, #tpu.memory_space<vmem>>, vector<16xf32>,
    tpu.vector_store %arg13[%swap3A_251, %swap3A_252], %broadcast_in_dim3A_1 {strides = array<i32>} : memref<64x64xf32, #tpu.memory_space<vmem>>, vector<16xf32>,
    %swap3A_254 = arith.constant 15 : i32
    %swap3A_255 = arith.index_cast %swap3A_254 : i32 to index
    %swap3A_256 = arith.constant 16 : index
    %swap3A_257 = tpu.vector_load %arg13[%swap3A_255, %swap3A_256] {strides = array<i32>} : memref<64x64xf32, #tpu.memory_space<vmem>>, vector<16xf32>,
    tpu.vector_store %arg13[%swap3A_255, %swap3A_256], %broadcast_in_dim3A_1 {strides = array<i32>} : memref<64x64xf32, #tpu.memory_space<vmem>>, vector<16xf32>,
    %swap3A_258 = arith.constant 15 : i32
    %swap3A_259 = arith.index_cast %swap3A_258 : i32 to index
    %swap3A_260 = arith.constant 32 : index
    %swap3A_261 = tpu.vector_load %arg13[%swap3A_259, %swap3A_260] {strides = array<i32>} : memref<64x64xf32, #tpu.memory_space<vmem>>, vector<16xf32>,
    tpu.vector_store %arg13[%swap3A_259, %swap3A_260], %broadcast_in_dim3A_1 {strides = array<i32>} : memref<64x64xf32, #tpu.memory_space<vmem>>, vector<16xf32>,
    %swap3A_262 = arith.constant 15 : i32
    %swap3A_263 = arith.index_cast %swap3A_262 : i32 to index
    %swap3A_264 = arith.constant 48 : index
    %swap3A_265 = tpu.vector_load %arg13[%swap3A_263, %swap3A_264] {strides = array<i32>} : memref<64x64xf32, #tpu.memory_space<vmem>>, vector<16xf32>,
    tpu.vector_store %arg13[%swap3A_263, %swap3A_264], %broadcast_in_dim3A_1 {strides = array<i32>} : memref<64x64xf32, #tpu.memory_space<vmem>>, vector<16xf32>,
    %swap3A_266 = arith.constant 16 : i32
    %swap3A_267 = arith.index_cast %swap3A_266 : i32 to index
    %swap3A_268 = arith.constant 0 : index
    %swap3A_269 = tpu.vector_load %arg13[%swap3A_267, %swap3A_268] {strides = array<i32>} : memref<64x64xf32, #tpu.memory_space<vmem>>, vector<16xf32>,
    tpu.vector_store %arg13[%swap3A_267, %swap3A_268], %broadcast_in_dim3A_1 {strides = array<i32>} : memref<64x64xf32, #tpu.memory_space<vmem>>, vector<16xf32>,
    %swap3A_270 = arith.constant 16 : i32
    %swap3A_271 = arith.index_cast %swap3A_270 : i32 to index
    %swap3A_272 = arith.constant 16 : index
    %swap3A_273 = tpu.vector_load %arg13[%swap3A_271, %swap3A_272] {strides = array<i32>} : memref<64x64xf32, #tpu.memory_space<vmem>>, vector<16xf32>,
    tpu.vector_store %arg13[%swap3A_271, %swap3A_272], %broadcast_in_dim3A_1 {strides = array<i32>} : memref<64x64xf32, #tpu.memory_space<vmem>>, vector<16xf32>,
    %swap3A_274 = arith.constant 16 : i32
    %swap3A_275 = arith.index_cast %swap3A_274 : i32 to index
    %swap3A_276 = arith.constant 32 : index
    %swap3A_277 = tpu.vector_load %arg13[%swap3A_275, %swap3A_276] {strides = array<i32>} : memref<64x64xf32, #tpu.memory_space<vmem>>, vector<16xf32>,
    tpu.vector_store %arg13[%swap3A_275, %swap3A_276], %broadcast_in_dim3A_1 {strides = array<i32>} : memref<64x64xf32, #tpu.memory_space<vmem>>, vector<16xf32>,
    %swap3A_278 = arith.constant 16 : i32
    %swap3A_279 = arith.index_cast %swap3A_278 : i32 to index
    %swap3A_280 = arith.constant 48 : index
    %swap3A_281 = tpu.vector_load %arg13[%swap3A_279, %swap3A_280] {strides = array<i32>} : memref<64x64xf32, #tpu.memory_space<vmem>>, vector<16xf32>,
    tpu.vector_store %arg13[%swap3A_279, %swap3A_280], %broadcast_in_dim3A_1 {strides = array<i32>} : memref<64x64xf32, #tpu.memory_space<vmem>>, vector<16xf32>,
    %swap3A_282 = arith.constant 17 : i32
    %swap3A_283 = arith.index_cast %swap3A_282 : i32 to index
    %swap3A_284 = arith.constant 0 : index
    %swap3A_285 = tpu.vector_load %arg13[%swap3A_283, %swap3A_284] {strides = array<i32>} : memref<64x64xf32, #tpu.memory_space<vmem>>, vector<16xf32>,
    tpu.vector_store %arg13[%swap3A_283, %swap3A_284], %broadcast_in_dim3A_1 {strides = array<i32>} : memref<64x64xf32, #tpu.memory_space<vmem>>, vector<16xf32>,
    %swap3A_286 = arith.constant 17 : i32
    %swap3A_287 = arith.index_cast %swap3A_286 : i32 to index
    %swap3A_288 = arith.constant 16 : index
    %swap3A_289 = tpu.vector_load %arg13[%swap3A_287, %swap3A_288] {strides = array<i32>} : memref<64x64xf32, #tpu.memory_space<vmem>>, vector<16xf32>,
    tpu.vector_store %arg13[%swap3A_287, %swap3A_288], %broadcast_in_dim3A_1 {strides = array<i32>} : memref<64x64xf32, #tpu.memory_space<vmem>>, vector<16xf32>,
    %swap3A_290 = arith.constant 17 : i32
    %swap3A_291 = arith.index_cast %swap3A_290 : i32 to index
    %swap3A_292 = arith.constant 32 : index
    %swap3A_293 = tpu.vector_load %arg13[%swap3A_291, %swap3A_292] {strides = array<i32>} : memref<64x64xf32, #tpu.memory_space<vmem>>, vector<16xf32>,
    tpu.vector_store %arg13[%swap3A_291, %swap3A_292], %broadcast_in_dim3A_1 {strides = array<i32>} : memref<64x64xf32, #tpu.memory_space<vmem>>, vector<16xf32>,
    %swap3A_294 = arith.constant 17 : i32
    %swap3A_295 = arith.index_cast %swap3A_294 : i32 to index
    %swap3A_296 = arith.constant 48 : index
    %swap3A_297 = tpu.vector_load %arg13[%swap3A_295, %swap3A_296] {strides = array<i32>} : memref<64x64xf32, #tpu.memory_space<vmem>>, vector<16xf32>,
    tpu.vector_store %arg13[%swap3A_295, %swap3A_296], %broadcast_in_dim3A_1 {strides = array<i32>} : memref<64x64xf32, #tpu.memory_space<vmem>>, vector<16xf32>,
    %swap3A_298 = arith.constant 18 : i32
    %swap3A_299 = arith.index_cast %swap3A_298 : i32 to index
    %swap3A_300 = arith.constant 0 : index
    %swap3A_301 = tpu.vector_load %arg13[%swap3A_299, %swap3A_300] {strides = array<i32>} : memref<64x64xf32, #tpu.memory_space<vmem>>, vector<16xf32>,
    tpu.vector_store %arg13[%swap3A_299, %swap3A_300], %broadcast_in_dim3A_1 {strides = array<i32>} : memref<64x64xf32, #tpu.memory_space<vmem>>, vector<16xf32>,
    %swap3A_302 = arith.constant 18 : i32
    %swap3A_303 = arith.index_cast %swap3A_302 : i32 to index
    %swap3A_304 = arith.constant 16 : index
    %swap3A_305 = tpu.vector_load %arg13[%swap3A_303, %swap3A_304] {strides = array<i32>} : memref<64x64xf32, #tpu.memory_space<vmem>>, vector<16xf32>,
    tpu.vector_store %arg13[%swap3A_303, %swap3A_304], %broadcast_in_dim3A_1 {strides = array<i32>} : memref<64x64xf32, #tpu.memory_space<vmem>>, vector<16xf32>,
    %swap3A_306 = arith.constant 18 : i32
    %swap3A_307 = arith.index_cast %swap3A_306 : i32 to index
    %swap3A_308 = arith.constant 32 : index
    %swap3A_309 = tpu.vector_load %arg13[%swap3A_307, %swap3A_308] {strides = array<i32>} : memref<64x64xf32, #tpu.memory_space<vmem>>, vector<16xf32>,
    tpu.vector_store %arg13[%swap3A_307, %swap3A_308], %broadcast_in_dim3A_1 {strides = array<i32>} : memref<64x64xf32, #tpu.memory_space<vmem>>, vector<16xf32>,
    %swap3A_310 = arith.constant 18 : i32
    %swap3A_311 = arith.index_cast %swap3A_310 : i32 to index
    %swap3A_312 = arith.constant 48 : index
    %swap3A_313 = tpu.vector_load %arg13[%swap3A_311, %swap3A_312] {strides = array<i32>} : memref<64x64xf32, #tpu.memory_space<vmem>>, vector<16xf32>,
    tpu.vector_store %arg13[%swap3A_311, %swap3A_312], %broadcast_in_dim3A_1 {strides = array<i32>} : memref<64x64xf32, #tpu.memory_space<vmem>>, vector<16xf32>,
    %swap3A_314 = arith.constant 19 : i32
    %swap3A_315 = arith.index_cast %swap3A_314 : i32 to index
    %swap3A_316 = arith.constant 0 : index
    %swap3A_317 = tpu.vector_load %arg13[%swap3A_315, %swap3A_316] {strides = array<i32>} : memref<64x64xf32, #tpu.memory_space<vmem>>, vector<16xf32>,
    tpu.vector_store %arg13[%swap3A_315, %swap3A_316], %broadcast_in_dim3A_1 {strides = array<i32>} : memref<64x64xf32, #tpu.memory_space<vmem>>, vector<16xf32>,
    %swap3A_318 = arith.constant 19 : i32
    %swap3A_319 = arith.index_cast %swap3A_318 : i32 to index
    %swap3A_320 = arith.constant 16 : index
    %swap3A_321 = tpu.vector_load %arg13[%swap3A_319, %swap3A_320] {strides = array<i32>} : memref<64x64xf32, #tpu.memory_space<vmem>>, vector<16xf32>,
    tpu.vector_store %arg13[%swap3A_319, %swap3A_320], %broadcast_in_dim3A_1 {strides = array<i32>} : memref<64x64xf32, #tpu.memory_space<vmem>>, vector<16xf32>,
    %swap3A_322 = arith.constant 19 : i32
    %swap3A_323 = arith.index_cast %swap3A_322 : i32 to index
    %swap3A_324 = arith.constant 32 : index
    %swap3A_325 = tpu.vector_load %arg13[%swap3A_323, %swap3A_324] {strides = array<i32>} : memref<64x64xf32, #tpu.memory_space<vmem>>, vector<16xf32>,
    tpu.vector_store %arg13[%swap3A_323, %swap3A_324], %broadcast_in_dim3A_1 {strides = array<i32>} : memref<64x64xf32, #tpu.memory_space<vmem>>, vector<16xf32>,
    %swap3A_326 = arith.constant 19 : i32
    %swap3A_327 = arith.index_cast %swap3A_326 : i32 to index
    %swap3A_328 = arith.constant 48 : index
    %swap3A_329 = tpu.vector_load %arg13[%swap3A_327, %swap3A_328] {strides = array<i32>} : memref<64x64xf32, #tpu.memory_space<vmem>>, vector<16xf32>,
    tpu.vector_store %arg13[%swap3A_327, %swap3A_328], %broadcast_in_dim3A_1 {strides = array<i32>} : memref<64x64xf32, #tpu.memory_space<vmem>>, vector<16xf32>,
    %swap3A_330 = arith.constant 20 : i32
    %swap3A_331 = arith.index_cast %swap3A_330 : i32 to index
    %swap3A_332 = arith.constant 0 : index
    %swap3A_333 = tpu.vector_load %arg13[%swap3A_331, %swap3A_332] {strides = array<i32>} : memref<64x64xf32, #tpu.memory_space<vmem>>, vector<16xf32>,
    tpu.vector_store %arg13[%swap3A_331, %swap3A_332], %broadcast_in_dim3A_1 {strides = array<i32>} : memref<64x64xf32, #tpu.memory_space<vmem>>, vector<16xf32>,
    %swap3A_334 = arith.constant 20 : i32
    %swap3A_335 = arith.index_cast %swap3A_334 : i32 to index
    %swap3A_336 = arith.constant 16 : index
    %swap3A_337 = tpu.vector_load %arg13[%swap3A_335, %swap3A_336] {strides = array<i32>} : memref<64x64xf32, #tpu.memory_space<vmem>>, vector<16xf32>,
    tpu.vector_store %arg13[%swap3A_335, %swap3A_336], %broadcast_in_dim3A_1 {strides = array<i32>} : memref<64x64xf32, #tpu.memory_space<vmem>>, vector<16xf32>,
    %swap3A_338 = arith.constant 20 : i32
    %swap3A_339 = arith.index_cast %swap3A_338 : i32 to index
    %swap3A_340 = arith.constant 32 : index
    %swap3A_341 = tpu.vector_load %arg13[%swap3A_339, %swap3A_340] {strides = array<i32>} : memref<64x64xf32, #tpu.memory_space<vmem>>, vector<16xf32>,
    tpu.vector_store %arg13[%swap3A_339, %swap3A_340], %broadcast_in_dim3A_1 {strides = array<i32>} : memref<64x64xf32, #tpu.memory_space<vmem>>, vector<16xf32>,
    %swap3A_342 = arith.constant 20 : i32
    %swap3A_343 = arith.index_cast %swap3A_342 : i32 to index
    %swap3A_344 = arith.constant 48 : index
    %swap3A_345 = tpu.vector_load %arg13[%swap3A_343, %swap3A_344] {strides = array<i32>} : memref<64x64xf32, #tpu.memory_space<vmem>>, vector<16xf32>,
    tpu.vector_store %arg13[%swap3A_343, %swap3A_344], %broadcast_in_dim3A_1 {strides = array<i32>} : memref<64x64xf32, #tpu.memory_space<vmem>>, vector<16xf32>,
    %swap3A_346 = arith.constant 21 : i32
    %swap3A_347 = arith.index_cast %swap3A_346 : i32 to index
    %swap3A_348 = arith.constant 0 : index
    %swap3A_349 = tpu.vector_load %arg13[%swap3A_347, %swap3A_348] {strides = array<i32>} : memref<64x64xf32, #tpu.memory_space<vmem>>, vector<16xf32>,
    tpu.vector_store %arg13[%swap3A_347, %swap3A_348], %broadcast_in_dim3A_1 {strides = array<i32>} : memref<64x64xf32, #tpu.memory_space<vmem>>, vector<16xf32>,
    %swap3A_350 = arith.constant 21 : i32
    %swap3A_351 = arith.index_cast %swap3A_350 : i32 to index
    %swap3A_352 = arith.constant 16 : index
    %swap3A_353 = tpu.vector_load %arg13[%swap3A_351, %swap3A_352] {strides = array<i32>} : memref<64x64xf32, #tpu.memory_space<vmem>>, vector<16xf32>,
    tpu.vector_store %arg13[%swap3A_351, %swap3A_352], %broadcast_in_dim3A_1 {strides = array<i32>} : memref<64x64xf32, #tpu.memory_space<vmem>>, vector<16xf32>,
    %swap3A_354 = arith.constant 21 : i32
    %swap3A_355 = arith.index_cast %swap3A_354 : i32 to index
    %swap3A_356 = arith.constant 32 : index
    %swap3A_357 = tpu.vector_load %arg13[%swap3A_355, %swap3A_356] {strides = array<i32>} : memref<64x64xf32, #tpu.memory_space<vmem>>, vector<16xf32>,
    tpu.vector_store %arg13[%swap3A_355, %swap3A_356], %broadcast_in_dim3A_1 {strides = array<i32>} : memref<64x64xf32, #tpu.memory_space<vmem>>, vector<16xf32>,
    %swap3A_358 = arith.constant 21 : i32
    %swap3A_359 = arith.index_cast %swap3A_358 : i32 to index
    %swap3A_360 = arith.constant 48 : index
    %swap3A_361 = tpu.vector_load %arg13[%swap3A_359, %swap3A_360] {strides = array<i32>} : memref<64x64xf32, #tpu.memory_space<vmem>>, vector<16xf32>,
    tpu.vector_store %arg13[%swap3A_359, %swap3A_360], %broadcast_in_dim3A_1 {strides = array<i32>} : memref<64x64xf32, #tpu.memory_space<vmem>>, vector<16xf32>,
    %swap3A_362 = arith.constant 22 : i32
    %swap3A_363 = arith.index_cast %swap3A_362 : i32 to index
    %swap3A_364 = arith.constant 0 : index
    %swap3A_365 = tpu.vector_load %arg13[%swap3A_363, %swap3A_364] {strides = array<i32>} : memref<64x64xf32, #tpu.memory_space<vmem>>, vector<16xf32>,
    tpu.vector_store %arg13[%swap3A_363, %swap3A_364], %broadcast_in_dim3A_1 {strides = array<i32>} : memref<64x64xf32, #tpu.memory_space<vmem>>, vector<16xf32>,
    %swap3A_366 = arith.constant 22 : i32
    %swap3A_367 = arith.index_cast %swap3A_366 : i32 to index
    %swap3A_368 = arith.constant 16 : index
    %swap3A_369 = tpu.vector_load %arg13[%swap3A_367, %swap3A_368] {strides = array<i32>} : memref<64x64xf32, #tpu.memory_space<vmem>>, vector<16xf32>,
    tpu.vector_store %arg13[%swap3A_367, %swap3A_368], %broadcast_in_dim3A_1 {strides = array<i32>} : memref<64x64xf32, #tpu.memory_space<vmem>>, vector<16xf32>,
    %swap3A_370 = arith.constant 22 : i32
    %swap3A_371 = arith.index_cast %swap3A_370 : i32 to index
    %swap3A_372 = arith.constant 32 : index
    %swap3A_373 = tpu.vector_load %arg13[%swap3A_371, %swap3A_372] {strides = array<i32>} : memref<64x64xf32, #tpu.memory_space<vmem>>, vector<16xf32>,
    tpu.vector_store %arg13[%swap3A_371, %swap3A_372], %broadcast_in_dim3A_1 {strides = array<i32>} : memref<64x64xf32, #tpu.memory_space<vmem>>, vector<16xf32>,
    %swap3A_374 = arith.constant 22 : i32
    %swap3A_375 = arith.index_cast %swap3A_374 : i32 to index
    %swap3A_376 = arith.constant 48 : index
    %swap3A_377 = tpu.vector_load %arg13[%swap3A_375, %swap3A_376] {strides = array<i32>} : memref<64x64xf32, #tpu.memory_space<vmem>>, vector<16xf32>,
    tpu.vector_store %arg13[%swap3A_375, %swap3A_376], %broadcast_in_dim3A_1 {strides = array<i32>} : memref<64x64xf32, #tpu.memory_space<vmem>>, vector<16xf32>,
    %swap3A_378 = arith.constant 23 : i32
    %swap3A_379 = arith.index_cast %swap3A_378 : i32 to index
    %swap3A_380 = arith.constant 0 : index
    %swap3A_381 = tpu.vector_load %arg13[%swap3A_379, %swap3A_380] {strides = array<i32>} : memref<64x64xf32, #tpu.memory_space<vmem>>, vector<16xf32>,
    tpu.vector_store %arg13[%swap3A_379, %swap3A_380], %broadcast_in_dim3A_1 {strides = array<i32>} : memref<64x64xf32, #tpu.memory_space<vmem>>, vector<16xf32>,
    %swap3A_382 = arith.constant 23 : i32
    %swap3A_383 = arith.index_cast %swap3A_382 : i32 to index
    %swap3A_384 = arith.constant 16 : index
    %swap3A_385 = tpu.vector_load %arg13[%swap3A_383, %swap3A_384] {strides = array<i32>} : memref<64x64xf32, #tpu.memory_space<vmem>>, vector<16xf32>,
    tpu.vector_store %arg13[%swap3A_383, %swap3A_384], %broadcast_in_dim3A_1 {strides = array<i32>} : memref<64x64xf32, #tpu.memory_space<vmem>>, vector<16xf32>,
    %swap3A_386 = arith.constant 23 : i32
    %swap3A_387 = arith.index_cast %swap3A_386 : i32 to index
    %swap3A_388 = arith.constant 32 : index
    %swap3A_389 = tpu.vector_load %arg13[%swap3A_387, %swap3A_388] {strides = array<i32>} : memref<64x64xf32, #tpu.memory_space<vmem>>, vector<16xf32>,
    tpu.vector_store %arg13[%swap3A_387, %swap3A_388], %broadcast_in_dim3A_1 {strides = array<i32>} : memref<64x64xf32, #tpu.memory_space<vmem>>, vector<16xf32>,
    %swap3A_390 = arith.constant 23 : i32
    %swap3A_391 = arith.index_cast %swap3A_390 : i32 to index
    %swap3A_392 = arith.constant 48 : index
    %swap3A_393 = tpu.vector_load %arg13[%swap3A_391, %swap3A_392] {strides = array<i32>} : memref<64x64xf32, #tpu.memory_space<vmem>>, vector<16xf32>,
    tpu.vector_store %arg13[%swap3A_391, %swap3A_392], %broadcast_in_dim3A_1 {strides = array<i32>} : memref<64x64xf32, #tpu.memory_space<vmem>>, vector<16xf32>,
    %swap3A_394 = arith.constant 24 : i32
    %swap3A_395 = arith.index_cast %swap3A_394 : i32 to index
    %swap3A_396 = arith.constant 0 : index
    %swap3A_397 = tpu.vector_load %arg13[%swap3A_395, %swap3A_396] {strides = array<i32>} : memref<64x64xf32, #tpu.memory_space<vmem>>, vector<16xf32>,
    tpu.vector_store %arg13[%swap3A_395, %swap3A_396], %broadcast_in_dim3A_1 {strides = array<i32>} : memref<64x64xf32, #tpu.memory_space<vmem>>, vector<16xf32>,
    %swap3A_398 = arith.constant 24 : i32
    %swap3A_399 = arith.index_cast %swap3A_398 : i32 to index
    %swap3A_400 = arith.constant 16 : index
    %swap3A_401 = tpu.vector_load %arg13[%swap3A_399, %swap3A_400] {strides = array<i32>} : memref<64x64xf32, #tpu.memory_space<vmem>>, vector<16xf32>,
    tpu.vector_store %arg13[%swap3A_399, %swap3A_400], %broadcast_in_dim3A_1 {strides = array<i32>} : memref<64x64xf32, #tpu.memory_space<vmem>>, vector<16xf32>,
    %swap3A_402 = arith.constant 24 : i32
    %swap3A_403 = arith.index_cast %swap3A_402 : i32 to index
    %swap3A_404 = arith.constant 32 : index
    %swap3A_405 = tpu.vector_load %arg13[%swap3A_403, %swap3A_404] {strides = array<i32>} : memref<64x64xf32, #tpu.memory_space<vmem>>, vector<16xf32>,
    tpu.vector_store %arg13[%swap3A_403, %swap3A_404], %broadcast_in_dim3A_1 {strides = array<i32>} : memref<64x64xf32, #tpu.memory_space<vmem>>, vector<16xf32>,
    %swap3A_406 = arith.constant 24 : i32
    %swap3A_407 = arith.index_cast %swap3A_406 : i32 to index
    %swap3A_408 = arith.constant 48 : index
    %swap3A_409 = tpu.vector_load %arg13[%swap3A_407, %swap3A_408] {strides = array<i32>} : memref<64x64xf32, #tpu.memory_space<vmem>>, vector<16xf32>,
    tpu.vector_store %arg13[%swap3A_407, %swap3A_408], %broadcast_in_dim3A_1 {strides = array<i32>} : memref<64x64xf32, #tpu.memory_space<vmem>>, vector<16xf32>,
    %swap3A_410 = arith.constant 25 : i32
    %swap3A_411 = arith.index_cast %swap3A_410 : i32 to index
    %swap3A_412 = arith.constant 0 : index
    %swap3A_413 = tpu.vector_load %arg13[%swap3A_411, %swap3A_412] {strides = array<i32>} : memref<64x64xf32, #tpu.memory_space<vmem>>, vector<16xf32>,
    tpu.vector_store %arg13[%swap3A_411, %swap3A_412], %broadcast_in_dim3A_1 {strides = array<i32>} : memref<64x64xf32, #tpu.memory_space<vmem>>, vector<16xf32>,
    %swap3A_414 = arith.constant 25 : i32
    %swap3A_415 = arith.index_cast %swap3A_414 : i32 to index
    %swap3A_416 = arith.constant 16 : index
    %swap3A_417 = tpu.vector_load %arg13[%swap3A_415, %swap3A_416] {strides = array<i32>} : memref<64x64xf32, #tpu.memory_space<vmem>>, vector<16xf32>,
    tpu.vector_store %arg13[%swap3A_415, %swap3A_416], %broadcast_in_dim3A_1 {strides = array<i32>} : memref<64x64xf32, #tpu.memory_space<vmem>>, vector<16xf32>,
    %swap3A_418 = arith.constant 25 : i32
    %swap3A_419 = arith.index_cast %swap3A_418 : i32 to index
    %swap3A_420 = arith.constant 32 : index
    %swap3A_421 = tpu.vector_load %arg13[%swap3A_419, %swap3A_420] {strides = array<i32>} : memref<64x64xf32, #tpu.memory_space<vmem>>, vector<16xf32>,
    tpu.vector_store %arg13[%swap3A_419, %swap3A_420], %broadcast_in_dim3A_1 {strides = array<i32>} : memref<64x64xf32, #tpu.memory_space<vmem>>, vector<16xf32>,
    %swap3A_422 = arith.constant 25 : i32
    %swap3A_423 = arith.index_cast %swap3A_422 : i32 to index
    %swap3A_424 = arith.constant 48 : index
    %swap3A_425 = tpu.vector_load %arg13[%swap3A_423, %swap3A_424] {strides = array<i32>} : memref<64x64xf32, #tpu.memory_space<vmem>>, vector<16xf32>,
    tpu.vector_store %arg13[%swap3A_423, %swap3A_424], %broadcast_in_dim3A_1 {strides = array<i32>} : memref<64x64xf32, #tpu.memory_space<vmem>>, vector<16xf32>,
    %swap3A_426 = arith.constant 26 : i32
    %swap3A_427 = arith.index_cast %swap3A_426 : i32 to index
    %swap3A_428 = arith.constant 0 : index
    %swap3A_429 = tpu.vector_load %arg13[%swap3A_427, %swap3A_428] {strides = array<i32>} : memref<64x64xf32, #tpu.memory_space<vmem>>, vector<16xf32>,
    tpu.vector_store %arg13[%swap3A_427, %swap3A_428], %broadcast_in_dim3A_1 {strides = array<i32>} : memref<64x64xf32, #tpu.memory_space<vmem>>, vector<16xf32>,
    %swap3A_430 = arith.constant 26 : i32
    %swap3A_431 = arith.index_cast %swap3A_430 : i32 to index
    %swap3A_432 = arith.constant 16 : index
    %swap3A_433 = tpu.vector_load %arg13[%swap3A_431, %swap3A_432] {strides = array<i32>} : memref<64x64xf32, #tpu.memory_space<vmem>>, vector<16xf32>,
    tpu.vector_store %arg13[%swap3A_431, %swap3A_432], %broadcast_in_dim3A_1 {strides = array<i32>} : memref<64x64xf32, #tpu.memory_space<vmem>>, vector<16xf32>,
    %swap3A_434 = arith.constant 26 : i32
    %swap3A_435 = arith.index_cast %swap3A_434 : i32 to index
    %swap3A_436 = arith.constant 32 : index
    %swap3A_437 = tpu.vector_load %arg13[%swap3A_435, %swap3A_436] {strides = array<i32>} : memref<64x64xf32, #tpu.memory_space<vmem>>, vector<16xf32>,
    tpu.vector_store %arg13[%swap3A_435, %swap3A_436], %broadcast_in_dim3A_1 {strides = array<i32>} : memref<64x64xf32, #tpu.memory_space<vmem>>, vector<16xf32>,
    %swap3A_438 = arith.constant 26 : i32
    %swap3A_439 = arith.index_cast %swap3A_438 : i32 to index
    %swap3A_440 = arith.constant 48 : index
    %swap3A_441 = tpu.vector_load %arg13[%swap3A_439, %swap3A_440] {strides = array<i32>} : memref<64x64xf32, #tpu.memory_space<vmem>>, vector<16xf32>,
    tpu.vector_store %arg13[%swap3A_439, %swap3A_440], %broadcast_in_dim3A_1 {strides = array<i32>} : memref<64x64xf32, #tpu.memory_space<vmem>>, vector<16xf32>,
    %swap3A_442 = arith.constant 27 : i32
    %swap3A_443 = arith.index_cast %swap3A_442 : i32 to index
    %swap3A_444 = arith.constant 0 : index
    %swap3A_445 = tpu.vector_load %arg13[%swap3A_443, %swap3A_444] {strides = array<i32>} : memref<64x64xf32, #tpu.memory_space<vmem>>, vector<16xf32>,
    tpu.vector_store %arg13[%swap3A_443, %swap3A_444], %broadcast_in_dim3A_1 {strides = array<i32>} : memref<64x64xf32, #tpu.memory_space<vmem>>, vector<16xf32>,
    %swap3A_446 = arith.constant 27 : i32
    %swap3A_447 = arith.index_cast %swap3A_446 : i32 to index
    %swap3A_448 = arith.constant 16 : index
    %swap3A_449 = tpu.vector_load %arg13[%swap3A_447, %swap3A_448] {strides = array<i32>} : memref<64x64xf32, #tpu.memory_space<vmem>>, vector<16xf32>,
    tpu.vector_store %arg13[%swap3A_447, %swap3A_448], %broadcast_in_dim3A_1 {strides = array<i32>} : memref<64x64xf32, #tpu.memory_space<vmem>>, vector<16xf32>,
    %swap3A_450 = arith.constant 27 : i32
    %swap3A_451 = arith.index_cast %swap3A_450 : i32 to index
    %swap3A_452 = arith.constant 32 : index
    %swap3A_453 = tpu.vector_load %arg13[%swap3A_451, %swap3A_452] {strides = array<i32>} : memref<64x64xf32, #tpu.memory_space<vmem>>, vector<16xf32>,
    tpu.vector_store %arg13[%swap3A_451, %swap3A_452], %broadcast_in_dim3A_1 {strides = array<i32>} : memref<64x64xf32, #tpu.memory_space<vmem>>, vector<16xf32>,
    %swap3A_454 = arith.constant 27 : i32
    %swap3A_455 = arith.index_cast %swap3A_454 : i32 to index
    %swap3A_456 = arith.constant 48 : index
    %swap3A_457 = tpu.vector_load %arg13[%swap3A_455, %swap3A_456] {strides = array<i32>} : memref<64x64xf32, #tpu.memory_space<vmem>>, vector<16xf32>,
    tpu.vector_store %arg13[%swap3A_455, %swap3A_456], %broadcast_in_dim3A_1 {strides = array<i32>} : memref<64x64xf32, #tpu.memory_space<vmem>>, vector<16xf32>,
    %swap3A_458 = arith.constant 28 : i32
    %swap3A_459 = arith.index_cast %swap3A_458 : i32 to index
    %swap3A_460 = arith.constant 0 : index
    %swap3A_461 = tpu.vector_load %arg13[%swap3A_459, %swap3A_460] {strides = array<i32>} : memref<64x64xf32, #tpu.memory_space<vmem>>, vector<16xf32>,
    tpu.vector_store %arg13[%swap3A_459, %swap3A_460], %broadcast_in_dim3A_1 {strides = array<i32>} : memref<64x64xf32, #tpu.memory_space<vmem>>, vector<16xf32>,
    %swap3A_462 = arith.constant 28 : i32
    %swap3A_463 = arith.index_cast %swap3A_462 : i32 to index
    %swap3A_464 = arith.constant 16 : index
    %swap3A_465 = tpu.vector_load %arg13[%swap3A_463, %swap3A_464] {strides = array<i32>} : memref<64x64xf32, #tpu.memory_space<vmem>>, vector<16xf32>,
    tpu.vector_store %arg13[%swap3A_463, %swap3A_464], %broadcast_in_dim3A_1 {strides = array<i32>} : memref<64x64xf32, #tpu.memory_space<vmem>>, vector<16xf32>,
    %swap3A_466 = arith.constant 28 : i32
    %swap3A_467 = arith.index_cast %swap3A_466 : i32 to index
    %swap3A_468 = arith.constant 32 : index
    %swap3A_469 = tpu.vector_load %arg13[%swap3A_467, %swap3A_468] {strides = array<i32>} : memref<64x64xf32, #tpu.memory_space<vmem>>, vector<16xf32>,
    tpu.vector_store %arg13[%swap3A_467, %swap3A_468], %broadcast_in_dim3A_1 {strides = array<i32>} : memref<64x64xf32, #tpu.memory_space<vmem>>, vector<16xf32>,
    %swap3A_470 = arith.constant 28 : i32
    %swap3A_471 = arith.index_cast %swap3A_470 : i32 to index
    %swap3A_472 = arith.constant 48 : index
    %swap3A_473 = tpu.vector_load %arg13[%swap3A_471, %swap3A_472] {strides = array<i32>} : memref<64x64xf32, #tpu.memory_space<vmem>>, vector<16xf32>,
    tpu.vector_store %arg13[%swap3A_471, %swap3A_472], %broadcast_in_dim3A_1 {strides = array<i32>} : memref<64x64xf32, #tpu.memory_space<vmem>>, vector<16xf32>,
    %swap3A_474 = arith.constant 29 : i32
    %swap3A_475 = arith.index_cast %swap3A_474 : i32 to index
    %swap3A_476 = arith.constant 0 : index
    %swap3A_477 = tpu.vector_load %arg13[%swap3A_475, %swap3A_476] {strides = array<i32>} : memref<64x64xf32, #tpu.memory_space<vmem>>, vector<16xf32>,
    tpu.vector_store %arg13[%swap3A_475, %swap3A_476], %broadcast_in_dim3A_1 {strides = array<i32>} : memref<64x64xf32, #tpu.memory_space<vmem>>, vector<16xf32>,
    %swap3A_478 = arith.constant 29 : i32
    %swap3A_479 = arith.index_cast %swap3A_478 : i32 to index
    %swap3A_480 = arith.constant 16 : index
    %swap3A_481 = tpu.vector_load %arg13[%swap3A_479, %swap3A_480] {strides = array<i32>} : memref<64x64xf32, #tpu.memory_space<vmem>>, vector<16xf32>,
    tpu.vector_store %arg13[%swap3A_479, %swap3A_480], %broadcast_in_dim3A_1 {strides = array<i32>} : memref<64x64xf32, #tpu.memory_space<vmem>>, vector<16xf32>,
    %swap3A_482 = arith.constant 29 : i32
    %swap3A_483 = arith.index_cast %swap3A_482 : i32 to index
    %swap3A_484 = arith.constant 32 : index
    %swap3A_485 = tpu.vector_load %arg13[%swap3A_483, %swap3A_484] {strides = array<i32>} : memref<64x64xf32, #tpu.memory_space<vmem>>, vector<16xf32>,
    tpu.vector_store %arg13[%swap3A_483, %swap3A_484], %broadcast_in_dim3A_1 {strides = array<i32>} : memref<64x64xf32, #tpu.memory_space<vmem>>, vector<16xf32>,
    %swap3A_486 = arith.constant 29 : i32
    %swap3A_487 = arith.index_cast %swap3A_486 : i32 to index
    %swap3A_488 = arith.constant 48 : index
    %swap3A_489 = tpu.vector_load %arg13[%swap3A_487, %swap3A_488] {strides = array<i32>} : memref<64x64xf32, #tpu.memory_space<vmem>>, vector<16xf32>,
    tpu.vector_store %arg13[%swap3A_487, %swap3A_488], %broadcast_in_dim3A_1 {strides = array<i32>} : memref<64x64xf32, #tpu.memory_space<vmem>>, vector<16xf32>,
    %swap3A_490 = arith.constant 30 : i32
    %swap3A_491 = arith.index_cast %swap3A_490 : i32 to index
    %swap3A_492 = arith.constant 0 : index
    %swap3A_493 = tpu.vector_load %arg13[%swap3A_491, %swap3A_492] {strides = array<i32>} : memref<64x64xf32, #tpu.memory_space<vmem>>, vector<16xf32>,
    tpu.vector_store %arg13[%swap3A_491, %swap3A_492], %broadcast_in_dim3A_1 {strides = array<i32>} : memref<64x64xf32, #tpu.memory_space<vmem>>, vector<16xf32>,
    %swap3A_494 = arith.constant 30 : i32
    %swap3A_495 = arith.index_cast %swap3A_494 : i32 to index
    %swap3A_496 = arith.constant 16 : index
    %swap3A_497 = tpu.vector_load %arg13[%swap3A_495, %swap3A_496] {strides = array<i32>} : memref<64x64xf32, #tpu.memory_space<vmem>>, vector<16xf32>,
    tpu.vector_store %arg13[%swap3A_495, %swap3A_496], %broadcast_in_dim3A_1 {strides = array<i32>} : memref<64x64xf32, #tpu.memory_space<vmem>>, vector<16xf32>,
    %swap3A_498 = arith.constant 30 : i32
    %swap3A_499 = arith.index_cast %swap3A_498 : i32 to index
    %swap3A_500 = arith.constant 32 : index
    %swap3A_501 = tpu.vector_load %arg13[%swap3A_499, %swap3A_500] {strides = array<i32>} : memref<64x64xf32, #tpu.memory_space<vmem>>, vector<16xf32>,
    tpu.vector_store %arg13[%swap3A_499, %swap3A_500], %broadcast_in_dim3A_1 {strides = array<i32>} : memref<64x64xf32, #tpu.memory_space<vmem>>, vector<16xf32>,
    %swap3A_502 = arith.constant 30 : i32
    %swap3A_503 = arith.index_cast %swap3A_502 : i32 to index
    %swap3A_504 = arith.constant 48 : index
    %swap3A_505 = tpu.vector_load %arg13[%swap3A_503, %swap3A_504] {strides = array<i32>} : memref<64x64xf32, #tpu.memory_space<vmem>>, vector<16xf32>,
    tpu.vector_store %arg13[%swap3A_503, %swap3A_504], %broadcast_in_dim3A_1 {strides = array<i32>} : memref<64x64xf32, #tpu.memory_space<vmem>>, vector<16xf32>,
    %swap3A_506 = arith.constant 31 : i32
    %swap3A_507 = arith.index_cast %swap3A_506 : i32 to index
    %swap3A_508 = arith.constant 0 : index
    %swap3A_509 = tpu.vector_load %arg13[%swap3A_507, %swap3A_508] {strides = array<i32>} : memref<64x64xf32, #tpu.memory_space<vmem>>, vector<16xf32>,
    tpu.vector_store %arg13[%swap3A_507, %swap3A_508], %broadcast_in_dim3A_1 {strides = array<i32>} : memref<64x64xf32, #tpu.memory_space<vmem>>, vector<16xf32>,
    %swap3A_510 = arith.constant 31 : i32
    %swap3A_511 = arith.index_cast %swap3A_510 : i32 to index
    %swap3A_512 = arith.constant 16 : index
    %swap3A_513 = tpu.vector_load %arg13[%swap3A_511, %swap3A_512] {strides = array<i32>} : memref<64x64xf32, #tpu.memory_space<vmem>>, vector<16xf32>,
    tpu.vector_store %arg13[%swap3A_511, %swap3A_512], %broadcast_in_dim3A_1 {strides = array<i32>} : memref<64x64xf32, #tpu.memory_space<vmem>>, vector<16xf32>,
    %swap3A_514 = arith.constant 31 : i32
    %swap3A_515 = arith.index_cast %swap3A_514 : i32 to index
    %swap3A_516 = arith.constant 32 : index
    %swap3A_517 = tpu.vector_load %arg13[%swap3A_515, %swap3A_516] {strides = array<i32>} : memref<64x64xf32, #tpu.memory_space<vmem>>, vector<16xf32>,
    tpu.vector_store %arg13[%swap3A_515, %swap3A_516], %broadcast_in_dim3A_1 {strides = array<i32>} : memref<64x64xf32, #tpu.memory_space<vmem>>, vector<16xf32>,
    %swap3A_518 = arith.constant 31 : i32
    %swap3A_519 = arith.index_cast %swap3A_518 : i32 to index
    %swap3A_520 = arith.constant 48 : index
    %swap3A_521 = tpu.vector_load %arg13[%swap3A_519, %swap3A_520] {strides = array<i32>} : memref<64x64xf32, #tpu.memory_space<vmem>>, vector<16xf32>,
    tpu.vector_store %arg13[%swap3A_519, %swap3A_520], %broadcast_in_dim3A_1 {strides = array<i32>} : memref<64x64xf32, #tpu.memory_space<vmem>>, vector<16xf32>,
    %swap3A_522 = arith.constant 32 : i32
    %swap3A_523 = arith.index_cast %swap3A_522 : i32 to index
    %swap3A_524 = arith.constant 0 : index
    %swap3A_525 = tpu.vector_load %arg13[%swap3A_523, %swap3A_524] {strides = array<i32>} : memref<64x64xf32, #tpu.memory_space<vmem>>, vector<16xf32>,
    tpu.vector_store %arg13[%swap3A_523, %swap3A_524], %broadcast_in_dim3A_1 {strides = array<i32>} : memref<64x64xf32, #tpu.memory_space<vmem>>, vector<16xf32>,
    %swap3A_526 = arith.constant 32 : i32
    %swap3A_527 = arith.index_cast %swap3A_526 : i32 to index
    %swap3A_528 = arith.constant 16 : index
    %swap3A_529 = tpu.vector_load %arg13[%swap3A_527, %swap3A_528] {strides = array<i32>} : memref<64x64xf32, #tpu.memory_space<vmem>>, vector<16xf32>,
    tpu.vector_store %arg13[%swap3A_527, %swap3A_528], %broadcast_in_dim3A_1 {strides = array<i32>} : memref<64x64xf32, #tpu.memory_space<vmem>>, vector<16xf32>,
    %swap3A_530 = arith.constant 32 : i32
    %swap3A_531 = arith.index_cast %swap3A_530 : i32 to index
    %swap3A_532 = arith.constant 32 : index
    %swap3A_533 = tpu.vector_load %arg13[%swap3A_531, %swap3A_532] {strides = array<i32>} : memref<64x64xf32, #tpu.memory_space<vmem>>, vector<16xf32>,
    tpu.vector_store %arg13[%swap3A_531, %swap3A_532], %broadcast_in_dim3A_1 {strides = array<i32>} : memref<64x64xf32, #tpu.memory_space<vmem>>, vector<16xf32>,
    %swap3A_534 = arith.constant 32 : i32
    %swap3A_535 = arith.index_cast %swap3A_534 : i32 to index
    %swap3A_536 = arith.constant 48 : index
    %swap3A_537 = tpu.vector_load %arg13[%swap3A_535, %swap3A_536] {strides = array<i32>} : memref<64x64xf32, #tpu.memory_space<vmem>>, vector<16xf32>,
    tpu.vector_store %arg13[%swap3A_535, %swap3A_536], %broadcast_in_dim3A_1 {strides = array<i32>} : memref<64x64xf32, #tpu.memory_space<vmem>>, vector<16xf32>,
    %swap3A_538 = arith.constant 33 : i32
    %swap3A_539 = arith.index_cast %swap3A_538 : i32 to index
    %swap3A_540 = arith.constant 0 : index
    %swap3A_541 = tpu.vector_load %arg13[%swap3A_539, %swap3A_540] {strides = array<i32>} : memref<64x64xf32, #tpu.memory_space<vmem>>, vector<16xf32>,
    tpu.vector_store %arg13[%swap3A_539, %swap3A_540], %broadcast_in_dim3A_1 {strides = array<i32>} : memref<64x64xf32, #tpu.memory_space<vmem>>, vector<16xf32>,
    %swap3A_542 = arith.constant 33 : i32
    %swap3A_543 = arith.index_cast %swap3A_542 : i32 to index
    %swap3A_544 = arith.constant 16 : index
    %swap3A_545 = tpu.vector_load %arg13[%swap3A_543, %swap3A_544] {strides = array<i32>} : memref<64x64xf32, #tpu.memory_space<vmem>>, vector<16xf32>,
    tpu.vector_store %arg13[%swap3A_543, %swap3A_544], %broadcast_in_dim3A_1 {strides = array<i32>} : memref<64x64xf32, #tpu.memory_space<vmem>>, vector<16xf32>,
    %swap3A_546 = arith.constant 33 : i32
    %swap3A_547 = arith.index_cast %swap3A_546 : i32 to index
    %swap3A_548 = arith.constant 32 : index
    %swap3A_549 = tpu.vector_load %arg13[%swap3A_547, %swap3A_548] {strides = array<i32>} : memref<64x64xf32, #tpu.memory_space<vmem>>, vector<16xf32>,
    tpu.vector_store %arg13[%swap3A_547, %swap3A_548], %broadcast_in_dim3A_1 {strides = array<i32>} : memref<64x64xf32, #tpu.memory_space<vmem>>, vector<16xf32>,
    %swap3A_550 = arith.constant 33 : i32
    %swap3A_551 = arith.index_cast %swap3A_550 : i32 to index
    %swap3A_552 = arith.constant 48 : index
    %swap3A_553 = tpu.vector_load %arg13[%swap3A_551, %swap3A_552] {strides = array<i32>} : memref<64x64xf32, #tpu.memory_space<vmem>>, vector<16xf32>,
    tpu.vector_store %arg13[%swap3A_551, %swap3A_552], %broadcast_in_dim3A_1 {strides = array<i32>} : memref<64x64xf32, #tpu.memory_space<vmem>>, vector<16xf32>,
    %swap3A_554 = arith.constant 34 : i32
    %swap3A_555 = arith.index_cast %swap3A_554 : i32 to index
    %swap3A_556 = arith.constant 0 : index
    %swap3A_557 = tpu.vector_load %arg13[%swap3A_555, %swap3A_556] {strides = array<i32>} : memref<64x64xf32, #tpu.memory_space<vmem>>, vector<16xf32>,
    tpu.vector_store %arg13[%swap3A_555, %swap3A_556], %broadcast_in_dim3A_1 {strides = array<i32>} : memref<64x64xf32, #tpu.memory_space<vmem>>, vector<16xf32>,
    %swap3A_558 = arith.constant 34 : i32
    %swap3A_559 = arith.index_cast %swap3A_558 : i32 to index
    %swap3A_560 = arith.constant 16 : index
    %swap3A_561 = tpu.vector_load %arg13[%swap3A_559, %swap3A_560] {strides = array<i32>} : memref<64x64xf32, #tpu.memory_space<vmem>>, vector<16xf32>,
    tpu.vector_store %arg13[%swap3A_559, %swap3A_560], %broadcast_in_dim3A_1 {strides = array<i32>} : memref<64x64xf32, #tpu.memory_space<vmem>>, vector<16xf32>,
    %swap3A_562 = arith.constant 34 : i32
    %swap3A_563 = arith.index_cast %swap3A_562 : i32 to index
    %swap3A_564 = arith.constant 32 : index
    %swap3A_565 = tpu.vector_load %arg13[%swap3A_563, %swap3A_564] {strides = array<i32>} : memref<64x64xf32, #tpu.memory_space<vmem>>, vector<16xf32>,
    tpu.vector_store %arg13[%swap3A_563, %swap3A_564], %broadcast_in_dim3A_1 {strides = array<i32>} : memref<64x64xf32, #tpu.memory_space<vmem>>, vector<16xf32>,
    %swap3A_566 = arith.constant 34 : i32
    %swap3A_567 = arith.index_cast %swap3A_566 : i32 to index
    %swap3A_568 = arith.constant 48 : index
    %swap3A_569 = tpu.vector_load %arg13[%swap3A_567, %swap3A_568] {strides = array<i32>} : memref<64x64xf32, #tpu.memory_space<vmem>>, vector<16xf32>,
    tpu.vector_store %arg13[%swap3A_567, %swap3A_568], %broadcast_in_dim3A_1 {strides = array<i32>} : memref<64x64xf32, #tpu.memory_space<vmem>>, vector<16xf32>,
    %swap3A_570 = arith.constant 35 : i32
    %swap3A_571 = arith.index_cast %swap3A_570 : i32 to index
    %swap3A_572 = arith.constant 0 : index
    %swap3A_573 = tpu.vector_load %arg13[%swap3A_571, %swap3A_572] {strides = array<i32>} : memref<64x64xf32, #tpu.memory_space<vmem>>, vector<16xf32>,
    tpu.vector_store %arg13[%swap3A_571, %swap3A_572], %broadcast_in_dim3A_1 {strides = array<i32>} : memref<64x64xf32, #tpu.memory_space<vmem>>, vector<16xf32>,
    %swap3A_574 = arith.constant 35 : i32
    %swap3A_575 = arith.index_cast %swap3A_574 : i32 to index
    %swap3A_576 = arith.constant 16 : index
    %swap3A_577 = tpu.vector_load %arg13[%swap3A_575, %swap3A_576] {strides = array<i32>} : memref<64x64xf32, #tpu.memory_space<vmem>>, vector<16xf32>,
    tpu.vector_store %arg13[%swap3A_575, %swap3A_576], %broadcast_in_dim3A_1 {strides = array<i32>} : memref<64x64xf32, #tpu.memory_space<vmem>>, vector<16xf32>,
    %swap3A_578 = arith.constant 35 : i32
    %swap3A_579 = arith.index_cast %swap3A_578 : i32 to index
    %swap3A_580 = arith.constant 32 : index
    %swap3A_581 = tpu.vector_load %arg13[%swap3A_579, %swap3A_580] {strides = array<i32>} : memref<64x64xf32, #tpu.memory_space<vmem>>, vector<16xf32>,
    tpu.vector_store %arg13[%swap3A_579, %swap3A_580], %broadcast_in_dim3A_1 {strides = array<i32>} : memref<64x64xf32, #tpu.memory_space<vmem>>, vector<16xf32>,
    %swap3A_582 = arith.constant 35 : i32
    %swap3A_583 = arith.index_cast %swap3A_582 : i32 to index
    %swap3A_584 = arith.constant 48 : index
    %swap3A_585 = tpu.vector_load %arg13[%swap3A_583, %swap3A_584] {strides = array<i32>} : memref<64x64xf32, #tpu.memory_space<vmem>>, vector<16xf32>,
    tpu.vector_store %arg13[%swap3A_583, %swap3A_584], %broadcast_in_dim3A_1 {strides = array<i32>} : memref<64x64xf32, #tpu.memory_space<vmem>>, vector<16xf32>,
    %swap3A_586 = arith.constant 36 : i32
    %swap3A_587 = arith.index_cast %swap3A_586 : i32 to index
    %swap3A_588 = arith.constant 0 : index
    %swap3A_589 = tpu.vector_load %arg13[%swap3A_587, %swap3A_588] {strides = array<i32>} : memref<64x64xf32, #tpu.memory_space<vmem>>, vector<16xf32>,
    tpu.vector_store %arg13[%swap3A_587, %swap3A_588], %broadcast_in_dim3A_1 {strides = array<i32>} : memref<64x64xf32, #tpu.memory_space<vmem>>, vector<16xf32>,
    %swap3A_590 = arith.constant 36 : i32
    %swap3A_591 = arith.index_cast %swap3A_590 : i32 to index
    %swap3A_592 = arith.constant 16 : index
    %swap3A_593 = tpu.vector_load %arg13[%swap3A_591, %swap3A_592] {strides = array<i32>} : memref<64x64xf32, #tpu.memory_space<vmem>>, vector<16xf32>,
    tpu.vector_store %arg13[%swap3A_591, %swap3A_592], %broadcast_in_dim3A_1 {strides = array<i32>} : memref<64x64xf32, #tpu.memory_space<vmem>>, vector<16xf32>,
    %swap3A_594 = arith.constant 36 : i32
    %swap3A_595 = arith.index_cast %swap3A_594 : i32 to index
    %swap3A_596 = arith.constant 32 : index
    %swap3A_597 = tpu.vector_load %arg13[%swap3A_595, %swap3A_596] {strides = array<i32>} : memref<64x64xf32, #tpu.memory_space<vmem>>, vector<16xf32>,
    tpu.vector_store %arg13[%swap3A_595, %swap3A_596], %broadcast_in_dim3A_1 {strides = array<i32>} : memref<64x64xf32, #tpu.memory_space<vmem>>, vector<16xf32>,
    %swap3A_598 = arith.constant 36 : i32
    %swap3A_599 = arith.index_cast %swap3A_598 : i32 to index
    %swap3A_600 = arith.constant 48 : index
    %swap3A_601 = tpu.vector_load %arg13[%swap3A_599, %swap3A_600] {strides = array<i32>} : memref<64x64xf32, #tpu.memory_space<vmem>>, vector<16xf32>,
    tpu.vector_store %arg13[%swap3A_599, %swap3A_600], %broadcast_in_dim3A_1 {strides = array<i32>} : memref<64x64xf32, #tpu.memory_space<vmem>>, vector<16xf32>,
    %swap3A_602 = arith.constant 37 : i32
    %swap3A_603 = arith.index_cast %swap3A_602 : i32 to index
    %swap3A_604 = arith.constant 0 : index
    %swap3A_605 = tpu.vector_load %arg13[%swap3A_603, %swap3A_604] {strides = array<i32>} : memref<64x64xf32, #tpu.memory_space<vmem>>, vector<16xf32>,
    tpu.vector_store %arg13[%swap3A_603, %swap3A_604], %broadcast_in_dim3A_1 {strides = array<i32>} : memref<64x64xf32, #tpu.memory_space<vmem>>, vector<16xf32>,
    %swap3A_606 = arith.constant 37 : i32
    %swap3A_607 = arith.index_cast %swap3A_606 : i32 to index
    %swap3A_608 = arith.constant 16 : index
    %swap3A_609 = tpu.vector_load %arg13[%swap3A_607, %swap3A_608] {strides = array<i32>} : memref<64x64xf32, #tpu.memory_space<vmem>>, vector<16xf32>,
    tpu.vector_store %arg13[%swap3A_607, %swap3A_608], %broadcast_in_dim3A_1 {strides = array<i32>} : memref<64x64xf32, #tpu.memory_space<vmem>>, vector<16xf32>,
    %swap3A_610 = arith.constant 37 : i32
    %swap3A_611 = arith.index_cast %swap3A_610 : i32 to index
    %swap3A_612 = arith.constant 32 : index
    %swap3A_613 = tpu.vector_load %arg13[%swap3A_611, %swap3A_612] {strides = array<i32>} : memref<64x64xf32, #tpu.memory_space<vmem>>, vector<16xf32>,
    tpu.vector_store %arg13[%swap3A_611, %swap3A_612], %broadcast_in_dim3A_1 {strides = array<i32>} : memref<64x64xf32, #tpu.memory_space<vmem>>, vector<16xf32>,
    %swap3A_614 = arith.constant 37 : i32
    %swap3A_615 = arith.index_cast %swap3A_614 : i32 to index
    %swap3A_616 = arith.constant 48 : index
    %swap3A_617 = tpu.vector_load %arg13[%swap3A_615, %swap3A_616] {strides = array<i32>} : memref<64x64xf32, #tpu.memory_space<vmem>>, vector<16xf32>,
    tpu.vector_store %arg13[%swap3A_615, %swap3A_616], %broadcast_in_dim3A_1 {strides = array<i32>} : memref<64x64xf32, #tpu.memory_space<vmem>>, vector<16xf32>,
    %swap3A_618 = arith.constant 38 : i32
    %swap3A_619 = arith.index_cast %swap3A_618 : i32 to index
    %swap3A_620 = arith.constant 0 : index
    %swap3A_621 = tpu.vector_load %arg13[%swap3A_619, %swap3A_620] {strides = array<i32>} : memref<64x64xf32, #tpu.memory_space<vmem>>, vector<16xf32>,
    tpu.vector_store %arg13[%swap3A_619, %swap3A_620], %broadcast_in_dim3A_1 {strides = array<i32>} : memref<64x64xf32, #tpu.memory_space<vmem>>, vector<16xf32>,
    %swap3A_622 = arith.constant 38 : i32
    %swap3A_623 = arith.index_cast %swap3A_622 : i32 to index
    %swap3A_624 = arith.constant 16 : index
    %swap3A_625 = tpu.vector_load %arg13[%swap3A_623, %swap3A_624] {strides = array<i32>} : memref<64x64xf32, #tpu.memory_space<vmem>>, vector<16xf32>,
    tpu.vector_store %arg13[%swap3A_623, %swap3A_624], %broadcast_in_dim3A_1 {strides = array<i32>} : memref<64x64xf32, #tpu.memory_space<vmem>>, vector<16xf32>,
    %swap3A_626 = arith.constant 38 : i32
    %swap3A_627 = arith.index_cast %swap3A_626 : i32 to index
    %swap3A_628 = arith.constant 32 : index
    %swap3A_629 = tpu.vector_load %arg13[%swap3A_627, %swap3A_628] {strides = array<i32>} : memref<64x64xf32, #tpu.memory_space<vmem>>, vector<16xf32>,
    tpu.vector_store %arg13[%swap3A_627, %swap3A_628], %broadcast_in_dim3A_1 {strides = array<i32>} : memref<64x64xf32, #tpu.memory_space<vmem>>, vector<16xf32>,
    %swap3A_630 = arith.constant 38 : i32
    %swap3A_631 = arith.index_cast %swap3A_630 : i32 to index
    %swap3A_632 = arith.constant 48 : index
    %swap3A_633 = tpu.vector_load %arg13[%swap3A_631, %swap3A_632] {strides = array<i32>} : memref<64x64xf32, #tpu.memory_space<vmem>>, vector<16xf32>,
    tpu.vector_store %arg13[%swap3A_631, %swap3A_632], %broadcast_in_dim3A_1 {strides = array<i32>} : memref<64x64xf32, #tpu.memory_space<vmem>>, vector<16xf32>,
    %swap3A_634 = arith.constant 39 : i32
    %swap3A_635 = arith.index_cast %swap3A_634 : i32 to index
    %swap3A_636 = arith.constant 0 : index
    %swap3A_637 = tpu.vector_load %arg13[%swap3A_635, %swap3A_636] {strides = array<i32>} : memref<64x64xf32, #tpu.memory_space<vmem>>, vector<16xf32>,
    tpu.vector_store %arg13[%swap3A_635, %swap3A_636], %broadcast_in_dim3A_1 {strides = array<i32>} : memref<64x64xf32, #tpu.memory_space<vmem>>, vector<16xf32>,
    %swap3A_638 = arith.constant 39 : i32
    %swap3A_639 = arith.index_cast %swap3A_638 : i32 to index
    %swap3A_640 = arith.constant 16 : index
    %swap3A_641 = tpu.vector_load %arg13[%swap3A_639, %swap3A_640] {strides = array<i32>} : memref<64x64xf32, #tpu.memory_space<vmem>>, vector<16xf32>,
    tpu.vector_store %arg13[%swap3A_639, %swap3A_640], %broadcast_in_dim3A_1 {strides = array<i32>} : memref<64x64xf32, #tpu.memory_space<vmem>>, vector<16xf32>,
    %swap3A_642 = arith.constant 39 : i32
    %swap3A_643 = arith.index_cast %swap3A_642 : i32 to index
    %swap3A_644 = arith.constant 32 : index
    %swap3A_645 = tpu.vector_load %arg13[%swap3A_643, %swap3A_644] {strides = array<i32>} : memref<64x64xf32, #tpu.memory_space<vmem>>, vector<16xf32>,
    tpu.vector_store %arg13[%swap3A_643, %swap3A_644], %broadcast_in_dim3A_1 {strides = array<i32>} : memref<64x64xf32, #tpu.memory_space<vmem>>, vector<16xf32>,
    %swap3A_646 = arith.constant 39 : i32
    %swap3A_647 = arith.index_cast %swap3A_646 : i32 to index
    %swap3A_648 = arith.constant 48 : index
    %swap3A_649 = tpu.vector_load %arg13[%swap3A_647, %swap3A_648] {strides = array<i32>} : memref<64x64xf32, #tpu.memory_space<vmem>>, vector<16xf32>,
    tpu.vector_store %arg13[%swap3A_647, %swap3A_648], %broadcast_in_dim3A_1 {strides = array<i32>} : memref<64x64xf32, #tpu.memory_space<vmem>>, vector<16xf32>,
    %swap3A_650 = arith.constant 40 : i32
    %swap3A_651 = arith.index_cast %swap3A_650 : i32 to index
    %swap3A_652 = arith.constant 0 : index
    %swap3A_653 = tpu.vector_load %arg13[%swap3A_651, %swap3A_652] {strides = array<i32>} : memref<64x64xf32, #tpu.memory_space<vmem>>, vector<16xf32>,
    tpu.vector_store %arg13[%swap3A_651, %swap3A_652], %broadcast_in_dim3A_1 {strides = array<i32>} : memref<64x64xf32, #tpu.memory_space<vmem>>, vector<16xf32>,
    %swap3A_654 = arith.constant 40 : i32
    %swap3A_655 = arith.index_cast %swap3A_654 : i32 to index
    %swap3A_656 = arith.constant 16 : index
    %swap3A_657 = tpu.vector_load %arg13[%swap3A_655, %swap3A_656] {strides = array<i32>} : memref<64x64xf32, #tpu.memory_space<vmem>>, vector<16xf32>,
    tpu.vector_store %arg13[%swap3A_655, %swap3A_656], %broadcast_in_dim3A_1 {strides = array<i32>} : memref<64x64xf32, #tpu.memory_space<vmem>>, vector<16xf32>,
    %swap3A_658 = arith.constant 40 : i32
    %swap3A_659 = arith.index_cast %swap3A_658 : i32 to index
    %swap3A_660 = arith.constant 32 : index
    %swap3A_661 = tpu.vector_load %arg13[%swap3A_659, %swap3A_660] {strides = array<i32>} : memref<64x64xf32, #tpu.memory_space<vmem>>, vector<16xf32>,
    tpu.vector_store %arg13[%swap3A_659, %swap3A_660], %broadcast_in_dim3A_1 {strides = array<i32>} : memref<64x64xf32, #tpu.memory_space<vmem>>, vector<16xf32>,
    %swap3A_662 = arith.constant 40 : i32
    %swap3A_663 = arith.index_cast %swap3A_662 : i32 to index
    %swap3A_664 = arith.constant 48 : index
    %swap3A_665 = tpu.vector_load %arg13[%swap3A_663, %swap3A_664] {strides = array<i32>} : memref<64x64xf32, #tpu.memory_space<vmem>>, vector<16xf32>,
    tpu.vector_store %arg13[%swap3A_663, %swap3A_664], %broadcast_in_dim3A_1 {strides = array<i32>} : memref<64x64xf32, #tpu.memory_space<vmem>>, vector<16xf32>,
    %swap3A_666 = arith.constant 41 : i32
    %swap3A_667 = arith.index_cast %swap3A_666 : i32 to index
    %swap3A_668 = arith.constant 0 : index
    %swap3A_669 = tpu.vector_load %arg13[%swap3A_667, %swap3A_668] {strides = array<i32>} : memref<64x64xf32, #tpu.memory_space<vmem>>, vector<16xf32>,
    tpu.vector_store %arg13[%swap3A_667, %swap3A_668], %broadcast_in_dim3A_1 {strides = array<i32>} : memref<64x64xf32, #tpu.memory_space<vmem>>, vector<16xf32>,
    %swap3A_670 = arith.constant 41 : i32
    %swap3A_671 = arith.index_cast %swap3A_670 : i32 to index
    %swap3A_672 = arith.constant 16 : index
    %swap3A_673 = tpu.vector_load %arg13[%swap3A_671, %swap3A_672] {strides = array<i32>} : memref<64x64xf32, #tpu.memory_space<vmem>>, vector<16xf32>,
    tpu.vector_store %arg13[%swap3A_671, %swap3A_672], %broadcast_in_dim3A_1 {strides = array<i32>} : memref<64x64xf32, #tpu.memory_space<vmem>>, vector<16xf32>,
    %swap3A_674 = arith.constant 41 : i32
    %swap3A_675 = arith.index_cast %swap3A_674 : i32 to index
    %swap3A_676 = arith.constant 32 : index
    %swap3A_677 = tpu.vector_load %arg13[%swap3A_675, %swap3A_676] {strides = array<i32>} : memref<64x64xf32, #tpu.memory_space<vmem>>, vector<16xf32>,
    tpu.vector_store %arg13[%swap3A_675, %swap3A_676], %broadcast_in_dim3A_1 {strides = array<i32>} : memref<64x64xf32, #tpu.memory_space<vmem>>, vector<16xf32>,
    %swap3A_678 = arith.constant 41 : i32
    %swap3A_679 = arith.index_cast %swap3A_678 : i32 to index
    %swap3A_680 = arith.constant 48 : index
    %swap3A_681 = tpu.vector_load %arg13[%swap3A_679, %swap3A_680] {strides = array<i32>} : memref<64x64xf32, #tpu.memory_space<vmem>>, vector<16xf32>,
    tpu.vector_store %arg13[%swap3A_679, %swap3A_680], %broadcast_in_dim3A_1 {strides = array<i32>} : memref<64x64xf32, #tpu.memory_space<vmem>>, vector<16xf32>,
    %swap3A_682 = arith.constant 42 : i32
    %swap3A_683 = arith.index_cast %swap3A_682 : i32 to index
    %swap3A_684 = arith.constant 0 : index
    %swap3A_685 = tpu.vector_load %arg13[%swap3A_683, %swap3A_684] {strides = array<i32>} : memref<64x64xf32, #tpu.memory_space<vmem>>, vector<16xf32>,
    tpu.vector_store %arg13[%swap3A_683, %swap3A_684], %broadcast_in_dim3A_1 {strides = array<i32>} : memref<64x64xf32, #tpu.memory_space<vmem>>, vector<16xf32>,
    %swap3A_686 = arith.constant 42 : i32
    %swap3A_687 = arith.index_cast %swap3A_686 : i32 to index
    %swap3A_688 = arith.constant 16 : index
    %swap3A_689 = tpu.vector_load %arg13[%swap3A_687, %swap3A_688] {strides = array<i32>} : memref<64x64xf32, #tpu.memory_space<vmem>>, vector<16xf32>,
    tpu.vector_store %arg13[%swap3A_687, %swap3A_688], %broadcast_in_dim3A_1 {strides = array<i32>} : memref<64x64xf32, #tpu.memory_space<vmem>>, vector<16xf32>,
    %swap3A_690 = arith.constant 42 : i32
    %swap3A_691 = arith.index_cast %swap3A_690 : i32 to index
    %swap3A_692 = arith.constant 32 : index
    %swap3A_693 = tpu.vector_load %arg13[%swap3A_691, %swap3A_692] {strides = array<i32>} : memref<64x64xf32, #tpu.memory_space<vmem>>, vector<16xf32>,
    tpu.vector_store %arg13[%swap3A_691, %swap3A_692], %broadcast_in_dim3A_1 {strides = array<i32>} : memref<64x64xf32, #tpu.memory_space<vmem>>, vector<16xf32>,
    %swap3A_694 = arith.constant 42 : i32
    %swap3A_695 = arith.index_cast %swap3A_694 : i32 to index
    %swap3A_696 = arith.constant 48 : index
    %swap3A_697 = tpu.vector_load %arg13[%swap3A_695, %swap3A_696] {strides = array<i32>} : memref<64x64xf32, #tpu.memory_space<vmem>>, vector<16xf32>,
    tpu.vector_store %arg13[%swap3A_695, %swap3A_696], %broadcast_in_dim3A_1 {strides = array<i32>} : memref<64x64xf32, #tpu.memory_space<vmem>>, vector<16xf32>,
    %swap3A_698 = arith.constant 43 : i32
    %swap3A_699 = arith.index_cast %swap3A_698 : i32 to index
    %swap3A_700 = arith.constant 0 : index
    %swap3A_701 = tpu.vector_load %arg13[%swap3A_699, %swap3A_700] {strides = array<i32>} : memref<64x64xf32, #tpu.memory_space<vmem>>, vector<16xf32>,
    tpu.vector_store %arg13[%swap3A_699, %swap3A_700], %broadcast_in_dim3A_1 {strides = array<i32>} : memref<64x64xf32, #tpu.memory_space<vmem>>, vector<16xf32>,
    %swap3A_702 = arith.constant 43 : i32
    %swap3A_703 = arith.index_cast %swap3A_702 : i32 to index
    %swap3A_704 = arith.constant 16 : index
    %swap3A_705 = tpu.vector_load %arg13[%swap3A_703, %swap3A_704] {strides = array<i32>} : memref<64x64xf32, #tpu.memory_space<vmem>>, vector<16xf32>,
    tpu.vector_store %arg13[%swap3A_703, %swap3A_704], %broadcast_in_dim3A_1 {strides = array<i32>} : memref<64x64xf32, #tpu.memory_space<vmem>>, vector<16xf32>,
    %swap3A_706 = arith.constant 43 : i32
    %swap3A_707 = arith.index_cast %swap3A_706 : i32 to index
    %swap3A_708 = arith.constant 32 : index
    %swap3A_709 = tpu.vector_load %arg13[%swap3A_707, %swap3A_708] {strides = array<i32>} : memref<64x64xf32, #tpu.memory_space<vmem>>, vector<16xf32>,
    tpu.vector_store %arg13[%swap3A_707, %swap3A_708], %broadcast_in_dim3A_1 {strides = array<i32>} : memref<64x64xf32, #tpu.memory_space<vmem>>, vector<16xf32>,
    %swap3A_710 = arith.constant 43 : i32
    %swap3A_711 = arith.index_cast %swap3A_710 : i32 to index
    %swap3A_712 = arith.constant 48 : index
    %swap3A_713 = tpu.vector_load %arg13[%swap3A_711, %swap3A_712] {strides = array<i32>} : memref<64x64xf32, #tpu.memory_space<vmem>>, vector<16xf32>,
    tpu.vector_store %arg13[%swap3A_711, %swap3A_712], %broadcast_in_dim3A_1 {strides = array<i32>} : memref<64x64xf32, #tpu.memory_space<vmem>>, vector<16xf32>,
    %swap3A_714 = arith.constant 44 : i32
    %swap3A_715 = arith.index_cast %swap3A_714 : i32 to index
    %swap3A_716 = arith.constant 0 : index
    %swap3A_717 = tpu.vector_load %arg13[%swap3A_715, %swap3A_716] {strides = array<i32>} : memref<64x64xf32, #tpu.memory_space<vmem>>, vector<16xf32>,
    tpu.vector_store %arg13[%swap3A_715, %swap3A_716], %broadcast_in_dim3A_1 {strides = array<i32>} : memref<64x64xf32, #tpu.memory_space<vmem>>, vector<16xf32>,
    %swap3A_718 = arith.constant 44 : i32
    %swap3A_719 = arith.index_cast %swap3A_718 : i32 to index
    %swap3A_720 = arith.constant 16 : index
    %swap3A_721 = tpu.vector_load %arg13[%swap3A_719, %swap3A_720] {strides = array<i32>} : memref<64x64xf32, #tpu.memory_space<vmem>>, vector<16xf32>,
    tpu.vector_store %arg13[%swap3A_719, %swap3A_720], %broadcast_in_dim3A_1 {strides = array<i32>} : memref<64x64xf32, #tpu.memory_space<vmem>>, vector<16xf32>,
    %swap3A_722 = arith.constant 44 : i32
    %swap3A_723 = arith.index_cast %swap3A_722 : i32 to index
    %swap3A_724 = arith.constant 32 : index
    %swap3A_725 = tpu.vector_load %arg13[%swap3A_723, %swap3A_724] {strides = array<i32>} : memref<64x64xf32, #tpu.memory_space<vmem>>, vector<16xf32>,
    tpu.vector_store %arg13[%swap3A_723, %swap3A_724], %broadcast_in_dim3A_1 {strides = array<i32>} : memref<64x64xf32, #tpu.memory_space<vmem>>, vector<16xf32>,
    %swap3A_726 = arith.constant 44 : i32
    %swap3A_727 = arith.index_cast %swap3A_726 : i32 to index
    %swap3A_728 = arith.constant 48 : index
    %swap3A_729 = tpu.vector_load %arg13[%swap3A_727, %swap3A_728] {strides = array<i32>} : memref<64x64xf32, #tpu.memory_space<vmem>>, vector<16xf32>,
    tpu.vector_store %arg13[%swap3A_727, %swap3A_728], %broadcast_in_dim3A_1 {strides = array<i32>} : memref<64x64xf32, #tpu.memory_space<vmem>>, vector<16xf32>,
    %swap3A_730 = arith.constant 45 : i32
    %swap3A_731 = arith.index_cast %swap3A_730 : i32 to index
    %swap3A_732 = arith.constant 0 : index
    %swap3A_733 = tpu.vector_load %arg13[%swap3A_731, %swap3A_732] {strides = array<i32>} : memref<64x64xf32, #tpu.memory_space<vmem>>, vector<16xf32>,
    tpu.vector_store %arg13[%swap3A_731, %swap3A_732], %broadcast_in_dim3A_1 {strides = array<i32>} : memref<64x64xf32, #tpu.memory_space<vmem>>, vector<16xf32>,
    %swap3A_734 = arith.constant 45 : i32
    %swap3A_735 = arith.index_cast %swap3A_734 : i32 to index
    %swap3A_736 = arith.constant 16 : index
    %swap3A_737 = tpu.vector_load %arg13[%swap3A_735, %swap3A_736] {strides = array<i32>} : memref<64x64xf32, #tpu.memory_space<vmem>>, vector<16xf32>,
    tpu.vector_store %arg13[%swap3A_735, %swap3A_736], %broadcast_in_dim3A_1 {strides = array<i32>} : memref<64x64xf32, #tpu.memory_space<vmem>>, vector<16xf32>,
    %swap3A_738 = arith.constant 45 : i32
    %swap3A_739 = arith.index_cast %swap3A_738 : i32 to index
    %swap3A_740 = arith.constant 32 : index
    %swap3A_741 = tpu.vector_load %arg13[%swap3A_739, %swap3A_740] {strides = array<i32>} : memref<64x64xf32, #tpu.memory_space<vmem>>, vector<16xf32>,
    tpu.vector_store %arg13[%swap3A_739, %swap3A_740], %broadcast_in_dim3A_1 {strides = array<i32>} : memref<64x64xf32, #tpu.memory_space<vmem>>, vector<16xf32>,
    %swap3A_742 = arith.constant 45 : i32
    %swap3A_743 = arith.index_cast %swap3A_742 : i32 to index
    %swap3A_744 = arith.constant 48 : index
    %swap3A_745 = tpu.vector_load %arg13[%swap3A_743, %swap3A_744] {strides = array<i32>} : memref<64x64xf32, #tpu.memory_space<vmem>>, vector<16xf32>,
    tpu.vector_store %arg13[%swap3A_743, %swap3A_744], %broadcast_in_dim3A_1 {strides = array<i32>} : memref<64x64xf32, #tpu.memory_space<vmem>>, vector<16xf32>,
    %swap3A_746 = arith.constant 46 : i32
    %swap3A_747 = arith.index_cast %swap3A_746 : i32 to index
    %swap3A_748 = arith.constant 0 : index
    %swap3A_749 = tpu.vector_load %arg13[%swap3A_747, %swap3A_748] {strides = array<i32>} : memref<64x64xf32, #tpu.memory_space<vmem>>, vector<16xf32>,
    tpu.vector_store %arg13[%swap3A_747, %swap3A_748], %broadcast_in_dim3A_1 {strides = array<i32>} : memref<64x64xf32, #tpu.memory_space<vmem>>, vector<16xf32>,
    %swap3A_750 = arith.constant 46 : i32
    %swap3A_751 = arith.index_cast %swap3A_750 : i32 to index
    %swap3A_752 = arith.constant 16 : index
    %swap3A_753 = tpu.vector_load %arg13[%swap3A_751, %swap3A_752] {strides = array<i32>} : memref<64x64xf32, #tpu.memory_space<vmem>>, vector<16xf32>,
    tpu.vector_store %arg13[%swap3A_751, %swap3A_752], %broadcast_in_dim3A_1 {strides = array<i32>} : memref<64x64xf32, #tpu.memory_space<vmem>>, vector<16xf32>,
    %swap3A_754 = arith.constant 46 : i32
    %swap3A_755 = arith.index_cast %swap3A_754 : i32 to index
    %swap3A_756 = arith.constant 32 : index
    %swap3A_757 = tpu.vector_load %arg13[%swap3A_755, %swap3A_756] {strides = array<i32>} : memref<64x64xf32, #tpu.memory_space<vmem>>, vector<16xf32>,
    tpu.vector_store %arg13[%swap3A_755, %swap3A_756], %broadcast_in_dim3A_1 {strides = array<i32>} : memref<64x64xf32, #tpu.memory_space<vmem>>, vector<16xf32>,
    %swap3A_758 = arith.constant 46 : i32
    %swap3A_759 = arith.index_cast %swap3A_758 : i32 to index
    %swap3A_760 = arith.constant 48 : index
    %swap3A_761 = tpu.vector_load %arg13[%swap3A_759, %swap3A_760] {strides = array<i32>} : memref<64x64xf32, #tpu.memory_space<vmem>>, vector<16xf32>,
    tpu.vector_store %arg13[%swap3A_759, %swap3A_760], %broadcast_in_dim3A_1 {strides = array<i32>} : memref<64x64xf32, #tpu.memory_space<vmem>>, vector<16xf32>,
    %swap3A_762 = arith.constant 47 : i32
    %swap3A_763 = arith.index_cast %swap3A_762 : i32 to index
    %swap3A_764 = arith.constant 0 : index
    %swap3A_765 = tpu.vector_load %arg13[%swap3A_763, %swap3A_764] {strides = array<i32>} : memref<64x64xf32, #tpu.memory_space<vmem>>, vector<16xf32>,
    tpu.vector_store %arg13[%swap3A_763, %swap3A_764], %broadcast_in_dim3A_1 {strides = array<i32>} : memref<64x64xf32, #tpu.memory_space<vmem>>, vector<16xf32>,
    %swap3A_766 = arith.constant 47 : i32
    %swap3A_767 = arith.index_cast %swap3A_766 : i32 to index
    %swap3A_768 = arith.constant 16 : index
    %swap3A_769 = tpu.vector_load %arg13[%swap3A_767, %swap3A_768] {strides = array<i32>} : memref<64x64xf32, #tpu.memory_space<vmem>>, vector<16xf32>,
    tpu.vector_store %arg13[%swap3A_767, %swap3A_768], %broadcast_in_dim3A_1 {strides = array<i32>} : memref<64x64xf32, #tpu.memory_space<vmem>>, vector<16xf32>,
    %swap3A_770 = arith.constant 47 : i32
    %swap3A_771 = arith.index_cast %swap3A_770 : i32 to index
    %swap3A_772 = arith.constant 32 : index
    %swap3A_773 = tpu.vector_load %arg13[%swap3A_771, %swap3A_772] {strides = array<i32>} : memref<64x64xf32, #tpu.memory_space<vmem>>, vector<16xf32>,
    tpu.vector_store %arg13[%swap3A_771, %swap3A_772], %broadcast_in_dim3A_1 {strides = array<i32>} : memref<64x64xf32, #tpu.memory_space<vmem>>, vector<16xf32>,
    %swap3A_774 = arith.constant 47 : i32
    %swap3A_775 = arith.index_cast %swap3A_774 : i32 to index
    %swap3A_776 = arith.constant 48 : index
    %swap3A_777 = tpu.vector_load %arg13[%swap3A_775, %swap3A_776] {strides = array<i32>} : memref<64x64xf32, #tpu.memory_space<vmem>>, vector<16xf32>,
    tpu.vector_store %arg13[%swap3A_775, %swap3A_776], %broadcast_in_dim3A_1 {strides = array<i32>} : memref<64x64xf32, #tpu.memory_space<vmem>>, vector<16xf32>,
    %swap3A_778 = arith.constant 48 : i32
    %swap3A_779 = arith.index_cast %swap3A_778 : i32 to index
    %swap3A_780 = arith.constant 0 : index
    %swap3A_781 = tpu.vector_load %arg13[%swap3A_779, %swap3A_780] {strides = array<i32>} : memref<64x64xf32, #tpu.memory_space<vmem>>, vector<16xf32>,
    tpu.vector_store %arg13[%swap3A_779, %swap3A_780], %broadcast_in_dim3A_1 {strides = array<i32>} : memref<64x64xf32, #tpu.memory_space<vmem>>, vector<16xf32>,
    %swap3A_782 = arith.constant 48 : i32
    %swap3A_783 = arith.index_cast %swap3A_782 : i32 to index
    %swap3A_784 = arith.constant 16 : index
    %swap3A_785 = tpu.vector_load %arg13[%swap3A_783, %swap3A_784] {strides = array<i32>} : memref<64x64xf32, #tpu.memory_space<vmem>>, vector<16xf32>,
    tpu.vector_store %arg13[%swap3A_783, %swap3A_784], %broadcast_in_dim3A_1 {strides = array<i32>} : memref<64x64xf32, #tpu.memory_space<vmem>>, vector<16xf32>,
    %swap3A_786 = arith.constant 48 : i32
    %swap3A_787 = arith.index_cast %swap3A_786 : i32 to index
    %swap3A_788 = arith.constant 32 : index
    %swap3A_789 = tpu.vector_load %arg13[%swap3A_787, %swap3A_788] {strides = array<i32>} : memref<64x64xf32, #tpu.memory_space<vmem>>, vector<16xf32>,
    tpu.vector_store %arg13[%swap3A_787, %swap3A_788], %broadcast_in_dim3A_1 {strides = array<i32>} : memref<64x64xf32, #tpu.memory_space<vmem>>, vector<16xf32>,
    %swap3A_790 = arith.constant 48 : i32
    %swap3A_791 = arith.index_cast %swap3A_790 : i32 to index
    %swap3A_792 = arith.constant 48 : index
    %swap3A_793 = tpu.vector_load %arg13[%swap3A_791, %swap3A_792] {strides = array<i32>} : memref<64x64xf32, #tpu.memory_space<vmem>>, vector<16xf32>,
    tpu.vector_store %arg13[%swap3A_791, %swap3A_792], %broadcast_in_dim3A_1 {strides = array<i32>} : memref<64x64xf32, #tpu.memory_space<vmem>>, vector<16xf32>,
    %swap3A_794 = arith.constant 49 : i32
    %swap3A_795 = arith.index_cast %swap3A_794 : i32 to index
    %swap3A_796 = arith.constant 0 : index
    %swap3A_797 = tpu.vector_load %arg13[%swap3A_795, %swap3A_796] {strides = array<i32>} : memref<64x64xf32, #tpu.memory_space<vmem>>, vector<16xf32>,
    tpu.vector_store %arg13[%swap3A_795, %swap3A_796], %broadcast_in_dim3A_1 {strides = array<i32>} : memref<64x64xf32, #tpu.memory_space<vmem>>, vector<16xf32>,
    %swap3A_798 = arith.constant 49 : i32
    %swap3A_799 = arith.index_cast %swap3A_798 : i32 to index
    %swap3A_800 = arith.constant 16 : index
    %swap3A_801 = tpu.vector_load %arg13[%swap3A_799, %swap3A_800] {strides = array<i32>} : memref<64x64xf32, #tpu.memory_space<vmem>>, vector<16xf32>,
    tpu.vector_store %arg13[%swap3A_799, %swap3A_800], %broadcast_in_dim3A_1 {strides = array<i32>} : memref<64x64xf32, #tpu.memory_space<vmem>>, vector<16xf32>,
    %swap3A_802 = arith.constant 49 : i32
    %swap3A_803 = arith.index_cast %swap3A_802 : i32 to index
    %swap3A_804 = arith.constant 32 : index
    %swap3A_805 = tpu.vector_load %arg13[%swap3A_803, %swap3A_804] {strides = array<i32>} : memref<64x64xf32, #tpu.memory_space<vmem>>, vector<16xf32>,
    tpu.vector_store %arg13[%swap3A_803, %swap3A_804], %broadcast_in_dim3A_1 {strides = array<i32>} : memref<64x64xf32, #tpu.memory_space<vmem>>, vector<16xf32>,
    %swap3A_806 = arith.constant 49 : i32
    %swap3A_807 = arith.index_cast %swap3A_806 : i32 to index
    %swap3A_808 = arith.constant 48 : index
    %swap3A_809 = tpu.vector_load %arg13[%swap3A_807, %swap3A_808] {strides = array<i32>} : memref<64x64xf32, #tpu.memory_space<vmem>>, vector<16xf32>,
    tpu.vector_store %arg13[%swap3A_807, %swap3A_808], %broadcast_in_dim3A_1 {strides = array<i32>} : memref<64x64xf32, #tpu.memory_space<vmem>>, vector<16xf32>,
    %swap3A_810 = arith.constant 50 : i32
    %swap3A_811 = arith.index_cast %swap3A_810 : i32 to index
    %swap3A_812 = arith.constant 0 : index
    %swap3A_813 = tpu.vector_load %arg13[%swap3A_811, %swap3A_812] {strides = array<i32>} : memref<64x64xf32, #tpu.memory_space<vmem>>, vector<16xf32>,
    tpu.vector_store %arg13[%swap3A_811, %swap3A_812], %broadcast_in_dim3A_1 {strides = array<i32>} : memref<64x64xf32, #tpu.memory_space<vmem>>, vector<16xf32>,
    %swap3A_814 = arith.constant 50 : i32
    %swap3A_815 = arith.index_cast %swap3A_814 : i32 to index
    %swap3A_816 = arith.constant 16 : index
    %swap3A_817 = tpu.vector_load %arg13[%swap3A_815, %swap3A_816] {strides = array<i32>} : memref<64x64xf32, #tpu.memory_space<vmem>>, vector<16xf32>,
    tpu.vector_store %arg13[%swap3A_815, %swap3A_816], %broadcast_in_dim3A_1 {strides = array<i32>} : memref<64x64xf32, #tpu.memory_space<vmem>>, vector<16xf32>,
    %swap3A_818 = arith.constant 50 : i32
    %swap3A_819 = arith.index_cast %swap3A_818 : i32 to index
    %swap3A_820 = arith.constant 32 : index
    %swap3A_821 = tpu.vector_load %arg13[%swap3A_819, %swap3A_820] {strides = array<i32>} : memref<64x64xf32, #tpu.memory_space<vmem>>, vector<16xf32>,
    tpu.vector_store %arg13[%swap3A_819, %swap3A_820], %broadcast_in_dim3A_1 {strides = array<i32>} : memref<64x64xf32, #tpu.memory_space<vmem>>, vector<16xf32>,
    %swap3A_822 = arith.constant 50 : i32
    %swap3A_823 = arith.index_cast %swap3A_822 : i32 to index
    %swap3A_824 = arith.constant 48 : index
    %swap3A_825 = tpu.vector_load %arg13[%swap3A_823, %swap3A_824] {strides = array<i32>} : memref<64x64xf32, #tpu.memory_space<vmem>>, vector<16xf32>,
    tpu.vector_store %arg13[%swap3A_823, %swap3A_824], %broadcast_in_dim3A_1 {strides = array<i32>} : memref<64x64xf32, #tpu.memory_space<vmem>>, vector<16xf32>,
    %swap3A_826 = arith.constant 51 : i32
    %swap3A_827 = arith.index_cast %swap3A_826 : i32 to index
    %swap3A_828 = arith.constant 0 : index
    %swap3A_829 = tpu.vector_load %arg13[%swap3A_827, %swap3A_828] {strides = array<i32>} : memref<64x64xf32, #tpu.memory_space<vmem>>, vector<16xf32>,
    tpu.vector_store %arg13[%swap3A_827, %swap3A_828], %broadcast_in_dim3A_1 {strides = array<i32>} : memref<64x64xf32, #tpu.memory_space<vmem>>, vector<16xf32>,
    %swap3A_830 = arith.constant 51 : i32
    %swap3A_831 = arith.index_cast %swap3A_830 : i32 to index
    %swap3A_832 = arith.constant 16 : index
    %swap3A_833 = tpu.vector_load %arg13[%swap3A_831, %swap3A_832] {strides = array<i32>} : memref<64x64xf32, #tpu.memory_space<vmem>>, vector<16xf32>,
    tpu.vector_store %arg13[%swap3A_831, %swap3A_832], %broadcast_in_dim3A_1 {strides = array<i32>} : memref<64x64xf32, #tpu.memory_space<vmem>>, vector<16xf32>,
    %swap3A_834 = arith.constant 51 : i32
    %swap3A_835 = arith.index_cast %swap3A_834 : i32 to index
    %swap3A_836 = arith.constant 32 : index
    %swap3A_837 = tpu.vector_load %arg13[%swap3A_835, %swap3A_836] {strides = array<i32>} : memref<64x64xf32, #tpu.memory_space<vmem>>, vector<16xf32>,
    tpu.vector_store %arg13[%swap3A_835, %swap3A_836], %broadcast_in_dim3A_1 {strides = array<i32>} : memref<64x64xf32, #tpu.memory_space<vmem>>, vector<16xf32>,
    %swap3A_838 = arith.constant 51 : i32
    %swap3A_839 = arith.index_cast %swap3A_838 : i32 to index
    %swap3A_840 = arith.constant 48 : index
    %swap3A_841 = tpu.vector_load %arg13[%swap3A_839, %swap3A_840] {strides = array<i32>} : memref<64x64xf32, #tpu.memory_space<vmem>>, vector<16xf32>,
    tpu.vector_store %arg13[%swap3A_839, %swap3A_840], %broadcast_in_dim3A_1 {strides = array<i32>} : memref<64x64xf32, #tpu.memory_space<vmem>>, vector<16xf32>,
    %swap3A_842 = arith.constant 52 : i32
    %swap3A_843 = arith.index_cast %swap3A_842 : i32 to index
    %swap3A_844 = arith.constant 0 : index
    %swap3A_845 = tpu.vector_load %arg13[%swap3A_843, %swap3A_844] {strides = array<i32>} : memref<64x64xf32, #tpu.memory_space<vmem>>, vector<16xf32>,
    tpu.vector_store %arg13[%swap3A_843, %swap3A_844], %broadcast_in_dim3A_1 {strides = array<i32>} : memref<64x64xf32, #tpu.memory_space<vmem>>, vector<16xf32>,
    %swap3A_846 = arith.constant 52 : i32
    %swap3A_847 = arith.index_cast %swap3A_846 : i32 to index
    %swap3A_848 = arith.constant 16 : index
    %swap3A_849 = tpu.vector_load %arg13[%swap3A_847, %swap3A_848] {strides = array<i32>} : memref<64x64xf32, #tpu.memory_space<vmem>>, vector<16xf32>,
    tpu.vector_store %arg13[%swap3A_847, %swap3A_848], %broadcast_in_dim3A_1 {strides = array<i32>} : memref<64x64xf32, #tpu.memory_space<vmem>>, vector<16xf32>,
    %swap3A_850 = arith.constant 52 : i32
    %swap3A_851 = arith.index_cast %swap3A_850 : i32 to index
    %swap3A_852 = arith.constant 32 : index
    %swap3A_853 = tpu.vector_load %arg13[%swap3A_851, %swap3A_852] {strides = array<i32>} : memref<64x64xf32, #tpu.memory_space<vmem>>, vector<16xf32>,
    tpu.vector_store %arg13[%swap3A_851, %swap3A_852], %broadcast_in_dim3A_1 {strides = array<i32>} : memref<64x64xf32, #tpu.memory_space<vmem>>, vector<16xf32>,
    %swap3A_854 = arith.constant 52 : i32
    %swap3A_855 = arith.index_cast %swap3A_854 : i32 to index
    %swap3A_856 = arith.constant 48 : index
    %swap3A_857 = tpu.vector_load %arg13[%swap3A_855, %swap3A_856] {strides = array<i32>} : memref<64x64xf32, #tpu.memory_space<vmem>>, vector<16xf32>,
    tpu.vector_store %arg13[%swap3A_855, %swap3A_856], %broadcast_in_dim3A_1 {strides = array<i32>} : memref<64x64xf32, #tpu.memory_space<vmem>>, vector<16xf32>,
    %swap3A_858 = arith.constant 53 : i32
    %swap3A_859 = arith.index_cast %swap3A_858 : i32 to index
    %swap3A_860 = arith.constant 0 : index
    %swap3A_861 = tpu.vector_load %arg13[%swap3A_859, %swap3A_860] {strides = array<i32>} : memref<64x64xf32, #tpu.memory_space<vmem>>, vector<16xf32>,
    tpu.vector_store %arg13[%swap3A_859, %swap3A_860], %broadcast_in_dim3A_1 {strides = array<i32>} : memref<64x64xf32, #tpu.memory_space<vmem>>, vector<16xf32>,
    %swap3A_862 = arith.constant 53 : i32
    %swap3A_863 = arith.index_cast %swap3A_862 : i32 to index
    %swap3A_864 = arith.constant 16 : index
    %swap3A_865 = tpu.vector_load %arg13[%swap3A_863, %swap3A_864] {strides = array<i32>} : memref<64x64xf32, #tpu.memory_space<vmem>>, vector<16xf32>,
    tpu.vector_store %arg13[%swap3A_863, %swap3A_864], %broadcast_in_dim3A_1 {strides = array<i32>} : memref<64x64xf32, #tpu.memory_space<vmem>>, vector<16xf32>,
    %swap3A_866 = arith.constant 53 : i32
    %swap3A_867 = arith.index_cast %swap3A_866 : i32 to index
    %swap3A_868 = arith.constant 32 : index
    %swap3A_869 = tpu.vector_load %arg13[%swap3A_867, %swap3A_868] {strides = array<i32>} : memref<64x64xf32, #tpu.memory_space<vmem>>, vector<16xf32>,
    tpu.vector_store %arg13[%swap3A_867, %swap3A_868], %broadcast_in_dim3A_1 {strides = array<i32>} : memref<64x64xf32, #tpu.memory_space<vmem>>, vector<16xf32>,
    %swap3A_870 = arith.constant 53 : i32
    %swap3A_871 = arith.index_cast %swap3A_870 : i32 to index
    %swap3A_872 = arith.constant 48 : index
    %swap3A_873 = tpu.vector_load %arg13[%swap3A_871, %swap3A_872] {strides = array<i32>} : memref<64x64xf32, #tpu.memory_space<vmem>>, vector<16xf32>,
    tpu.vector_store %arg13[%swap3A_871, %swap3A_872], %broadcast_in_dim3A_1 {strides = array<i32>} : memref<64x64xf32, #tpu.memory_space<vmem>>, vector<16xf32>,
    %swap3A_874 = arith.constant 54 : i32
    %swap3A_875 = arith.index_cast %swap3A_874 : i32 to index
    %swap3A_876 = arith.constant 0 : index
    %swap3A_877 = tpu.vector_load %arg13[%swap3A_875, %swap3A_876] {strides = array<i32>} : memref<64x64xf32, #tpu.memory_space<vmem>>, vector<16xf32>,
    tpu.vector_store %arg13[%swap3A_875, %swap3A_876], %broadcast_in_dim3A_1 {strides = array<i32>} : memref<64x64xf32, #tpu.memory_space<vmem>>, vector<16xf32>,
    %swap3A_878 = arith.constant 54 : i32
    %swap3A_879 = arith.index_cast %swap3A_878 : i32 to index
    %swap3A_880 = arith.constant 16 : index
    %swap3A_881 = tpu.vector_load %arg13[%swap3A_879, %swap3A_880] {strides = array<i32>} : memref<64x64xf32, #tpu.memory_space<vmem>>, vector<16xf32>,
    tpu.vector_store %arg13[%swap3A_879, %swap3A_880], %broadcast_in_dim3A_1 {strides = array<i32>} : memref<64x64xf32, #tpu.memory_space<vmem>>, vector<16xf32>,
    %swap3A_882 = arith.constant 54 : i32
    %swap3A_883 = arith.index_cast %swap3A_882 : i32 to index
    %swap3A_884 = arith.constant 32 : index
    %swap3A_885 = tpu.vector_load %arg13[%swap3A_883, %swap3A_884] {strides = array<i32>} : memref<64x64xf32, #tpu.memory_space<vmem>>, vector<16xf32>,
    tpu.vector_store %arg13[%swap3A_883, %swap3A_884], %broadcast_in_dim3A_1 {strides = array<i32>} : memref<64x64xf32, #tpu.memory_space<vmem>>, vector<16xf32>,
    %swap3A_886 = arith.constant 54 : i32
    %swap3A_887 = arith.index_cast %swap3A_886 : i32 to index
    %swap3A_888 = arith.constant 48 : index
    %swap3A_889 = tpu.vector_load %arg13[%swap3A_887, %swap3A_888] {strides = array<i32>} : memref<64x64xf32, #tpu.memory_space<vmem>>, vector<16xf32>,
    tpu.vector_store %arg13[%swap3A_887, %swap3A_888], %broadcast_in_dim3A_1 {strides = array<i32>} : memref<64x64xf32, #tpu.memory_space<vmem>>, vector<16xf32>,
    %swap3A_890 = arith.constant 55 : i32
    %swap3A_891 = arith.index_cast %swap3A_890 : i32 to index
    %swap3A_892 = arith.constant 0 : index
    %swap3A_893 = tpu.vector_load %arg13[%swap3A_891, %swap3A_892] {strides = array<i32>} : memref<64x64xf32, #tpu.memory_space<vmem>>, vector<16xf32>,
    tpu.vector_store %arg13[%swap3A_891, %swap3A_892], %broadcast_in_dim3A_1 {strides = array<i32>} : memref<64x64xf32, #tpu.memory_space<vmem>>, vector<16xf32>,
    %swap3A_894 = arith.constant 55 : i32
    %swap3A_895 = arith.index_cast %swap3A_894 : i32 to index
    %swap3A_896 = arith.constant 16 : index
    %swap3A_897 = tpu.vector_load %arg13[%swap3A_895, %swap3A_896] {strides = array<i32>} : memref<64x64xf32, #tpu.memory_space<vmem>>, vector<16xf32>,
    tpu.vector_store %arg13[%swap3A_895, %swap3A_896], %broadcast_in_dim3A_1 {strides = array<i32>} : memref<64x64xf32, #tpu.memory_space<vmem>>, vector<16xf32>,
    %swap3A_898 = arith.constant 55 : i32
    %swap3A_899 = arith.index_cast %swap3A_898 : i32 to index
    %swap3A_900 = arith.constant 32 : index
    %swap3A_901 = tpu.vector_load %arg13[%swap3A_899, %swap3A_900] {strides = array<i32>} : memref<64x64xf32, #tpu.memory_space<vmem>>, vector<16xf32>,
    tpu.vector_store %arg13[%swap3A_899, %swap3A_900], %broadcast_in_dim3A_1 {strides = array<i32>} : memref<64x64xf32, #tpu.memory_space<vmem>>, vector<16xf32>,
    %swap3A_902 = arith.constant 55 : i32
    %swap3A_903 = arith.index_cast %swap3A_902 : i32 to index
    %swap3A_904 = arith.constant 48 : index
    %swap3A_905 = tpu.vector_load %arg13[%swap3A_903, %swap3A_904] {strides = array<i32>} : memref<64x64xf32, #tpu.memory_space<vmem>>, vector<16xf32>,
    tpu.vector_store %arg13[%swap3A_903, %swap3A_904], %broadcast_in_dim3A_1 {strides = array<i32>} : memref<64x64xf32, #tpu.memory_space<vmem>>, vector<16xf32>,
    %swap3A_906 = arith.constant 56 : i32
    %swap3A_907 = arith.index_cast %swap3A_906 : i32 to index
    %swap3A_908 = arith.constant 0 : index
    %swap3A_909 = tpu.vector_load %arg13[%swap3A_907, %swap3A_908] {strides = array<i32>} : memref<64x64xf32, #tpu.memory_space<vmem>>, vector<16xf32>,
    tpu.vector_store %arg13[%swap3A_907, %swap3A_908], %broadcast_in_dim3A_1 {strides = array<i32>} : memref<64x64xf32, #tpu.memory_space<vmem>>, vector<16xf32>,
    %swap3A_910 = arith.constant 56 : i32
    %swap3A_911 = arith.index_cast %swap3A_910 : i32 to index
    %swap3A_912 = arith.constant 16 : index
    %swap3A_913 = tpu.vector_load %arg13[%swap3A_911, %swap3A_912] {strides = array<i32>} : memref<64x64xf32, #tpu.memory_space<vmem>>, vector<16xf32>,
    tpu.vector_store %arg13[%swap3A_911, %swap3A_912], %broadcast_in_dim3A_1 {strides = array<i32>} : memref<64x64xf32, #tpu.memory_space<vmem>>, vector<16xf32>,
    %swap3A_914 = arith.constant 56 : i32
    %swap3A_915 = arith.index_cast %swap3A_914 : i32 to index
    %swap3A_916 = arith.constant 32 : index
    %swap3A_917 = tpu.vector_load %arg13[%swap3A_915, %swap3A_916] {strides = array<i32>} : memref<64x64xf32, #tpu.memory_space<vmem>>, vector<16xf32>,
    tpu.vector_store %arg13[%swap3A_915, %swap3A_916], %broadcast_in_dim3A_1 {strides = array<i32>} : memref<64x64xf32, #tpu.memory_space<vmem>>, vector<16xf32>,
    %swap3A_918 = arith.constant 56 : i32
    %swap3A_919 = arith.index_cast %swap3A_918 : i32 to index
    %swap3A_920 = arith.constant 48 : index
    %swap3A_921 = tpu.vector_load %arg13[%swap3A_919, %swap3A_920] {strides = array<i32>} : memref<64x64xf32, #tpu.memory_space<vmem>>, vector<16xf32>,
    tpu.vector_store %arg13[%swap3A_919, %swap3A_920], %broadcast_in_dim3A_1 {strides = array<i32>} : memref<64x64xf32, #tpu.memory_space<vmem>>, vector<16xf32>,
    %swap3A_922 = arith.constant 57 : i32
    %swap3A_923 = arith.index_cast %swap3A_922 : i32 to index
    %swap3A_924 = arith.constant 0 : index
    %swap3A_925 = tpu.vector_load %arg13[%swap3A_923, %swap3A_924] {strides = array<i32>} : memref<64x64xf32, #tpu.memory_space<vmem>>, vector<16xf32>,
    tpu.vector_store %arg13[%swap3A_923, %swap3A_924], %broadcast_in_dim3A_1 {strides = array<i32>} : memref<64x64xf32, #tpu.memory_space<vmem>>, vector<16xf32>,
    %swap3A_926 = arith.constant 57 : i32
    %swap3A_927 = arith.index_cast %swap3A_926 : i32 to index
    %swap3A_928 = arith.constant 16 : index
    %swap3A_929 = tpu.vector_load %arg13[%swap3A_927, %swap3A_928] {strides = array<i32>} : memref<64x64xf32, #tpu.memory_space<vmem>>, vector<16xf32>,
    tpu.vector_store %arg13[%swap3A_927, %swap3A_928], %broadcast_in_dim3A_1 {strides = array<i32>} : memref<64x64xf32, #tpu.memory_space<vmem>>, vector<16xf32>,
    %swap3A_930 = arith.constant 57 : i32
    %swap3A_931 = arith.index_cast %swap3A_930 : i32 to index
    %swap3A_932 = arith.constant 32 : index
    %swap3A_933 = tpu.vector_load %arg13[%swap3A_931, %swap3A_932] {strides = array<i32>} : memref<64x64xf32, #tpu.memory_space<vmem>>, vector<16xf32>,
    tpu.vector_store %arg13[%swap3A_931, %swap3A_932], %broadcast_in_dim3A_1 {strides = array<i32>} : memref<64x64xf32, #tpu.memory_space<vmem>>, vector<16xf32>,
    %swap3A_934 = arith.constant 57 : i32
    %swap3A_935 = arith.index_cast %swap3A_934 : i32 to index
    %swap3A_936 = arith.constant 48 : index
    %swap3A_937 = tpu.vector_load %arg13[%swap3A_935, %swap3A_936] {strides = array<i32>} : memref<64x64xf32, #tpu.memory_space<vmem>>, vector<16xf32>,
    tpu.vector_store %arg13[%swap3A_935, %swap3A_936], %broadcast_in_dim3A_1 {strides = array<i32>} : memref<64x64xf32, #tpu.memory_space<vmem>>, vector<16xf32>,
    %swap3A_938 = arith.constant 58 : i32
    %swap3A_939 = arith.index_cast %swap3A_938 : i32 to index
    %swap3A_940 = arith.constant 0 : index
    %swap3A_941 = tpu.vector_load %arg13[%swap3A_939, %swap3A_940] {strides = array<i32>} : memref<64x64xf32, #tpu.memory_space<vmem>>, vector<16xf32>,
    tpu.vector_store %arg13[%swap3A_939, %swap3A_940], %broadcast_in_dim3A_1 {strides = array<i32>} : memref<64x64xf32, #tpu.memory_space<vmem>>, vector<16xf32>,
    %swap3A_942 = arith.constant 58 : i32
    %swap3A_943 = arith.index_cast %swap3A_942 : i32 to index
    %swap3A_944 = arith.constant 16 : index
    %swap3A_945 = tpu.vector_load %arg13[%swap3A_943, %swap3A_944] {strides = array<i32>} : memref<64x64xf32, #tpu.memory_space<vmem>>, vector<16xf32>,
    tpu.vector_store %arg13[%swap3A_943, %swap3A_944], %broadcast_in_dim3A_1 {strides = array<i32>} : memref<64x64xf32, #tpu.memory_space<vmem>>, vector<16xf32>,
    %swap3A_946 = arith.constant 58 : i32
    %swap3A_947 = arith.index_cast %swap3A_946 : i32 to index
    %swap3A_948 = arith.constant 32 : index
    %swap3A_949 = tpu.vector_load %arg13[%swap3A_947, %swap3A_948] {strides = array<i32>} : memref<64x64xf32, #tpu.memory_space<vmem>>, vector<16xf32>,
    tpu.vector_store %arg13[%swap3A_947, %swap3A_948], %broadcast_in_dim3A_1 {strides = array<i32>} : memref<64x64xf32, #tpu.memory_space<vmem>>, vector<16xf32>,
    %swap3A_950 = arith.constant 58 : i32
    %swap3A_951 = arith.index_cast %swap3A_950 : i32 to index
    %swap3A_952 = arith.constant 48 : index
    %swap3A_953 = tpu.vector_load %arg13[%swap3A_951, %swap3A_952] {strides = array<i32>} : memref<64x64xf32, #tpu.memory_space<vmem>>, vector<16xf32>,
    tpu.vector_store %arg13[%swap3A_951, %swap3A_952], %broadcast_in_dim3A_1 {strides = array<i32>} : memref<64x64xf32, #tpu.memory_space<vmem>>, vector<16xf32>,
    %swap3A_954 = arith.constant 59 : i32
    %swap3A_955 = arith.index_cast %swap3A_954 : i32 to index
    %swap3A_956 = arith.constant 0 : index
    %swap3A_957 = tpu.vector_load %arg13[%swap3A_955, %swap3A_956] {strides = array<i32>} : memref<64x64xf32, #tpu.memory_space<vmem>>, vector<16xf32>,
    tpu.vector_store %arg13[%swap3A_955, %swap3A_956], %broadcast_in_dim3A_1 {strides = array<i32>} : memref<64x64xf32, #tpu.memory_space<vmem>>, vector<16xf32>,
    %swap3A_958 = arith.constant 59 : i32
    %swap3A_959 = arith.index_cast %swap3A_958 : i32 to index
    %swap3A_960 = arith.constant 16 : index
    %swap3A_961 = tpu.vector_load %arg13[%swap3A_959, %swap3A_960] {strides = array<i32>} : memref<64x64xf32, #tpu.memory_space<vmem>>, vector<16xf32>,
    tpu.vector_store %arg13[%swap3A_959, %swap3A_960], %broadcast_in_dim3A_1 {strides = array<i32>} : memref<64x64xf32, #tpu.memory_space<vmem>>, vector<16xf32>,
    %swap3A_962 = arith.constant 59 : i32
    %swap3A_963 = arith.index_cast %swap3A_962 : i32 to index
    %swap3A_964 = arith.constant 32 : index
    %swap3A_965 = tpu.vector_load %arg13[%swap3A_963, %swap3A_964] {strides = array<i32>} : memref<64x64xf32, #tpu.memory_space<vmem>>, vector<16xf32>,
    tpu.vector_store %arg13[%swap3A_963, %swap3A_964], %broadcast_in_dim3A_1 {strides = array<i32>} : memref<64x64xf32, #tpu.memory_space<vmem>>, vector<16xf32>,
    %swap3A_966 = arith.constant 59 : i32
    %swap3A_967 = arith.index_cast %swap3A_966 : i32 to index
    %swap3A_968 = arith.constant 48 : index
    %swap3A_969 = tpu.vector_load %arg13[%swap3A_967, %swap3A_968] {strides = array<i32>} : memref<64x64xf32, #tpu.memory_space<vmem>>, vector<16xf32>,
    tpu.vector_store %arg13[%swap3A_967, %swap3A_968], %broadcast_in_dim3A_1 {strides = array<i32>} : memref<64x64xf32, #tpu.memory_space<vmem>>, vector<16xf32>,
    %swap3A_970 = arith.constant 60 : i32
    %swap3A_971 = arith.index_cast %swap3A_970 : i32 to index
    %swap3A_972 = arith.constant 0 : index
    %swap3A_973 = tpu.vector_load %arg13[%swap3A_971, %swap3A_972] {strides = array<i32>} : memref<64x64xf32, #tpu.memory_space<vmem>>, vector<16xf32>,
    tpu.vector_store %arg13[%swap3A_971, %swap3A_972], %broadcast_in_dim3A_1 {strides = array<i32>} : memref<64x64xf32, #tpu.memory_space<vmem>>, vector<16xf32>,
    %swap3A_974 = arith.constant 60 : i32
    %swap3A_975 = arith.index_cast %swap3A_974 : i32 to index
    %swap3A_976 = arith.constant 16 : index
    %swap3A_977 = tpu.vector_load %arg13[%swap3A_975, %swap3A_976] {strides = array<i32>} : memref<64x64xf32, #tpu.memory_space<vmem>>, vector<16xf32>,
    tpu.vector_store %arg13[%swap3A_975, %swap3A_976], %broadcast_in_dim3A_1 {strides = array<i32>} : memref<64x64xf32, #tpu.memory_space<vmem>>, vector<16xf32>,
    %swap3A_978 = arith.constant 60 : i32
    %swap3A_979 = arith.index_cast %swap3A_978 : i32 to index
    %swap3A_980 = arith.constant 32 : index
    %swap3A_981 = tpu.vector_load %arg13[%swap3A_979, %swap3A_980] {strides = array<i32>} : memref<64x64xf32, #tpu.memory_space<vmem>>, vector<16xf32>,
    tpu.vector_store %arg13[%swap3A_979, %swap3A_980], %broadcast_in_dim3A_1 {strides = array<i32>} : memref<64x64xf32, #tpu.memory_space<vmem>>, vector<16xf32>,
    %swap3A_982 = arith.constant 60 : i32
    %swap3A_983 = arith.index_cast %swap3A_982 : i32 to index
    %swap3A_984 = arith.constant 48 : index
    %swap3A_985 = tpu.vector_load %arg13[%swap3A_983, %swap3A_984] {strides = array<i32>} : memref<64x64xf32, #tpu.memory_space<vmem>>, vector<16xf32>,
    tpu.vector_store %arg13[%swap3A_983, %swap3A_984], %broadcast_in_dim3A_1 {strides = array<i32>} : memref<64x64xf32, #tpu.memory_space<vmem>>, vector<16xf32>,
    %swap3A_986 = arith.constant 61 : i32
    %swap3A_987 = arith.index_cast %swap3A_986 : i32 to index
    %swap3A_988 = arith.constant 0 : index
    %swap3A_989 = tpu.vector_load %arg13[%swap3A_987, %swap3A_988] {strides = array<i32>} : memref<64x64xf32, #tpu.memory_space<vmem>>, vector<16xf32>,
    tpu.vector_store %arg13[%swap3A_987, %swap3A_988], %broadcast_in_dim3A_1 {strides = array<i32>} : memref<64x64xf32, #tpu.memory_space<vmem>>, vector<16xf32>,
    %swap3A_990 = arith.constant 61 : i32
    %swap3A_991 = arith.index_cast %swap3A_990 : i32 to index
    %swap3A_992 = arith.constant 16 : index
    %swap3A_993 = tpu.vector_load %arg13[%swap3A_991, %swap3A_992] {strides = array<i32>} : memref<64x64xf32, #tpu.memory_space<vmem>>, vector<16xf32>,
    tpu.vector_store %arg13[%swap3A_991, %swap3A_992], %broadcast_in_dim3A_1 {strides = array<i32>} : memref<64x64xf32, #tpu.memory_space<vmem>>, vector<16xf32>,
    %swap3A_994 = arith.constant 61 : i32
    %swap3A_995 = arith.index_cast %swap3A_994 : i32 to index
    %swap3A_996 = arith.constant 32 : index
    %swap3A_997 = tpu.vector_load %arg13[%swap3A_995, %swap3A_996] {strides = array<i32>} : memref<64x64xf32, #tpu.memory_space<vmem>>, vector<16xf32>,
    tpu.vector_store %arg13[%swap3A_995, %swap3A_996], %broadcast_in_dim3A_1 {strides = array<i32>} : memref<64x64xf32, #tpu.memory_space<vmem>>, vector<16xf32>,
    %swap3A_998 = arith.constant 61 : i32
    %swap3A_999 = arith.index_cast %swap3A_998 : i32 to index
    %swap3A_1000 = arith.constant 48 : index
    %swap3A_1001 = tpu.vector_load %arg13[%swap3A_999, %swap3A_1000] {strides = array<i32>} : memref<64x64xf32, #tpu.memory_space<vmem>>, vector<16xf32>,
    tpu.vector_store %arg13[%swap3A_999, %swap3A_1000], %broadcast_in_dim3A_1 {strides = array<i32>} : memref<64x64xf32, #tpu.memory_space<vmem>>, vector<16xf32>,
    %swap3A_1002 = arith.constant 62 : i32
    %swap3A_1003 = arith.index_cast %swap3A_1002 : i32 to index
    %swap3A_1004 = arith.constant 0 : index
    %swap3A_1005 = tpu.vector_load %arg13[%swap3A_1003, %swap3A_1004] {strides = array<i32>} : memref<64x64xf32, #tpu.memory_space<vmem>>, vector<16xf32>,
    tpu.vector_store %arg13[%swap3A_1003, %swap3A_1004], %broadcast_in_dim3A_1 {strides = array<i32>} : memref<64x64xf32, #tpu.memory_space<vmem>>, vector<16xf32>,
    %swap3A_1006 = arith.constant 62 : i32
    %swap3A_1007 = arith.index_cast %swap3A_1006 : i32 to index
    %swap3A_1008 = arith.constant 16 : index
    %swap3A_1009 = tpu.vector_load %arg13[%swap3A_1007, %swap3A_1008] {strides = array<i32>} : memref<64x64xf32, #tpu.memory_space<vmem>>, vector<16xf32>,
    tpu.vector_store %arg13[%swap3A_1007, %swap3A_1008], %broadcast_in_dim3A_1 {strides = array<i32>} : memref<64x64xf32, #tpu.memory_space<vmem>>, vector<16xf32>,
    %swap3A_1010 = arith.constant 62 : i32
    %swap3A_1011 = arith.index_cast %swap3A_1010 : i32 to index
    %swap3A_1012 = arith.constant 32 : index
    %swap3A_1013 = tpu.vector_load %arg13[%swap3A_1011, %swap3A_1012] {strides = array<i32>} : memref<64x64xf32, #tpu.memory_space<vmem>>, vector<16xf32>,
    tpu.vector_store %arg13[%swap3A_1011, %swap3A_1012], %broadcast_in_dim3A_1 {strides = array<i32>} : memref<64x64xf32, #tpu.memory_space<vmem>>, vector<16xf32>,
    %swap3A_1014 = arith.constant 62 : i32
    %swap3A_1015 = arith.index_cast %swap3A_1014 : i32 to index
    %swap3A_1016 = arith.constant 48 : index
    %swap3A_1017 = tpu.vector_load %arg13[%swap3A_1015, %swap3A_1016] {strides = array<i32>} : memref<64x64xf32, #tpu.memory_space<vmem>>, vector<16xf32>,
    tpu.vector_store %arg13[%swap3A_1015, %swap3A_1016], %broadcast_in_dim3A_1 {strides = array<i32>} : memref<64x64xf32, #tpu.memory_space<vmem>>, vector<16xf32>,
    %swap3A_1018 = arith.constant 63 : i32
    %swap3A_1019 = arith.index_cast %swap3A_1018 : i32 to index
    %swap3A_1020 = arith.constant 0 : index
    %swap3A_1021 = tpu.vector_load %arg13[%swap3A_1019, %swap3A_1020] {strides = array<i32>} : memref<64x64xf32, #tpu.memory_space<vmem>>, vector<16xf32>,
    tpu.vector_store %arg13[%swap3A_1019, %swap3A_1020], %broadcast_in_dim3A_1 {strides = array<i32>} : memref<64x64xf32, #tpu.memory_space<vmem>>, vector<16xf32>,
    %swap3A_1022 = arith.constant 63 : i32
    %swap3A_1023 = arith.index_cast %swap3A_1022 : i32 to index
    %swap3A_1024 = arith.constant 16 : index
    %swap3A_1025 = tpu.vector_load %arg13[%swap3A_1023, %swap3A_1024] {strides = array<i32>} : memref<64x64xf32, #tpu.memory_space<vmem>>, vector<16xf32>,
    tpu.vector_store %arg13[%swap3A_1023, %swap3A_1024], %broadcast_in_dim3A_1 {strides = array<i32>} : memref<64x64xf32, #tpu.memory_space<vmem>>, vector<16xf32>,
    %swap3A_1026 = arith.constant 63 : i32
    %swap3A_1027 = arith.index_cast %swap3A_1026 : i32 to index
    %swap3A_1028 = arith.constant 32 : index
    %swap3A_1029 = tpu.vector_load %arg13[%swap3A_1027, %swap3A_1028] {strides = array<i32>} : memref<64x64xf32, #tpu.memory_space<vmem>>, vector<16xf32>,
    tpu.vector_store %arg13[%swap3A_1027, %swap3A_1028], %broadcast_in_dim3A_1 {strides = array<i32>} : memref<64x64xf32, #tpu.memory_space<vmem>>, vector<16xf32>,
    %swap3A_1030 = arith.constant 63 : i32
    %swap3A_1031 = arith.index_cast %swap3A_1030 : i32 to index
    %swap3A_1032 = arith.constant 48 : index
    %swap3A_1033 = tpu.vector_load %arg13[%swap3A_1031, %swap3A_1032] {strides = array<i32>} : memref<64x64xf32, #tpu.memory_space<vmem>>, vector<16xf32>,
    tpu.vector_store %arg13[%swap3A_1031, %swap3A_1032], %broadcast_in_dim3A_1 {strides = array<i32>} : memref<64x64xf32, #tpu.memory_space<vmem>>, vector<16xf32>,
    %scan3A = arith.constant 0 : i32
    %scan3A_1034 = arith.constant 0 : i32
    %scan3A_1035 = arith.constant 640 : i32
    %scan3A_1036 = arith.addi %scan3A_1034, %scan3A_1035 : i32
    %scan3A_1037 = arith.constant 1 : i32
    %scan3A_1038 = scf.for %scan3A_1679 = %scan3A_1034 to %scan3A_1036 step %scan3A_1037 iter_args(%scan3A_1680 = %scan3A) -> (i32)  : i32 {
      %swap3A_1681 = arith.index_cast %scan3A_1679 : i32 to index
      %swap3A_1682 = arith.constant 0 : index
      %swap3A_1683 = tpu.vector_load %arg14[%swap3A_1681, %swap3A_1682] {strides = array<i32>} : memref<640x16xf32, #tpu.memory_space<vmem>>, vector<16xf32>,
      tpu.vector_store %arg14[%swap3A_1681, %swap3A_1682], %broadcast_in_dim3A_1 {strides = array<i32>} : memref<640x16xf32, #tpu.memory_space<vmem>>, vector<16xf32>,
      %scan3A_1684 = arith.constant 0 : i32
      scf.yield %scan3A_1684 : i32
    }
    %scan3A_1039 = arith.constant 640 : i32
    %add3A_1040 = arith.constant 0 : i32
    %add3A_1041 = vector.broadcast %add3A_1040 : i32 to vector<16xi32>
    %add3A_1042 = arith.addi %iota3A, %add3A_1041 : vector<16xi32>
    %swap3A_1043 = arith.constant 0 : i32
    %swap3A_1044 = arith.index_cast %swap3A_1043 : i32 to index
    %swap3A_1045 = arith.constant 0 : index
    %swap3A_1046 = tpu.vector_load %arg15[%swap3A_1044, %swap3A_1045] {strides = array<i32>} : memref<5x128xi32, #tpu.memory_space<vmem>>, vector<16xi32>,
    tpu.vector_store %arg15[%swap3A_1044, %swap3A_1045], %add3A_1042 {strides = array<i32>} : memref<5x128xi32, #tpu.memory_space<vmem>>, vector<16xi32>,
    %add3A_1047 = arith.constant 16 : i32
    %add3A_1048 = vector.broadcast %add3A_1047 : i32 to vector<16xi32>
    %add3A_1049 = arith.addi %iota3A, %add3A_1048 : vector<16xi32>
    %swap3A_1050 = arith.constant 0 : i32
    %swap3A_1051 = arith.index_cast %swap3A_1050 : i32 to index
    %swap3A_1052 = arith.constant 16 : index
    %swap3A_1053 = tpu.vector_load %arg15[%swap3A_1051, %swap3A_1052] {strides = array<i32>} : memref<5x128xi32, #tpu.memory_space<vmem>>, vector<16xi32>,
    tpu.vector_store %arg15[%swap3A_1051, %swap3A_1052], %add3A_1049 {strides = array<i32>} : memref<5x128xi32, #tpu.memory_space<vmem>>, vector<16xi32>,
    %add3A_1054 = arith.constant 32 : i32
    %add3A_1055 = vector.broadcast %add3A_1054 : i32 to vector<16xi32>
    %add3A_1056 = arith.addi %iota3A, %add3A_1055 : vector<16xi32>
    %swap3A_1057 = arith.constant 0 : i32
    %swap3A_1058 = arith.index_cast %swap3A_1057 : i32 to index
    %swap3A_1059 = arith.constant 32 : index
    %swap3A_1060 = tpu.vector_load %arg15[%swap3A_1058, %swap3A_1059] {strides = array<i32>} : memref<5x128xi32, #tpu.memory_space<vmem>>, vector<16xi32>,
    tpu.vector_store %arg15[%swap3A_1058, %swap3A_1059], %add3A_1056 {strides = array<i32>} : memref<5x128xi32, #tpu.memory_space<vmem>>, vector<16xi32>,
    %add3A_1061 = arith.constant 48 : i32
    %add3A_1062 = vector.broadcast %add3A_1061 : i32 to vector<16xi32>
    %add3A_1063 = arith.addi %iota3A, %add3A_1062 : vector<16xi32>
    %swap3A_1064 = arith.constant 0 : i32
    %swap3A_1065 = arith.index_cast %swap3A_1064 : i32 to index
    %swap3A_1066 = arith.constant 48 : index
    %swap3A_1067 = tpu.vector_load %arg15[%swap3A_1065, %swap3A_1066] {strides = array<i32>} : memref<5x128xi32, #tpu.memory_space<vmem>>, vector<16xi32>,
    tpu.vector_store %arg15[%swap3A_1065, %swap3A_1066], %add3A_1063 {strides = array<i32>} : memref<5x128xi32, #tpu.memory_space<vmem>>, vector<16xi32>,
    %add3A_1068 = arith.constant 64 : i32
    %add3A_1069 = vector.broadcast %add3A_1068 : i32 to vector<16xi32>
    %add3A_1070 = arith.addi %iota3A, %add3A_1069 : vector<16xi32>
    %swap3A_1071 = arith.constant 0 : i32
    %swap3A_1072 = arith.index_cast %swap3A_1071 : i32 to index
    %swap3A_1073 = arith.constant 64 : index
    %swap3A_1074 = tpu.vector_load %arg15[%swap3A_1072, %swap3A_1073] {strides = array<i32>} : memref<5x128xi32, #tpu.memory_space<vmem>>, vector<16xi32>,
    tpu.vector_store %arg15[%swap3A_1072, %swap3A_1073], %add3A_1070 {strides = array<i32>} : memref<5x128xi32, #tpu.memory_space<vmem>>, vector<16xi32>,
    %add3A_1075 = arith.constant 80 : i32
    %add3A_1076 = vector.broadcast %add3A_1075 : i32 to vector<16xi32>
    %add3A_1077 = arith.addi %iota3A, %add3A_1076 : vector<16xi32>
    %swap3A_1078 = arith.constant 0 : i32
    %swap3A_1079 = arith.index_cast %swap3A_1078 : i32 to index
    %swap3A_1080 = arith.constant 80 : index
    %swap3A_1081 = tpu.vector_load %arg15[%swap3A_1079, %swap3A_1080] {strides = array<i32>} : memref<5x128xi32, #tpu.memory_space<vmem>>, vector<16xi32>,
    tpu.vector_store %arg15[%swap3A_1079, %swap3A_1080], %add3A_1077 {strides = array<i32>} : memref<5x128xi32, #tpu.memory_space<vmem>>, vector<16xi32>,
    %add3A_1082 = arith.constant 96 : i32
    %add3A_1083 = vector.broadcast %add3A_1082 : i32 to vector<16xi32>
    %add3A_1084 = arith.addi %iota3A, %add3A_1083 : vector<16xi32>
    %swap3A_1085 = arith.constant 0 : i32
    %swap3A_1086 = arith.index_cast %swap3A_1085 : i32 to index
    %swap3A_1087 = arith.constant 96 : index
    %swap3A_1088 = tpu.vector_load %arg15[%swap3A_1086, %swap3A_1087] {strides = array<i32>} : memref<5x128xi32, #tpu.memory_space<vmem>>, vector<16xi32>,
    tpu.vector_store %arg15[%swap3A_1086, %swap3A_1087], %add3A_1084 {strides = array<i32>} : memref<5x128xi32, #tpu.memory_space<vmem>>, vector<16xi32>,
    %add3A_1089 = arith.constant 112 : i32
    %add3A_1090 = vector.broadcast %add3A_1089 : i32 to vector<16xi32>
    %add3A_1091 = arith.addi %iota3A, %add3A_1090 : vector<16xi32>
    %swap3A_1092 = arith.constant 0 : i32
    %swap3A_1093 = arith.index_cast %swap3A_1092 : i32 to index
    %swap3A_1094 = arith.constant 112 : index
    %swap3A_1095 = tpu.vector_load %arg15[%swap3A_1093, %swap3A_1094] {strides = array<i32>} : memref<5x128xi32, #tpu.memory_space<vmem>>, vector<16xi32>,
    tpu.vector_store %arg15[%swap3A_1093, %swap3A_1094], %add3A_1091 {strides = array<i32>} : memref<5x128xi32, #tpu.memory_space<vmem>>, vector<16xi32>,
    %add3A_1096 = arith.constant 128 : i32
    %add3A_1097 = vector.broadcast %add3A_1096 : i32 to vector<16xi32>
    %add3A_1098 = arith.addi %iota3A, %add3A_1097 : vector<16xi32>
    %swap3A_1099 = arith.constant 1 : i32
    %swap3A_1100 = arith.index_cast %swap3A_1099 : i32 to index
    %swap3A_1101 = arith.constant 0 : index
    %swap3A_1102 = tpu.vector_load %arg15[%swap3A_1100, %swap3A_1101] {strides = array<i32>} : memref<5x128xi32, #tpu.memory_space<vmem>>, vector<16xi32>,
    tpu.vector_store %arg15[%swap3A_1100, %swap3A_1101], %add3A_1098 {strides = array<i32>} : memref<5x128xi32, #tpu.memory_space<vmem>>, vector<16xi32>,
    %add3A_1103 = arith.constant 144 : i32
    %add3A_1104 = vector.broadcast %add3A_1103 : i32 to vector<16xi32>
    %add3A_1105 = arith.addi %iota3A, %add3A_1104 : vector<16xi32>
    %swap3A_1106 = arith.constant 1 : i32
    %swap3A_1107 = arith.index_cast %swap3A_1106 : i32 to index
    %swap3A_1108 = arith.constant 16 : index
    %swap3A_1109 = tpu.vector_load %arg15[%swap3A_1107, %swap3A_1108] {strides = array<i32>} : memref<5x128xi32, #tpu.memory_space<vmem>>, vector<16xi32>,
    tpu.vector_store %arg15[%swap3A_1107, %swap3A_1108], %add3A_1105 {strides = array<i32>} : memref<5x128xi32, #tpu.memory_space<vmem>>, vector<16xi32>,
    %add3A_1110 = arith.constant 160 : i32
    %add3A_1111 = vector.broadcast %add3A_1110 : i32 to vector<16xi32>
    %add3A_1112 = arith.addi %iota3A, %add3A_1111 : vector<16xi32>
    %swap3A_1113 = arith.constant 1 : i32
    %swap3A_1114 = arith.index_cast %swap3A_1113 : i32 to index
    %swap3A_1115 = arith.constant 32 : index
    %swap3A_1116 = tpu.vector_load %arg15[%swap3A_1114, %swap3A_1115] {strides = array<i32>} : memref<5x128xi32, #tpu.memory_space<vmem>>, vector<16xi32>,
    tpu.vector_store %arg15[%swap3A_1114, %swap3A_1115], %add3A_1112 {strides = array<i32>} : memref<5x128xi32, #tpu.memory_space<vmem>>, vector<16xi32>,
    %add3A_1117 = arith.constant 176 : i32
    %add3A_1118 = vector.broadcast %add3A_1117 : i32 to vector<16xi32>
    %add3A_1119 = arith.addi %iota3A, %add3A_1118 : vector<16xi32>
    %swap3A_1120 = arith.constant 1 : i32
    %swap3A_1121 = arith.index_cast %swap3A_1120 : i32 to index
    %swap3A_1122 = arith.constant 48 : index
    %swap3A_1123 = tpu.vector_load %arg15[%swap3A_1121, %swap3A_1122] {strides = array<i32>} : memref<5x128xi32, #tpu.memory_space<vmem>>, vector<16xi32>,
    tpu.vector_store %arg15[%swap3A_1121, %swap3A_1122], %add3A_1119 {strides = array<i32>} : memref<5x128xi32, #tpu.memory_space<vmem>>, vector<16xi32>,
    %add3A_1124 = arith.constant 192 : i32
    %add3A_1125 = vector.broadcast %add3A_1124 : i32 to vector<16xi32>
    %add3A_1126 = arith.addi %iota3A, %add3A_1125 : vector<16xi32>
    %swap3A_1127 = arith.constant 1 : i32
    %swap3A_1128 = arith.index_cast %swap3A_1127 : i32 to index
    %swap3A_1129 = arith.constant 64 : index
    %swap3A_1130 = tpu.vector_load %arg15[%swap3A_1128, %swap3A_1129] {strides = array<i32>} : memref<5x128xi32, #tpu.memory_space<vmem>>, vector<16xi32>,
    tpu.vector_store %arg15[%swap3A_1128, %swap3A_1129], %add3A_1126 {strides = array<i32>} : memref<5x128xi32, #tpu.memory_space<vmem>>, vector<16xi32>,
    %add3A_1131 = arith.constant 208 : i32
    %add3A_1132 = vector.broadcast %add3A_1131 : i32 to vector<16xi32>
    %add3A_1133 = arith.addi %iota3A, %add3A_1132 : vector<16xi32>
    %swap3A_1134 = arith.constant 1 : i32
    %swap3A_1135 = arith.index_cast %swap3A_1134 : i32 to index
    %swap3A_1136 = arith.constant 80 : index
    %swap3A_1137 = tpu.vector_load %arg15[%swap3A_1135, %swap3A_1136] {strides = array<i32>} : memref<5x128xi32, #tpu.memory_space<vmem>>, vector<16xi32>,
    tpu.vector_store %arg15[%swap3A_1135, %swap3A_1136], %add3A_1133 {strides = array<i32>} : memref<5x128xi32, #tpu.memory_space<vmem>>, vector<16xi32>,
    %add3A_1138 = arith.constant 224 : i32
    %add3A_1139 = vector.broadcast %add3A_1138 : i32 to vector<16xi32>
    %add3A_1140 = arith.addi %iota3A, %add3A_1139 : vector<16xi32>
    %swap3A_1141 = arith.constant 1 : i32
    %swap3A_1142 = arith.index_cast %swap3A_1141 : i32 to index
    %swap3A_1143 = arith.constant 96 : index
    %swap3A_1144 = tpu.vector_load %arg15[%swap3A_1142, %swap3A_1143] {strides = array<i32>} : memref<5x128xi32, #tpu.memory_space<vmem>>, vector<16xi32>,
    tpu.vector_store %arg15[%swap3A_1142, %swap3A_1143], %add3A_1140 {strides = array<i32>} : memref<5x128xi32, #tpu.memory_space<vmem>>, vector<16xi32>,
    %add3A_1145 = arith.constant 240 : i32
    %add3A_1146 = vector.broadcast %add3A_1145 : i32 to vector<16xi32>
    %add3A_1147 = arith.addi %iota3A, %add3A_1146 : vector<16xi32>
    %swap3A_1148 = arith.constant 1 : i32
    %swap3A_1149 = arith.index_cast %swap3A_1148 : i32 to index
    %swap3A_1150 = arith.constant 112 : index
    %swap3A_1151 = tpu.vector_load %arg15[%swap3A_1149, %swap3A_1150] {strides = array<i32>} : memref<5x128xi32, #tpu.memory_space<vmem>>, vector<16xi32>,
    tpu.vector_store %arg15[%swap3A_1149, %swap3A_1150], %add3A_1147 {strides = array<i32>} : memref<5x128xi32, #tpu.memory_space<vmem>>, vector<16xi32>,
    %add3A_1152 = arith.constant 256 : i32
    %add3A_1153 = vector.broadcast %add3A_1152 : i32 to vector<16xi32>
    %add3A_1154 = arith.addi %iota3A, %add3A_1153 : vector<16xi32>
    %swap3A_1155 = arith.constant 2 : i32
    %swap3A_1156 = arith.index_cast %swap3A_1155 : i32 to index
    %swap3A_1157 = arith.constant 0 : index
    %swap3A_1158 = tpu.vector_load %arg15[%swap3A_1156, %swap3A_1157] {strides = array<i32>} : memref<5x128xi32, #tpu.memory_space<vmem>>, vector<16xi32>,
    tpu.vector_store %arg15[%swap3A_1156, %swap3A_1157], %add3A_1154 {strides = array<i32>} : memref<5x128xi32, #tpu.memory_space<vmem>>, vector<16xi32>,
    %add3A_1159 = arith.constant 272 : i32
    %add3A_1160 = vector.broadcast %add3A_1159 : i32 to vector<16xi32>
    %add3A_1161 = arith.addi %iota3A, %add3A_1160 : vector<16xi32>
    %swap3A_1162 = arith.constant 2 : i32
    %swap3A_1163 = arith.index_cast %swap3A_1162 : i32 to index
    %swap3A_1164 = arith.constant 16 : index
    %swap3A_1165 = tpu.vector_load %arg15[%swap3A_1163, %swap3A_1164] {strides = array<i32>} : memref<5x128xi32, #tpu.memory_space<vmem>>, vector<16xi32>,
    tpu.vector_store %arg15[%swap3A_1163, %swap3A_1164], %add3A_1161 {strides = array<i32>} : memref<5x128xi32, #tpu.memory_space<vmem>>, vector<16xi32>,
    %add3A_1166 = arith.constant 288 : i32
    %add3A_1167 = vector.broadcast %add3A_1166 : i32 to vector<16xi32>
    %add3A_1168 = arith.addi %iota3A, %add3A_1167 : vector<16xi32>
    %swap3A_1169 = arith.constant 2 : i32
    %swap3A_1170 = arith.index_cast %swap3A_1169 : i32 to index
    %swap3A_1171 = arith.constant 32 : index
    %swap3A_1172 = tpu.vector_load %arg15[%swap3A_1170, %swap3A_1171] {strides = array<i32>} : memref<5x128xi32, #tpu.memory_space<vmem>>, vector<16xi32>,
    tpu.vector_store %arg15[%swap3A_1170, %swap3A_1171], %add3A_1168 {strides = array<i32>} : memref<5x128xi32, #tpu.memory_space<vmem>>, vector<16xi32>,
    %add3A_1173 = arith.constant 304 : i32
    %add3A_1174 = vector.broadcast %add3A_1173 : i32 to vector<16xi32>
    %add3A_1175 = arith.addi %iota3A, %add3A_1174 : vector<16xi32>
    %swap3A_1176 = arith.constant 2 : i32
    %swap3A_1177 = arith.index_cast %swap3A_1176 : i32 to index
    %swap3A_1178 = arith.constant 48 : index
    %swap3A_1179 = tpu.vector_load %arg15[%swap3A_1177, %swap3A_1178] {strides = array<i32>} : memref<5x128xi32, #tpu.memory_space<vmem>>, vector<16xi32>,
    tpu.vector_store %arg15[%swap3A_1177, %swap3A_1178], %add3A_1175 {strides = array<i32>} : memref<5x128xi32, #tpu.memory_space<vmem>>, vector<16xi32>,
    %add3A_1180 = arith.constant 320 : i32
    %add3A_1181 = vector.broadcast %add3A_1180 : i32 to vector<16xi32>
    %add3A_1182 = arith.addi %iota3A, %add3A_1181 : vector<16xi32>
    %swap3A_1183 = arith.constant 2 : i32
    %swap3A_1184 = arith.index_cast %swap3A_1183 : i32 to index
    %swap3A_1185 = arith.constant 64 : index
    %swap3A_1186 = tpu.vector_load %arg15[%swap3A_1184, %swap3A_1185] {strides = array<i32>} : memref<5x128xi32, #tpu.memory_space<vmem>>, vector<16xi32>,
    tpu.vector_store %arg15[%swap3A_1184, %swap3A_1185], %add3A_1182 {strides = array<i32>} : memref<5x128xi32, #tpu.memory_space<vmem>>, vector<16xi32>,
    %add3A_1187 = arith.constant 336 : i32
    %add3A_1188 = vector.broadcast %add3A_1187 : i32 to vector<16xi32>
    %add3A_1189 = arith.addi %iota3A, %add3A_1188 : vector<16xi32>
    %swap3A_1190 = arith.constant 2 : i32
    %swap3A_1191 = arith.index_cast %swap3A_1190 : i32 to index
    %swap3A_1192 = arith.constant 80 : index
    %swap3A_1193 = tpu.vector_load %arg15[%swap3A_1191, %swap3A_1192] {strides = array<i32>} : memref<5x128xi32, #tpu.memory_space<vmem>>, vector<16xi32>,
    tpu.vector_store %arg15[%swap3A_1191, %swap3A_1192], %add3A_1189 {strides = array<i32>} : memref<5x128xi32, #tpu.memory_space<vmem>>, vector<16xi32>,
    %add3A_1194 = arith.constant 352 : i32
    %add3A_1195 = vector.broadcast %add3A_1194 : i32 to vector<16xi32>
    %add3A_1196 = arith.addi %iota3A, %add3A_1195 : vector<16xi32>
    %swap3A_1197 = arith.constant 2 : i32
    %swap3A_1198 = arith.index_cast %swap3A_1197 : i32 to index
    %swap3A_1199 = arith.constant 96 : index
    %swap3A_1200 = tpu.vector_load %arg15[%swap3A_1198, %swap3A_1199] {strides = array<i32>} : memref<5x128xi32, #tpu.memory_space<vmem>>, vector<16xi32>,
    tpu.vector_store %arg15[%swap3A_1198, %swap3A_1199], %add3A_1196 {strides = array<i32>} : memref<5x128xi32, #tpu.memory_space<vmem>>, vector<16xi32>,
    %add3A_1201 = arith.constant 368 : i32
    %add3A_1202 = vector.broadcast %add3A_1201 : i32 to vector<16xi32>
    %add3A_1203 = arith.addi %iota3A, %add3A_1202 : vector<16xi32>
    %swap3A_1204 = arith.constant 2 : i32
    %swap3A_1205 = arith.index_cast %swap3A_1204 : i32 to index
    %swap3A_1206 = arith.constant 112 : index
    %swap3A_1207 = tpu.vector_load %arg15[%swap3A_1205, %swap3A_1206] {strides = array<i32>} : memref<5x128xi32, #tpu.memory_space<vmem>>, vector<16xi32>,
    tpu.vector_store %arg15[%swap3A_1205, %swap3A_1206], %add3A_1203 {strides = array<i32>} : memref<5x128xi32, #tpu.memory_space<vmem>>, vector<16xi32>,
    %add3A_1208 = arith.constant 384 : i32
    %add3A_1209 = vector.broadcast %add3A_1208 : i32 to vector<16xi32>
    %add3A_1210 = arith.addi %iota3A, %add3A_1209 : vector<16xi32>
    %swap3A_1211 = arith.constant 3 : i32
    %swap3A_1212 = arith.index_cast %swap3A_1211 : i32 to index
    %swap3A_1213 = arith.constant 0 : index
    %swap3A_1214 = tpu.vector_load %arg15[%swap3A_1212, %swap3A_1213] {strides = array<i32>} : memref<5x128xi32, #tpu.memory_space<vmem>>, vector<16xi32>,
    tpu.vector_store %arg15[%swap3A_1212, %swap3A_1213], %add3A_1210 {strides = array<i32>} : memref<5x128xi32, #tpu.memory_space<vmem>>, vector<16xi32>,
    %add3A_1215 = arith.constant 400 : i32
    %add3A_1216 = vector.broadcast %add3A_1215 : i32 to vector<16xi32>
    %add3A_1217 = arith.addi %iota3A, %add3A_1216 : vector<16xi32>
    %swap3A_1218 = arith.constant 3 : i32
    %swap3A_1219 = arith.index_cast %swap3A_1218 : i32 to index
    %swap3A_1220 = arith.constant 16 : index
    %swap3A_1221 = tpu.vector_load %arg15[%swap3A_1219, %swap3A_1220] {strides = array<i32>} : memref<5x128xi32, #tpu.memory_space<vmem>>, vector<16xi32>,
    tpu.vector_store %arg15[%swap3A_1219, %swap3A_1220], %add3A_1217 {strides = array<i32>} : memref<5x128xi32, #tpu.memory_space<vmem>>, vector<16xi32>,
    %add3A_1222 = arith.constant 416 : i32
    %add3A_1223 = vector.broadcast %add3A_1222 : i32 to vector<16xi32>
    %add3A_1224 = arith.addi %iota3A, %add3A_1223 : vector<16xi32>
    %swap3A_1225 = arith.constant 3 : i32
    %swap3A_1226 = arith.index_cast %swap3A_1225 : i32 to index
    %swap3A_1227 = arith.constant 32 : index
    %swap3A_1228 = tpu.vector_load %arg15[%swap3A_1226, %swap3A_1227] {strides = array<i32>} : memref<5x128xi32, #tpu.memory_space<vmem>>, vector<16xi32>,
    tpu.vector_store %arg15[%swap3A_1226, %swap3A_1227], %add3A_1224 {strides = array<i32>} : memref<5x128xi32, #tpu.memory_space<vmem>>, vector<16xi32>,
    %add3A_1229 = arith.constant 432 : i32
    %add3A_1230 = vector.broadcast %add3A_1229 : i32 to vector<16xi32>
    %add3A_1231 = arith.addi %iota3A, %add3A_1230 : vector<16xi32>
    %swap3A_1232 = arith.constant 3 : i32
    %swap3A_1233 = arith.index_cast %swap3A_1232 : i32 to index
    %swap3A_1234 = arith.constant 48 : index
    %swap3A_1235 = tpu.vector_load %arg15[%swap3A_1233, %swap3A_1234] {strides = array<i32>} : memref<5x128xi32, #tpu.memory_space<vmem>>, vector<16xi32>,
    tpu.vector_store %arg15[%swap3A_1233, %swap3A_1234], %add3A_1231 {strides = array<i32>} : memref<5x128xi32, #tpu.memory_space<vmem>>, vector<16xi32>,
    %add3A_1236 = arith.constant 448 : i32
    %add3A_1237 = vector.broadcast %add3A_1236 : i32 to vector<16xi32>
    %add3A_1238 = arith.addi %iota3A, %add3A_1237 : vector<16xi32>
    %swap3A_1239 = arith.constant 3 : i32
    %swap3A_1240 = arith.index_cast %swap3A_1239 : i32 to index
    %swap3A_1241 = arith.constant 64 : index
    %swap3A_1242 = tpu.vector_load %arg15[%swap3A_1240, %swap3A_1241] {strides = array<i32>} : memref<5x128xi32, #tpu.memory_space<vmem>>, vector<16xi32>,
    tpu.vector_store %arg15[%swap3A_1240, %swap3A_1241], %add3A_1238 {strides = array<i32>} : memref<5x128xi32, #tpu.memory_space<vmem>>, vector<16xi32>,
    %add3A_1243 = arith.constant 464 : i32
    %add3A_1244 = vector.broadcast %add3A_1243 : i32 to vector<16xi32>
    %add3A_1245 = arith.addi %iota3A, %add3A_1244 : vector<16xi32>
    %swap3A_1246 = arith.constant 3 : i32
    %swap3A_1247 = arith.index_cast %swap3A_1246 : i32 to index
    %swap3A_1248 = arith.constant 80 : index
    %swap3A_1249 = tpu.vector_load %arg15[%swap3A_1247, %swap3A_1248] {strides = array<i32>} : memref<5x128xi32, #tpu.memory_space<vmem>>, vector<16xi32>,
    tpu.vector_store %arg15[%swap3A_1247, %swap3A_1248], %add3A_1245 {strides = array<i32>} : memref<5x128xi32, #tpu.memory_space<vmem>>, vector<16xi32>,
    %add3A_1250 = arith.constant 480 : i32
    %add3A_1251 = vector.broadcast %add3A_1250 : i32 to vector<16xi32>
    %add3A_1252 = arith.addi %iota3A, %add3A_1251 : vector<16xi32>
    %swap3A_1253 = arith.constant 3 : i32
    %swap3A_1254 = arith.index_cast %swap3A_1253 : i32 to index
    %swap3A_1255 = arith.constant 96 : index
    %swap3A_1256 = tpu.vector_load %arg15[%swap3A_1254, %swap3A_1255] {strides = array<i32>} : memref<5x128xi32, #tpu.memory_space<vmem>>, vector<16xi32>,
    tpu.vector_store %arg15[%swap3A_1254, %swap3A_1255], %add3A_1252 {strides = array<i32>} : memref<5x128xi32, #tpu.memory_space<vmem>>, vector<16xi32>,
    %add3A_1257 = arith.constant 496 : i32
    %add3A_1258 = vector.broadcast %add3A_1257 : i32 to vector<16xi32>
    %add3A_1259 = arith.addi %iota3A, %add3A_1258 : vector<16xi32>
    %swap3A_1260 = arith.constant 3 : i32
    %swap3A_1261 = arith.index_cast %swap3A_1260 : i32 to index
    %swap3A_1262 = arith.constant 112 : index
    %swap3A_1263 = tpu.vector_load %arg15[%swap3A_1261, %swap3A_1262] {strides = array<i32>} : memref<5x128xi32, #tpu.memory_space<vmem>>, vector<16xi32>,
    tpu.vector_store %arg15[%swap3A_1261, %swap3A_1262], %add3A_1259 {strides = array<i32>} : memref<5x128xi32, #tpu.memory_space<vmem>>, vector<16xi32>,
    %add3A_1264 = arith.constant 512 : i32
    %add3A_1265 = vector.broadcast %add3A_1264 : i32 to vector<16xi32>
    %add3A_1266 = arith.addi %iota3A, %add3A_1265 : vector<16xi32>
    %swap3A_1267 = arith.constant 4 : i32
    %swap3A_1268 = arith.index_cast %swap3A_1267 : i32 to index
    %swap3A_1269 = arith.constant 0 : index
    %swap3A_1270 = tpu.vector_load %arg15[%swap3A_1268, %swap3A_1269] {strides = array<i32>} : memref<5x128xi32, #tpu.memory_space<vmem>>, vector<16xi32>,
    tpu.vector_store %arg15[%swap3A_1268, %swap3A_1269], %add3A_1266 {strides = array<i32>} : memref<5x128xi32, #tpu.memory_space<vmem>>, vector<16xi32>,
    %add3A_1271 = arith.constant 528 : i32
    %add3A_1272 = vector.broadcast %add3A_1271 : i32 to vector<16xi32>
    %add3A_1273 = arith.addi %iota3A, %add3A_1272 : vector<16xi32>
    %swap3A_1274 = arith.constant 4 : i32
    %swap3A_1275 = arith.index_cast %swap3A_1274 : i32 to index
    %swap3A_1276 = arith.constant 16 : index
    %swap3A_1277 = tpu.vector_load %arg15[%swap3A_1275, %swap3A_1276] {strides = array<i32>} : memref<5x128xi32, #tpu.memory_space<vmem>>, vector<16xi32>,
    tpu.vector_store %arg15[%swap3A_1275, %swap3A_1276], %add3A_1273 {strides = array<i32>} : memref<5x128xi32, #tpu.memory_space<vmem>>, vector<16xi32>,
    %add3A_1278 = arith.constant 544 : i32
    %add3A_1279 = vector.broadcast %add3A_1278 : i32 to vector<16xi32>
    %add3A_1280 = arith.addi %iota3A, %add3A_1279 : vector<16xi32>
    %swap3A_1281 = arith.constant 4 : i32
    %swap3A_1282 = arith.index_cast %swap3A_1281 : i32 to index
    %swap3A_1283 = arith.constant 32 : index
    %swap3A_1284 = tpu.vector_load %arg15[%swap3A_1282, %swap3A_1283] {strides = array<i32>} : memref<5x128xi32, #tpu.memory_space<vmem>>, vector<16xi32>,
    tpu.vector_store %arg15[%swap3A_1282, %swap3A_1283], %add3A_1280 {strides = array<i32>} : memref<5x128xi32, #tpu.memory_space<vmem>>, vector<16xi32>,
    %add3A_1285 = arith.constant 560 : i32
    %add3A_1286 = vector.broadcast %add3A_1285 : i32 to vector<16xi32>
    %add3A_1287 = arith.addi %iota3A, %add3A_1286 : vector<16xi32>
    %swap3A_1288 = arith.constant 4 : i32
    %swap3A_1289 = arith.index_cast %swap3A_1288 : i32 to index
    %swap3A_1290 = arith.constant 48 : index
    %swap3A_1291 = tpu.vector_load %arg15[%swap3A_1289, %swap3A_1290] {strides = array<i32>} : memref<5x128xi32, #tpu.memory_space<vmem>>, vector<16xi32>,
    tpu.vector_store %arg15[%swap3A_1289, %swap3A_1290], %add3A_1287 {strides = array<i32>} : memref<5x128xi32, #tpu.memory_space<vmem>>, vector<16xi32>,
    %add3A_1292 = arith.constant 576 : i32
    %add3A_1293 = vector.broadcast %add3A_1292 : i32 to vector<16xi32>
    %add3A_1294 = arith.addi %iota3A, %add3A_1293 : vector<16xi32>
    %swap3A_1295 = arith.constant 4 : i32
    %swap3A_1296 = arith.index_cast %swap3A_1295 : i32 to index
    %swap3A_1297 = arith.constant 64 : index
    %swap3A_1298 = tpu.vector_load %arg15[%swap3A_1296, %swap3A_1297] {strides = array<i32>} : memref<5x128xi32, #tpu.memory_space<vmem>>, vector<16xi32>,
    tpu.vector_store %arg15[%swap3A_1296, %swap3A_1297], %add3A_1294 {strides = array<i32>} : memref<5x128xi32, #tpu.memory_space<vmem>>, vector<16xi32>,
    %add3A_1299 = arith.constant 592 : i32
    %add3A_1300 = vector.broadcast %add3A_1299 : i32 to vector<16xi32>
    %add3A_1301 = arith.addi %iota3A, %add3A_1300 : vector<16xi32>
    %swap3A_1302 = arith.constant 4 : i32
    %swap3A_1303 = arith.index_cast %swap3A_1302 : i32 to index
    %swap3A_1304 = arith.constant 80 : index
    %swap3A_1305 = tpu.vector_load %arg15[%swap3A_1303, %swap3A_1304] {strides = array<i32>} : memref<5x128xi32, #tpu.memory_space<vmem>>, vector<16xi32>,
    tpu.vector_store %arg15[%swap3A_1303, %swap3A_1304], %add3A_1301 {strides = array<i32>} : memref<5x128xi32, #tpu.memory_space<vmem>>, vector<16xi32>,
    %add3A_1306 = arith.constant 608 : i32
    %add3A_1307 = vector.broadcast %add3A_1306 : i32 to vector<16xi32>
    %add3A_1308 = arith.addi %iota3A, %add3A_1307 : vector<16xi32>
    %swap3A_1309 = arith.constant 4 : i32
    %swap3A_1310 = arith.index_cast %swap3A_1309 : i32 to index
    %swap3A_1311 = arith.constant 96 : index
    %swap3A_1312 = tpu.vector_load %arg15[%swap3A_1310, %swap3A_1311] {strides = array<i32>} : memref<5x128xi32, #tpu.memory_space<vmem>>, vector<16xi32>,
    tpu.vector_store %arg15[%swap3A_1310, %swap3A_1311], %add3A_1308 {strides = array<i32>} : memref<5x128xi32, #tpu.memory_space<vmem>>, vector<16xi32>,
    %add3A_1313 = arith.constant 624 : i32
    %add3A_1314 = vector.broadcast %add3A_1313 : i32 to vector<16xi32>
    %add3A_1315 = arith.addi %iota3A, %add3A_1314 : vector<16xi32>
    %swap3A_1316 = arith.constant 4 : i32
    %swap3A_1317 = arith.index_cast %swap3A_1316 : i32 to index
    %swap3A_1318 = arith.constant 112 : index
    %swap3A_1319 = tpu.vector_load %arg15[%swap3A_1317, %swap3A_1318] {strides = array<i32>} : memref<5x128xi32, #tpu.memory_space<vmem>>, vector<16xi32>,
    tpu.vector_store %arg15[%swap3A_1317, %swap3A_1318], %add3A_1315 {strides = array<i32>} : memref<5x128xi32, #tpu.memory_space<vmem>>, vector<16xi32>,
    %mul3A_1320 = arith.constant 40 : i32
    %mul3A_1321 = arith.muli %arg1, %mul3A_1320 : i32
    %mul3A_1322 = arith.constant 40 : i32
    %mul3A_1323 = arith.muli %arg1, %mul3A_1322 : i32
    "tpu.region"() ({
      %run_scoped3A_1679 = tpu.sem_alloc : memref<!tpu.dma_semaphore, #tpu.memory_space<semaphore_mem>>
      %dma_start3A_1680 = arith.constant 0 : i32
      %dma_start3A_1681 = tpu.memref_slice %arg14[%mul3A_1321, %dma_start3A_1680] : memref<640x16xf32, #tpu.memory_space<vmem>> -> memref<40x16xf32, #tpu.memory_space<vmem>>
      %dma_start3A_1682 = arith.constant 0 : i32
      %dma_start3A_1683 = tpu.memref_slice %arg18[%mul3A_1323, %dma_start3A_1682] : memref<640x16xf32, #tpu.memory_space<vmem_shared>> -> memref<40x16xf32, #tpu.memory_space<vmem_shared>>
      %dma_start3A_1684 = arith.constant 0 : i32
      %dma_start3A_1685 = tpu.memref_slice %arg18[%mul3A_1323, %dma_start3A_1684] : memref<640x16xf32, #tpu.memory_space<vmem_shared>> -> memref<40x16xf32, #tpu.memory_space<vmem_shared>>
      %dma_start3A_1686 = arith.constant 0 : i32
      %dma_start3A_1687 = tpu.memref_slice %arg14[%mul3A_1321, %dma_start3A_1686] : memref<640x16xf32, #tpu.memory_space<vmem>> -> memref<40x16xf32, #tpu.memory_space<vmem>>
      tpu.enqueue_dma source(%dma_start3A_1687 : memref<40x16xf32, #tpu.memory_space<vmem>>) target(%dma_start3A_1685 : memref<40x16xf32, #tpu.memory_space<vmem_shared>>) target_semaphore(%run_scoped3A_1679 : memref<!tpu.dma_semaphore, #tpu.memory_space<semaphore_mem>>)
      %dma_wait3A_1688 = arith.constant 0 : i32
      %dma_wait3A_1689 = tpu.memref_slice %arg14[%mul3A_1321, %dma_wait3A_1688] : memref<640x16xf32, #tpu.memory_space<vmem>> -> memref<40x16xf32, #tpu.memory_space<vmem>>
      %dma_wait3A_1690 = arith.constant 0 : i32
      %dma_wait3A_1691 = tpu.memref_slice %arg18[%mul3A_1323, %dma_wait3A_1690] : memref<640x16xf32, #tpu.memory_space<vmem_shared>> -> memref<40x16xf32, #tpu.memory_space<vmem_shared>>
      %dma_wait3A_1692 = arith.constant 0 : i32
      %dma_wait3A_1693 = tpu.memref_slice %arg18[%mul3A_1323, %dma_wait3A_1692] : memref<640x16xf32, #tpu.memory_space<vmem_shared>> -> memref<40x16xf32, #tpu.memory_space<vmem_shared>>
      %dma_wait3A_1694 = arith.constant 0 : i32
      %dma_wait3A_1695 = tpu.memref_slice %arg14[%mul3A_1321, %dma_wait3A_1694] : memref<640x16xf32, #tpu.memory_space<vmem>> -> memref<40x16xf32, #tpu.memory_space<vmem>>
      tpu.wait_dma2 semaphore(%run_scoped3A_1679 : memref<!tpu.dma_semaphore, #tpu.memory_space<semaphore_mem>>) src(%dma_wait3A_1695 : memref<40x16xf32, #tpu.memory_space<vmem>>) dst(%dma_wait3A_1693 : memref<40x16xf32, #tpu.memory_space<vmem_shared>>)
      tpu.yield
    }) : () -> ()
    %scan3A_1324 = arith.constant 0 : i32
    %scan3A_1325 = arith.constant 0 : i32
    %scan3A_1326 = arith.constant 10 : i32
    %scan3A_1327 = arith.addi %scan3A_1325, %scan3A_1326 : i32
    %scan3A_1328 = arith.constant 1 : i32
    %scan3A_1329 = scf.for %scan3A_1679 = %scan3A_1325 to %scan3A_1327 step %scan3A_1328 iter_args(%scan3A_1680 = %scan3A_1324) -> (i32)  : i32 {
      %mul3A_1681 = arith.constant 16 : i32
      %mul3A_1682 = arith.muli %scan3A_1679, %mul3A_1681 : i32
      %add3A_1683 = arith.addi %mul3A_1682, %arg1 : i32
      %lt3A = arith.constant 156 : i32
      %lt3A_1684 = arith.cmpi slt, %add3A_1683, %lt3A : i32
      %convert_element_type3A = arith.extui %lt3A_1684 : i1 to i32
      %cond3A = arith.constant 0 : i32
      %cond3A_1685 = arith.cmpi ne, %convert_element_type3A, %cond3A : i32
      scf.if %cond3A_1685 {
        %mul3A_1691 = arith.constant 64 : i32
        %mul3A_1692 = arith.muli %add3A_1683, %mul3A_1691 : i32
        %dma_start3A_1693 = arith.constant 0 : i32
        %dma_start3A_1694 = arith.constant 0 : i32
        %dma_start3A_1695 = tpu.memref_slice %arg17[%mul3A_1692, %dma_start3A_1694] : memref<10000x64xf32, #tpu.memory_space<vmem_shared>> -> memref<64x64xf32, #tpu.memory_space<vmem_shared>>
        %dma_start3A_1696 = tpu.memref_slice %arg20[%dma_start3A_1693] : memref<5x!tpu.dma_semaphore, #tpu.memory_space<semaphore_mem>> -> memref<1x!tpu.dma_semaphore, #tpu.memory_space<semaphore_mem>>
        %dma_start3A_1697 = tpu.memref_squeeze %dma_start3A_1696 : memref<1x!tpu.dma_semaphore, #tpu.memory_space<semaphore_mem>> -> memref<!tpu.dma_semaphore, #tpu.memory_space<semaphore_mem>>
        %dma_start3A_1698 = arith.constant 0 : i32
        %dma_start3A_1699 = tpu.memref_slice %arg17[%mul3A_1692, %dma_start3A_1698] : memref<10000x64xf32, #tpu.memory_space<vmem_shared>> -> memref<64x64xf32, #tpu.memory_space<vmem_shared>>
        tpu.enqueue_dma source(%arg13 : memref<64x64xf32, #tpu.memory_space<vmem>>) target(%dma_start3A_1699 : memref<64x64xf32, #tpu.memory_space<vmem_shared>>) target_semaphore(%dma_start3A_1697 : memref<!tpu.dma_semaphore, #tpu.memory_space<semaphore_mem>>)
      } else {
      }
      %eq3A = arith.constant 156 : i32
      %eq3A_1686 = arith.cmpi eq, %add3A_1683, %eq3A : i32
      %convert_element_type3A_1687 = arith.extui %eq3A_1686 : i1 to i32
      %cond3A_1688 = arith.constant 0 : i32
      %cond3A_1689 = arith.cmpi ne, %convert_element_type3A_1687, %cond3A_1688 : i32
      scf.if %cond3A_1689 {
        %dma_start3A_1691 = arith.constant 0 : i32
        %dma_start3A_1692 = arith.constant 0 : i32
        %dma_start3A_1693 = arith.constant 0 : i32
        %dma_start3A_1694 = tpu.memref_slice %arg13[%dma_start3A_1692, %dma_start3A_1693] : memref<64x64xf32, #tpu.memory_space<vmem>> -> memref<16x64xf32, #tpu.memory_space<vmem>>
        %dma_start3A_1695 = arith.constant 9984 : i32
        %dma_start3A_1696 = arith.constant 0 : i32
        %dma_start3A_1697 = tpu.memref_slice %arg17[%dma_start3A_1695, %dma_start3A_1696] : memref<10000x64xf32, #tpu.memory_space<vmem_shared>> -> memref<16x64xf32, #tpu.memory_space<vmem_shared>>
        %dma_start3A_1698 = tpu.memref_slice %arg20[%dma_start3A_1691] : memref<5x!tpu.dma_semaphore, #tpu.memory_space<semaphore_mem>> -> memref<1x!tpu.dma_semaphore, #tpu.memory_space<semaphore_mem>>
        %dma_start3A_1699 = tpu.memref_squeeze %dma_start3A_1698 : memref<1x!tpu.dma_semaphore, #tpu.memory_space<semaphore_mem>> -> memref<!tpu.dma_semaphore, #tpu.memory_space<semaphore_mem>>
        %dma_start3A_1700 = arith.constant 9984 : i32
        %dma_start3A_1701 = arith.constant 0 : i32
        %dma_start3A_1702 = tpu.memref_slice %arg17[%dma_start3A_1700, %dma_start3A_1701] : memref<10000x64xf32, #tpu.memory_space<vmem_shared>> -> memref<16x64xf32, #tpu.memory_space<vmem_shared>>
        %dma_start3A_1703 = arith.constant 0 : i32
        %dma_start3A_1704 = arith.constant 0 : i32
        %dma_start3A_1705 = tpu.memref_slice %arg13[%dma_start3A_1703, %dma_start3A_1704] : memref<64x64xf32, #tpu.memory_space<vmem>> -> memref<16x64xf32, #tpu.memory_space<vmem>>
        tpu.enqueue_dma source(%dma_start3A_1705 : memref<16x64xf32, #tpu.memory_space<vmem>>) target(%dma_start3A_1702 : memref<16x64xf32, #tpu.memory_space<vmem_shared>>) target_semaphore(%dma_start3A_1699 : memref<!tpu.dma_semaphore, #tpu.memory_space<semaphore_mem>>)
      } else {
      }
      %scan3A_1690 = arith.constant 0 : i32
      scf.yield %scan3A_1690 : i32
    }
    %scan3A_1330 = arith.constant 10 : i32
    %scan3A_1331 = arith.constant 0 : i32
    %scan3A_1332 = arith.constant 0 : i32
    %scan3A_1333 = arith.constant 10 : i32
    %scan3A_1334 = arith.addi %scan3A_1332, %scan3A_1333 : i32
    %scan3A_1335 = arith.constant 1 : i32
    %scan3A_1336 = scf.for %scan3A_1679 = %scan3A_1332 to %scan3A_1334 step %scan3A_1335 iter_args(%scan3A_1680 = %scan3A_1331) -> (i32)  : i32 {
      %mul3A_1681 = arith.constant 16 : i32
      %mul3A_1682 = arith.muli %scan3A_1679, %mul3A_1681 : i32
      %add3A_1683 = arith.addi %mul3A_1682, %arg1 : i32
      %lt3A = arith.constant 156 : i32
      %lt3A_1684 = arith.cmpi slt, %add3A_1683, %lt3A : i32
      %convert_element_type3A = arith.extui %lt3A_1684 : i1 to i32
      %cond3A = arith.constant 0 : i32
      %cond3A_1685 = arith.cmpi ne, %convert_element_type3A, %cond3A : i32
      scf.if %cond3A_1685 {
        %mul3A_1691 = arith.constant 64 : i32
        %mul3A_1692 = arith.muli %add3A_1683, %mul3A_1691 : i32
        %dma_wait3A_1693 = arith.constant 0 : i32
        %dma_wait3A_1694 = arith.constant 0 : i32
        %dma_wait3A_1695 = tpu.memref_slice %arg17[%mul3A_1692, %dma_wait3A_1694] : memref<10000x64xf32, #tpu.memory_space<vmem_shared>> -> memref<64x64xf32, #tpu.memory_space<vmem_shared>>
        %dma_wait3A_1696 = tpu.memref_slice %arg20[%dma_wait3A_1693] : memref<5x!tpu.dma_semaphore, #tpu.memory_space<semaphore_mem>> -> memref<1x!tpu.dma_semaphore, #tpu.memory_space<semaphore_mem>>
        %dma_wait3A_1697 = tpu.memref_squeeze %dma_wait3A_1696 : memref<1x!tpu.dma_semaphore, #tpu.memory_space<semaphore_mem>> -> memref<!tpu.dma_semaphore, #tpu.memory_space<semaphore_mem>>
        %dma_wait3A_1698 = arith.constant 0 : i32
        %dma_wait3A_1699 = tpu.memref_slice %arg17[%mul3A_1692, %dma_wait3A_1698] : memref<10000x64xf32, #tpu.memory_space<vmem_shared>> -> memref<64x64xf32, #tpu.memory_space<vmem_shared>>
        tpu.wait_dma2 semaphore(%dma_wait3A_1697 : memref<!tpu.dma_semaphore, #tpu.memory_space<semaphore_mem>>) src(%arg13 : memref<64x64xf32, #tpu.memory_space<vmem>>) dst(%dma_wait3A_1699 : memref<64x64xf32, #tpu.memory_space<vmem_shared>>)
      } else {
      }
      %eq3A = arith.constant 156 : i32
      %eq3A_1686 = arith.cmpi eq, %add3A_1683, %eq3A : i32
      %convert_element_type3A_1687 = arith.extui %eq3A_1686 : i1 to i32
      %cond3A_1688 = arith.constant 0 : i32
      %cond3A_1689 = arith.cmpi ne, %convert_element_type3A_1687, %cond3A_1688 : i32
      scf.if %cond3A_1689 {
        %dma_wait3A_1691 = arith.constant 0 : i32
        %dma_wait3A_1692 = arith.constant 0 : i32
        %dma_wait3A_1693 = arith.constant 0 : i32
        %dma_wait3A_1694 = tpu.memref_slice %arg13[%dma_wait3A_1692, %dma_wait3A_1693] : memref<64x64xf32, #tpu.memory_space<vmem>> -> memref<16x64xf32, #tpu.memory_space<vmem>>
        %dma_wait3A_1695 = arith.constant 9984 : i32
        %dma_wait3A_1696 = arith.constant 0 : i32
        %dma_wait3A_1697 = tpu.memref_slice %arg17[%dma_wait3A_1695, %dma_wait3A_1696] : memref<10000x64xf32, #tpu.memory_space<vmem_shared>> -> memref<16x64xf32, #tpu.memory_space<vmem_shared>>
        %dma_wait3A_1698 = tpu.memref_slice %arg20[%dma_wait3A_1691] : memref<5x!tpu.dma_semaphore, #tpu.memory_space<semaphore_mem>> -> memref<1x!tpu.dma_semaphore, #tpu.memory_space<semaphore_mem>>
        %dma_wait3A_1699 = tpu.memref_squeeze %dma_wait3A_1698 : memref<1x!tpu.dma_semaphore, #tpu.memory_space<semaphore_mem>> -> memref<!tpu.dma_semaphore, #tpu.memory_space<semaphore_mem>>
        %dma_wait3A_1700 = arith.constant 9984 : i32
        %dma_wait3A_1701 = arith.constant 0 : i32
        %dma_wait3A_1702 = tpu.memref_slice %arg17[%dma_wait3A_1700, %dma_wait3A_1701] : memref<10000x64xf32, #tpu.memory_space<vmem_shared>> -> memref<16x64xf32, #tpu.memory_space<vmem_shared>>
        %dma_wait3A_1703 = arith.constant 0 : i32
        %dma_wait3A_1704 = arith.constant 0 : i32
        %dma_wait3A_1705 = tpu.memref_slice %arg13[%dma_wait3A_1703, %dma_wait3A_1704] : memref<64x64xf32, #tpu.memory_space<vmem>> -> memref<16x64xf32, #tpu.memory_space<vmem>>
        tpu.wait_dma2 semaphore(%dma_wait3A_1699 : memref<!tpu.dma_semaphore, #tpu.memory_space<semaphore_mem>>) src(%dma_wait3A_1705 : memref<16x64xf32, #tpu.memory_space<vmem>>) dst(%dma_wait3A_1702 : memref<16x64xf32, #tpu.memory_space<vmem_shared>>)
      } else {
      }
      %scan3A_1690 = arith.constant 0 : i32
      scf.yield %scan3A_1690 : i32
    }
    %scan3A_1337 = arith.constant 10 : i32
    %dma_wait3A = tpu.memref_slice %arg3[%multiple_of3A] : memref<320000xi32, #tpu.memory_space<hbm>> -> memref<10000xi32, #tpu.memory_space<hbm>>
    %dma_wait3A_1338 = tpu.memref_slice %arg3[%multiple_of3A] : memref<320000xi32, #tpu.memory_space<hbm>> -> memref<10000xi32, #tpu.memory_space<hbm>>
    tpu.wait_dma2 semaphore(%arg21 : memref<!tpu.dma_semaphore, #tpu.memory_space<semaphore_mem>>) src(%dma_wait3A_1338 : memref<10000xi32, #tpu.memory_space<hbm>>) dst(%arg7 : memref<10000xi32, #tpu.memory_space<vmem>>)
    %dma_wait3A_1339 = tpu.memref_slice %arg4[%multiple_of3A] : memref<320000xi32, #tpu.memory_space<hbm>> -> memref<10000xi32, #tpu.memory_space<hbm>>
    %dma_wait3A_1340 = tpu.memref_slice %arg4[%multiple_of3A] : memref<320000xi32, #tpu.memory_space<hbm>> -> memref<10000xi32, #tpu.memory_space<hbm>>
    tpu.wait_dma2 semaphore(%arg21 : memref<!tpu.dma_semaphore, #tpu.memory_space<semaphore_mem>>) src(%dma_wait3A_1340 : memref<10000xi32, #tpu.memory_space<hbm>>) dst(%arg8 : memref<10000xi32, #tpu.memory_space<vmem>>)
    %barrier3A = arith.constant 0 : index
    tpu.barrier barrier_id(%barrier3A)
    %scan3A_1341 = arith.constant 0 : i32
    %scan3A_1342 = arith.constant 0 : i32
    %scan3A_1343 = arith.constant 17 : i32
    %scan3A_1344 = arith.addi %scan3A_1342, %scan3A_1343 : i32
    %scan3A_1345 = arith.constant 1 : i32
    %scan3A_1346 = scf.for %scan3A_1679 = %scan3A_1342 to %scan3A_1344 step %scan3A_1345 iter_args(%scan3A_1680 = %scan3A_1341) -> (i32)  : i32 {
      %mul3A_1681 = arith.constant 5 : i32
      %mul3A_1682 = arith.muli %scan3A_1679, %mul3A_1681 : i32
      %add3A_1683 = arith.constant 0 : i32
      %add3A_1684 = arith.addi %mul3A_1682, %add3A_1683 : i32
      %ge3A = arith.constant 5 : i32
      %ge3A_1685 = arith.cmpi sge, %add3A_1684, %ge3A : i32
      %sub3A = arith.constant 5 : i32
      %sub3A_1686 = arith.subi %add3A_1684, %sub3A : i32
      %lt3A = arith.constant 78 : i32
      %lt3A_1687 = arith.cmpi slt, %sub3A_1686, %lt3A : i32
      %and3A_1688 = arith.andi %ge3A_1685, %lt3A_1687 : i1
      %convert_element_type3A = arith.extui %and3A_1688 : i1 to i32
      %cond3A = arith.constant 0 : i32
      %cond3A_1689 = arith.cmpi ne, %convert_element_type3A, %cond3A : i32
      scf.if %cond3A_1689 {
        %dma_wait3A_1822 = arith.constant 0 : i32
        %dma_wait3A_1823 = arith.constant 0 : i32
        %dma_wait3A_1824 = arith.constant 0 : i32
        %dma_wait3A_1825 = arith.constant 0 : i32
        %dma_wait3A_1826 = arith.constant 0 : i32
        %dma_wait3A_1827 = tpu.memref_slice %arg11[%dma_wait3A_1822, %dma_wait3A_1825, %dma_wait3A_1826] : memref<5x128x64xf32, #tpu.memory_space<vmem>> -> memref<1x128x64xf32, #tpu.memory_space<vmem>>
        %dma_wait3A_1828 = tpu.memref_squeeze %dma_wait3A_1827 : memref<1x128x64xf32, #tpu.memory_space<vmem>> -> memref<128x64xf32, #tpu.memory_space<vmem>>
        %dma_wait3A_1829 = arith.constant 0 : i32
        %dma_wait3A_1830 = tpu.memref_slice %arg9[%dma_wait3A_1823, %dma_wait3A_1829] : memref<5x128xi32, #tpu.memory_space<vmem>> -> memref<1x128xi32, #tpu.memory_space<vmem>>
        %dma_wait3A_1831 = tpu.memref_squeeze %dma_wait3A_1830 : memref<1x128xi32, #tpu.memory_space<vmem>> -> memref<128xi32, #tpu.memory_space<vmem>>
        %dma_wait3A_1832 = arith.constant 0 : i32
        %dma_wait3A_1833 = arith.constant 0 : i32
        %dma_wait3A_1834 = tpu.memref_slice %arg17[%dma_wait3A_1832, %dma_wait3A_1833] : memref<10000x64xf32, #tpu.memory_space<vmem_shared>> -> memref<10000x64xf32, #tpu.memory_space<vmem_shared>>
        %dma_wait3A_1835 = tpu.memref_slice %arg20[%dma_wait3A_1824] : memref<5x!tpu.dma_semaphore, #tpu.memory_space<semaphore_mem>> -> memref<1x!tpu.dma_semaphore, #tpu.memory_space<semaphore_mem>>
        %dma_wait3A_1836 = tpu.memref_squeeze %dma_wait3A_1835 : memref<1x!tpu.dma_semaphore, #tpu.memory_space<semaphore_mem>> -> memref<!tpu.dma_semaphore, #tpu.memory_space<semaphore_mem>>
        tpu.wait_indirect_dma semaphore(%dma_wait3A_1836 : memref<!tpu.dma_semaphore, #tpu.memory_space<semaphore_mem>>) src(%dma_wait3A_1828 : memref<128x64xf32, #tpu.memory_space<vmem>>) dst(%dma_wait3A_1834 : memref<10000x64xf32, #tpu.memory_space<vmem_shared>>)
      } else {
      }
      %lt3A_1690 = arith.constant 78 : i32
      %lt3A_1691 = arith.cmpi slt, %add3A_1684, %lt3A_1690 : i32
      %convert_element_type3A_1692 = arith.extui %lt3A_1691 : i1 to i32
      %cond3A_1693 = arith.constant 0 : i32
      %cond3A_1694 = arith.cmpi ne, %convert_element_type3A_1692, %cond3A_1693 : i32
      scf.if %cond3A_1694 {
        %mul3A_1822 = arith.constant 128 : i32
        %mul3A_1823 = arith.muli %add3A_1684, %mul3A_1822 : i32
        %dma_start3A_1824 = arith.constant 0 : i32
        %dma_start3A_1825 = arith.constant 0 : i32
        %dma_start3A_1826 = arith.constant 0 : i32
        %dma_start3A_1827 = arith.constant 0 : i32
        %dma_start3A_1828 = tpu.memref_slice %arg11[%dma_start3A_1824, %dma_start3A_1826, %dma_start3A_1827] : memref<5x128x64xf32, #tpu.memory_space<vmem>> -> memref<1x128x64xf32, #tpu.memory_space<vmem>>
        %dma_start3A_1829 = tpu.memref_squeeze %dma_start3A_1828 : memref<1x128x64xf32, #tpu.memory_space<vmem>> -> memref<128x64xf32, #tpu.memory_space<vmem>>
        %dma_start3A_1830 = tpu.memref_slice %arg7[%mul3A_1823] : memref<10000xi32, #tpu.memory_space<vmem>> -> memref<128xi32, #tpu.memory_space<vmem>>
        %dma_start3A_1831 = arith.constant 0 : i32
        %dma_start3A_1832 = arith.constant 0 : i32
        %dma_start3A_1833 = tpu.memref_slice %arg2[%dma_start3A_1831, %dma_start3A_1832] : memref<10000x64xf32, #tpu.memory_space<hbm>> -> memref<10000x64xf32, #tpu.memory_space<hbm>>
        %dma_start3A_1834 = tpu.memref_slice %arg19[%dma_start3A_1825] : memref<5x!tpu.dma_semaphore, #tpu.memory_space<semaphore_mem>> -> memref<1x!tpu.dma_semaphore, #tpu.memory_space<semaphore_mem>>
        %dma_start3A_1835 = tpu.memref_squeeze %dma_start3A_1834 : memref<1x!tpu.dma_semaphore, #tpu.memory_space<semaphore_mem>> -> memref<!tpu.dma_semaphore, #tpu.memory_space<semaphore_mem>>
        tpu.enqueue_indirect_dma source(%dma_start3A_1833 : memref<10000x64xf32, #tpu.memory_space<hbm>>) target(%dma_start3A_1829 : memref<128x64xf32, #tpu.memory_space<vmem>>) offsets(%dma_start3A_1830 : memref<128xi32, #tpu.memory_space<vmem>>) semaphore(%dma_start3A_1835 : memref<!tpu.dma_semaphore, #tpu.memory_space<semaphore_mem>>)
        %mul3A_1836 = arith.constant 128 : i32
        %mul3A_1837 = arith.muli %add3A_1684, %mul3A_1836 : i32
        %add3A_1838 = arith.constant 0 : i32
        %add3A_1839 = arith.addi %mul3A_1837, %add3A_1838 : i32
        %get3A_1840 = arith.index_cast %add3A_1839 : i32 to index
        %get3A_1841 = tpu.vector_load %arg8[%get3A_1840] {strides = array<i32>} : memref<10000xi32, #tpu.memory_space<vmem>>, vector<16xi32>,
        %swap3A_1842 = arith.constant 0 : i32
        %swap3A_1843 = arith.index_cast %swap3A_1842 : i32 to index
        %swap3A_1844 = arith.constant 0 : index
        %swap3A_1845 = tpu.vector_load %arg9[%swap3A_1843, %swap3A_1844] {strides = array<i32>} : memref<5x128xi32, #tpu.memory_space<vmem>>, vector<16xi32>,
        tpu.vector_store %arg9[%swap3A_1843, %swap3A_1844], %get3A_1841 {strides = array<i32>} : memref<5x128xi32, #tpu.memory_space<vmem>>, vector<16xi32>,
        %shift_right_logical3A_1846 = arith.constant 4 : i32
        %shift_right_logical3A_1847 = vector.broadcast %shift_right_logical3A_1846 : i32 to vector<16xi32>
        %shift_right_logical3A_1848 = arith.shrui %get3A_1841, %shift_right_logical3A_1847 : vector<16xi32>
        %and3A_1849 = arith.constant 15 : i32
        %and3A_1850 = vector.broadcast %and3A_1849 : i32 to vector<16xi32>
        %and3A_1851 = arith.andi %get3A_1841, %and3A_1850 : vector<16xi32>
        tpu.vector_store_idx %arg14[%shift_right_logical3A_1848, %and3A_1851], %broadcast_in_dim3A_3 {add = true} : memref<640x16xf32, #tpu.memory_space<vmem>>[vector<16xi32>, vector<16xi32>], vector<16xf32>,
        %mul3A_1852 = arith.constant 128 : i32
        %mul3A_1853 = arith.muli %add3A_1684, %mul3A_1852 : i32
        %add3A_1854 = arith.constant 16 : i32
        %add3A_1855 = arith.addi %mul3A_1853, %add3A_1854 : i32
        %get3A_1856 = arith.index_cast %add3A_1855 : i32 to index
        %get3A_1857 = tpu.vector_load %arg8[%get3A_1856] {strides = array<i32>} : memref<10000xi32, #tpu.memory_space<vmem>>, vector<16xi32>,
        %swap3A_1858 = arith.constant 0 : i32
        %swap3A_1859 = arith.index_cast %swap3A_1858 : i32 to index
        %swap3A_1860 = arith.constant 16 : index
        %swap3A_1861 = tpu.vector_load %arg9[%swap3A_1859, %swap3A_1860] {strides = array<i32>} : memref<5x128xi32, #tpu.memory_space<vmem>>, vector<16xi32>,
        tpu.vector_store %arg9[%swap3A_1859, %swap3A_1860], %get3A_1857 {strides = array<i32>} : memref<5x128xi32, #tpu.memory_space<vmem>>, vector<16xi32>,
        %shift_right_logical3A_1862 = arith.constant 4 : i32
        %shift_right_logical3A_1863 = vector.broadcast %shift_right_logical3A_1862 : i32 to vector<16xi32>
        %shift_right_logical3A_1864 = arith.shrui %get3A_1857, %shift_right_logical3A_1863 : vector<16xi32>
        %and3A_1865 = arith.constant 15 : i32
        %and3A_1866 = vector.broadcast %and3A_1865 : i32 to vector<16xi32>
        %and3A_1867 = arith.andi %get3A_1857, %and3A_1866 : vector<16xi32>
        tpu.vector_store_idx %arg14[%shift_right_logical3A_1864, %and3A_1867], %broadcast_in_dim3A_3 {add = true} : memref<640x16xf32, #tpu.memory_space<vmem>>[vector<16xi32>, vector<16xi32>], vector<16xf32>,
        %mul3A_1868 = arith.constant 128 : i32
        %mul3A_1869 = arith.muli %add3A_1684, %mul3A_1868 : i32
        %add3A_1870 = arith.constant 32 : i32
        %add3A_1871 = arith.addi %mul3A_1869, %add3A_1870 : i32
        %get3A_1872 = arith.index_cast %add3A_1871 : i32 to index
        %get3A_1873 = tpu.vector_load %arg8[%get3A_1872] {strides = array<i32>} : memref<10000xi32, #tpu.memory_space<vmem>>, vector<16xi32>,
        %swap3A_1874 = arith.constant 0 : i32
        %swap3A_1875 = arith.index_cast %swap3A_1874 : i32 to index
        %swap3A_1876 = arith.constant 32 : index
        %swap3A_1877 = tpu.vector_load %arg9[%swap3A_1875, %swap3A_1876] {strides = array<i32>} : memref<5x128xi32, #tpu.memory_space<vmem>>, vector<16xi32>,
        tpu.vector_store %arg9[%swap3A_1875, %swap3A_1876], %get3A_1873 {strides = array<i32>} : memref<5x128xi32, #tpu.memory_space<vmem>>, vector<16xi32>,
        %shift_right_logical3A_1878 = arith.constant 4 : i32
        %shift_right_logical3A_1879 = vector.broadcast %shift_right_logical3A_1878 : i32 to vector<16xi32>
        %shift_right_logical3A_1880 = arith.shrui %get3A_1873, %shift_right_logical3A_1879 : vector<16xi32>
        %and3A_1881 = arith.constant 15 : i32
        %and3A_1882 = vector.broadcast %and3A_1881 : i32 to vector<16xi32>
        %and3A_1883 = arith.andi %get3A_1873, %and3A_1882 : vector<16xi32>
        tpu.vector_store_idx %arg14[%shift_right_logical3A_1880, %and3A_1883], %broadcast_in_dim3A_3 {add = true} : memref<640x16xf32, #tpu.memory_space<vmem>>[vector<16xi32>, vector<16xi32>], vector<16xf32>,
        %mul3A_1884 = arith.constant 128 : i32
        %mul3A_1885 = arith.muli %add3A_1684, %mul3A_1884 : i32
        %add3A_1886 = arith.constant 48 : i32
        %add3A_1887 = arith.addi %mul3A_1885, %add3A_1886 : i32
        %get3A_1888 = arith.index_cast %add3A_1887 : i32 to index
        %get3A_1889 = tpu.vector_load %arg8[%get3A_1888] {strides = array<i32>} : memref<10000xi32, #tpu.memory_space<vmem>>, vector<16xi32>,
        %swap3A_1890 = arith.constant 0 : i32
        %swap3A_1891 = arith.index_cast %swap3A_1890 : i32 to index
        %swap3A_1892 = arith.constant 48 : index
        %swap3A_1893 = tpu.vector_load %arg9[%swap3A_1891, %swap3A_1892] {strides = array<i32>} : memref<5x128xi32, #tpu.memory_space<vmem>>, vector<16xi32>,
        tpu.vector_store %arg9[%swap3A_1891, %swap3A_1892], %get3A_1889 {strides = array<i32>} : memref<5x128xi32, #tpu.memory_space<vmem>>, vector<16xi32>,
        %shift_right_logical3A_1894 = arith.constant 4 : i32
        %shift_right_logical3A_1895 = vector.broadcast %shift_right_logical3A_1894 : i32 to vector<16xi32>
        %shift_right_logical3A_1896 = arith.shrui %get3A_1889, %shift_right_logical3A_1895 : vector<16xi32>
        %and3A_1897 = arith.constant 15 : i32
        %and3A_1898 = vector.broadcast %and3A_1897 : i32 to vector<16xi32>
        %and3A_1899 = arith.andi %get3A_1889, %and3A_1898 : vector<16xi32>
        tpu.vector_store_idx %arg14[%shift_right_logical3A_1896, %and3A_1899], %broadcast_in_dim3A_3 {add = true} : memref<640x16xf32, #tpu.memory_space<vmem>>[vector<16xi32>, vector<16xi32>], vector<16xf32>,
        %mul3A_1900 = arith.constant 128 : i32
        %mul3A_1901 = arith.muli %add3A_1684, %mul3A_1900 : i32
        %add3A_1902 = arith.constant 64 : i32
        %add3A_1903 = arith.addi %mul3A_1901, %add3A_1902 : i32
        %get3A_1904 = arith.index_cast %add3A_1903 : i32 to index
        %get3A_1905 = tpu.vector_load %arg8[%get3A_1904] {strides = array<i32>} : memref<10000xi32, #tpu.memory_space<vmem>>, vector<16xi32>,
        %swap3A_1906 = arith.constant 0 : i32
        %swap3A_1907 = arith.index_cast %swap3A_1906 : i32 to index
        %swap3A_1908 = arith.constant 64 : index
        %swap3A_1909 = tpu.vector_load %arg9[%swap3A_1907, %swap3A_1908] {strides = array<i32>} : memref<5x128xi32, #tpu.memory_space<vmem>>, vector<16xi32>,
        tpu.vector_store %arg9[%swap3A_1907, %swap3A_1908], %get3A_1905 {strides = array<i32>} : memref<5x128xi32, #tpu.memory_space<vmem>>, vector<16xi32>,
        %shift_right_logical3A_1910 = arith.constant 4 : i32
        %shift_right_logical3A_1911 = vector.broadcast %shift_right_logical3A_1910 : i32 to vector<16xi32>
        %shift_right_logical3A_1912 = arith.shrui %get3A_1905, %shift_right_logical3A_1911 : vector<16xi32>
        %and3A_1913 = arith.constant 15 : i32
        %and3A_1914 = vector.broadcast %and3A_1913 : i32 to vector<16xi32>
        %and3A_1915 = arith.andi %get3A_1905, %and3A_1914 : vector<16xi32>
        tpu.vector_store_idx %arg14[%shift_right_logical3A_1912, %and3A_1915], %broadcast_in_dim3A_3 {add = true} : memref<640x16xf32, #tpu.memory_space<vmem>>[vector<16xi32>, vector<16xi32>], vector<16xf32>,
        %mul3A_1916 = arith.constant 128 : i32
        %mul3A_1917 = arith.muli %add3A_1684, %mul3A_1916 : i32
        %add3A_1918 = arith.constant 80 : i32
        %add3A_1919 = arith.addi %mul3A_1917, %add3A_1918 : i32
        %get3A_1920 = arith.index_cast %add3A_1919 : i32 to index
        %get3A_1921 = tpu.vector_load %arg8[%get3A_1920] {strides = array<i32>} : memref<10000xi32, #tpu.memory_space<vmem>>, vector<16xi32>,
        %swap3A_1922 = arith.constant 0 : i32
        %swap3A_1923 = arith.index_cast %swap3A_1922 : i32 to index
        %swap3A_1924 = arith.constant 80 : index
        %swap3A_1925 = tpu.vector_load %arg9[%swap3A_1923, %swap3A_1924] {strides = array<i32>} : memref<5x128xi32, #tpu.memory_space<vmem>>, vector<16xi32>,
        tpu.vector_store %arg9[%swap3A_1923, %swap3A_1924], %get3A_1921 {strides = array<i32>} : memref<5x128xi32, #tpu.memory_space<vmem>>, vector<16xi32>,
        %shift_right_logical3A_1926 = arith.constant 4 : i32
        %shift_right_logical3A_1927 = vector.broadcast %shift_right_logical3A_1926 : i32 to vector<16xi32>
        %shift_right_logical3A_1928 = arith.shrui %get3A_1921, %shift_right_logical3A_1927 : vector<16xi32>
        %and3A_1929 = arith.constant 15 : i32
        %and3A_1930 = vector.broadcast %and3A_1929 : i32 to vector<16xi32>
        %and3A_1931 = arith.andi %get3A_1921, %and3A_1930 : vector<16xi32>
        tpu.vector_store_idx %arg14[%shift_right_logical3A_1928, %and3A_1931], %broadcast_in_dim3A_3 {add = true} : memref<640x16xf32, #tpu.memory_space<vmem>>[vector<16xi32>, vector<16xi32>], vector<16xf32>,
        %mul3A_1932 = arith.constant 128 : i32
        %mul3A_1933 = arith.muli %add3A_1684, %mul3A_1932 : i32
        %add3A_1934 = arith.constant 96 : i32
        %add3A_1935 = arith.addi %mul3A_1933, %add3A_1934 : i32
        %get3A_1936 = arith.index_cast %add3A_1935 : i32 to index
        %get3A_1937 = tpu.vector_load %arg8[%get3A_1936] {strides = array<i32>} : memref<10000xi32, #tpu.memory_space<vmem>>, vector<16xi32>,
        %swap3A_1938 = arith.constant 0 : i32
        %swap3A_1939 = arith.index_cast %swap3A_1938 : i32 to index
        %swap3A_1940 = arith.constant 96 : index
        %swap3A_1941 = tpu.vector_load %arg9[%swap3A_1939, %swap3A_1940] {strides = array<i32>} : memref<5x128xi32, #tpu.memory_space<vmem>>, vector<16xi32>,
        tpu.vector_store %arg9[%swap3A_1939, %swap3A_1940], %get3A_1937 {strides = array<i32>} : memref<5x128xi32, #tpu.memory_space<vmem>>, vector<16xi32>,
        %shift_right_logical3A_1942 = arith.constant 4 : i32
        %shift_right_logical3A_1943 = vector.broadcast %shift_right_logical3A_1942 : i32 to vector<16xi32>
        %shift_right_logical3A_1944 = arith.shrui %get3A_1937, %shift_right_logical3A_1943 : vector<16xi32>
        %and3A_1945 = arith.constant 15 : i32
        %and3A_1946 = vector.broadcast %and3A_1945 : i32 to vector<16xi32>
        %and3A_1947 = arith.andi %get3A_1937, %and3A_1946 : vector<16xi32>
        tpu.vector_store_idx %arg14[%shift_right_logical3A_1944, %and3A_1947], %broadcast_in_dim3A_3 {add = true} : memref<640x16xf32, #tpu.memory_space<vmem>>[vector<16xi32>, vector<16xi32>], vector<16xf32>,
        %mul3A_1948 = arith.constant 128 : i32
        %mul3A_1949 = arith.muli %add3A_1684, %mul3A_1948 : i32
        %add3A_1950 = arith.constant 112 : i32
        %add3A_1951 = arith.addi %mul3A_1949, %add3A_1950 : i32
        %get3A_1952 = arith.index_cast %add3A_1951 : i32 to index
        %get3A_1953 = tpu.vector_load %arg8[%get3A_1952] {strides = array<i32>} : memref<10000xi32, #tpu.memory_space<vmem>>, vector<16xi32>,
        %swap3A_1954 = arith.constant 0 : i32
        %swap3A_1955 = arith.index_cast %swap3A_1954 : i32 to index
        %swap3A_1956 = arith.constant 112 : index
        %swap3A_1957 = tpu.vector_load %arg9[%swap3A_1955, %swap3A_1956] {strides = array<i32>} : memref<5x128xi32, #tpu.memory_space<vmem>>, vector<16xi32>,
        tpu.vector_store %arg9[%swap3A_1955, %swap3A_1956], %get3A_1953 {strides = array<i32>} : memref<5x128xi32, #tpu.memory_space<vmem>>, vector<16xi32>,
        %shift_right_logical3A_1958 = arith.constant 4 : i32
        %shift_right_logical3A_1959 = vector.broadcast %shift_right_logical3A_1958 : i32 to vector<16xi32>
        %shift_right_logical3A_1960 = arith.shrui %get3A_1953, %shift_right_logical3A_1959 : vector<16xi32>
        %and3A_1961 = arith.constant 15 : i32
        %and3A_1962 = vector.broadcast %and3A_1961 : i32 to vector<16xi32>
        %and3A_1963 = arith.andi %get3A_1953, %and3A_1962 : vector<16xi32>
        tpu.vector_store_idx %arg14[%shift_right_logical3A_1960, %and3A_1963], %broadcast_in_dim3A_3 {add = true} : memref<640x16xf32, #tpu.memory_space<vmem>>[vector<16xi32>, vector<16xi32>], vector<16xf32>,
      } else {
      }
      %ge3A_1695 = arith.constant 3 : i32
      %ge3A_1696 = arith.cmpi sge, %add3A_1684, %ge3A_1695 : i32
      %sub3A_1697 = arith.constant 3 : i32
      %sub3A_1698 = arith.subi %add3A_1684, %sub3A_1697 : i32
      %lt3A_1699 = arith.constant 78 : i32
      %lt3A_1700 = arith.cmpi slt, %sub3A_1698, %lt3A_1699 : i32
      %and3A_1701 = arith.andi %ge3A_1696, %lt3A_1700 : i1
      %convert_element_type3A_1702 = arith.extui %and3A_1701 : i1 to i32
      %cond3A_1703 = arith.constant 0 : i32
      %cond3A_1704 = arith.cmpi ne, %convert_element_type3A_1702, %cond3A_1703 : i32
      scf.if %cond3A_1704 {
        %sub3A_1822 = arith.constant 3 : i32
        %sub3A_1823 = arith.subi %add3A_1684, %sub3A_1822 : i32
        %mul3A_1824 = arith.constant 128 : i32
        %mul3A_1825 = arith.muli %sub3A_1823, %mul3A_1824 : i32
        %dma_wait3A_1826 = arith.constant 2 : i32
        %dma_wait3A_1827 = arith.constant 2 : i32
        %dma_wait3A_1828 = arith.constant 0 : i32
        %dma_wait3A_1829 = arith.constant 0 : i32
        %dma_wait3A_1830 = tpu.memref_slice %arg11[%dma_wait3A_1826, %dma_wait3A_1828, %dma_wait3A_1829] : memref<5x128x64xf32, #tpu.memory_space<vmem>> -> memref<1x128x64xf32, #tpu.memory_space<vmem>>
        %dma_wait3A_1831 = tpu.memref_squeeze %dma_wait3A_1830 : memref<1x128x64xf32, #tpu.memory_space<vmem>> -> memref<128x64xf32, #tpu.memory_space<vmem>>
        %dma_wait3A_1832 = tpu.memref_slice %arg7[%mul3A_1825] : memref<10000xi32, #tpu.memory_space<vmem>> -> memref<128xi32, #tpu.memory_space<vmem>>
        %dma_wait3A_1833 = arith.constant 0 : i32
        %dma_wait3A_1834 = arith.constant 0 : i32
        %dma_wait3A_1835 = tpu.memref_slice %arg2[%dma_wait3A_1833, %dma_wait3A_1834] : memref<10000x64xf32, #tpu.memory_space<hbm>> -> memref<10000x64xf32, #tpu.memory_space<hbm>>
        %dma_wait3A_1836 = tpu.memref_slice %arg19[%dma_wait3A_1827] : memref<5x!tpu.dma_semaphore, #tpu.memory_space<semaphore_mem>> -> memref<1x!tpu.dma_semaphore, #tpu.memory_space<semaphore_mem>>
        %dma_wait3A_1837 = tpu.memref_squeeze %dma_wait3A_1836 : memref<1x!tpu.dma_semaphore, #tpu.memory_space<semaphore_mem>> -> memref<!tpu.dma_semaphore, #tpu.memory_space<semaphore_mem>>
        tpu.wait_indirect_dma semaphore(%dma_wait3A_1837 : memref<!tpu.dma_semaphore, #tpu.memory_space<semaphore_mem>>) src(%dma_wait3A_1835 : memref<10000x64xf32, #tpu.memory_space<hbm>>) dst(%dma_wait3A_1831 : memref<128x64xf32, #tpu.memory_space<vmem>>)
        %dma_start3A_1838 = arith.constant 2 : i32
        %dma_start3A_1839 = arith.constant 2 : i32
        %dma_start3A_1840 = arith.constant 2 : i32
        %dma_start3A_1841 = arith.constant 0 : i32
        %dma_start3A_1842 = arith.constant 0 : i32
        %dma_start3A_1843 = tpu.memref_slice %arg11[%dma_start3A_1838, %dma_start3A_1841, %dma_start3A_1842] : memref<5x128x64xf32, #tpu.memory_space<vmem>> -> memref<1x128x64xf32, #tpu.memory_space<vmem>>
        %dma_start3A_1844 = tpu.memref_squeeze %dma_start3A_1843 : memref<1x128x64xf32, #tpu.memory_space<vmem>> -> memref<128x64xf32, #tpu.memory_space<vmem>>
        %dma_start3A_1845 = arith.constant 0 : i32
        %dma_start3A_1846 = tpu.memref_slice %arg9[%dma_start3A_1839, %dma_start3A_1845] : memref<5x128xi32, #tpu.memory_space<vmem>> -> memref<1x128xi32, #tpu.memory_space<vmem>>
        %dma_start3A_1847 = tpu.memref_squeeze %dma_start3A_1846 : memref<1x128xi32, #tpu.memory_space<vmem>> -> memref<128xi32, #tpu.memory_space<vmem>>
        %dma_start3A_1848 = arith.constant 0 : i32
        %dma_start3A_1849 = arith.constant 0 : i32
        %dma_start3A_1850 = tpu.memref_slice %arg17[%dma_start3A_1848, %dma_start3A_1849] : memref<10000x64xf32, #tpu.memory_space<vmem_shared>> -> memref<10000x64xf32, #tpu.memory_space<vmem_shared>>
        %dma_start3A_1851 = tpu.memref_slice %arg20[%dma_start3A_1840] : memref<5x!tpu.dma_semaphore, #tpu.memory_space<semaphore_mem>> -> memref<1x!tpu.dma_semaphore, #tpu.memory_space<semaphore_mem>>
        %dma_start3A_1852 = tpu.memref_squeeze %dma_start3A_1851 : memref<1x!tpu.dma_semaphore, #tpu.memory_space<semaphore_mem>> -> memref<!tpu.dma_semaphore, #tpu.memory_space<semaphore_mem>>
        tpu.enqueue_indirect_dma source(%dma_start3A_1844 : memref<128x64xf32, #tpu.memory_space<vmem>>) target(%dma_start3A_1850 : memref<10000x64xf32, #tpu.memory_space<vmem_shared>>) offsets(%dma_start3A_1847 : memref<128xi32, #tpu.memory_space<vmem>>) semaphore(%dma_start3A_1852 : memref<!tpu.dma_semaphore, #tpu.memory_space<semaphore_mem>>) {add = true}
      } else {
      }
      %mul3A_1705 = arith.constant 5 : i32
      %mul3A_1706 = arith.muli %scan3A_1679, %mul3A_1705 : i32
      %add3A_1707 = arith.constant 1 : i32
      %add3A_1708 = arith.addi %mul3A_1706, %add3A_1707 : i32
      %ge3A_1709 = arith.constant 5 : i32
      %ge3A_1710 = arith.cmpi sge, %add3A_1708, %ge3A_1709 : i32
      %sub3A_1711 = arith.constant 5 : i32
      %sub3A_1712 = arith.subi %add3A_1708, %sub3A_1711 : i32
      %lt3A_1713 = arith.constant 78 : i32
      %lt3A_1714 = arith.cmpi slt, %sub3A_1712, %lt3A_1713 : i32
      %and3A_1715 = arith.andi %ge3A_1710, %lt3A_1714 : i1
      %convert_element_type3A_1716 = arith.extui %and3A_1715 : i1 to i32
      %cond3A_1717 = arith.constant 0 : i32
      %cond3A_1718 = arith.cmpi ne, %convert_element_type3A_1716, %cond3A_1717 : i32
      scf.if %cond3A_1718 {
        %dma_wait3A_1822 = arith.constant 1 : i32
        %dma_wait3A_1823 = arith.constant 1 : i32
        %dma_wait3A_1824 = arith.constant 1 : i32
        %dma_wait3A_1825 = arith.constant 0 : i32
        %dma_wait3A_1826 = arith.constant 0 : i32
        %dma_wait3A_1827 = tpu.memref_slice %arg11[%dma_wait3A_1822, %dma_wait3A_1825, %dma_wait3A_1826] : memref<5x128x64xf32, #tpu.memory_space<vmem>> -> memref<1x128x64xf32, #tpu.memory_space<vmem>>
        %dma_wait3A_1828 = tpu.memref_squeeze %dma_wait3A_1827 : memref<1x128x64xf32, #tpu.memory_space<vmem>> -> memref<128x64xf32, #tpu.memory_space<vmem>>
        %dma_wait3A_1829 = arith.constant 0 : i32
        %dma_wait3A_1830 = tpu.memref_slice %arg9[%dma_wait3A_1823, %dma_wait3A_1829] : memref<5x128xi32, #tpu.memory_space<vmem>> -> memref<1x128xi32, #tpu.memory_space<vmem>>
        %dma_wait3A_1831 = tpu.memref_squeeze %dma_wait3A_1830 : memref<1x128xi32, #tpu.memory_space<vmem>> -> memref<128xi32, #tpu.memory_space<vmem>>
        %dma_wait3A_1832 = arith.constant 0 : i32
        %dma_wait3A_1833 = arith.constant 0 : i32
        %dma_wait3A_1834 = tpu.memref_slice %arg17[%dma_wait3A_1832, %dma_wait3A_1833] : memref<10000x64xf32, #tpu.memory_space<vmem_shared>> -> memref<10000x64xf32, #tpu.memory_space<vmem_shared>>
        %dma_wait3A_1835 = tpu.memref_slice %arg20[%dma_wait3A_1824] : memref<5x!tpu.dma_semaphore, #tpu.memory_space<semaphore_mem>> -> memref<1x!tpu.dma_semaphore, #tpu.memory_space<semaphore_mem>>
        %dma_wait3A_1836 = tpu.memref_squeeze %dma_wait3A_1835 : memref<1x!tpu.dma_semaphore, #tpu.memory_space<semaphore_mem>> -> memref<!tpu.dma_semaphore, #tpu.memory_space<semaphore_mem>>
        tpu.wait_indirect_dma semaphore(%dma_wait3A_1836 : memref<!tpu.dma_semaphore, #tpu.memory_space<semaphore_mem>>) src(%dma_wait3A_1828 : memref<128x64xf32, #tpu.memory_space<vmem>>) dst(%dma_wait3A_1834 : memref<10000x64xf32, #tpu.memory_space<vmem_shared>>)
      } else {
      }
      %lt3A_1719 = arith.constant 78 : i32
      %lt3A_1720 = arith.cmpi slt, %add3A_1708, %lt3A_1719 : i32
      %convert_element_type3A_1721 = arith.extui %lt3A_1720 : i1 to i32
      %cond3A_1722 = arith.constant 0 : i32
      %cond3A_1723 = arith.cmpi ne, %convert_element_type3A_1721, %cond3A_1722 : i32
      scf.if %cond3A_1723 {
        %mul3A_1822 = arith.constant 128 : i32
        %mul3A_1823 = arith.muli %add3A_1708, %mul3A_1822 : i32
        %dma_start3A_1824 = arith.constant 1 : i32
        %dma_start3A_1825 = arith.constant 1 : i32
        %dma_start3A_1826 = arith.constant 0 : i32
        %dma_start3A_1827 = arith.constant 0 : i32
        %dma_start3A_1828 = tpu.memref_slice %arg11[%dma_start3A_1824, %dma_start3A_1826, %dma_start3A_1827] : memref<5x128x64xf32, #tpu.memory_space<vmem>> -> memref<1x128x64xf32, #tpu.memory_space<vmem>>
        %dma_start3A_1829 = tpu.memref_squeeze %dma_start3A_1828 : memref<1x128x64xf32, #tpu.memory_space<vmem>> -> memref<128x64xf32, #tpu.memory_space<vmem>>
        %dma_start3A_1830 = tpu.memref_slice %arg7[%mul3A_1823] : memref<10000xi32, #tpu.memory_space<vmem>> -> memref<128xi32, #tpu.memory_space<vmem>>
        %dma_start3A_1831 = arith.constant 0 : i32
        %dma_start3A_1832 = arith.constant 0 : i32
        %dma_start3A_1833 = tpu.memref_slice %arg2[%dma_start3A_1831, %dma_start3A_1832] : memref<10000x64xf32, #tpu.memory_space<hbm>> -> memref<10000x64xf32, #tpu.memory_space<hbm>>
        %dma_start3A_1834 = tpu.memref_slice %arg19[%dma_start3A_1825] : memref<5x!tpu.dma_semaphore, #tpu.memory_space<semaphore_mem>> -> memref<1x!tpu.dma_semaphore, #tpu.memory_space<semaphore_mem>>
        %dma_start3A_1835 = tpu.memref_squeeze %dma_start3A_1834 : memref<1x!tpu.dma_semaphore, #tpu.memory_space<semaphore_mem>> -> memref<!tpu.dma_semaphore, #tpu.memory_space<semaphore_mem>>
        tpu.enqueue_indirect_dma source(%dma_start3A_1833 : memref<10000x64xf32, #tpu.memory_space<hbm>>) target(%dma_start3A_1829 : memref<128x64xf32, #tpu.memory_space<vmem>>) offsets(%dma_start3A_1830 : memref<128xi32, #tpu.memory_space<vmem>>) semaphore(%dma_start3A_1835 : memref<!tpu.dma_semaphore, #tpu.memory_space<semaphore_mem>>)
        %mul3A_1836 = arith.constant 128 : i32
        %mul3A_1837 = arith.muli %add3A_1708, %mul3A_1836 : i32
        %add3A_1838 = arith.constant 0 : i32
        %add3A_1839 = arith.addi %mul3A_1837, %add3A_1838 : i32
        %get3A_1840 = arith.index_cast %add3A_1839 : i32 to index
        %get3A_1841 = tpu.vector_load %arg8[%get3A_1840] {strides = array<i32>} : memref<10000xi32, #tpu.memory_space<vmem>>, vector<16xi32>,
        %swap3A_1842 = arith.constant 1 : i32
        %swap3A_1843 = arith.index_cast %swap3A_1842 : i32 to index
        %swap3A_1844 = arith.constant 0 : index
        %swap3A_1845 = tpu.vector_load %arg9[%swap3A_1843, %swap3A_1844] {strides = array<i32>} : memref<5x128xi32, #tpu.memory_space<vmem>>, vector<16xi32>,
        tpu.vector_store %arg9[%swap3A_1843, %swap3A_1844], %get3A_1841 {strides = array<i32>} : memref<5x128xi32, #tpu.memory_space<vmem>>, vector<16xi32>,
        %shift_right_logical3A_1846 = arith.constant 4 : i32
        %shift_right_logical3A_1847 = vector.broadcast %shift_right_logical3A_1846 : i32 to vector<16xi32>
        %shift_right_logical3A_1848 = arith.shrui %get3A_1841, %shift_right_logical3A_1847 : vector<16xi32>
        %and3A_1849 = arith.constant 15 : i32
        %and3A_1850 = vector.broadcast %and3A_1849 : i32 to vector<16xi32>
        %and3A_1851 = arith.andi %get3A_1841, %and3A_1850 : vector<16xi32>
        tpu.vector_store_idx %arg14[%shift_right_logical3A_1848, %and3A_1851], %broadcast_in_dim3A_3 {add = true} : memref<640x16xf32, #tpu.memory_space<vmem>>[vector<16xi32>, vector<16xi32>], vector<16xf32>,
        %mul3A_1852 = arith.constant 128 : i32
        %mul3A_1853 = arith.muli %add3A_1708, %mul3A_1852 : i32
        %add3A_1854 = arith.constant 16 : i32
        %add3A_1855 = arith.addi %mul3A_1853, %add3A_1854 : i32
        %get3A_1856 = arith.index_cast %add3A_1855 : i32 to index
        %get3A_1857 = tpu.vector_load %arg8[%get3A_1856] {strides = array<i32>} : memref<10000xi32, #tpu.memory_space<vmem>>, vector<16xi32>,
        %swap3A_1858 = arith.constant 1 : i32
        %swap3A_1859 = arith.index_cast %swap3A_1858 : i32 to index
        %swap3A_1860 = arith.constant 16 : index
        %swap3A_1861 = tpu.vector_load %arg9[%swap3A_1859, %swap3A_1860] {strides = array<i32>} : memref<5x128xi32, #tpu.memory_space<vmem>>, vector<16xi32>,
        tpu.vector_store %arg9[%swap3A_1859, %swap3A_1860], %get3A_1857 {strides = array<i32>} : memref<5x128xi32, #tpu.memory_space<vmem>>, vector<16xi32>,
        %shift_right_logical3A_1862 = arith.constant 4 : i32
        %shift_right_logical3A_1863 = vector.broadcast %shift_right_logical3A_1862 : i32 to vector<16xi32>
        %shift_right_logical3A_1864 = arith.shrui %get3A_1857, %shift_right_logical3A_1863 : vector<16xi32>
        %and3A_1865 = arith.constant 15 : i32
        %and3A_1866 = vector.broadcast %and3A_1865 : i32 to vector<16xi32>
        %and3A_1867 = arith.andi %get3A_1857, %and3A_1866 : vector<16xi32>
        tpu.vector_store_idx %arg14[%shift_right_logical3A_1864, %and3A_1867], %broadcast_in_dim3A_3 {add = true} : memref<640x16xf32, #tpu.memory_space<vmem>>[vector<16xi32>, vector<16xi32>], vector<16xf32>,
        %mul3A_1868 = arith.constant 128 : i32
        %mul3A_1869 = arith.muli %add3A_1708, %mul3A_1868 : i32
        %add3A_1870 = arith.constant 32 : i32
        %add3A_1871 = arith.addi %mul3A_1869, %add3A_1870 : i32
        %get3A_1872 = arith.index_cast %add3A_1871 : i32 to index
        %get3A_1873 = tpu.vector_load %arg8[%get3A_1872] {strides = array<i32>} : memref<10000xi32, #tpu.memory_space<vmem>>, vector<16xi32>,
        %swap3A_1874 = arith.constant 1 : i32
        %swap3A_1875 = arith.index_cast %swap3A_1874 : i32 to index
        %swap3A_1876 = arith.constant 32 : index
        %swap3A_1877 = tpu.vector_load %arg9[%swap3A_1875, %swap3A_1876] {strides = array<i32>} : memref<5x128xi32, #tpu.memory_space<vmem>>, vector<16xi32>,
        tpu.vector_store %arg9[%swap3A_1875, %swap3A_1876], %get3A_1873 {strides = array<i32>} : memref<5x128xi32, #tpu.memory_space<vmem>>, vector<16xi32>,
        %shift_right_logical3A_1878 = arith.constant 4 : i32
        %shift_right_logical3A_1879 = vector.broadcast %shift_right_logical3A_1878 : i32 to vector<16xi32>
        %shift_right_logical3A_1880 = arith.shrui %get3A_1873, %shift_right_logical3A_1879 : vector<16xi32>
        %and3A_1881 = arith.constant 15 : i32
        %and3A_1882 = vector.broadcast %and3A_1881 : i32 to vector<16xi32>
        %and3A_1883 = arith.andi %get3A_1873, %and3A_1882 : vector<16xi32>
        tpu.vector_store_idx %arg14[%shift_right_logical3A_1880, %and3A_1883], %broadcast_in_dim3A_3 {add = true} : memref<640x16xf32, #tpu.memory_space<vmem>>[vector<16xi32>, vector<16xi32>], vector<16xf32>,
        %mul3A_1884 = arith.constant 128 : i32
        %mul3A_1885 = arith.muli %add3A_1708, %mul3A_1884 : i32
        %add3A_1886 = arith.constant 48 : i32
        %add3A_1887 = arith.addi %mul3A_1885, %add3A_1886 : i32
        %get3A_1888 = arith.index_cast %add3A_1887 : i32 to index
        %get3A_1889 = tpu.vector_load %arg8[%get3A_1888] {strides = array<i32>} : memref<10000xi32, #tpu.memory_space<vmem>>, vector<16xi32>,
        %swap3A_1890 = arith.constant 1 : i32
        %swap3A_1891 = arith.index_cast %swap3A_1890 : i32 to index
        %swap3A_1892 = arith.constant 48 : index
        %swap3A_1893 = tpu.vector_load %arg9[%swap3A_1891, %swap3A_1892] {strides = array<i32>} : memref<5x128xi32, #tpu.memory_space<vmem>>, vector<16xi32>,
        tpu.vector_store %arg9[%swap3A_1891, %swap3A_1892], %get3A_1889 {strides = array<i32>} : memref<5x128xi32, #tpu.memory_space<vmem>>, vector<16xi32>,
        %shift_right_logical3A_1894 = arith.constant 4 : i32
        %shift_right_logical3A_1895 = vector.broadcast %shift_right_logical3A_1894 : i32 to vector<16xi32>
        %shift_right_logical3A_1896 = arith.shrui %get3A_1889, %shift_right_logical3A_1895 : vector<16xi32>
        %and3A_1897 = arith.constant 15 : i32
        %and3A_1898 = vector.broadcast %and3A_1897 : i32 to vector<16xi32>
        %and3A_1899 = arith.andi %get3A_1889, %and3A_1898 : vector<16xi32>
        tpu.vector_store_idx %arg14[%shift_right_logical3A_1896, %and3A_1899], %broadcast_in_dim3A_3 {add = true} : memref<640x16xf32, #tpu.memory_space<vmem>>[vector<16xi32>, vector<16xi32>], vector<16xf32>,
        %mul3A_1900 = arith.constant 128 : i32
        %mul3A_1901 = arith.muli %add3A_1708, %mul3A_1900 : i32
        %add3A_1902 = arith.constant 64 : i32
        %add3A_1903 = arith.addi %mul3A_1901, %add3A_1902 : i32
        %get3A_1904 = arith.index_cast %add3A_1903 : i32 to index
        %get3A_1905 = tpu.vector_load %arg8[%get3A_1904] {strides = array<i32>} : memref<10000xi32, #tpu.memory_space<vmem>>, vector<16xi32>,
        %swap3A_1906 = arith.constant 1 : i32
        %swap3A_1907 = arith.index_cast %swap3A_1906 : i32 to index
        %swap3A_1908 = arith.constant 64 : index
        %swap3A_1909 = tpu.vector_load %arg9[%swap3A_1907, %swap3A_1908] {strides = array<i32>} : memref<5x128xi32, #tpu.memory_space<vmem>>, vector<16xi32>,
        tpu.vector_store %arg9[%swap3A_1907, %swap3A_1908], %get3A_1905 {strides = array<i32>} : memref<5x128xi32, #tpu.memory_space<vmem>>, vector<16xi32>,
        %shift_right_logical3A_1910 = arith.constant 4 : i32
        %shift_right_logical3A_1911 = vector.broadcast %shift_right_logical3A_1910 : i32 to vector<16xi32>
        %shift_right_logical3A_1912 = arith.shrui %get3A_1905, %shift_right_logical3A_1911 : vector<16xi32>
        %and3A_1913 = arith.constant 15 : i32
        %and3A_1914 = vector.broadcast %and3A_1913 : i32 to vector<16xi32>
        %and3A_1915 = arith.andi %get3A_1905, %and3A_1914 : vector<16xi32>
        tpu.vector_store_idx %arg14[%shift_right_logical3A_1912, %and3A_1915], %broadcast_in_dim3A_3 {add = true} : memref<640x16xf32, #tpu.memory_space<vmem>>[vector<16xi32>, vector<16xi32>], vector<16xf32>,
        %mul3A_1916 = arith.constant 128 : i32
        %mul3A_1917 = arith.muli %add3A_1708, %mul3A_1916 : i32
        %add3A_1918 = arith.constant 80 : i32
        %add3A_1919 = arith.addi %mul3A_1917, %add3A_1918 : i32
        %get3A_1920 = arith.index_cast %add3A_1919 : i32 to index
        %get3A_1921 = tpu.vector_load %arg8[%get3A_1920] {strides = array<i32>} : memref<10000xi32, #tpu.memory_space<vmem>>, vector<16xi32>,
        %swap3A_1922 = arith.constant 1 : i32
        %swap3A_1923 = arith.index_cast %swap3A_1922 : i32 to index
        %swap3A_1924 = arith.constant 80 : index
        %swap3A_1925 = tpu.vector_load %arg9[%swap3A_1923, %swap3A_1924] {strides = array<i32>} : memref<5x128xi32, #tpu.memory_space<vmem>>, vector<16xi32>,
        tpu.vector_store %arg9[%swap3A_1923, %swap3A_1924], %get3A_1921 {strides = array<i32>} : memref<5x128xi32, #tpu.memory_space<vmem>>, vector<16xi32>,
        %shift_right_logical3A_1926 = arith.constant 4 : i32
        %shift_right_logical3A_1927 = vector.broadcast %shift_right_logical3A_1926 : i32 to vector<16xi32>
        %shift_right_logical3A_1928 = arith.shrui %get3A_1921, %shift_right_logical3A_1927 : vector<16xi32>
        %and3A_1929 = arith.constant 15 : i32
        %and3A_1930 = vector.broadcast %and3A_1929 : i32 to vector<16xi32>
        %and3A_1931 = arith.andi %get3A_1921, %and3A_1930 : vector<16xi32>
        tpu.vector_store_idx %arg14[%shift_right_logical3A_1928, %and3A_1931], %broadcast_in_dim3A_3 {add = true} : memref<640x16xf32, #tpu.memory_space<vmem>>[vector<16xi32>, vector<16xi32>], vector<16xf32>,
        %mul3A_1932 = arith.constant 128 : i32
        %mul3A_1933 = arith.muli %add3A_1708, %mul3A_1932 : i32
        %add3A_1934 = arith.constant 96 : i32
        %add3A_1935 = arith.addi %mul3A_1933, %add3A_1934 : i32
        %get3A_1936 = arith.index_cast %add3A_1935 : i32 to index
        %get3A_1937 = tpu.vector_load %arg8[%get3A_1936] {strides = array<i32>} : memref<10000xi32, #tpu.memory_space<vmem>>, vector<16xi32>,
        %swap3A_1938 = arith.constant 1 : i32
        %swap3A_1939 = arith.index_cast %swap3A_1938 : i32 to index
        %swap3A_1940 = arith.constant 96 : index
        %swap3A_1941 = tpu.vector_load %arg9[%swap3A_1939, %swap3A_1940] {strides = array<i32>} : memref<5x128xi32, #tpu.memory_space<vmem>>, vector<16xi32>,
        tpu.vector_store %arg9[%swap3A_1939, %swap3A_1940], %get3A_1937 {strides = array<i32>} : memref<5x128xi32, #tpu.memory_space<vmem>>, vector<16xi32>,
        %shift_right_logical3A_1942 = arith.constant 4 : i32
        %shift_right_logical3A_1943 = vector.broadcast %shift_right_logical3A_1942 : i32 to vector<16xi32>
        %shift_right_logical3A_1944 = arith.shrui %get3A_1937, %shift_right_logical3A_1943 : vector<16xi32>
        %and3A_1945 = arith.constant 15 : i32
        %and3A_1946 = vector.broadcast %and3A_1945 : i32 to vector<16xi32>
        %and3A_1947 = arith.andi %get3A_1937, %and3A_1946 : vector<16xi32>
        tpu.vector_store_idx %arg14[%shift_right_logical3A_1944, %and3A_1947], %broadcast_in_dim3A_3 {add = true} : memref<640x16xf32, #tpu.memory_space<vmem>>[vector<16xi32>, vector<16xi32>], vector<16xf32>,
        %mul3A_1948 = arith.constant 128 : i32
        %mul3A_1949 = arith.muli %add3A_1708, %mul3A_1948 : i32
        %add3A_1950 = arith.constant 112 : i32
        %add3A_1951 = arith.addi %mul3A_1949, %add3A_1950 : i32
        %get3A_1952 = arith.index_cast %add3A_1951 : i32 to index
        %get3A_1953 = tpu.vector_load %arg8[%get3A_1952] {strides = array<i32>} : memref<10000xi32, #tpu.memory_space<vmem>>, vector<16xi32>,
        %swap3A_1954 = arith.constant 1 : i32
        %swap3A_1955 = arith.index_cast %swap3A_1954 : i32 to index
        %swap3A_1956 = arith.constant 112 : index
        %swap3A_1957 = tpu.vector_load %arg9[%swap3A_1955, %swap3A_1956] {strides = array<i32>} : memref<5x128xi32, #tpu.memory_space<vmem>>, vector<16xi32>,
        tpu.vector_store %arg9[%swap3A_1955, %swap3A_1956], %get3A_1953 {strides = array<i32>} : memref<5x128xi32, #tpu.memory_space<vmem>>, vector<16xi32>,
        %shift_right_logical3A_1958 = arith.constant 4 : i32
        %shift_right_logical3A_1959 = vector.broadcast %shift_right_logical3A_1958 : i32 to vector<16xi32>
        %shift_right_logical3A_1960 = arith.shrui %get3A_1953, %shift_right_logical3A_1959 : vector<16xi32>
        %and3A_1961 = arith.constant 15 : i32
        %and3A_1962 = vector.broadcast %and3A_1961 : i32 to vector<16xi32>
        %and3A_1963 = arith.andi %get3A_1953, %and3A_1962 : vector<16xi32>
        tpu.vector_store_idx %arg14[%shift_right_logical3A_1960, %and3A_1963], %broadcast_in_dim3A_3 {add = true} : memref<640x16xf32, #tpu.memory_space<vmem>>[vector<16xi32>, vector<16xi32>], vector<16xf32>,
      } else {
      }
      %ge3A_1724 = arith.constant 3 : i32
      %ge3A_1725 = arith.cmpi sge, %add3A_1708, %ge3A_1724 : i32
      %sub3A_1726 = arith.constant 3 : i32
      %sub3A_1727 = arith.subi %add3A_1708, %sub3A_1726 : i32
      %lt3A_1728 = arith.constant 78 : i32
      %lt3A_1729 = arith.cmpi slt, %sub3A_1727, %lt3A_1728 : i32
      %and3A_1730 = arith.andi %ge3A_1725, %lt3A_1729 : i1
      %convert_element_type3A_1731 = arith.extui %and3A_1730 : i1 to i32
      %cond3A_1732 = arith.constant 0 : i32
      %cond3A_1733 = arith.cmpi ne, %convert_element_type3A_1731, %cond3A_1732 : i32
      scf.if %cond3A_1733 {
        %sub3A_1822 = arith.constant 3 : i32
        %sub3A_1823 = arith.subi %add3A_1708, %sub3A_1822 : i32
        %mul3A_1824 = arith.constant 128 : i32
        %mul3A_1825 = arith.muli %sub3A_1823, %mul3A_1824 : i32
        %dma_wait3A_1826 = arith.constant 3 : i32
        %dma_wait3A_1827 = arith.constant 3 : i32
        %dma_wait3A_1828 = arith.constant 0 : i32
        %dma_wait3A_1829 = arith.constant 0 : i32
        %dma_wait3A_1830 = tpu.memref_slice %arg11[%dma_wait3A_1826, %dma_wait3A_1828, %dma_wait3A_1829] : memref<5x128x64xf32, #tpu.memory_space<vmem>> -> memref<1x128x64xf32, #tpu.memory_space<vmem>>
        %dma_wait3A_1831 = tpu.memref_squeeze %dma_wait3A_1830 : memref<1x128x64xf32, #tpu.memory_space<vmem>> -> memref<128x64xf32, #tpu.memory_space<vmem>>
        %dma_wait3A_1832 = tpu.memref_slice %arg7[%mul3A_1825] : memref<10000xi32, #tpu.memory_space<vmem>> -> memref<128xi32, #tpu.memory_space<vmem>>
        %dma_wait3A_1833 = arith.constant 0 : i32
        %dma_wait3A_1834 = arith.constant 0 : i32
        %dma_wait3A_1835 = tpu.memref_slice %arg2[%dma_wait3A_1833, %dma_wait3A_1834] : memref<10000x64xf32, #tpu.memory_space<hbm>> -> memref<10000x64xf32, #tpu.memory_space<hbm>>
        %dma_wait3A_1836 = tpu.memref_slice %arg19[%dma_wait3A_1827] : memref<5x!tpu.dma_semaphore, #tpu.memory_space<semaphore_mem>> -> memref<1x!tpu.dma_semaphore, #tpu.memory_space<semaphore_mem>>
        %dma_wait3A_1837 = tpu.memref_squeeze %dma_wait3A_1836 : memref<1x!tpu.dma_semaphore, #tpu.memory_space<semaphore_mem>> -> memref<!tpu.dma_semaphore, #tpu.memory_space<semaphore_mem>>
        tpu.wait_indirect_dma semaphore(%dma_wait3A_1837 : memref<!tpu.dma_semaphore, #tpu.memory_space<semaphore_mem>>) src(%dma_wait3A_1835 : memref<10000x64xf32, #tpu.memory_space<hbm>>) dst(%dma_wait3A_1831 : memref<128x64xf32, #tpu.memory_space<vmem>>)
        %dma_start3A_1838 = arith.constant 3 : i32
        %dma_start3A_1839 = arith.constant 3 : i32
        %dma_start3A_1840 = arith.constant 3 : i32
        %dma_start3A_1841 = arith.constant 0 : i32
        %dma_start3A_1842 = arith.constant 0 : i32
        %dma_start3A_1843 = tpu.memref_slice %arg11[%dma_start3A_1838, %dma_start3A_1841, %dma_start3A_1842] : memref<5x128x64xf32, #tpu.memory_space<vmem>> -> memref<1x128x64xf32, #tpu.memory_space<vmem>>
        %dma_start3A_1844 = tpu.memref_squeeze %dma_start3A_1843 : memref<1x128x64xf32, #tpu.memory_space<vmem>> -> memref<128x64xf32, #tpu.memory_space<vmem>>
        %dma_start3A_1845 = arith.constant 0 : i32
        %dma_start3A_1846 = tpu.memref_slice %arg9[%dma_start3A_1839, %dma_start3A_1845] : memref<5x128xi32, #tpu.memory_space<vmem>> -> memref<1x128xi32, #tpu.memory_space<vmem>>
        %dma_start3A_1847 = tpu.memref_squeeze %dma_start3A_1846 : memref<1x128xi32, #tpu.memory_space<vmem>> -> memref<128xi32, #tpu.memory_space<vmem>>
        %dma_start3A_1848 = arith.constant 0 : i32
        %dma_start3A_1849 = arith.constant 0 : i32
        %dma_start3A_1850 = tpu.memref_slice %arg17[%dma_start3A_1848, %dma_start3A_1849] : memref<10000x64xf32, #tpu.memory_space<vmem_shared>> -> memref<10000x64xf32, #tpu.memory_space<vmem_shared>>
        %dma_start3A_1851 = tpu.memref_slice %arg20[%dma_start3A_1840] : memref<5x!tpu.dma_semaphore, #tpu.memory_space<semaphore_mem>> -> memref<1x!tpu.dma_semaphore, #tpu.memory_space<semaphore_mem>>
        %dma_start3A_1852 = tpu.memref_squeeze %dma_start3A_1851 : memref<1x!tpu.dma_semaphore, #tpu.memory_space<semaphore_mem>> -> memref<!tpu.dma_semaphore, #tpu.memory_space<semaphore_mem>>
        tpu.enqueue_indirect_dma source(%dma_start3A_1844 : memref<128x64xf32, #tpu.memory_space<vmem>>) target(%dma_start3A_1850 : memref<10000x64xf32, #tpu.memory_space<vmem_shared>>) offsets(%dma_start3A_1847 : memref<128xi32, #tpu.memory_space<vmem>>) semaphore(%dma_start3A_1852 : memref<!tpu.dma_semaphore, #tpu.memory_space<semaphore_mem>>) {add = true}
      } else {
      }
      %mul3A_1734 = arith.constant 5 : i32
      %mul3A_1735 = arith.muli %scan3A_1679, %mul3A_1734 : i32
      %add3A_1736 = arith.constant 2 : i32
      %add3A_1737 = arith.addi %mul3A_1735, %add3A_1736 : i32
      %ge3A_1738 = arith.constant 5 : i32
      %ge3A_1739 = arith.cmpi sge, %add3A_1737, %ge3A_1738 : i32
      %sub3A_1740 = arith.constant 5 : i32
      %sub3A_1741 = arith.subi %add3A_1737, %sub3A_1740 : i32
      %lt3A_1742 = arith.constant 78 : i32
      %lt3A_1743 = arith.cmpi slt, %sub3A_1741, %lt3A_1742 : i32
      %and3A_1744 = arith.andi %ge3A_1739, %lt3A_1743 : i1
      %convert_element_type3A_1745 = arith.extui %and3A_1744 : i1 to i32
      %cond3A_1746 = arith.constant 0 : i32
      %cond3A_1747 = arith.cmpi ne, %convert_element_type3A_1745, %cond3A_1746 : i32
      scf.if %cond3A_1747 {
        %dma_wait3A_1822 = arith.constant 2 : i32
        %dma_wait3A_1823 = arith.constant 2 : i32
        %dma_wait3A_1824 = arith.constant 2 : i32
        %dma_wait3A_1825 = arith.constant 0 : i32
        %dma_wait3A_1826 = arith.constant 0 : i32
        %dma_wait3A_1827 = tpu.memref_slice %arg11[%dma_wait3A_1822, %dma_wait3A_1825, %dma_wait3A_1826] : memref<5x128x64xf32, #tpu.memory_space<vmem>> -> memref<1x128x64xf32, #tpu.memory_space<vmem>>
        %dma_wait3A_1828 = tpu.memref_squeeze %dma_wait3A_1827 : memref<1x128x64xf32, #tpu.memory_space<vmem>> -> memref<128x64xf32, #tpu.memory_space<vmem>>
        %dma_wait3A_1829 = arith.constant 0 : i32
        %dma_wait3A_1830 = tpu.memref_slice %arg9[%dma_wait3A_1823, %dma_wait3A_1829] : memref<5x128xi32, #tpu.memory_space<vmem>> -> memref<1x128xi32, #tpu.memory_space<vmem>>
        %dma_wait3A_1831 = tpu.memref_squeeze %dma_wait3A_1830 : memref<1x128xi32, #tpu.memory_space<vmem>> -> memref<128xi32, #tpu.memory_space<vmem>>
        %dma_wait3A_1832 = arith.constant 0 : i32
        %dma_wait3A_1833 = arith.constant 0 : i32
        %dma_wait3A_1834 = tpu.memref_slice %arg17[%dma_wait3A_1832, %dma_wait3A_1833] : memref<10000x64xf32, #tpu.memory_space<vmem_shared>> -> memref<10000x64xf32, #tpu.memory_space<vmem_shared>>
        %dma_wait3A_1835 = tpu.memref_slice %arg20[%dma_wait3A_1824] : memref<5x!tpu.dma_semaphore, #tpu.memory_space<semaphore_mem>> -> memref<1x!tpu.dma_semaphore, #tpu.memory_space<semaphore_mem>>
        %dma_wait3A_1836 = tpu.memref_squeeze %dma_wait3A_1835 : memref<1x!tpu.dma_semaphore, #tpu.memory_space<semaphore_mem>> -> memref<!tpu.dma_semaphore, #tpu.memory_space<semaphore_mem>>
        tpu.wait_indirect_dma semaphore(%dma_wait3A_1836 : memref<!tpu.dma_semaphore, #tpu.memory_space<semaphore_mem>>) src(%dma_wait3A_1828 : memref<128x64xf32, #tpu.memory_space<vmem>>) dst(%dma_wait3A_1834 : memref<10000x64xf32, #tpu.memory_space<vmem_shared>>)
      } else {
      }
      %lt3A_1748 = arith.constant 78 : i32
      %lt3A_1749 = arith.cmpi slt, %add3A_1737, %lt3A_1748 : i32
      %convert_element_type3A_1750 = arith.extui %lt3A_1749 : i1 to i32
      %cond3A_1751 = arith.constant 0 : i32
      %cond3A_1752 = arith.cmpi ne, %convert_element_type3A_1750, %cond3A_1751 : i32
      scf.if %cond3A_1752 {
        %mul3A_1822 = arith.constant 128 : i32
        %mul3A_1823 = arith.muli %add3A_1737, %mul3A_1822 : i32
        %dma_start3A_1824 = arith.constant 2 : i32
        %dma_start3A_1825 = arith.constant 2 : i32
        %dma_start3A_1826 = arith.constant 0 : i32
        %dma_start3A_1827 = arith.constant 0 : i32
        %dma_start3A_1828 = tpu.memref_slice %arg11[%dma_start3A_1824, %dma_start3A_1826, %dma_start3A_1827] : memref<5x128x64xf32, #tpu.memory_space<vmem>> -> memref<1x128x64xf32, #tpu.memory_space<vmem>>
        %dma_start3A_1829 = tpu.memref_squeeze %dma_start3A_1828 : memref<1x128x64xf32, #tpu.memory_space<vmem>> -> memref<128x64xf32, #tpu.memory_space<vmem>>
        %dma_start3A_1830 = tpu.memref_slice %arg7[%mul3A_1823] : memref<10000xi32, #tpu.memory_space<vmem>> -> memref<128xi32, #tpu.memory_space<vmem>>
        %dma_start3A_1831 = arith.constant 0 : i32
        %dma_start3A_1832 = arith.constant 0 : i32
        %dma_start3A_1833 = tpu.memref_slice %arg2[%dma_start3A_1831, %dma_start3A_1832] : memref<10000x64xf32, #tpu.memory_space<hbm>> -> memref<10000x64xf32, #tpu.memory_space<hbm>>
        %dma_start3A_1834 = tpu.memref_slice %arg19[%dma_start3A_1825] : memref<5x!tpu.dma_semaphore, #tpu.memory_space<semaphore_mem>> -> memref<1x!tpu.dma_semaphore, #tpu.memory_space<semaphore_mem>>
        %dma_start3A_1835 = tpu.memref_squeeze %dma_start3A_1834 : memref<1x!tpu.dma_semaphore, #tpu.memory_space<semaphore_mem>> -> memref<!tpu.dma_semaphore, #tpu.memory_space<semaphore_mem>>
        tpu.enqueue_indirect_dma source(%dma_start3A_1833 : memref<10000x64xf32, #tpu.memory_space<hbm>>) target(%dma_start3A_1829 : memref<128x64xf32, #tpu.memory_space<vmem>>) offsets(%dma_start3A_1830 : memref<128xi32, #tpu.memory_space<vmem>>) semaphore(%dma_start3A_1835 : memref<!tpu.dma_semaphore, #tpu.memory_space<semaphore_mem>>)
        %mul3A_1836 = arith.constant 128 : i32
        %mul3A_1837 = arith.muli %add3A_1737, %mul3A_1836 : i32
        %add3A_1838 = arith.constant 0 : i32
        %add3A_1839 = arith.addi %mul3A_1837, %add3A_1838 : i32
        %get3A_1840 = arith.index_cast %add3A_1839 : i32 to index
        %get3A_1841 = tpu.vector_load %arg8[%get3A_1840] {strides = array<i32>} : memref<10000xi32, #tpu.memory_space<vmem>>, vector<16xi32>,
        %swap3A_1842 = arith.constant 2 : i32
        %swap3A_1843 = arith.index_cast %swap3A_1842 : i32 to index
        %swap3A_1844 = arith.constant 0 : index
        %swap3A_1845 = tpu.vector_load %arg9[%swap3A_1843, %swap3A_1844] {strides = array<i32>} : memref<5x128xi32, #tpu.memory_space<vmem>>, vector<16xi32>,
        tpu.vector_store %arg9[%swap3A_1843, %swap3A_1844], %get3A_1841 {strides = array<i32>} : memref<5x128xi32, #tpu.memory_space<vmem>>, vector<16xi32>,
        %shift_right_logical3A_1846 = arith.constant 4 : i32
        %shift_right_logical3A_1847 = vector.broadcast %shift_right_logical3A_1846 : i32 to vector<16xi32>
        %shift_right_logical3A_1848 = arith.shrui %get3A_1841, %shift_right_logical3A_1847 : vector<16xi32>
        %and3A_1849 = arith.constant 15 : i32
        %and3A_1850 = vector.broadcast %and3A_1849 : i32 to vector<16xi32>
        %and3A_1851 = arith.andi %get3A_1841, %and3A_1850 : vector<16xi32>
        tpu.vector_store_idx %arg14[%shift_right_logical3A_1848, %and3A_1851], %broadcast_in_dim3A_3 {add = true} : memref<640x16xf32, #tpu.memory_space<vmem>>[vector<16xi32>, vector<16xi32>], vector<16xf32>,
        %mul3A_1852 = arith.constant 128 : i32
        %mul3A_1853 = arith.muli %add3A_1737, %mul3A_1852 : i32
        %add3A_1854 = arith.constant 16 : i32
        %add3A_1855 = arith.addi %mul3A_1853, %add3A_1854 : i32
        %get3A_1856 = arith.index_cast %add3A_1855 : i32 to index
        %get3A_1857 = tpu.vector_load %arg8[%get3A_1856] {strides = array<i32>} : memref<10000xi32, #tpu.memory_space<vmem>>, vector<16xi32>,
        %swap3A_1858 = arith.constant 2 : i32
        %swap3A_1859 = arith.index_cast %swap3A_1858 : i32 to index
        %swap3A_1860 = arith.constant 16 : index
        %swap3A_1861 = tpu.vector_load %arg9[%swap3A_1859, %swap3A_1860] {strides = array<i32>} : memref<5x128xi32, #tpu.memory_space<vmem>>, vector<16xi32>,
        tpu.vector_store %arg9[%swap3A_1859, %swap3A_1860], %get3A_1857 {strides = array<i32>} : memref<5x128xi32, #tpu.memory_space<vmem>>, vector<16xi32>,
        %shift_right_logical3A_1862 = arith.constant 4 : i32
        %shift_right_logical3A_1863 = vector.broadcast %shift_right_logical3A_1862 : i32 to vector<16xi32>
        %shift_right_logical3A_1864 = arith.shrui %get3A_1857, %shift_right_logical3A_1863 : vector<16xi32>
        %and3A_1865 = arith.constant 15 : i32
        %and3A_1866 = vector.broadcast %and3A_1865 : i32 to vector<16xi32>
        %and3A_1867 = arith.andi %get3A_1857, %and3A_1866 : vector<16xi32>
        tpu.vector_store_idx %arg14[%shift_right_logical3A_1864, %and3A_1867], %broadcast_in_dim3A_3 {add = true} : memref<640x16xf32, #tpu.memory_space<vmem>>[vector<16xi32>, vector<16xi32>], vector<16xf32>,
        %mul3A_1868 = arith.constant 128 : i32
        %mul3A_1869 = arith.muli %add3A_1737, %mul3A_1868 : i32
        %add3A_1870 = arith.constant 32 : i32
        %add3A_1871 = arith.addi %mul3A_1869, %add3A_1870 : i32
        %get3A_1872 = arith.index_cast %add3A_1871 : i32 to index
        %get3A_1873 = tpu.vector_load %arg8[%get3A_1872] {strides = array<i32>} : memref<10000xi32, #tpu.memory_space<vmem>>, vector<16xi32>,
        %swap3A_1874 = arith.constant 2 : i32
        %swap3A_1875 = arith.index_cast %swap3A_1874 : i32 to index
        %swap3A_1876 = arith.constant 32 : index
        %swap3A_1877 = tpu.vector_load %arg9[%swap3A_1875, %swap3A_1876] {strides = array<i32>} : memref<5x128xi32, #tpu.memory_space<vmem>>, vector<16xi32>,
        tpu.vector_store %arg9[%swap3A_1875, %swap3A_1876], %get3A_1873 {strides = array<i32>} : memref<5x128xi32, #tpu.memory_space<vmem>>, vector<16xi32>,
        %shift_right_logical3A_1878 = arith.constant 4 : i32
        %shift_right_logical3A_1879 = vector.broadcast %shift_right_logical3A_1878 : i32 to vector<16xi32>
        %shift_right_logical3A_1880 = arith.shrui %get3A_1873, %shift_right_logical3A_1879 : vector<16xi32>
        %and3A_1881 = arith.constant 15 : i32
        %and3A_1882 = vector.broadcast %and3A_1881 : i32 to vector<16xi32>
        %and3A_1883 = arith.andi %get3A_1873, %and3A_1882 : vector<16xi32>
        tpu.vector_store_idx %arg14[%shift_right_logical3A_1880, %and3A_1883], %broadcast_in_dim3A_3 {add = true} : memref<640x16xf32, #tpu.memory_space<vmem>>[vector<16xi32>, vector<16xi32>], vector<16xf32>,
        %mul3A_1884 = arith.constant 128 : i32
        %mul3A_1885 = arith.muli %add3A_1737, %mul3A_1884 : i32
        %add3A_1886 = arith.constant 48 : i32
        %add3A_1887 = arith.addi %mul3A_1885, %add3A_1886 : i32
        %get3A_1888 = arith.index_cast %add3A_1887 : i32 to index
        %get3A_1889 = tpu.vector_load %arg8[%get3A_1888] {strides = array<i32>} : memref<10000xi32, #tpu.memory_space<vmem>>, vector<16xi32>,
        %swap3A_1890 = arith.constant 2 : i32
        %swap3A_1891 = arith.index_cast %swap3A_1890 : i32 to index
        %swap3A_1892 = arith.constant 48 : index
        %swap3A_1893 = tpu.vector_load %arg9[%swap3A_1891, %swap3A_1892] {strides = array<i32>} : memref<5x128xi32, #tpu.memory_space<vmem>>, vector<16xi32>,
        tpu.vector_store %arg9[%swap3A_1891, %swap3A_1892], %get3A_1889 {strides = array<i32>} : memref<5x128xi32, #tpu.memory_space<vmem>>, vector<16xi32>,
        %shift_right_logical3A_1894 = arith.constant 4 : i32
        %shift_right_logical3A_1895 = vector.broadcast %shift_right_logical3A_1894 : i32 to vector<16xi32>
        %shift_right_logical3A_1896 = arith.shrui %get3A_1889, %shift_right_logical3A_1895 : vector<16xi32>
        %and3A_1897 = arith.constant 15 : i32
        %and3A_1898 = vector.broadcast %and3A_1897 : i32 to vector<16xi32>
        %and3A_1899 = arith.andi %get3A_1889, %and3A_1898 : vector<16xi32>
        tpu.vector_store_idx %arg14[%shift_right_logical3A_1896, %and3A_1899], %broadcast_in_dim3A_3 {add = true} : memref<640x16xf32, #tpu.memory_space<vmem>>[vector<16xi32>, vector<16xi32>], vector<16xf32>,
        %mul3A_1900 = arith.constant 128 : i32
        %mul3A_1901 = arith.muli %add3A_1737, %mul3A_1900 : i32
        %add3A_1902 = arith.constant 64 : i32
        %add3A_1903 = arith.addi %mul3A_1901, %add3A_1902 : i32
        %get3A_1904 = arith.index_cast %add3A_1903 : i32 to index
        %get3A_1905 = tpu.vector_load %arg8[%get3A_1904] {strides = array<i32>} : memref<10000xi32, #tpu.memory_space<vmem>>, vector<16xi32>,
        %swap3A_1906 = arith.constant 2 : i32
        %swap3A_1907 = arith.index_cast %swap3A_1906 : i32 to index
        %swap3A_1908 = arith.constant 64 : index
        %swap3A_1909 = tpu.vector_load %arg9[%swap3A_1907, %swap3A_1908] {strides = array<i32>} : memref<5x128xi32, #tpu.memory_space<vmem>>, vector<16xi32>,
        tpu.vector_store %arg9[%swap3A_1907, %swap3A_1908], %get3A_1905 {strides = array<i32>} : memref<5x128xi32, #tpu.memory_space<vmem>>, vector<16xi32>,
        %shift_right_logical3A_1910 = arith.constant 4 : i32
        %shift_right_logical3A_1911 = vector.broadcast %shift_right_logical3A_1910 : i32 to vector<16xi32>
        %shift_right_logical3A_1912 = arith.shrui %get3A_1905, %shift_right_logical3A_1911 : vector<16xi32>
        %and3A_1913 = arith.constant 15 : i32
        %and3A_1914 = vector.broadcast %and3A_1913 : i32 to vector<16xi32>
        %and3A_1915 = arith.andi %get3A_1905, %and3A_1914 : vector<16xi32>
        tpu.vector_store_idx %arg14[%shift_right_logical3A_1912, %and3A_1915], %broadcast_in_dim3A_3 {add = true} : memref<640x16xf32, #tpu.memory_space<vmem>>[vector<16xi32>, vector<16xi32>], vector<16xf32>,
        %mul3A_1916 = arith.constant 128 : i32
        %mul3A_1917 = arith.muli %add3A_1737, %mul3A_1916 : i32
        %add3A_1918 = arith.constant 80 : i32
        %add3A_1919 = arith.addi %mul3A_1917, %add3A_1918 : i32
        %get3A_1920 = arith.index_cast %add3A_1919 : i32 to index
        %get3A_1921 = tpu.vector_load %arg8[%get3A_1920] {strides = array<i32>} : memref<10000xi32, #tpu.memory_space<vmem>>, vector<16xi32>,
        %swap3A_1922 = arith.constant 2 : i32
        %swap3A_1923 = arith.index_cast %swap3A_1922 : i32 to index
        %swap3A_1924 = arith.constant 80 : index
        %swap3A_1925 = tpu.vector_load %arg9[%swap3A_1923, %swap3A_1924] {strides = array<i32>} : memref<5x128xi32, #tpu.memory_space<vmem>>, vector<16xi32>,
        tpu.vector_store %arg9[%swap3A_1923, %swap3A_1924], %get3A_1921 {strides = array<i32>} : memref<5x128xi32, #tpu.memory_space<vmem>>, vector<16xi32>,
        %shift_right_logical3A_1926 = arith.constant 4 : i32
        %shift_right_logical3A_1927 = vector.broadcast %shift_right_logical3A_1926 : i32 to vector<16xi32>
        %shift_right_logical3A_1928 = arith.shrui %get3A_1921, %shift_right_logical3A_1927 : vector<16xi32>
        %and3A_1929 = arith.constant 15 : i32
        %and3A_1930 = vector.broadcast %and3A_1929 : i32 to vector<16xi32>
        %and3A_1931 = arith.andi %get3A_1921, %and3A_1930 : vector<16xi32>
        tpu.vector_store_idx %arg14[%shift_right_logical3A_1928, %and3A_1931], %broadcast_in_dim3A_3 {add = true} : memref<640x16xf32, #tpu.memory_space<vmem>>[vector<16xi32>, vector<16xi32>], vector<16xf32>,
        %mul3A_1932 = arith.constant 128 : i32
        %mul3A_1933 = arith.muli %add3A_1737, %mul3A_1932 : i32
        %add3A_1934 = arith.constant 96 : i32
        %add3A_1935 = arith.addi %mul3A_1933, %add3A_1934 : i32
        %get3A_1936 = arith.index_cast %add3A_1935 : i32 to index
        %get3A_1937 = tpu.vector_load %arg8[%get3A_1936] {strides = array<i32>} : memref<10000xi32, #tpu.memory_space<vmem>>, vector<16xi32>,
        %swap3A_1938 = arith.constant 2 : i32
        %swap3A_1939 = arith.index_cast %swap3A_1938 : i32 to index
        %swap3A_1940 = arith.constant 96 : index
        %swap3A_1941 = tpu.vector_load %arg9[%swap3A_1939, %swap3A_1940] {strides = array<i32>} : memref<5x128xi32, #tpu.memory_space<vmem>>, vector<16xi32>,
        tpu.vector_store %arg9[%swap3A_1939, %swap3A_1940], %get3A_1937 {strides = array<i32>} : memref<5x128xi32, #tpu.memory_space<vmem>>, vector<16xi32>,
        %shift_right_logical3A_1942 = arith.constant 4 : i32
        %shift_right_logical3A_1943 = vector.broadcast %shift_right_logical3A_1942 : i32 to vector<16xi32>
        %shift_right_logical3A_1944 = arith.shrui %get3A_1937, %shift_right_logical3A_1943 : vector<16xi32>
        %and3A_1945 = arith.constant 15 : i32
        %and3A_1946 = vector.broadcast %and3A_1945 : i32 to vector<16xi32>
        %and3A_1947 = arith.andi %get3A_1937, %and3A_1946 : vector<16xi32>
        tpu.vector_store_idx %arg14[%shift_right_logical3A_1944, %and3A_1947], %broadcast_in_dim3A_3 {add = true} : memref<640x16xf32, #tpu.memory_space<vmem>>[vector<16xi32>, vector<16xi32>], vector<16xf32>,
        %mul3A_1948 = arith.constant 128 : i32
        %mul3A_1949 = arith.muli %add3A_1737, %mul3A_1948 : i32
        %add3A_1950 = arith.constant 112 : i32
        %add3A_1951 = arith.addi %mul3A_1949, %add3A_1950 : i32
        %get3A_1952 = arith.index_cast %add3A_1951 : i32 to index
        %get3A_1953 = tpu.vector_load %arg8[%get3A_1952] {strides = array<i32>} : memref<10000xi32, #tpu.memory_space<vmem>>, vector<16xi32>,
        %swap3A_1954 = arith.constant 2 : i32
        %swap3A_1955 = arith.index_cast %swap3A_1954 : i32 to index
        %swap3A_1956 = arith.constant 112 : index
        %swap3A_1957 = tpu.vector_load %arg9[%swap3A_1955, %swap3A_1956] {strides = array<i32>} : memref<5x128xi32, #tpu.memory_space<vmem>>, vector<16xi32>,
        tpu.vector_store %arg9[%swap3A_1955, %swap3A_1956], %get3A_1953 {strides = array<i32>} : memref<5x128xi32, #tpu.memory_space<vmem>>, vector<16xi32>,
        %shift_right_logical3A_1958 = arith.constant 4 : i32
        %shift_right_logical3A_1959 = vector.broadcast %shift_right_logical3A_1958 : i32 to vector<16xi32>
        %shift_right_logical3A_1960 = arith.shrui %get3A_1953, %shift_right_logical3A_1959 : vector<16xi32>
        %and3A_1961 = arith.constant 15 : i32
        %and3A_1962 = vector.broadcast %and3A_1961 : i32 to vector<16xi32>
        %and3A_1963 = arith.andi %get3A_1953, %and3A_1962 : vector<16xi32>
        tpu.vector_store_idx %arg14[%shift_right_logical3A_1960, %and3A_1963], %broadcast_in_dim3A_3 {add = true} : memref<640x16xf32, #tpu.memory_space<vmem>>[vector<16xi32>, vector<16xi32>], vector<16xf32>,
      } else {
      }
      %ge3A_1753 = arith.constant 3 : i32
      %ge3A_1754 = arith.cmpi sge, %add3A_1737, %ge3A_1753 : i32
      %sub3A_1755 = arith.constant 3 : i32
      %sub3A_1756 = arith.subi %add3A_1737, %sub3A_1755 : i32
      %lt3A_1757 = arith.constant 78 : i32
      %lt3A_1758 = arith.cmpi slt, %sub3A_1756, %lt3A_1757 : i32
      %and3A_1759 = arith.andi %ge3A_1754, %lt3A_1758 : i1
      %convert_element_type3A_1760 = arith.extui %and3A_1759 : i1 to i32
      %cond3A_1761 = arith.constant 0 : i32
      %cond3A_1762 = arith.cmpi ne, %convert_element_type3A_1760, %cond3A_1761 : i32
      scf.if %cond3A_1762 {
        %sub3A_1822 = arith.constant 3 : i32
        %sub3A_1823 = arith.subi %add3A_1737, %sub3A_1822 : i32
        %mul3A_1824 = arith.constant 128 : i32
        %mul3A_1825 = arith.muli %sub3A_1823, %mul3A_1824 : i32
        %dma_wait3A_1826 = arith.constant 4 : i32
        %dma_wait3A_1827 = arith.constant 4 : i32
        %dma_wait3A_1828 = arith.constant 0 : i32
        %dma_wait3A_1829 = arith.constant 0 : i32
        %dma_wait3A_1830 = tpu.memref_slice %arg11[%dma_wait3A_1826, %dma_wait3A_1828, %dma_wait3A_1829] : memref<5x128x64xf32, #tpu.memory_space<vmem>> -> memref<1x128x64xf32, #tpu.memory_space<vmem>>
        %dma_wait3A_1831 = tpu.memref_squeeze %dma_wait3A_1830 : memref<1x128x64xf32, #tpu.memory_space<vmem>> -> memref<128x64xf32, #tpu.memory_space<vmem>>
        %dma_wait3A_1832 = tpu.memref_slice %arg7[%mul3A_1825] : memref<10000xi32, #tpu.memory_space<vmem>> -> memref<128xi32, #tpu.memory_space<vmem>>
        %dma_wait3A_1833 = arith.constant 0 : i32
        %dma_wait3A_1834 = arith.constant 0 : i32
        %dma_wait3A_1835 = tpu.memref_slice %arg2[%dma_wait3A_1833, %dma_wait3A_1834] : memref<10000x64xf32, #tpu.memory_space<hbm>> -> memref<10000x64xf32, #tpu.memory_space<hbm>>
        %dma_wait3A_1836 = tpu.memref_slice %arg19[%dma_wait3A_1827] : memref<5x!tpu.dma_semaphore, #tpu.memory_space<semaphore_mem>> -> memref<1x!tpu.dma_semaphore, #tpu.memory_space<semaphore_mem>>
        %dma_wait3A_1837 = tpu.memref_squeeze %dma_wait3A_1836 : memref<1x!tpu.dma_semaphore, #tpu.memory_space<semaphore_mem>> -> memref<!tpu.dma_semaphore, #tpu.memory_space<semaphore_mem>>
        tpu.wait_indirect_dma semaphore(%dma_wait3A_1837 : memref<!tpu.dma_semaphore, #tpu.memory_space<semaphore_mem>>) src(%dma_wait3A_1835 : memref<10000x64xf32, #tpu.memory_space<hbm>>) dst(%dma_wait3A_1831 : memref<128x64xf32, #tpu.memory_space<vmem>>)
        %dma_start3A_1838 = arith.constant 4 : i32
        %dma_start3A_1839 = arith.constant 4 : i32
        %dma_start3A_1840 = arith.constant 4 : i32
        %dma_start3A_1841 = arith.constant 0 : i32
        %dma_start3A_1842 = arith.constant 0 : i32
        %dma_start3A_1843 = tpu.memref_slice %arg11[%dma_start3A_1838, %dma_start3A_1841, %dma_start3A_1842] : memref<5x128x64xf32, #tpu.memory_space<vmem>> -> memref<1x128x64xf32, #tpu.memory_space<vmem>>
        %dma_start3A_1844 = tpu.memref_squeeze %dma_start3A_1843 : memref<1x128x64xf32, #tpu.memory_space<vmem>> -> memref<128x64xf32, #tpu.memory_space<vmem>>
        %dma_start3A_1845 = arith.constant 0 : i32
        %dma_start3A_1846 = tpu.memref_slice %arg9[%dma_start3A_1839, %dma_start3A_1845] : memref<5x128xi32, #tpu.memory_space<vmem>> -> memref<1x128xi32, #tpu.memory_space<vmem>>
        %dma_start3A_1847 = tpu.memref_squeeze %dma_start3A_1846 : memref<1x128xi32, #tpu.memory_space<vmem>> -> memref<128xi32, #tpu.memory_space<vmem>>
        %dma_start3A_1848 = arith.constant 0 : i32
        %dma_start3A_1849 = arith.constant 0 : i32
        %dma_start3A_1850 = tpu.memref_slice %arg17[%dma_start3A_1848, %dma_start3A_1849] : memref<10000x64xf32, #tpu.memory_space<vmem_shared>> -> memref<10000x64xf32, #tpu.memory_space<vmem_shared>>
        %dma_start3A_1851 = tpu.memref_slice %arg20[%dma_start3A_1840] : memref<5x!tpu.dma_semaphore, #tpu.memory_space<semaphore_mem>> -> memref<1x!tpu.dma_semaphore, #tpu.memory_space<semaphore_mem>>
        %dma_start3A_1852 = tpu.memref_squeeze %dma_start3A_1851 : memref<1x!tpu.dma_semaphore, #tpu.memory_space<semaphore_mem>> -> memref<!tpu.dma_semaphore, #tpu.memory_space<semaphore_mem>>
        tpu.enqueue_indirect_dma source(%dma_start3A_1844 : memref<128x64xf32, #tpu.memory_space<vmem>>) target(%dma_start3A_1850 : memref<10000x64xf32, #tpu.memory_space<vmem_shared>>) offsets(%dma_start3A_1847 : memref<128xi32, #tpu.memory_space<vmem>>) semaphore(%dma_start3A_1852 : memref<!tpu.dma_semaphore, #tpu.memory_space<semaphore_mem>>) {add = true}
      } else {
      }
      %mul3A_1763 = arith.constant 5 : i32
      %mul3A_1764 = arith.muli %scan3A_1679, %mul3A_1763 : i32
      %add3A_1765 = arith.constant 3 : i32
      %add3A_1766 = arith.addi %mul3A_1764, %add3A_1765 : i32
      %ge3A_1767 = arith.constant 5 : i32
      %ge3A_1768 = arith.cmpi sge, %add3A_1766, %ge3A_1767 : i32
      %sub3A_1769 = arith.constant 5 : i32
      %sub3A_1770 = arith.subi %add3A_1766, %sub3A_1769 : i32
      %lt3A_1771 = arith.constant 78 : i32
      %lt3A_1772 = arith.cmpi slt, %sub3A_1770, %lt3A_1771 : i32
      %and3A_1773 = arith.andi %ge3A_1768, %lt3A_1772 : i1
      %convert_element_type3A_1774 = arith.extui %and3A_1773 : i1 to i32
      %cond3A_1775 = arith.constant 0 : i32
      %cond3A_1776 = arith.cmpi ne, %convert_element_type3A_1774, %cond3A_1775 : i32
      scf.if %cond3A_1776 {
        %dma_wait3A_1822 = arith.constant 3 : i32
        %dma_wait3A_1823 = arith.constant 3 : i32
        %dma_wait3A_1824 = arith.constant 3 : i32
        %dma_wait3A_1825 = arith.constant 0 : i32
        %dma_wait3A_1826 = arith.constant 0 : i32
        %dma_wait3A_1827 = tpu.memref_slice %arg11[%dma_wait3A_1822, %dma_wait3A_1825, %dma_wait3A_1826] : memref<5x128x64xf32, #tpu.memory_space<vmem>> -> memref<1x128x64xf32, #tpu.memory_space<vmem>>
        %dma_wait3A_1828 = tpu.memref_squeeze %dma_wait3A_1827 : memref<1x128x64xf32, #tpu.memory_space<vmem>> -> memref<128x64xf32, #tpu.memory_space<vmem>>
        %dma_wait3A_1829 = arith.constant 0 : i32
        %dma_wait3A_1830 = tpu.memref_slice %arg9[%dma_wait3A_1823, %dma_wait3A_1829] : memref<5x128xi32, #tpu.memory_space<vmem>> -> memref<1x128xi32, #tpu.memory_space<vmem>>
        %dma_wait3A_1831 = tpu.memref_squeeze %dma_wait3A_1830 : memref<1x128xi32, #tpu.memory_space<vmem>> -> memref<128xi32, #tpu.memory_space<vmem>>
        %dma_wait3A_1832 = arith.constant 0 : i32
        %dma_wait3A_1833 = arith.constant 0 : i32
        %dma_wait3A_1834 = tpu.memref_slice %arg17[%dma_wait3A_1832, %dma_wait3A_1833] : memref<10000x64xf32, #tpu.memory_space<vmem_shared>> -> memref<10000x64xf32, #tpu.memory_space<vmem_shared>>
        %dma_wait3A_1835 = tpu.memref_slice %arg20[%dma_wait3A_1824] : memref<5x!tpu.dma_semaphore, #tpu.memory_space<semaphore_mem>> -> memref<1x!tpu.dma_semaphore, #tpu.memory_space<semaphore_mem>>
        %dma_wait3A_1836 = tpu.memref_squeeze %dma_wait3A_1835 : memref<1x!tpu.dma_semaphore, #tpu.memory_space<semaphore_mem>> -> memref<!tpu.dma_semaphore, #tpu.memory_space<semaphore_mem>>
        tpu.wait_indirect_dma semaphore(%dma_wait3A_1836 : memref<!tpu.dma_semaphore, #tpu.memory_space<semaphore_mem>>) src(%dma_wait3A_1828 : memref<128x64xf32, #tpu.memory_space<vmem>>) dst(%dma_wait3A_1834 : memref<10000x64xf32, #tpu.memory_space<vmem_shared>>)
      } else {
      }
      %lt3A_1777 = arith.constant 78 : i32
      %lt3A_1778 = arith.cmpi slt, %add3A_1766, %lt3A_1777 : i32
      %convert_element_type3A_1779 = arith.extui %lt3A_1778 : i1 to i32
      %cond3A_1780 = arith.constant 0 : i32
      %cond3A_1781 = arith.cmpi ne, %convert_element_type3A_1779, %cond3A_1780 : i32
      scf.if %cond3A_1781 {
        %mul3A_1822 = arith.constant 128 : i32
        %mul3A_1823 = arith.muli %add3A_1766, %mul3A_1822 : i32
        %dma_start3A_1824 = arith.constant 3 : i32
        %dma_start3A_1825 = arith.constant 3 : i32
        %dma_start3A_1826 = arith.constant 0 : i32
        %dma_start3A_1827 = arith.constant 0 : i32
        %dma_start3A_1828 = tpu.memref_slice %arg11[%dma_start3A_1824, %dma_start3A_1826, %dma_start3A_1827] : memref<5x128x64xf32, #tpu.memory_space<vmem>> -> memref<1x128x64xf32, #tpu.memory_space<vmem>>
        %dma_start3A_1829 = tpu.memref_squeeze %dma_start3A_1828 : memref<1x128x64xf32, #tpu.memory_space<vmem>> -> memref<128x64xf32, #tpu.memory_space<vmem>>
        %dma_start3A_1830 = tpu.memref_slice %arg7[%mul3A_1823] : memref<10000xi32, #tpu.memory_space<vmem>> -> memref<128xi32, #tpu.memory_space<vmem>>
        %dma_start3A_1831 = arith.constant 0 : i32
        %dma_start3A_1832 = arith.constant 0 : i32
        %dma_start3A_1833 = tpu.memref_slice %arg2[%dma_start3A_1831, %dma_start3A_1832] : memref<10000x64xf32, #tpu.memory_space<hbm>> -> memref<10000x64xf32, #tpu.memory_space<hbm>>
        %dma_start3A_1834 = tpu.memref_slice %arg19[%dma_start3A_1825] : memref<5x!tpu.dma_semaphore, #tpu.memory_space<semaphore_mem>> -> memref<1x!tpu.dma_semaphore, #tpu.memory_space<semaphore_mem>>
        %dma_start3A_1835 = tpu.memref_squeeze %dma_start3A_1834 : memref<1x!tpu.dma_semaphore, #tpu.memory_space<semaphore_mem>> -> memref<!tpu.dma_semaphore, #tpu.memory_space<semaphore_mem>>
        tpu.enqueue_indirect_dma source(%dma_start3A_1833 : memref<10000x64xf32, #tpu.memory_space<hbm>>) target(%dma_start3A_1829 : memref<128x64xf32, #tpu.memory_space<vmem>>) offsets(%dma_start3A_1830 : memref<128xi32, #tpu.memory_space<vmem>>) semaphore(%dma_start3A_1835 : memref<!tpu.dma_semaphore, #tpu.memory_space<semaphore_mem>>)
        %mul3A_1836 = arith.constant 128 : i32
        %mul3A_1837 = arith.muli %add3A_1766, %mul3A_1836 : i32
        %add3A_1838 = arith.constant 0 : i32
        %add3A_1839 = arith.addi %mul3A_1837, %add3A_1838 : i32
        %get3A_1840 = arith.index_cast %add3A_1839 : i32 to index
        %get3A_1841 = tpu.vector_load %arg8[%get3A_1840] {strides = array<i32>} : memref<10000xi32, #tpu.memory_space<vmem>>, vector<16xi32>,
        %swap3A_1842 = arith.constant 3 : i32
        %swap3A_1843 = arith.index_cast %swap3A_1842 : i32 to index
        %swap3A_1844 = arith.constant 0 : index
        %swap3A_1845 = tpu.vector_load %arg9[%swap3A_1843, %swap3A_1844] {strides = array<i32>} : memref<5x128xi32, #tpu.memory_space<vmem>>, vector<16xi32>,
        tpu.vector_store %arg9[%swap3A_1843, %swap3A_1844], %get3A_1841 {strides = array<i32>} : memref<5x128xi32, #tpu.memory_space<vmem>>, vector<16xi32>,
        %shift_right_logical3A_1846 = arith.constant 4 : i32
        %shift_right_logical3A_1847 = vector.broadcast %shift_right_logical3A_1846 : i32 to vector<16xi32>
        %shift_right_logical3A_1848 = arith.shrui %get3A_1841, %shift_right_logical3A_1847 : vector<16xi32>
        %and3A_1849 = arith.constant 15 : i32
        %and3A_1850 = vector.broadcast %and3A_1849 : i32 to vector<16xi32>
        %and3A_1851 = arith.andi %get3A_1841, %and3A_1850 : vector<16xi32>
        tpu.vector_store_idx %arg14[%shift_right_logical3A_1848, %and3A_1851], %broadcast_in_dim3A_3 {add = true} : memref<640x16xf32, #tpu.memory_space<vmem>>[vector<16xi32>, vector<16xi32>], vector<16xf32>,
        %mul3A_1852 = arith.constant 128 : i32
        %mul3A_1853 = arith.muli %add3A_1766, %mul3A_1852 : i32
        %add3A_1854 = arith.constant 16 : i32
        %add3A_1855 = arith.addi %mul3A_1853, %add3A_1854 : i32
        %get3A_1856 = arith.index_cast %add3A_1855 : i32 to index
        %get3A_1857 = tpu.vector_load %arg8[%get3A_1856] {strides = array<i32>} : memref<10000xi32, #tpu.memory_space<vmem>>, vector<16xi32>,
        %swap3A_1858 = arith.constant 3 : i32
        %swap3A_1859 = arith.index_cast %swap3A_1858 : i32 to index
        %swap3A_1860 = arith.constant 16 : index
        %swap3A_1861 = tpu.vector_load %arg9[%swap3A_1859, %swap3A_1860] {strides = array<i32>} : memref<5x128xi32, #tpu.memory_space<vmem>>, vector<16xi32>,
        tpu.vector_store %arg9[%swap3A_1859, %swap3A_1860], %get3A_1857 {strides = array<i32>} : memref<5x128xi32, #tpu.memory_space<vmem>>, vector<16xi32>,
        %shift_right_logical3A_1862 = arith.constant 4 : i32
        %shift_right_logical3A_1863 = vector.broadcast %shift_right_logical3A_1862 : i32 to vector<16xi32>
        %shift_right_logical3A_1864 = arith.shrui %get3A_1857, %shift_right_logical3A_1863 : vector<16xi32>
        %and3A_1865 = arith.constant 15 : i32
        %and3A_1866 = vector.broadcast %and3A_1865 : i32 to vector<16xi32>
        %and3A_1867 = arith.andi %get3A_1857, %and3A_1866 : vector<16xi32>
        tpu.vector_store_idx %arg14[%shift_right_logical3A_1864, %and3A_1867], %broadcast_in_dim3A_3 {add = true} : memref<640x16xf32, #tpu.memory_space<vmem>>[vector<16xi32>, vector<16xi32>], vector<16xf32>,
        %mul3A_1868 = arith.constant 128 : i32
        %mul3A_1869 = arith.muli %add3A_1766, %mul3A_1868 : i32
        %add3A_1870 = arith.constant 32 : i32
        %add3A_1871 = arith.addi %mul3A_1869, %add3A_1870 : i32
        %get3A_1872 = arith.index_cast %add3A_1871 : i32 to index
        %get3A_1873 = tpu.vector_load %arg8[%get3A_1872] {strides = array<i32>} : memref<10000xi32, #tpu.memory_space<vmem>>, vector<16xi32>,
        %swap3A_1874 = arith.constant 3 : i32
        %swap3A_1875 = arith.index_cast %swap3A_1874 : i32 to index
        %swap3A_1876 = arith.constant 32 : index
        %swap3A_1877 = tpu.vector_load %arg9[%swap3A_1875, %swap3A_1876] {strides = array<i32>} : memref<5x128xi32, #tpu.memory_space<vmem>>, vector<16xi32>,
        tpu.vector_store %arg9[%swap3A_1875, %swap3A_1876], %get3A_1873 {strides = array<i32>} : memref<5x128xi32, #tpu.memory_space<vmem>>, vector<16xi32>,
        %shift_right_logical3A_1878 = arith.constant 4 : i32
        %shift_right_logical3A_1879 = vector.broadcast %shift_right_logical3A_1878 : i32 to vector<16xi32>
        %shift_right_logical3A_1880 = arith.shrui %get3A_1873, %shift_right_logical3A_1879 : vector<16xi32>
        %and3A_1881 = arith.constant 15 : i32
        %and3A_1882 = vector.broadcast %and3A_1881 : i32 to vector<16xi32>
        %and3A_1883 = arith.andi %get3A_1873, %and3A_1882 : vector<16xi32>
        tpu.vector_store_idx %arg14[%shift_right_logical3A_1880, %and3A_1883], %broadcast_in_dim3A_3 {add = true} : memref<640x16xf32, #tpu.memory_space<vmem>>[vector<16xi32>, vector<16xi32>], vector<16xf32>,
        %mul3A_1884 = arith.constant 128 : i32
        %mul3A_1885 = arith.muli %add3A_1766, %mul3A_1884 : i32
        %add3A_1886 = arith.constant 48 : i32
        %add3A_1887 = arith.addi %mul3A_1885, %add3A_1886 : i32
        %get3A_1888 = arith.index_cast %add3A_1887 : i32 to index
        %get3A_1889 = tpu.vector_load %arg8[%get3A_1888] {strides = array<i32>} : memref<10000xi32, #tpu.memory_space<vmem>>, vector<16xi32>,
        %swap3A_1890 = arith.constant 3 : i32
        %swap3A_1891 = arith.index_cast %swap3A_1890 : i32 to index
        %swap3A_1892 = arith.constant 48 : index
        %swap3A_1893 = tpu.vector_load %arg9[%swap3A_1891, %swap3A_1892] {strides = array<i32>} : memref<5x128xi32, #tpu.memory_space<vmem>>, vector<16xi32>,
        tpu.vector_store %arg9[%swap3A_1891, %swap3A_1892], %get3A_1889 {strides = array<i32>} : memref<5x128xi32, #tpu.memory_space<vmem>>, vector<16xi32>,
        %shift_right_logical3A_1894 = arith.constant 4 : i32
        %shift_right_logical3A_1895 = vector.broadcast %shift_right_logical3A_1894 : i32 to vector<16xi32>
        %shift_right_logical3A_1896 = arith.shrui %get3A_1889, %shift_right_logical3A_1895 : vector<16xi32>
        %and3A_1897 = arith.constant 15 : i32
        %and3A_1898 = vector.broadcast %and3A_1897 : i32 to vector<16xi32>
        %and3A_1899 = arith.andi %get3A_1889, %and3A_1898 : vector<16xi32>
        tpu.vector_store_idx %arg14[%shift_right_logical3A_1896, %and3A_1899], %broadcast_in_dim3A_3 {add = true} : memref<640x16xf32, #tpu.memory_space<vmem>>[vector<16xi32>, vector<16xi32>], vector<16xf32>,
        %mul3A_1900 = arith.constant 128 : i32
        %mul3A_1901 = arith.muli %add3A_1766, %mul3A_1900 : i32
        %add3A_1902 = arith.constant 64 : i32
        %add3A_1903 = arith.addi %mul3A_1901, %add3A_1902 : i32
        %get3A_1904 = arith.index_cast %add3A_1903 : i32 to index
        %get3A_1905 = tpu.vector_load %arg8[%get3A_1904] {strides = array<i32>} : memref<10000xi32, #tpu.memory_space<vmem>>, vector<16xi32>,
        %swap3A_1906 = arith.constant 3 : i32
        %swap3A_1907 = arith.index_cast %swap3A_1906 : i32 to index
        %swap3A_1908 = arith.constant 64 : index
        %swap3A_1909 = tpu.vector_load %arg9[%swap3A_1907, %swap3A_1908] {strides = array<i32>} : memref<5x128xi32, #tpu.memory_space<vmem>>, vector<16xi32>,
        tpu.vector_store %arg9[%swap3A_1907, %swap3A_1908], %get3A_1905 {strides = array<i32>} : memref<5x128xi32, #tpu.memory_space<vmem>>, vector<16xi32>,
        %shift_right_logical3A_1910 = arith.constant 4 : i32
        %shift_right_logical3A_1911 = vector.broadcast %shift_right_logical3A_1910 : i32 to vector<16xi32>
        %shift_right_logical3A_1912 = arith.shrui %get3A_1905, %shift_right_logical3A_1911 : vector<16xi32>
        %and3A_1913 = arith.constant 15 : i32
        %and3A_1914 = vector.broadcast %and3A_1913 : i32 to vector<16xi32>
        %and3A_1915 = arith.andi %get3A_1905, %and3A_1914 : vector<16xi32>
        tpu.vector_store_idx %arg14[%shift_right_logical3A_1912, %and3A_1915], %broadcast_in_dim3A_3 {add = true} : memref<640x16xf32, #tpu.memory_space<vmem>>[vector<16xi32>, vector<16xi32>], vector<16xf32>,
        %mul3A_1916 = arith.constant 128 : i32
        %mul3A_1917 = arith.muli %add3A_1766, %mul3A_1916 : i32
        %add3A_1918 = arith.constant 80 : i32
        %add3A_1919 = arith.addi %mul3A_1917, %add3A_1918 : i32
        %get3A_1920 = arith.index_cast %add3A_1919 : i32 to index
        %get3A_1921 = tpu.vector_load %arg8[%get3A_1920] {strides = array<i32>} : memref<10000xi32, #tpu.memory_space<vmem>>, vector<16xi32>,
        %swap3A_1922 = arith.constant 3 : i32
        %swap3A_1923 = arith.index_cast %swap3A_1922 : i32 to index
        %swap3A_1924 = arith.constant 80 : index
        %swap3A_1925 = tpu.vector_load %arg9[%swap3A_1923, %swap3A_1924] {strides = array<i32>} : memref<5x128xi32, #tpu.memory_space<vmem>>, vector<16xi32>,
        tpu.vector_store %arg9[%swap3A_1923, %swap3A_1924], %get3A_1921 {strides = array<i32>} : memref<5x128xi32, #tpu.memory_space<vmem>>, vector<16xi32>,
        %shift_right_logical3A_1926 = arith.constant 4 : i32
        %shift_right_logical3A_1927 = vector.broadcast %shift_right_logical3A_1926 : i32 to vector<16xi32>
        %shift_right_logical3A_1928 = arith.shrui %get3A_1921, %shift_right_logical3A_1927 : vector<16xi32>
        %and3A_1929 = arith.constant 15 : i32
        %and3A_1930 = vector.broadcast %and3A_1929 : i32 to vector<16xi32>
        %and3A_1931 = arith.andi %get3A_1921, %and3A_1930 : vector<16xi32>
        tpu.vector_store_idx %arg14[%shift_right_logical3A_1928, %and3A_1931], %broadcast_in_dim3A_3 {add = true} : memref<640x16xf32, #tpu.memory_space<vmem>>[vector<16xi32>, vector<16xi32>], vector<16xf32>,
        %mul3A_1932 = arith.constant 128 : i32
        %mul3A_1933 = arith.muli %add3A_1766, %mul3A_1932 : i32
        %add3A_1934 = arith.constant 96 : i32
        %add3A_1935 = arith.addi %mul3A_1933, %add3A_1934 : i32
        %get3A_1936 = arith.index_cast %add3A_1935 : i32 to index
        %get3A_1937 = tpu.vector_load %arg8[%get3A_1936] {strides = array<i32>} : memref<10000xi32, #tpu.memory_space<vmem>>, vector<16xi32>,
        %swap3A_1938 = arith.constant 3 : i32
        %swap3A_1939 = arith.index_cast %swap3A_1938 : i32 to index
        %swap3A_1940 = arith.constant 96 : index
        %swap3A_1941 = tpu.vector_load %arg9[%swap3A_1939, %swap3A_1940] {strides = array<i32>} : memref<5x128xi32, #tpu.memory_space<vmem>>, vector<16xi32>,
        tpu.vector_store %arg9[%swap3A_1939, %swap3A_1940], %get3A_1937 {strides = array<i32>} : memref<5x128xi32, #tpu.memory_space<vmem>>, vector<16xi32>,
        %shift_right_logical3A_1942 = arith.constant 4 : i32
        %shift_right_logical3A_1943 = vector.broadcast %shift_right_logical3A_1942 : i32 to vector<16xi32>
        %shift_right_logical3A_1944 = arith.shrui %get3A_1937, %shift_right_logical3A_1943 : vector<16xi32>
        %and3A_1945 = arith.constant 15 : i32
        %and3A_1946 = vector.broadcast %and3A_1945 : i32 to vector<16xi32>
        %and3A_1947 = arith.andi %get3A_1937, %and3A_1946 : vector<16xi32>
        tpu.vector_store_idx %arg14[%shift_right_logical3A_1944, %and3A_1947], %broadcast_in_dim3A_3 {add = true} : memref<640x16xf32, #tpu.memory_space<vmem>>[vector<16xi32>, vector<16xi32>], vector<16xf32>,
        %mul3A_1948 = arith.constant 128 : i32
        %mul3A_1949 = arith.muli %add3A_1766, %mul3A_1948 : i32
        %add3A_1950 = arith.constant 112 : i32
        %add3A_1951 = arith.addi %mul3A_1949, %add3A_1950 : i32
        %get3A_1952 = arith.index_cast %add3A_1951 : i32 to index
        %get3A_1953 = tpu.vector_load %arg8[%get3A_1952] {strides = array<i32>} : memref<10000xi32, #tpu.memory_space<vmem>>, vector<16xi32>,
        %swap3A_1954 = arith.constant 3 : i32
        %swap3A_1955 = arith.index_cast %swap3A_1954 : i32 to index
        %swap3A_1956 = arith.constant 112 : index
        %swap3A_1957 = tpu.vector_load %arg9[%swap3A_1955, %swap3A_1956] {strides = array<i32>} : memref<5x128xi32, #tpu.memory_space<vmem>>, vector<16xi32>,
        tpu.vector_store %arg9[%swap3A_1955, %swap3A_1956], %get3A_1953 {strides = array<i32>} : memref<5x128xi32, #tpu.memory_space<vmem>>, vector<16xi32>,
        %shift_right_logical3A_1958 = arith.constant 4 : i32
        %shift_right_logical3A_1959 = vector.broadcast %shift_right_logical3A_1958 : i32 to vector<16xi32>
        %shift_right_logical3A_1960 = arith.shrui %get3A_1953, %shift_right_logical3A_1959 : vector<16xi32>
        %and3A_1961 = arith.constant 15 : i32
        %and3A_1962 = vector.broadcast %and3A_1961 : i32 to vector<16xi32>
        %and3A_1963 = arith.andi %get3A_1953, %and3A_1962 : vector<16xi32>
        tpu.vector_store_idx %arg14[%shift_right_logical3A_1960, %and3A_1963], %broadcast_in_dim3A_3 {add = true} : memref<640x16xf32, #tpu.memory_space<vmem>>[vector<16xi32>, vector<16xi32>], vector<16xf32>,
      } else {
      }
      %ge3A_1782 = arith.constant 3 : i32
      %ge3A_1783 = arith.cmpi sge, %add3A_1766, %ge3A_1782 : i32
      %sub3A_1784 = arith.constant 3 : i32
      %sub3A_1785 = arith.subi %add3A_1766, %sub3A_1784 : i32
      %lt3A_1786 = arith.constant 78 : i32
      %lt3A_1787 = arith.cmpi slt, %sub3A_1785, %lt3A_1786 : i32
      %and3A_1788 = arith.andi %ge3A_1783, %lt3A_1787 : i1
      %convert_element_type3A_1789 = arith.extui %and3A_1788 : i1 to i32
      %cond3A_1790 = arith.constant 0 : i32
      %cond3A_1791 = arith.cmpi ne, %convert_element_type3A_1789, %cond3A_1790 : i32
      scf.if %cond3A_1791 {
        %sub3A_1822 = arith.constant 3 : i32
        %sub3A_1823 = arith.subi %add3A_1766, %sub3A_1822 : i32
        %mul3A_1824 = arith.constant 128 : i32
        %mul3A_1825 = arith.muli %sub3A_1823, %mul3A_1824 : i32
        %dma_wait3A_1826 = arith.constant 0 : i32
        %dma_wait3A_1827 = arith.constant 0 : i32
        %dma_wait3A_1828 = arith.constant 0 : i32
        %dma_wait3A_1829 = arith.constant 0 : i32
        %dma_wait3A_1830 = tpu.memref_slice %arg11[%dma_wait3A_1826, %dma_wait3A_1828, %dma_wait3A_1829] : memref<5x128x64xf32, #tpu.memory_space<vmem>> -> memref<1x128x64xf32, #tpu.memory_space<vmem>>
        %dma_wait3A_1831 = tpu.memref_squeeze %dma_wait3A_1830 : memref<1x128x64xf32, #tpu.memory_space<vmem>> -> memref<128x64xf32, #tpu.memory_space<vmem>>
        %dma_wait3A_1832 = tpu.memref_slice %arg7[%mul3A_1825] : memref<10000xi32, #tpu.memory_space<vmem>> -> memref<128xi32, #tpu.memory_space<vmem>>
        %dma_wait3A_1833 = arith.constant 0 : i32
        %dma_wait3A_1834 = arith.constant 0 : i32
        %dma_wait3A_1835 = tpu.memref_slice %arg2[%dma_wait3A_1833, %dma_wait3A_1834] : memref<10000x64xf32, #tpu.memory_space<hbm>> -> memref<10000x64xf32, #tpu.memory_space<hbm>>
        %dma_wait3A_1836 = tpu.memref_slice %arg19[%dma_wait3A_1827] : memref<5x!tpu.dma_semaphore, #tpu.memory_space<semaphore_mem>> -> memref<1x!tpu.dma_semaphore, #tpu.memory_space<semaphore_mem>>
        %dma_wait3A_1837 = tpu.memref_squeeze %dma_wait3A_1836 : memref<1x!tpu.dma_semaphore, #tpu.memory_space<semaphore_mem>> -> memref<!tpu.dma_semaphore, #tpu.memory_space<semaphore_mem>>
        tpu.wait_indirect_dma semaphore(%dma_wait3A_1837 : memref<!tpu.dma_semaphore, #tpu.memory_space<semaphore_mem>>) src(%dma_wait3A_1835 : memref<10000x64xf32, #tpu.memory_space<hbm>>) dst(%dma_wait3A_1831 : memref<128x64xf32, #tpu.memory_space<vmem>>)
        %dma_start3A_1838 = arith.constant 0 : i32
        %dma_start3A_1839 = arith.constant 0 : i32
        %dma_start3A_1840 = arith.constant 0 : i32
        %dma_start3A_1841 = arith.constant 0 : i32
        %dma_start3A_1842 = arith.constant 0 : i32
        %dma_start3A_1843 = tpu.memref_slice %arg11[%dma_start3A_1838, %dma_start3A_1841, %dma_start3A_1842] : memref<5x128x64xf32, #tpu.memory_space<vmem>> -> memref<1x128x64xf32, #tpu.memory_space<vmem>>
        %dma_start3A_1844 = tpu.memref_squeeze %dma_start3A_1843 : memref<1x128x64xf32, #tpu.memory_space<vmem>> -> memref<128x64xf32, #tpu.memory_space<vmem>>
        %dma_start3A_1845 = arith.constant 0 : i32
        %dma_start3A_1846 = tpu.memref_slice %arg9[%dma_start3A_1839, %dma_start3A_1845] : memref<5x128xi32, #tpu.memory_space<vmem>> -> memref<1x128xi32, #tpu.memory_space<vmem>>
        %dma_start3A_1847 = tpu.memref_squeeze %dma_start3A_1846 : memref<1x128xi32, #tpu.memory_space<vmem>> -> memref<128xi32, #tpu.memory_space<vmem>>
        %dma_start3A_1848 = arith.constant 0 : i32
        %dma_start3A_1849 = arith.constant 0 : i32
        %dma_start3A_1850 = tpu.memref_slice %arg17[%dma_start3A_1848, %dma_start3A_1849] : memref<10000x64xf32, #tpu.memory_space<vmem_shared>> -> memref<10000x64xf32, #tpu.memory_space<vmem_shared>>
        %dma_start3A_1851 = tpu.memref_slice %arg20[%dma_start3A_1840] : memref<5x!tpu.dma_semaphore, #tpu.memory_space<semaphore_mem>> -> memref<1x!tpu.dma_semaphore, #tpu.memory_space<semaphore_mem>>
        %dma_start3A_1852 = tpu.memref_squeeze %dma_start3A_1851 : memref<1x!tpu.dma_semaphore, #tpu.memory_space<semaphore_mem>> -> memref<!tpu.dma_semaphore, #tpu.memory_space<semaphore_mem>>
        tpu.enqueue_indirect_dma source(%dma_start3A_1844 : memref<128x64xf32, #tpu.memory_space<vmem>>) target(%dma_start3A_1850 : memref<10000x64xf32, #tpu.memory_space<vmem_shared>>) offsets(%dma_start3A_1847 : memref<128xi32, #tpu.memory_space<vmem>>) semaphore(%dma_start3A_1852 : memref<!tpu.dma_semaphore, #tpu.memory_space<semaphore_mem>>) {add = true}
      } else {
      }
      %mul3A_1792 = arith.constant 5 : i32
      %mul3A_1793 = arith.muli %scan3A_1679, %mul3A_1792 : i32
      %add3A_1794 = arith.constant 4 : i32
      %add3A_1795 = arith.addi %mul3A_1793, %add3A_1794 : i32
      %ge3A_1796 = arith.constant 5 : i32
      %ge3A_1797 = arith.cmpi sge, %add3A_1795, %ge3A_1796 : i32
      %sub3A_1798 = arith.constant 5 : i32
      %sub3A_1799 = arith.subi %add3A_1795, %sub3A_1798 : i32
      %lt3A_1800 = arith.constant 78 : i32
      %lt3A_1801 = arith.cmpi slt, %sub3A_1799, %lt3A_1800 : i32
      %and3A_1802 = arith.andi %ge3A_1797, %lt3A_1801 : i1
      %convert_element_type3A_1803 = arith.extui %and3A_1802 : i1 to i32
      %cond3A_1804 = arith.constant 0 : i32
      %cond3A_1805 = arith.cmpi ne, %convert_element_type3A_1803, %cond3A_1804 : i32
      scf.if %cond3A_1805 {
        %dma_wait3A_1822 = arith.constant 4 : i32
        %dma_wait3A_1823 = arith.constant 4 : i32
        %dma_wait3A_1824 = arith.constant 4 : i32
        %dma_wait3A_1825 = arith.constant 0 : i32
        %dma_wait3A_1826 = arith.constant 0 : i32
        %dma_wait3A_1827 = tpu.memref_slice %arg11[%dma_wait3A_1822, %dma_wait3A_1825, %dma_wait3A_1826] : memref<5x128x64xf32, #tpu.memory_space<vmem>> -> memref<1x128x64xf32, #tpu.memory_space<vmem>>
        %dma_wait3A_1828 = tpu.memref_squeeze %dma_wait3A_1827 : memref<1x128x64xf32, #tpu.memory_space<vmem>> -> memref<128x64xf32, #tpu.memory_space<vmem>>
        %dma_wait3A_1829 = arith.constant 0 : i32
        %dma_wait3A_1830 = tpu.memref_slice %arg9[%dma_wait3A_1823, %dma_wait3A_1829] : memref<5x128xi32, #tpu.memory_space<vmem>> -> memref<1x128xi32, #tpu.memory_space<vmem>>
        %dma_wait3A_1831 = tpu.memref_squeeze %dma_wait3A_1830 : memref<1x128xi32, #tpu.memory_space<vmem>> -> memref<128xi32, #tpu.memory_space<vmem>>
        %dma_wait3A_1832 = arith.constant 0 : i32
        %dma_wait3A_1833 = arith.constant 0 : i32
        %dma_wait3A_1834 = tpu.memref_slice %arg17[%dma_wait3A_1832, %dma_wait3A_1833] : memref<10000x64xf32, #tpu.memory_space<vmem_shared>> -> memref<10000x64xf32, #tpu.memory_space<vmem_shared>>
        %dma_wait3A_1835 = tpu.memref_slice %arg20[%dma_wait3A_1824] : memref<5x!tpu.dma_semaphore, #tpu.memory_space<semaphore_mem>> -> memref<1x!tpu.dma_semaphore, #tpu.memory_space<semaphore_mem>>
        %dma_wait3A_1836 = tpu.memref_squeeze %dma_wait3A_1835 : memref<1x!tpu.dma_semaphore, #tpu.memory_space<semaphore_mem>> -> memref<!tpu.dma_semaphore, #tpu.memory_space<semaphore_mem>>
        tpu.wait_indirect_dma semaphore(%dma_wait3A_1836 : memref<!tpu.dma_semaphore, #tpu.memory_space<semaphore_mem>>) src(%dma_wait3A_1828 : memref<128x64xf32, #tpu.memory_space<vmem>>) dst(%dma_wait3A_1834 : memref<10000x64xf32, #tpu.memory_space<vmem_shared>>)
      } else {
      }
      %lt3A_1806 = arith.constant 78 : i32
      %lt3A_1807 = arith.cmpi slt, %add3A_1795, %lt3A_1806 : i32
      %convert_element_type3A_1808 = arith.extui %lt3A_1807 : i1 to i32
      %cond3A_1809 = arith.constant 0 : i32
      %cond3A_1810 = arith.cmpi ne, %convert_element_type3A_1808, %cond3A_1809 : i32
      scf.if %cond3A_1810 {
        %mul3A_1822 = arith.constant 128 : i32
        %mul3A_1823 = arith.muli %add3A_1795, %mul3A_1822 : i32
        %dma_start3A_1824 = arith.constant 4 : i32
        %dma_start3A_1825 = arith.constant 4 : i32
        %dma_start3A_1826 = arith.constant 0 : i32
        %dma_start3A_1827 = arith.constant 0 : i32
        %dma_start3A_1828 = tpu.memref_slice %arg11[%dma_start3A_1824, %dma_start3A_1826, %dma_start3A_1827] : memref<5x128x64xf32, #tpu.memory_space<vmem>> -> memref<1x128x64xf32, #tpu.memory_space<vmem>>
        %dma_start3A_1829 = tpu.memref_squeeze %dma_start3A_1828 : memref<1x128x64xf32, #tpu.memory_space<vmem>> -> memref<128x64xf32, #tpu.memory_space<vmem>>
        %dma_start3A_1830 = tpu.memref_slice %arg7[%mul3A_1823] : memref<10000xi32, #tpu.memory_space<vmem>> -> memref<128xi32, #tpu.memory_space<vmem>>
        %dma_start3A_1831 = arith.constant 0 : i32
        %dma_start3A_1832 = arith.constant 0 : i32
        %dma_start3A_1833 = tpu.memref_slice %arg2[%dma_start3A_1831, %dma_start3A_1832] : memref<10000x64xf32, #tpu.memory_space<hbm>> -> memref<10000x64xf32, #tpu.memory_space<hbm>>
        %dma_start3A_1834 = tpu.memref_slice %arg19[%dma_start3A_1825] : memref<5x!tpu.dma_semaphore, #tpu.memory_space<semaphore_mem>> -> memref<1x!tpu.dma_semaphore, #tpu.memory_space<semaphore_mem>>
        %dma_start3A_1835 = tpu.memref_squeeze %dma_start3A_1834 : memref<1x!tpu.dma_semaphore, #tpu.memory_space<semaphore_mem>> -> memref<!tpu.dma_semaphore, #tpu.memory_space<semaphore_mem>>
        tpu.enqueue_indirect_dma source(%dma_start3A_1833 : memref<10000x64xf32, #tpu.memory_space<hbm>>) target(%dma_start3A_1829 : memref<128x64xf32, #tpu.memory_space<vmem>>) offsets(%dma_start3A_1830 : memref<128xi32, #tpu.memory_space<vmem>>) semaphore(%dma_start3A_1835 : memref<!tpu.dma_semaphore, #tpu.memory_space<semaphore_mem>>)
        %mul3A_1836 = arith.constant 128 : i32
        %mul3A_1837 = arith.muli %add3A_1795, %mul3A_1836 : i32
        %add3A_1838 = arith.constant 0 : i32
        %add3A_1839 = arith.addi %mul3A_1837, %add3A_1838 : i32
        %get3A_1840 = arith.index_cast %add3A_1839 : i32 to index
        %get3A_1841 = tpu.vector_load %arg8[%get3A_1840] {strides = array<i32>} : memref<10000xi32, #tpu.memory_space<vmem>>, vector<16xi32>,
        %swap3A_1842 = arith.constant 4 : i32
        %swap3A_1843 = arith.index_cast %swap3A_1842 : i32 to index
        %swap3A_1844 = arith.constant 0 : index
        %swap3A_1845 = tpu.vector_load %arg9[%swap3A_1843, %swap3A_1844] {strides = array<i32>} : memref<5x128xi32, #tpu.memory_space<vmem>>, vector<16xi32>,
        tpu.vector_store %arg9[%swap3A_1843, %swap3A_1844], %get3A_1841 {strides = array<i32>} : memref<5x128xi32, #tpu.memory_space<vmem>>, vector<16xi32>,
        %shift_right_logical3A_1846 = arith.constant 4 : i32
        %shift_right_logical3A_1847 = vector.broadcast %shift_right_logical3A_1846 : i32 to vector<16xi32>
        %shift_right_logical3A_1848 = arith.shrui %get3A_1841, %shift_right_logical3A_1847 : vector<16xi32>
        %and3A_1849 = arith.constant 15 : i32
        %and3A_1850 = vector.broadcast %and3A_1849 : i32 to vector<16xi32>
        %and3A_1851 = arith.andi %get3A_1841, %and3A_1850 : vector<16xi32>
        tpu.vector_store_idx %arg14[%shift_right_logical3A_1848, %and3A_1851], %broadcast_in_dim3A_3 {add = true} : memref<640x16xf32, #tpu.memory_space<vmem>>[vector<16xi32>, vector<16xi32>], vector<16xf32>,
        %mul3A_1852 = arith.constant 128 : i32
        %mul3A_1853 = arith.muli %add3A_1795, %mul3A_1852 : i32
        %add3A_1854 = arith.constant 16 : i32
        %add3A_1855 = arith.addi %mul3A_1853, %add3A_1854 : i32
        %get3A_1856 = arith.index_cast %add3A_1855 : i32 to index
        %get3A_1857 = tpu.vector_load %arg8[%get3A_1856] {strides = array<i32>} : memref<10000xi32, #tpu.memory_space<vmem>>, vector<16xi32>,
        %swap3A_1858 = arith.constant 4 : i32
        %swap3A_1859 = arith.index_cast %swap3A_1858 : i32 to index
        %swap3A_1860 = arith.constant 16 : index
        %swap3A_1861 = tpu.vector_load %arg9[%swap3A_1859, %swap3A_1860] {strides = array<i32>} : memref<5x128xi32, #tpu.memory_space<vmem>>, vector<16xi32>,
        tpu.vector_store %arg9[%swap3A_1859, %swap3A_1860], %get3A_1857 {strides = array<i32>} : memref<5x128xi32, #tpu.memory_space<vmem>>, vector<16xi32>,
        %shift_right_logical3A_1862 = arith.constant 4 : i32
        %shift_right_logical3A_1863 = vector.broadcast %shift_right_logical3A_1862 : i32 to vector<16xi32>
        %shift_right_logical3A_1864 = arith.shrui %get3A_1857, %shift_right_logical3A_1863 : vector<16xi32>
        %and3A_1865 = arith.constant 15 : i32
        %and3A_1866 = vector.broadcast %and3A_1865 : i32 to vector<16xi32>
        %and3A_1867 = arith.andi %get3A_1857, %and3A_1866 : vector<16xi32>
        tpu.vector_store_idx %arg14[%shift_right_logical3A_1864, %and3A_1867], %broadcast_in_dim3A_3 {add = true} : memref<640x16xf32, #tpu.memory_space<vmem>>[vector<16xi32>, vector<16xi32>], vector<16xf32>,
        %mul3A_1868 = arith.constant 128 : i32
        %mul3A_1869 = arith.muli %add3A_1795, %mul3A_1868 : i32
        %add3A_1870 = arith.constant 32 : i32
        %add3A_1871 = arith.addi %mul3A_1869, %add3A_1870 : i32
        %get3A_1872 = arith.index_cast %add3A_1871 : i32 to index
        %get3A_1873 = tpu.vector_load %arg8[%get3A_1872] {strides = array<i32>} : memref<10000xi32, #tpu.memory_space<vmem>>, vector<16xi32>,
        %swap3A_1874 = arith.constant 4 : i32
        %swap3A_1875 = arith.index_cast %swap3A_1874 : i32 to index
        %swap3A_1876 = arith.constant 32 : index
        %swap3A_1877 = tpu.vector_load %arg9[%swap3A_1875, %swap3A_1876] {strides = array<i32>} : memref<5x128xi32, #tpu.memory_space<vmem>>, vector<16xi32>,
        tpu.vector_store %arg9[%swap3A_1875, %swap3A_1876], %get3A_1873 {strides = array<i32>} : memref<5x128xi32, #tpu.memory_space<vmem>>, vector<16xi32>,
        %shift_right_logical3A_1878 = arith.constant 4 : i32
        %shift_right_logical3A_1879 = vector.broadcast %shift_right_logical3A_1878 : i32 to vector<16xi32>
        %shift_right_logical3A_1880 = arith.shrui %get3A_1873, %shift_right_logical3A_1879 : vector<16xi32>
        %and3A_1881 = arith.constant 15 : i32
        %and3A_1882 = vector.broadcast %and3A_1881 : i32 to vector<16xi32>
        %and3A_1883 = arith.andi %get3A_1873, %and3A_1882 : vector<16xi32>
        tpu.vector_store_idx %arg14[%shift_right_logical3A_1880, %and3A_1883], %broadcast_in_dim3A_3 {add = true} : memref<640x16xf32, #tpu.memory_space<vmem>>[vector<16xi32>, vector<16xi32>], vector<16xf32>,
        %mul3A_1884 = arith.constant 128 : i32
        %mul3A_1885 = arith.muli %add3A_1795, %mul3A_1884 : i32
        %add3A_1886 = arith.constant 48 : i32
        %add3A_1887 = arith.addi %mul3A_1885, %add3A_1886 : i32
        %get3A_1888 = arith.index_cast %add3A_1887 : i32 to index
        %get3A_1889 = tpu.vector_load %arg8[%get3A_1888] {strides = array<i32>} : memref<10000xi32, #tpu.memory_space<vmem>>, vector<16xi32>,
        %swap3A_1890 = arith.constant 4 : i32
        %swap3A_1891 = arith.index_cast %swap3A_1890 : i32 to index
        %swap3A_1892 = arith.constant 48 : index
        %swap3A_1893 = tpu.vector_load %arg9[%swap3A_1891, %swap3A_1892] {strides = array<i32>} : memref<5x128xi32, #tpu.memory_space<vmem>>, vector<16xi32>,
        tpu.vector_store %arg9[%swap3A_1891, %swap3A_1892], %get3A_1889 {strides = array<i32>} : memref<5x128xi32, #tpu.memory_space<vmem>>, vector<16xi32>,
        %shift_right_logical3A_1894 = arith.constant 4 : i32
        %shift_right_logical3A_1895 = vector.broadcast %shift_right_logical3A_1894 : i32 to vector<16xi32>
        %shift_right_logical3A_1896 = arith.shrui %get3A_1889, %shift_right_logical3A_1895 : vector<16xi32>
        %and3A_1897 = arith.constant 15 : i32
        %and3A_1898 = vector.broadcast %and3A_1897 : i32 to vector<16xi32>
        %and3A_1899 = arith.andi %get3A_1889, %and3A_1898 : vector<16xi32>
        tpu.vector_store_idx %arg14[%shift_right_logical3A_1896, %and3A_1899], %broadcast_in_dim3A_3 {add = true} : memref<640x16xf32, #tpu.memory_space<vmem>>[vector<16xi32>, vector<16xi32>], vector<16xf32>,
        %mul3A_1900 = arith.constant 128 : i32
        %mul3A_1901 = arith.muli %add3A_1795, %mul3A_1900 : i32
        %add3A_1902 = arith.constant 64 : i32
        %add3A_1903 = arith.addi %mul3A_1901, %add3A_1902 : i32
        %get3A_1904 = arith.index_cast %add3A_1903 : i32 to index
        %get3A_1905 = tpu.vector_load %arg8[%get3A_1904] {strides = array<i32>} : memref<10000xi32, #tpu.memory_space<vmem>>, vector<16xi32>,
        %swap3A_1906 = arith.constant 4 : i32
        %swap3A_1907 = arith.index_cast %swap3A_1906 : i32 to index
        %swap3A_1908 = arith.constant 64 : index
        %swap3A_1909 = tpu.vector_load %arg9[%swap3A_1907, %swap3A_1908] {strides = array<i32>} : memref<5x128xi32, #tpu.memory_space<vmem>>, vector<16xi32>,
        tpu.vector_store %arg9[%swap3A_1907, %swap3A_1908], %get3A_1905 {strides = array<i32>} : memref<5x128xi32, #tpu.memory_space<vmem>>, vector<16xi32>,
        %shift_right_logical3A_1910 = arith.constant 4 : i32
        %shift_right_logical3A_1911 = vector.broadcast %shift_right_logical3A_1910 : i32 to vector<16xi32>
        %shift_right_logical3A_1912 = arith.shrui %get3A_1905, %shift_right_logical3A_1911 : vector<16xi32>
        %and3A_1913 = arith.constant 15 : i32
        %and3A_1914 = vector.broadcast %and3A_1913 : i32 to vector<16xi32>
        %and3A_1915 = arith.andi %get3A_1905, %and3A_1914 : vector<16xi32>
        tpu.vector_store_idx %arg14[%shift_right_logical3A_1912, %and3A_1915], %broadcast_in_dim3A_3 {add = true} : memref<640x16xf32, #tpu.memory_space<vmem>>[vector<16xi32>, vector<16xi32>], vector<16xf32>,
        %mul3A_1916 = arith.constant 128 : i32
        %mul3A_1917 = arith.muli %add3A_1795, %mul3A_1916 : i32
        %add3A_1918 = arith.constant 80 : i32
        %add3A_1919 = arith.addi %mul3A_1917, %add3A_1918 : i32
        %get3A_1920 = arith.index_cast %add3A_1919 : i32 to index
        %get3A_1921 = tpu.vector_load %arg8[%get3A_1920] {strides = array<i32>} : memref<10000xi32, #tpu.memory_space<vmem>>, vector<16xi32>,
        %swap3A_1922 = arith.constant 4 : i32
        %swap3A_1923 = arith.index_cast %swap3A_1922 : i32 to index
        %swap3A_1924 = arith.constant 80 : index
        %swap3A_1925 = tpu.vector_load %arg9[%swap3A_1923, %swap3A_1924] {strides = array<i32>} : memref<5x128xi32, #tpu.memory_space<vmem>>, vector<16xi32>,
        tpu.vector_store %arg9[%swap3A_1923, %swap3A_1924], %get3A_1921 {strides = array<i32>} : memref<5x128xi32, #tpu.memory_space<vmem>>, vector<16xi32>,
        %shift_right_logical3A_1926 = arith.constant 4 : i32
        %shift_right_logical3A_1927 = vector.broadcast %shift_right_logical3A_1926 : i32 to vector<16xi32>
        %shift_right_logical3A_1928 = arith.shrui %get3A_1921, %shift_right_logical3A_1927 : vector<16xi32>
        %and3A_1929 = arith.constant 15 : i32
        %and3A_1930 = vector.broadcast %and3A_1929 : i32 to vector<16xi32>
        %and3A_1931 = arith.andi %get3A_1921, %and3A_1930 : vector<16xi32>
        tpu.vector_store_idx %arg14[%shift_right_logical3A_1928, %and3A_1931], %broadcast_in_dim3A_3 {add = true} : memref<640x16xf32, #tpu.memory_space<vmem>>[vector<16xi32>, vector<16xi32>], vector<16xf32>,
        %mul3A_1932 = arith.constant 128 : i32
        %mul3A_1933 = arith.muli %add3A_1795, %mul3A_1932 : i32
        %add3A_1934 = arith.constant 96 : i32
        %add3A_1935 = arith.addi %mul3A_1933, %add3A_1934 : i32
        %get3A_1936 = arith.index_cast %add3A_1935 : i32 to index
        %get3A_1937 = tpu.vector_load %arg8[%get3A_1936] {strides = array<i32>} : memref<10000xi32, #tpu.memory_space<vmem>>, vector<16xi32>,
        %swap3A_1938 = arith.constant 4 : i32
        %swap3A_1939 = arith.index_cast %swap3A_1938 : i32 to index
        %swap3A_1940 = arith.constant 96 : index
        %swap3A_1941 = tpu.vector_load %arg9[%swap3A_1939, %swap3A_1940] {strides = array<i32>} : memref<5x128xi32, #tpu.memory_space<vmem>>, vector<16xi32>,
        tpu.vector_store %arg9[%swap3A_1939, %swap3A_1940], %get3A_1937 {strides = array<i32>} : memref<5x128xi32, #tpu.memory_space<vmem>>, vector<16xi32>,
        %shift_right_logical3A_1942 = arith.constant 4 : i32
        %shift_right_logical3A_1943 = vector.broadcast %shift_right_logical3A_1942 : i32 to vector<16xi32>
        %shift_right_logical3A_1944 = arith.shrui %get3A_1937, %shift_right_logical3A_1943 : vector<16xi32>
        %and3A_1945 = arith.constant 15 : i32
        %and3A_1946 = vector.broadcast %and3A_1945 : i32 to vector<16xi32>
        %and3A_1947 = arith.andi %get3A_1937, %and3A_1946 : vector<16xi32>
        tpu.vector_store_idx %arg14[%shift_right_logical3A_1944, %and3A_1947], %broadcast_in_dim3A_3 {add = true} : memref<640x16xf32, #tpu.memory_space<vmem>>[vector<16xi32>, vector<16xi32>], vector<16xf32>,
        %mul3A_1948 = arith.constant 128 : i32
        %mul3A_1949 = arith.muli %add3A_1795, %mul3A_1948 : i32
        %add3A_1950 = arith.constant 112 : i32
        %add3A_1951 = arith.addi %mul3A_1949, %add3A_1950 : i32
        %get3A_1952 = arith.index_cast %add3A_1951 : i32 to index
        %get3A_1953 = tpu.vector_load %arg8[%get3A_1952] {strides = array<i32>} : memref<10000xi32, #tpu.memory_space<vmem>>, vector<16xi32>,
        %swap3A_1954 = arith.constant 4 : i32
        %swap3A_1955 = arith.index_cast %swap3A_1954 : i32 to index
        %swap3A_1956 = arith.constant 112 : index
        %swap3A_1957 = tpu.vector_load %arg9[%swap3A_1955, %swap3A_1956] {strides = array<i32>} : memref<5x128xi32, #tpu.memory_space<vmem>>, vector<16xi32>,
        tpu.vector_store %arg9[%swap3A_1955, %swap3A_1956], %get3A_1953 {strides = array<i32>} : memref<5x128xi32, #tpu.memory_space<vmem>>, vector<16xi32>,
        %shift_right_logical3A_1958 = arith.constant 4 : i32
        %shift_right_logical3A_1959 = vector.broadcast %shift_right_logical3A_1958 : i32 to vector<16xi32>
        %shift_right_logical3A_1960 = arith.shrui %get3A_1953, %shift_right_logical3A_1959 : vector<16xi32>
        %and3A_1961 = arith.constant 15 : i32
        %and3A_1962 = vector.broadcast %and3A_1961 : i32 to vector<16xi32>
        %and3A_1963 = arith.andi %get3A_1953, %and3A_1962 : vector<16xi32>
        tpu.vector_store_idx %arg14[%shift_right_logical3A_1960, %and3A_1963], %broadcast_in_dim3A_3 {add = true} : memref<640x16xf32, #tpu.memory_space<vmem>>[vector<16xi32>, vector<16xi32>], vector<16xf32>,
      } else {
      }
      %ge3A_1811 = arith.constant 3 : i32
      %ge3A_1812 = arith.cmpi sge, %add3A_1795, %ge3A_1811 : i32
      %sub3A_1813 = arith.constant 3 : i32
      %sub3A_1814 = arith.subi %add3A_1795, %sub3A_1813 : i32
      %lt3A_1815 = arith.constant 78 : i32
      %lt3A_1816 = arith.cmpi slt, %sub3A_1814, %lt3A_1815 : i32
      %and3A_1817 = arith.andi %ge3A_1812, %lt3A_1816 : i1
      %convert_element_type3A_1818 = arith.extui %and3A_1817 : i1 to i32
      %cond3A_1819 = arith.constant 0 : i32
      %cond3A_1820 = arith.cmpi ne, %convert_element_type3A_1818, %cond3A_1819 : i32
      scf.if %cond3A_1820 {
        %sub3A_1822 = arith.constant 3 : i32
        %sub3A_1823 = arith.subi %add3A_1795, %sub3A_1822 : i32
        %mul3A_1824 = arith.constant 128 : i32
        %mul3A_1825 = arith.muli %sub3A_1823, %mul3A_1824 : i32
        %dma_wait3A_1826 = arith.constant 1 : i32
        %dma_wait3A_1827 = arith.constant 1 : i32
        %dma_wait3A_1828 = arith.constant 0 : i32
        %dma_wait3A_1829 = arith.constant 0 : i32
        %dma_wait3A_1830 = tpu.memref_slice %arg11[%dma_wait3A_1826, %dma_wait3A_1828, %dma_wait3A_1829] : memref<5x128x64xf32, #tpu.memory_space<vmem>> -> memref<1x128x64xf32, #tpu.memory_space<vmem>>
        %dma_wait3A_1831 = tpu.memref_squeeze %dma_wait3A_1830 : memref<1x128x64xf32, #tpu.memory_space<vmem>> -> memref<128x64xf32, #tpu.memory_space<vmem>>
        %dma_wait3A_1832 = tpu.memref_slice %arg7[%mul3A_1825] : memref<10000xi32, #tpu.memory_space<vmem>> -> memref<128xi32, #tpu.memory_space<vmem>>
        %dma_wait3A_1833 = arith.constant 0 : i32
        %dma_wait3A_1834 = arith.constant 0 : i32
        %dma_wait3A_1835 = tpu.memref_slice %arg2[%dma_wait3A_1833, %dma_wait3A_1834] : memref<10000x64xf32, #tpu.memory_space<hbm>> -> memref<10000x64xf32, #tpu.memory_space<hbm>>
        %dma_wait3A_1836 = tpu.memref_slice %arg19[%dma_wait3A_1827] : memref<5x!tpu.dma_semaphore, #tpu.memory_space<semaphore_mem>> -> memref<1x!tpu.dma_semaphore, #tpu.memory_space<semaphore_mem>>
        %dma_wait3A_1837 = tpu.memref_squeeze %dma_wait3A_1836 : memref<1x!tpu.dma_semaphore, #tpu.memory_space<semaphore_mem>> -> memref<!tpu.dma_semaphore, #tpu.memory_space<semaphore_mem>>
        tpu.wait_indirect_dma semaphore(%dma_wait3A_1837 : memref<!tpu.dma_semaphore, #tpu.memory_space<semaphore_mem>>) src(%dma_wait3A_1835 : memref<10000x64xf32, #tpu.memory_space<hbm>>) dst(%dma_wait3A_1831 : memref<128x64xf32, #tpu.memory_space<vmem>>)
        %dma_start3A_1838 = arith.constant 1 : i32
        %dma_start3A_1839 = arith.constant 1 : i32
        %dma_start3A_1840 = arith.constant 1 : i32
        %dma_start3A_1841 = arith.constant 0 : i32
        %dma_start3A_1842 = arith.constant 0 : i32
        %dma_start3A_1843 = tpu.memref_slice %arg11[%dma_start3A_1838, %dma_start3A_1841, %dma_start3A_1842] : memref<5x128x64xf32, #tpu.memory_space<vmem>> -> memref<1x128x64xf32, #tpu.memory_space<vmem>>
        %dma_start3A_1844 = tpu.memref_squeeze %dma_start3A_1843 : memref<1x128x64xf32, #tpu.memory_space<vmem>> -> memref<128x64xf32, #tpu.memory_space<vmem>>
        %dma_start3A_1845 = arith.constant 0 : i32
        %dma_start3A_1846 = tpu.memref_slice %arg9[%dma_start3A_1839, %dma_start3A_1845] : memref<5x128xi32, #tpu.memory_space<vmem>> -> memref<1x128xi32, #tpu.memory_space<vmem>>
        %dma_start3A_1847 = tpu.memref_squeeze %dma_start3A_1846 : memref<1x128xi32, #tpu.memory_space<vmem>> -> memref<128xi32, #tpu.memory_space<vmem>>
        %dma_start3A_1848 = arith.constant 0 : i32
        %dma_start3A_1849 = arith.constant 0 : i32
        %dma_start3A_1850 = tpu.memref_slice %arg17[%dma_start3A_1848, %dma_start3A_1849] : memref<10000x64xf32, #tpu.memory_space<vmem_shared>> -> memref<10000x64xf32, #tpu.memory_space<vmem_shared>>
        %dma_start3A_1851 = tpu.memref_slice %arg20[%dma_start3A_1840] : memref<5x!tpu.dma_semaphore, #tpu.memory_space<semaphore_mem>> -> memref<1x!tpu.dma_semaphore, #tpu.memory_space<semaphore_mem>>
        %dma_start3A_1852 = tpu.memref_squeeze %dma_start3A_1851 : memref<1x!tpu.dma_semaphore, #tpu.memory_space<semaphore_mem>> -> memref<!tpu.dma_semaphore, #tpu.memory_space<semaphore_mem>>
        tpu.enqueue_indirect_dma source(%dma_start3A_1844 : memref<128x64xf32, #tpu.memory_space<vmem>>) target(%dma_start3A_1850 : memref<10000x64xf32, #tpu.memory_space<vmem_shared>>) offsets(%dma_start3A_1847 : memref<128xi32, #tpu.memory_space<vmem>>) semaphore(%dma_start3A_1852 : memref<!tpu.dma_semaphore, #tpu.memory_space<semaphore_mem>>) {add = true}
      } else {
      }
      %scan3A_1821 = arith.constant 0 : i32
      scf.yield %scan3A_1821 : i32
    }
    %scan3A_1347 = arith.constant 17 : i32
    %dma_start3A_1348 = arith.constant 0 : i32
    %dma_start3A_1349 = arith.constant 9984 : i32
    %dma_start3A_1350 = tpu.memref_slice %arg7[%dma_start3A_1349] : memref<10000xi32, #tpu.memory_space<vmem>> -> memref<16xi32, #tpu.memory_space<vmem>>
    %dma_start3A_1351 = arith.constant 0 : i32
    %dma_start3A_1352 = arith.constant 0 : i32
    %dma_start3A_1353 = tpu.memref_slice %arg2[%dma_start3A_1351, %dma_start3A_1352] : memref<10000x64xf32, #tpu.memory_space<hbm>> -> memref<10000x64xf32, #tpu.memory_space<hbm>>
    %dma_start3A_1354 = tpu.memref_slice %arg19[%dma_start3A_1348] : memref<5x!tpu.dma_semaphore, #tpu.memory_space<semaphore_mem>> -> memref<1x!tpu.dma_semaphore, #tpu.memory_space<semaphore_mem>>
    %dma_start3A_1355 = tpu.memref_squeeze %dma_start3A_1354 : memref<1x!tpu.dma_semaphore, #tpu.memory_space<semaphore_mem>> -> memref<!tpu.dma_semaphore, #tpu.memory_space<semaphore_mem>>
    tpu.enqueue_indirect_dma source(%dma_start3A_1353 : memref<10000x64xf32, #tpu.memory_space<hbm>>) target(%arg12 : memref<16x64xf32, #tpu.memory_space<vmem>>) offsets(%dma_start3A_1350 : memref<16xi32, #tpu.memory_space<vmem>>) semaphore(%dma_start3A_1355 : memref<!tpu.dma_semaphore, #tpu.memory_space<semaphore_mem>>)
    %get3A = arith.constant 9984 : index
    %get3A_1356 = tpu.vector_load %arg8[%get3A] {strides = array<i32>} : memref<10000xi32, #tpu.memory_space<vmem>>, vector<16xi32>,
    %swap3A_1357 = arith.constant 0 : index
    %swap3A_1358 = tpu.vector_load %arg10[%swap3A_1357] {strides = array<i32>} : memref<16xi32, #tpu.memory_space<vmem>>, vector<16xi32>,
    tpu.vector_store %arg10[%swap3A_1357], %get3A_1356 {strides = array<i32>} : memref<16xi32, #tpu.memory_space<vmem>>, vector<16xi32>,
    %shift_right_logical3A = arith.constant 4 : i32
    %shift_right_logical3A_1359 = vector.broadcast %shift_right_logical3A : i32 to vector<16xi32>
    %shift_right_logical3A_1360 = arith.shrui %get3A_1356, %shift_right_logical3A_1359 : vector<16xi32>
    %and3A = arith.constant 15 : i32
    %and3A_1361 = vector.broadcast %and3A : i32 to vector<16xi32>
    %and3A_1362 = arith.andi %get3A_1356, %and3A_1361 : vector<16xi32>
    tpu.vector_store_idx %arg14[%shift_right_logical3A_1360, %and3A_1362], %broadcast_in_dim3A_3 {add = true} : memref<640x16xf32, #tpu.memory_space<vmem>>[vector<16xi32>, vector<16xi32>], vector<16xf32>,
    %dma_wait3A_1363 = arith.constant 0 : i32
    %dma_wait3A_1364 = arith.constant 9984 : i32
    %dma_wait3A_1365 = tpu.memref_slice %arg7[%dma_wait3A_1364] : memref<10000xi32, #tpu.memory_space<vmem>> -> memref<16xi32, #tpu.memory_space<vmem>>
    %dma_wait3A_1366 = arith.constant 0 : i32
    %dma_wait3A_1367 = arith.constant 0 : i32
    %dma_wait3A_1368 = tpu.memref_slice %arg2[%dma_wait3A_1366, %dma_wait3A_1367] : memref<10000x64xf32, #tpu.memory_space<hbm>> -> memref<10000x64xf32, #tpu.memory_space<hbm>>
    %dma_wait3A_1369 = tpu.memref_slice %arg19[%dma_wait3A_1363] : memref<5x!tpu.dma_semaphore, #tpu.memory_space<semaphore_mem>> -> memref<1x!tpu.dma_semaphore, #tpu.memory_space<semaphore_mem>>
    %dma_wait3A_1370 = tpu.memref_squeeze %dma_wait3A_1369 : memref<1x!tpu.dma_semaphore, #tpu.memory_space<semaphore_mem>> -> memref<!tpu.dma_semaphore, #tpu.memory_space<semaphore_mem>>
    tpu.wait_indirect_dma semaphore(%dma_wait3A_1370 : memref<!tpu.dma_semaphore, #tpu.memory_space<semaphore_mem>>) src(%dma_wait3A_1368 : memref<10000x64xf32, #tpu.memory_space<hbm>>) dst(%arg12 : memref<16x64xf32, #tpu.memory_space<vmem>>)
    "tpu.region"() ({
      %run_scoped3A_1679 = tpu.sem_alloc : memref<!tpu.dma_semaphore, #tpu.memory_space<semaphore_mem>>
      %dma_start3A_1680 = arith.constant 0 : i32
      %dma_start3A_1681 = arith.constant 0 : i32
      %dma_start3A_1682 = tpu.memref_slice %arg17[%dma_start3A_1680, %dma_start3A_1681] : memref<10000x64xf32, #tpu.memory_space<vmem_shared>> -> memref<10000x64xf32, #tpu.memory_space<vmem_shared>>
      tpu.enqueue_indirect_dma source(%arg12 : memref<16x64xf32, #tpu.memory_space<vmem>>) target(%dma_start3A_1682 : memref<10000x64xf32, #tpu.memory_space<vmem_shared>>) offsets(%arg10 : memref<16xi32, #tpu.memory_space<vmem>>) semaphore(%run_scoped3A_1679 : memref<!tpu.dma_semaphore, #tpu.memory_space<semaphore_mem>>) {add = true}
      %dma_wait3A_1683 = arith.constant 0 : i32
      %dma_wait3A_1684 = arith.constant 0 : i32
      %dma_wait3A_1685 = tpu.memref_slice %arg17[%dma_wait3A_1683, %dma_wait3A_1684] : memref<10000x64xf32, #tpu.memory_space<vmem_shared>> -> memref<10000x64xf32, #tpu.memory_space<vmem_shared>>
      tpu.wait_indirect_dma semaphore(%run_scoped3A_1679 : memref<!tpu.dma_semaphore, #tpu.memory_space<semaphore_mem>>) src(%arg12 : memref<16x64xf32, #tpu.memory_space<vmem>>) dst(%dma_wait3A_1685 : memref<10000x64xf32, #tpu.memory_space<vmem_shared>>)
      tpu.yield
    }) : () -> ()
    %run_scoped3A = arith.constant 0 : i32
    "tpu.region"() ({
      %run_scoped3A_1679 = tpu.sem_alloc : memref<!tpu.dma_semaphore, #tpu.memory_space<semaphore_mem>>
      %dma_start3A_1680 = arith.constant 0 : i32
      %dma_start3A_1681 = arith.constant 0 : i32
      %dma_start3A_1682 = tpu.memref_slice %arg14[%dma_start3A_1680, %dma_start3A_1681] : memref<640x16xf32, #tpu.memory_space<vmem>> -> memref<128x16xf32, #tpu.memory_space<vmem>>
      %dma_start3A_1683 = arith.constant 0 : i32
      %dma_start3A_1684 = tpu.memref_slice %arg15[%run_scoped3A, %dma_start3A_1683] : memref<5x128xi32, #tpu.memory_space<vmem>> -> memref<1x128xi32, #tpu.memory_space<vmem>>
      %dma_start3A_1685 = tpu.memref_squeeze %dma_start3A_1684 : memref<1x128xi32, #tpu.memory_space<vmem>> -> memref<128xi32, #tpu.memory_space<vmem>>
      %dma_start3A_1686 = arith.constant 0 : i32
      %dma_start3A_1687 = arith.constant 0 : i32
      %dma_start3A_1688 = tpu.memref_slice %arg18[%dma_start3A_1686, %dma_start3A_1687] : memref<640x16xf32, #tpu.memory_space<vmem_shared>> -> memref<640x16xf32, #tpu.memory_space<vmem_shared>>
      tpu.enqueue_indirect_dma source(%dma_start3A_1682 : memref<128x16xf32, #tpu.memory_space<vmem>>) target(%dma_start3A_1688 : memref<640x16xf32, #tpu.memory_space<vmem_shared>>) offsets(%dma_start3A_1685 : memref<128xi32, #tpu.memory_space<vmem>>) semaphore(%run_scoped3A_1679 : memref<!tpu.dma_semaphore, #tpu.memory_space<semaphore_mem>>) {add = true}
      %dma_wait3A_1689 = arith.constant 0 : i32
      %dma_wait3A_1690 = arith.constant 0 : i32
      %dma_wait3A_1691 = tpu.memref_slice %arg14[%dma_wait3A_1689, %dma_wait3A_1690] : memref<640x16xf32, #tpu.memory_space<vmem>> -> memref<128x16xf32, #tpu.memory_space<vmem>>
      %dma_wait3A_1692 = arith.constant 0 : i32
      %dma_wait3A_1693 = tpu.memref_slice %arg15[%run_scoped3A, %dma_wait3A_1692] : memref<5x128xi32, #tpu.memory_space<vmem>> -> memref<1x128xi32, #tpu.memory_space<vmem>>
      %dma_wait3A_1694 = tpu.memref_squeeze %dma_wait3A_1693 : memref<1x128xi32, #tpu.memory_space<vmem>> -> memref<128xi32, #tpu.memory_space<vmem>>
      %dma_wait3A_1695 = arith.constant 0 : i32
      %dma_wait3A_1696 = arith.constant 0 : i32
      %dma_wait3A_1697 = tpu.memref_slice %arg18[%dma_wait3A_1695, %dma_wait3A_1696] : memref<640x16xf32, #tpu.memory_space<vmem_shared>> -> memref<640x16xf32, #tpu.memory_space<vmem_shared>>
      tpu.wait_indirect_dma semaphore(%run_scoped3A_1679 : memref<!tpu.dma_semaphore, #tpu.memory_space<semaphore_mem>>) src(%dma_wait3A_1691 : memref<128x16xf32, #tpu.memory_space<vmem>>) dst(%dma_wait3A_1697 : memref<640x16xf32, #tpu.memory_space<vmem_shared>>)
      tpu.yield
    }) : () -> ()
    %run_scoped3A_1371 = arith.constant 1 : i32
    "tpu.region"() ({
      %run_scoped3A_1679 = tpu.sem_alloc : memref<!tpu.dma_semaphore, #tpu.memory_space<semaphore_mem>>
      %dma_start3A_1680 = arith.constant 128 : i32
      %dma_start3A_1681 = arith.constant 0 : i32
      %dma_start3A_1682 = tpu.memref_slice %arg14[%dma_start3A_1680, %dma_start3A_1681] : memref<640x16xf32, #tpu.memory_space<vmem>> -> memref<128x16xf32, #tpu.memory_space<vmem>>
      %dma_start3A_1683 = arith.constant 0 : i32
      %dma_start3A_1684 = tpu.memref_slice %arg15[%run_scoped3A_1371, %dma_start3A_1683] : memref<5x128xi32, #tpu.memory_space<vmem>> -> memref<1x128xi32, #tpu.memory_space<vmem>>
      %dma_start3A_1685 = tpu.memref_squeeze %dma_start3A_1684 : memref<1x128xi32, #tpu.memory_space<vmem>> -> memref<128xi32, #tpu.memory_space<vmem>>
      %dma_start3A_1686 = arith.constant 0 : i32
      %dma_start3A_1687 = arith.constant 0 : i32
      %dma_start3A_1688 = tpu.memref_slice %arg18[%dma_start3A_1686, %dma_start3A_1687] : memref<640x16xf32, #tpu.memory_space<vmem_shared>> -> memref<640x16xf32, #tpu.memory_space<vmem_shared>>
      tpu.enqueue_indirect_dma source(%dma_start3A_1682 : memref<128x16xf32, #tpu.memory_space<vmem>>) target(%dma_start3A_1688 : memref<640x16xf32, #tpu.memory_space<vmem_shared>>) offsets(%dma_start3A_1685 : memref<128xi32, #tpu.memory_space<vmem>>) semaphore(%run_scoped3A_1679 : memref<!tpu.dma_semaphore, #tpu.memory_space<semaphore_mem>>) {add = true}
      %dma_wait3A_1689 = arith.constant 128 : i32
      %dma_wait3A_1690 = arith.constant 0 : i32
      %dma_wait3A_1691 = tpu.memref_slice %arg14[%dma_wait3A_1689, %dma_wait3A_1690] : memref<640x16xf32, #tpu.memory_space<vmem>> -> memref<128x16xf32, #tpu.memory_space<vmem>>
      %dma_wait3A_1692 = arith.constant 0 : i32
      %dma_wait3A_1693 = tpu.memref_slice %arg15[%run_scoped3A_1371, %dma_wait3A_1692] : memref<5x128xi32, #tpu.memory_space<vmem>> -> memref<1x128xi32, #tpu.memory_space<vmem>>
      %dma_wait3A_1694 = tpu.memref_squeeze %dma_wait3A_1693 : memref<1x128xi32, #tpu.memory_space<vmem>> -> memref<128xi32, #tpu.memory_space<vmem>>
      %dma_wait3A_1695 = arith.constant 0 : i32
      %dma_wait3A_1696 = arith.constant 0 : i32
      %dma_wait3A_1697 = tpu.memref_slice %arg18[%dma_wait3A_1695, %dma_wait3A_1696] : memref<640x16xf32, #tpu.memory_space<vmem_shared>> -> memref<640x16xf32, #tpu.memory_space<vmem_shared>>
      tpu.wait_indirect_dma semaphore(%run_scoped3A_1679 : memref<!tpu.dma_semaphore, #tpu.memory_space<semaphore_mem>>) src(%dma_wait3A_1691 : memref<128x16xf32, #tpu.memory_space<vmem>>) dst(%dma_wait3A_1697 : memref<640x16xf32, #tpu.memory_space<vmem_shared>>)
      tpu.yield
    }) : () -> ()
    %run_scoped3A_1372 = arith.constant 2 : i32
    "tpu.region"() ({
      %run_scoped3A_1679 = tpu.sem_alloc : memref<!tpu.dma_semaphore, #tpu.memory_space<semaphore_mem>>
      %dma_start3A_1680 = arith.constant 256 : i32
      %dma_start3A_1681 = arith.constant 0 : i32
      %dma_start3A_1682 = tpu.memref_slice %arg14[%dma_start3A_1680, %dma_start3A_1681] : memref<640x16xf32, #tpu.memory_space<vmem>> -> memref<128x16xf32, #tpu.memory_space<vmem>>
      %dma_start3A_1683 = arith.constant 0 : i32
      %dma_start3A_1684 = tpu.memref_slice %arg15[%run_scoped3A_1372, %dma_start3A_1683] : memref<5x128xi32, #tpu.memory_space<vmem>> -> memref<1x128xi32, #tpu.memory_space<vmem>>
      %dma_start3A_1685 = tpu.memref_squeeze %dma_start3A_1684 : memref<1x128xi32, #tpu.memory_space<vmem>> -> memref<128xi32, #tpu.memory_space<vmem>>
      %dma_start3A_1686 = arith.constant 0 : i32
      %dma_start3A_1687 = arith.constant 0 : i32
      %dma_start3A_1688 = tpu.memref_slice %arg18[%dma_start3A_1686, %dma_start3A_1687] : memref<640x16xf32, #tpu.memory_space<vmem_shared>> -> memref<640x16xf32, #tpu.memory_space<vmem_shared>>
      tpu.enqueue_indirect_dma source(%dma_start3A_1682 : memref<128x16xf32, #tpu.memory_space<vmem>>) target(%dma_start3A_1688 : memref<640x16xf32, #tpu.memory_space<vmem_shared>>) offsets(%dma_start3A_1685 : memref<128xi32, #tpu.memory_space<vmem>>) semaphore(%run_scoped3A_1679 : memref<!tpu.dma_semaphore, #tpu.memory_space<semaphore_mem>>) {add = true}
      %dma_wait3A_1689 = arith.constant 256 : i32
      %dma_wait3A_1690 = arith.constant 0 : i32
      %dma_wait3A_1691 = tpu.memref_slice %arg14[%dma_wait3A_1689, %dma_wait3A_1690] : memref<640x16xf32, #tpu.memory_space<vmem>> -> memref<128x16xf32, #tpu.memory_space<vmem>>
      %dma_wait3A_1692 = arith.constant 0 : i32
      %dma_wait3A_1693 = tpu.memref_slice %arg15[%run_scoped3A_1372, %dma_wait3A_1692] : memref<5x128xi32, #tpu.memory_space<vmem>> -> memref<1x128xi32, #tpu.memory_space<vmem>>
      %dma_wait3A_1694 = tpu.memref_squeeze %dma_wait3A_1693 : memref<1x128xi32, #tpu.memory_space<vmem>> -> memref<128xi32, #tpu.memory_space<vmem>>
      %dma_wait3A_1695 = arith.constant 0 : i32
      %dma_wait3A_1696 = arith.constant 0 : i32
      %dma_wait3A_1697 = tpu.memref_slice %arg18[%dma_wait3A_1695, %dma_wait3A_1696] : memref<640x16xf32, #tpu.memory_space<vmem_shared>> -> memref<640x16xf32, #tpu.memory_space<vmem_shared>>
      tpu.wait_indirect_dma semaphore(%run_scoped3A_1679 : memref<!tpu.dma_semaphore, #tpu.memory_space<semaphore_mem>>) src(%dma_wait3A_1691 : memref<128x16xf32, #tpu.memory_space<vmem>>) dst(%dma_wait3A_1697 : memref<640x16xf32, #tpu.memory_space<vmem_shared>>)
      tpu.yield
    }) : () -> ()
    %run_scoped3A_1373 = arith.constant 3 : i32
    "tpu.region"() ({
      %run_scoped3A_1679 = tpu.sem_alloc : memref<!tpu.dma_semaphore, #tpu.memory_space<semaphore_mem>>
      %dma_start3A_1680 = arith.constant 384 : i32
      %dma_start3A_1681 = arith.constant 0 : i32
      %dma_start3A_1682 = tpu.memref_slice %arg14[%dma_start3A_1680, %dma_start3A_1681] : memref<640x16xf32, #tpu.memory_space<vmem>> -> memref<128x16xf32, #tpu.memory_space<vmem>>
      %dma_start3A_1683 = arith.constant 0 : i32
      %dma_start3A_1684 = tpu.memref_slice %arg15[%run_scoped3A_1373, %dma_start3A_1683] : memref<5x128xi32, #tpu.memory_space<vmem>> -> memref<1x128xi32, #tpu.memory_space<vmem>>
      %dma_start3A_1685 = tpu.memref_squeeze %dma_start3A_1684 : memref<1x128xi32, #tpu.memory_space<vmem>> -> memref<128xi32, #tpu.memory_space<vmem>>
      %dma_start3A_1686 = arith.constant 0 : i32
      %dma_start3A_1687 = arith.constant 0 : i32
      %dma_start3A_1688 = tpu.memref_slice %arg18[%dma_start3A_1686, %dma_start3A_1687] : memref<640x16xf32, #tpu.memory_space<vmem_shared>> -> memref<640x16xf32, #tpu.memory_space<vmem_shared>>
      tpu.enqueue_indirect_dma source(%dma_start3A_1682 : memref<128x16xf32, #tpu.memory_space<vmem>>) target(%dma_start3A_1688 : memref<640x16xf32, #tpu.memory_space<vmem_shared>>) offsets(%dma_start3A_1685 : memref<128xi32, #tpu.memory_space<vmem>>) semaphore(%run_scoped3A_1679 : memref<!tpu.dma_semaphore, #tpu.memory_space<semaphore_mem>>) {add = true}
      %dma_wait3A_1689 = arith.constant 384 : i32
      %dma_wait3A_1690 = arith.constant 0 : i32
      %dma_wait3A_1691 = tpu.memref_slice %arg14[%dma_wait3A_1689, %dma_wait3A_1690] : memref<640x16xf32, #tpu.memory_space<vmem>> -> memref<128x16xf32, #tpu.memory_space<vmem>>
      %dma_wait3A_1692 = arith.constant 0 : i32
      %dma_wait3A_1693 = tpu.memref_slice %arg15[%run_scoped3A_1373, %dma_wait3A_1692] : memref<5x128xi32, #tpu.memory_space<vmem>> -> memref<1x128xi32, #tpu.memory_space<vmem>>
      %dma_wait3A_1694 = tpu.memref_squeeze %dma_wait3A_1693 : memref<1x128xi32, #tpu.memory_space<vmem>> -> memref<128xi32, #tpu.memory_space<vmem>>
      %dma_wait3A_1695 = arith.constant 0 : i32
      %dma_wait3A_1696 = arith.constant 0 : i32
      %dma_wait3A_1697 = tpu.memref_slice %arg18[%dma_wait3A_1695, %dma_wait3A_1696] : memref<640x16xf32, #tpu.memory_space<vmem_shared>> -> memref<640x16xf32, #tpu.memory_space<vmem_shared>>
      tpu.wait_indirect_dma semaphore(%run_scoped3A_1679 : memref<!tpu.dma_semaphore, #tpu.memory_space<semaphore_mem>>) src(%dma_wait3A_1691 : memref<128x16xf32, #tpu.memory_space<vmem>>) dst(%dma_wait3A_1697 : memref<640x16xf32, #tpu.memory_space<vmem_shared>>)
      tpu.yield
    }) : () -> ()
    %run_scoped3A_1374 = arith.constant 4 : i32
    "tpu.region"() ({
      %run_scoped3A_1679 = tpu.sem_alloc : memref<!tpu.dma_semaphore, #tpu.memory_space<semaphore_mem>>
      %dma_start3A_1680 = arith.constant 512 : i32
      %dma_start3A_1681 = arith.constant 0 : i32
      %dma_start3A_1682 = tpu.memref_slice %arg14[%dma_start3A_1680, %dma_start3A_1681] : memref<640x16xf32, #tpu.memory_space<vmem>> -> memref<128x16xf32, #tpu.memory_space<vmem>>
      %dma_start3A_1683 = arith.constant 0 : i32
      %dma_start3A_1684 = tpu.memref_slice %arg15[%run_scoped3A_1374, %dma_start3A_1683] : memref<5x128xi32, #tpu.memory_space<vmem>> -> memref<1x128xi32, #tpu.memory_space<vmem>>
      %dma_start3A_1685 = tpu.memref_squeeze %dma_start3A_1684 : memref<1x128xi32, #tpu.memory_space<vmem>> -> memref<128xi32, #tpu.memory_space<vmem>>
      %dma_start3A_1686 = arith.constant 0 : i32
      %dma_start3A_1687 = arith.constant 0 : i32
      %dma_start3A_1688 = tpu.memref_slice %arg18[%dma_start3A_1686, %dma_start3A_1687] : memref<640x16xf32, #tpu.memory_space<vmem_shared>> -> memref<640x16xf32, #tpu.memory_space<vmem_shared>>
      tpu.enqueue_indirect_dma source(%dma_start3A_1682 : memref<128x16xf32, #tpu.memory_space<vmem>>) target(%dma_start3A_1688 : memref<640x16xf32, #tpu.memory_space<vmem_shared>>) offsets(%dma_start3A_1685 : memref<128xi32, #tpu.memory_space<vmem>>) semaphore(%run_scoped3A_1679 : memref<!tpu.dma_semaphore, #tpu.memory_space<semaphore_mem>>) {add = true}
      %dma_wait3A_1689 = arith.constant 512 : i32
      %dma_wait3A_1690 = arith.constant 0 : i32
      %dma_wait3A_1691 = tpu.memref_slice %arg14[%dma_wait3A_1689, %dma_wait3A_1690] : memref<640x16xf32, #tpu.memory_space<vmem>> -> memref<128x16xf32, #tpu.memory_space<vmem>>
      %dma_wait3A_1692 = arith.constant 0 : i32
      %dma_wait3A_1693 = tpu.memref_slice %arg15[%run_scoped3A_1374, %dma_wait3A_1692] : memref<5x128xi32, #tpu.memory_space<vmem>> -> memref<1x128xi32, #tpu.memory_space<vmem>>
      %dma_wait3A_1694 = tpu.memref_squeeze %dma_wait3A_1693 : memref<1x128xi32, #tpu.memory_space<vmem>> -> memref<128xi32, #tpu.memory_space<vmem>>
      %dma_wait3A_1695 = arith.constant 0 : i32
      %dma_wait3A_1696 = arith.constant 0 : i32
      %dma_wait3A_1697 = tpu.memref_slice %arg18[%dma_wait3A_1695, %dma_wait3A_1696] : memref<640x16xf32, #tpu.memory_space<vmem_shared>> -> memref<640x16xf32, #tpu.memory_space<vmem_shared>>
      tpu.wait_indirect_dma semaphore(%run_scoped3A_1679 : memref<!tpu.dma_semaphore, #tpu.memory_space<semaphore_mem>>) src(%dma_wait3A_1691 : memref<128x16xf32, #tpu.memory_space<vmem>>) dst(%dma_wait3A_1697 : memref<640x16xf32, #tpu.memory_space<vmem_shared>>)
      tpu.yield
    }) : () -> ()
    %barrier3A_1375 = arith.constant 0 : index
    tpu.barrier barrier_id(%barrier3A_1375)
    %scan3A_1376 = arith.constant 0 : i32
    %scan3A_1377 = arith.constant 0 : i32
    %scan3A_1378 = arith.constant 10 : i32
    %scan3A_1379 = arith.addi %scan3A_1377, %scan3A_1378 : i32
    %scan3A_1380 = arith.constant 1 : i32
    %scan3A_1381 = scf.for %scan3A_1679 = %scan3A_1377 to %scan3A_1379 step %scan3A_1380 iter_args(%scan3A_1680 = %scan3A_1376) -> (i32)  : i32 {
      %mul3A_1681 = arith.constant 16 : i32
      %mul3A_1682 = arith.muli %scan3A_1679, %mul3A_1681 : i32
      %add3A_1683 = arith.addi %mul3A_1682, %arg1 : i32
      %lt3A = arith.constant 156 : i32
      %lt3A_1684 = arith.cmpi slt, %add3A_1683, %lt3A : i32
      %convert_element_type3A = arith.extui %lt3A_1684 : i1 to i32
      %cond3A = arith.constant 0 : i32
      %cond3A_1685 = arith.cmpi ne, %convert_element_type3A, %cond3A : i32
      scf.if %cond3A_1685 {
        %mul3A_1691 = arith.constant 64 : i32
        %mul3A_1692 = arith.muli %add3A_1683, %mul3A_1691 : i32
        %mul3A_1693 = arith.constant 64 : i32
        %mul3A_1694 = arith.muli %add3A_1683, %mul3A_1693 : i32
        %mul3A_1695 = arith.constant 64 : i32
        %mul3A_1696 = arith.muli %arg0, %mul3A_1695 : i32
        %dma_start3A_1697 = arith.constant 0 : i32
        %dma_start3A_1698 = tpu.memref_slice %arg20[%dma_start3A_1697] : memref<5x!tpu.dma_semaphore, #tpu.memory_space<semaphore_mem>> -> memref<1x!tpu.dma_semaphore, #tpu.memory_space<semaphore_mem>>
        %dma_start3A_1699 = tpu.memref_squeeze %dma_start3A_1698 : memref<1x!tpu.dma_semaphore, #tpu.memory_space<semaphore_mem>> -> memref<!tpu.dma_semaphore, #tpu.memory_space<semaphore_mem>>
        %dma_start3A_1700 = tpu.memref_slice %arg5[%mul3A_1694, %mul3A_1696] : memref<10000x128xf32, #tpu.memory_space<hbm>> -> memref<64x64xf32, #tpu.memory_space<hbm>>
        %dma_start3A_1701 = arith.constant 0 : i32
        %dma_start3A_1702 = tpu.memref_slice %arg17[%mul3A_1692, %dma_start3A_1701] : memref<10000x64xf32, #tpu.memory_space<vmem_shared>> -> memref<64x64xf32, #tpu.memory_space<vmem_shared>>
        tpu.enqueue_dma source(%dma_start3A_1702 : memref<64x64xf32, #tpu.memory_space<vmem_shared>>) target(%dma_start3A_1700 : memref<64x64xf32, #tpu.memory_space<hbm>>) target_semaphore(%dma_start3A_1699 : memref<!tpu.dma_semaphore, #tpu.memory_space<semaphore_mem>>)
      } else {
      }
      %eq3A = arith.constant 156 : i32
      %eq3A_1686 = arith.cmpi eq, %add3A_1683, %eq3A : i32
      %convert_element_type3A_1687 = arith.extui %eq3A_1686 : i1 to i32
      %cond3A_1688 = arith.constant 0 : i32
      %cond3A_1689 = arith.cmpi ne, %convert_element_type3A_1687, %cond3A_1688 : i32
      scf.if %cond3A_1689 {
        %mul3A_1691 = arith.constant 64 : i32
        %mul3A_1692 = arith.muli %arg0, %mul3A_1691 : i32
        %dma_start3A_1693 = arith.constant 0 : i32
        %dma_start3A_1694 = tpu.memref_slice %arg20[%dma_start3A_1693] : memref<5x!tpu.dma_semaphore, #tpu.memory_space<semaphore_mem>> -> memref<1x!tpu.dma_semaphore, #tpu.memory_space<semaphore_mem>>
        %dma_start3A_1695 = tpu.memref_squeeze %dma_start3A_1694 : memref<1x!tpu.dma_semaphore, #tpu.memory_space<semaphore_mem>> -> memref<!tpu.dma_semaphore, #tpu.memory_space<semaphore_mem>>
        %dma_start3A_1696 = arith.constant 9984 : i32
        %dma_start3A_1697 = tpu.memref_slice %arg5[%dma_start3A_1696, %mul3A_1692] : memref<10000x128xf32, #tpu.memory_space<hbm>> -> memref<16x64xf32, #tpu.memory_space<hbm>>
        %dma_start3A_1698 = arith.constant 9984 : i32
        %dma_start3A_1699 = arith.constant 0 : i32
        %dma_start3A_1700 = tpu.memref_slice %arg17[%dma_start3A_1698, %dma_start3A_1699] : memref<10000x64xf32, #tpu.memory_space<vmem_shared>> -> memref<16x64xf32, #tpu.memory_space<vmem_shared>>
        tpu.enqueue_dma source(%dma_start3A_1700 : memref<16x64xf32, #tpu.memory_space<vmem_shared>>) target(%dma_start3A_1697 : memref<16x64xf32, #tpu.memory_space<hbm>>) target_semaphore(%dma_start3A_1695 : memref<!tpu.dma_semaphore, #tpu.memory_space<semaphore_mem>>)
      } else {
      }
      %scan3A_1690 = arith.constant 0 : i32
      scf.yield %scan3A_1690 : i32
    }
    %scan3A_1382 = arith.constant 10 : i32
    %scan3A_1383 = arith.constant 0 : i32
    %scan3A_1384 = arith.constant 0 : i32
    %scan3A_1385 = arith.constant 10 : i32
    %scan3A_1386 = arith.addi %scan3A_1384, %scan3A_1385 : i32
    %scan3A_1387 = arith.constant 1 : i32
    %scan3A_1388 = scf.for %scan3A_1679 = %scan3A_1384 to %scan3A_1386 step %scan3A_1387 iter_args(%scan3A_1680 = %scan3A_1383) -> (i32)  : i32 {
      %mul3A_1681 = arith.constant 16 : i32
      %mul3A_1682 = arith.muli %scan3A_1679, %mul3A_1681 : i32
      %add3A_1683 = arith.addi %mul3A_1682, %arg1 : i32
      %lt3A = arith.constant 156 : i32
      %lt3A_1684 = arith.cmpi slt, %add3A_1683, %lt3A : i32
      %convert_element_type3A = arith.extui %lt3A_1684 : i1 to i32
      %cond3A = arith.constant 0 : i32
      %cond3A_1685 = arith.cmpi ne, %convert_element_type3A, %cond3A : i32
      scf.if %cond3A_1685 {
        %mul3A_1691 = arith.constant 64 : i32
        %mul3A_1692 = arith.muli %add3A_1683, %mul3A_1691 : i32
        %mul3A_1693 = arith.constant 64 : i32
        %mul3A_1694 = arith.muli %add3A_1683, %mul3A_1693 : i32
        %mul3A_1695 = arith.constant 64 : i32
        %mul3A_1696 = arith.muli %arg0, %mul3A_1695 : i32
        %dma_wait3A_1697 = arith.constant 0 : i32
        %dma_wait3A_1698 = tpu.memref_slice %arg20[%dma_wait3A_1697] : memref<5x!tpu.dma_semaphore, #tpu.memory_space<semaphore_mem>> -> memref<1x!tpu.dma_semaphore, #tpu.memory_space<semaphore_mem>>
        %dma_wait3A_1699 = tpu.memref_squeeze %dma_wait3A_1698 : memref<1x!tpu.dma_semaphore, #tpu.memory_space<semaphore_mem>> -> memref<!tpu.dma_semaphore, #tpu.memory_space<semaphore_mem>>
        %dma_wait3A_1700 = tpu.memref_slice %arg5[%mul3A_1694, %mul3A_1696] : memref<10000x128xf32, #tpu.memory_space<hbm>> -> memref<64x64xf32, #tpu.memory_space<hbm>>
        %dma_wait3A_1701 = arith.constant 0 : i32
        %dma_wait3A_1702 = tpu.memref_slice %arg17[%mul3A_1692, %dma_wait3A_1701] : memref<10000x64xf32, #tpu.memory_space<vmem_shared>> -> memref<64x64xf32, #tpu.memory_space<vmem_shared>>
        tpu.wait_dma2 semaphore(%dma_wait3A_1699 : memref<!tpu.dma_semaphore, #tpu.memory_space<semaphore_mem>>) src(%dma_wait3A_1702 : memref<64x64xf32, #tpu.memory_space<vmem_shared>>) dst(%dma_wait3A_1700 : memref<64x64xf32, #tpu.memory_space<hbm>>)
      } else {
      }
      %eq3A = arith.constant 156 : i32
      %eq3A_1686 = arith.cmpi eq, %add3A_1683, %eq3A : i32
      %convert_element_type3A_1687 = arith.extui %eq3A_1686 : i1 to i32
      %cond3A_1688 = arith.constant 0 : i32
      %cond3A_1689 = arith.cmpi ne, %convert_element_type3A_1687, %cond3A_1688 : i32
      scf.if %cond3A_1689 {
        %mul3A_1691 = arith.constant 64 : i32
        %mul3A_1692 = arith.muli %arg0, %mul3A_1691 : i32
        %dma_wait3A_1693 = arith.constant 0 : i32
        %dma_wait3A_1694 = tpu.memref_slice %arg20[%dma_wait3A_1693] : memref<5x!tpu.dma_semaphore, #tpu.memory_space<semaphore_mem>> -> memref<1x!tpu.dma_semaphore, #tpu.memory_space<semaphore_mem>>
        %dma_wait3A_1695 = tpu.memref_squeeze %dma_wait3A_1694 : memref<1x!tpu.dma_semaphore, #tpu.memory_space<semaphore_mem>> -> memref<!tpu.dma_semaphore, #tpu.memory_space<semaphore_mem>>
        %dma_wait3A_1696 = arith.constant 9984 : i32
        %dma_wait3A_1697 = tpu.memref_slice %arg5[%dma_wait3A_1696, %mul3A_1692] : memref<10000x128xf32, #tpu.memory_space<hbm>> -> memref<16x64xf32, #tpu.memory_space<hbm>>
        %dma_wait3A_1698 = arith.constant 9984 : i32
        %dma_wait3A_1699 = arith.constant 0 : i32
        %dma_wait3A_1700 = tpu.memref_slice %arg17[%dma_wait3A_1698, %dma_wait3A_1699] : memref<10000x64xf32, #tpu.memory_space<vmem_shared>> -> memref<16x64xf32, #tpu.memory_space<vmem_shared>>
        tpu.wait_dma2 semaphore(%dma_wait3A_1695 : memref<!tpu.dma_semaphore, #tpu.memory_space<semaphore_mem>>) src(%dma_wait3A_1700 : memref<16x64xf32, #tpu.memory_space<vmem_shared>>) dst(%dma_wait3A_1697 : memref<16x64xf32, #tpu.memory_space<hbm>>)
      } else {
      }
      %scan3A_1690 = arith.constant 0 : i32
      scf.yield %scan3A_1690 : i32
    }
    %scan3A_1389 = arith.constant 10 : i32
    %mul3A_1390 = arith.constant 40 : i32
    %mul3A_1391 = arith.muli %arg1, %mul3A_1390 : i32
    "tpu.region"() ({
      %run_scoped3A_1679 = tpu.sem_alloc : memref<!tpu.dma_semaphore, #tpu.memory_space<semaphore_mem>>
      %dma_start3A_1680 = arith.constant 0 : i32
      %dma_start3A_1681 = arith.constant 0 : i32
      %dma_start3A_1682 = tpu.memref_slice %arg14[%dma_start3A_1680, %dma_start3A_1681] : memref<640x16xf32, #tpu.memory_space<vmem>> -> memref<40x16xf32, #tpu.memory_space<vmem>>
      %dma_start3A_1683 = arith.constant 0 : i32
      %dma_start3A_1684 = tpu.memref_slice %arg18[%mul3A_1391, %dma_start3A_1683] : memref<640x16xf32, #tpu.memory_space<vmem_shared>> -> memref<40x16xf32, #tpu.memory_space<vmem_shared>>
      %dma_start3A_1685 = arith.constant 0 : i32
      %dma_start3A_1686 = arith.constant 0 : i32
      %dma_start3A_1687 = tpu.memref_slice %arg14[%dma_start3A_1685, %dma_start3A_1686] : memref<640x16xf32, #tpu.memory_space<vmem>> -> memref<40x16xf32, #tpu.memory_space<vmem>>
      %dma_start3A_1688 = arith.constant 0 : i32
      %dma_start3A_1689 = tpu.memref_slice %arg18[%mul3A_1391, %dma_start3A_1688] : memref<640x16xf32, #tpu.memory_space<vmem_shared>> -> memref<40x16xf32, #tpu.memory_space<vmem_shared>>
      tpu.enqueue_dma source(%dma_start3A_1689 : memref<40x16xf32, #tpu.memory_space<vmem_shared>>) target(%dma_start3A_1687 : memref<40x16xf32, #tpu.memory_space<vmem>>) target_semaphore(%run_scoped3A_1679 : memref<!tpu.dma_semaphore, #tpu.memory_space<semaphore_mem>>)
      %dma_wait3A_1690 = arith.constant 0 : i32
      %dma_wait3A_1691 = arith.constant 0 : i32
      %dma_wait3A_1692 = tpu.memref_slice %arg14[%dma_wait3A_1690, %dma_wait3A_1691] : memref<640x16xf32, #tpu.memory_space<vmem>> -> memref<40x16xf32, #tpu.memory_space<vmem>>
      %dma_wait3A_1693 = arith.constant 0 : i32
      %dma_wait3A_1694 = tpu.memref_slice %arg18[%mul3A_1391, %dma_wait3A_1693] : memref<640x16xf32, #tpu.memory_space<vmem_shared>> -> memref<40x16xf32, #tpu.memory_space<vmem_shared>>
      %dma_wait3A_1695 = arith.constant 0 : i32
      %dma_wait3A_1696 = arith.constant 0 : i32
      %dma_wait3A_1697 = tpu.memref_slice %arg14[%dma_wait3A_1695, %dma_wait3A_1696] : memref<640x16xf32, #tpu.memory_space<vmem>> -> memref<40x16xf32, #tpu.memory_space<vmem>>
      %dma_wait3A_1698 = arith.constant 0 : i32
      %dma_wait3A_1699 = tpu.memref_slice %arg18[%mul3A_1391, %dma_wait3A_1698] : memref<640x16xf32, #tpu.memory_space<vmem_shared>> -> memref<40x16xf32, #tpu.memory_space<vmem_shared>>
      tpu.wait_dma2 semaphore(%run_scoped3A_1679 : memref<!tpu.dma_semaphore, #tpu.memory_space<semaphore_mem>>) src(%dma_wait3A_1699 : memref<40x16xf32, #tpu.memory_space<vmem_shared>>) dst(%dma_wait3A_1697 : memref<40x16xf32, #tpu.memory_space<vmem>>)
      tpu.yield
    }) : () -> ()
    %get3A_1392 = arith.constant 0 : i32
    %get3A_1393 = arith.index_cast %get3A_1392 : i32 to index
    %get3A_1394 = arith.constant 0 : index
    %get3A_1395 = tpu.vector_load %arg14[%get3A_1393, %get3A_1394] {strides = array<i32>} : memref<640x16xf32, #tpu.memory_space<vmem>>, vector<16xf32>,
    %add3A_1396 = arith.constant 0 : i32
    %add3A_1397 = vector.broadcast %add3A_1396 : i32 to vector<16xi32>
    %add3A_1398 = arith.addi %iota3A, %add3A_1397 : vector<16xi32>
    tpu.vector_store_idx %arg16[%add3A_1398, %broadcast_in_dim3A_5], %get3A_1395 : memref<640x16xf32, #tpu.memory_space<vmem>>[vector<16xi32>, vector<16xi32>], vector<16xf32>,
    %get3A_1399 = arith.constant 1 : i32
    %get3A_1400 = arith.index_cast %get3A_1399 : i32 to index
    %get3A_1401 = arith.constant 0 : index
    %get3A_1402 = tpu.vector_load %arg14[%get3A_1400, %get3A_1401] {strides = array<i32>} : memref<640x16xf32, #tpu.memory_space<vmem>>, vector<16xf32>,
    %add3A_1403 = arith.constant 16 : i32
    %add3A_1404 = vector.broadcast %add3A_1403 : i32 to vector<16xi32>
    %add3A_1405 = arith.addi %iota3A, %add3A_1404 : vector<16xi32>
    tpu.vector_store_idx %arg16[%add3A_1405, %broadcast_in_dim3A_5], %get3A_1402 : memref<640x16xf32, #tpu.memory_space<vmem>>[vector<16xi32>, vector<16xi32>], vector<16xf32>,
    %get3A_1406 = arith.constant 2 : i32
    %get3A_1407 = arith.index_cast %get3A_1406 : i32 to index
    %get3A_1408 = arith.constant 0 : index
    %get3A_1409 = tpu.vector_load %arg14[%get3A_1407, %get3A_1408] {strides = array<i32>} : memref<640x16xf32, #tpu.memory_space<vmem>>, vector<16xf32>,
    %add3A_1410 = arith.constant 32 : i32
    %add3A_1411 = vector.broadcast %add3A_1410 : i32 to vector<16xi32>
    %add3A_1412 = arith.addi %iota3A, %add3A_1411 : vector<16xi32>
    tpu.vector_store_idx %arg16[%add3A_1412, %broadcast_in_dim3A_5], %get3A_1409 : memref<640x16xf32, #tpu.memory_space<vmem>>[vector<16xi32>, vector<16xi32>], vector<16xf32>,
    %get3A_1413 = arith.constant 3 : i32
    %get3A_1414 = arith.index_cast %get3A_1413 : i32 to index
    %get3A_1415 = arith.constant 0 : index
    %get3A_1416 = tpu.vector_load %arg14[%get3A_1414, %get3A_1415] {strides = array<i32>} : memref<640x16xf32, #tpu.memory_space<vmem>>, vector<16xf32>,
    %add3A_1417 = arith.constant 48 : i32
    %add3A_1418 = vector.broadcast %add3A_1417 : i32 to vector<16xi32>
    %add3A_1419 = arith.addi %iota3A, %add3A_1418 : vector<16xi32>
    tpu.vector_store_idx %arg16[%add3A_1419, %broadcast_in_dim3A_5], %get3A_1416 : memref<640x16xf32, #tpu.memory_space<vmem>>[vector<16xi32>, vector<16xi32>], vector<16xf32>,
    %get3A_1420 = arith.constant 4 : i32
    %get3A_1421 = arith.index_cast %get3A_1420 : i32 to index
    %get3A_1422 = arith.constant 0 : index
    %get3A_1423 = tpu.vector_load %arg14[%get3A_1421, %get3A_1422] {strides = array<i32>} : memref<640x16xf32, #tpu.memory_space<vmem>>, vector<16xf32>,
    %add3A_1424 = arith.constant 64 : i32
    %add3A_1425 = vector.broadcast %add3A_1424 : i32 to vector<16xi32>
    %add3A_1426 = arith.addi %iota3A, %add3A_1425 : vector<16xi32>
    tpu.vector_store_idx %arg16[%add3A_1426, %broadcast_in_dim3A_5], %get3A_1423 : memref<640x16xf32, #tpu.memory_space<vmem>>[vector<16xi32>, vector<16xi32>], vector<16xf32>,
    %get3A_1427 = arith.constant 5 : i32
    %get3A_1428 = arith.index_cast %get3A_1427 : i32 to index
    %get3A_1429 = arith.constant 0 : index
    %get3A_1430 = tpu.vector_load %arg14[%get3A_1428, %get3A_1429] {strides = array<i32>} : memref<640x16xf32, #tpu.memory_space<vmem>>, vector<16xf32>,
    %add3A_1431 = arith.constant 80 : i32
    %add3A_1432 = vector.broadcast %add3A_1431 : i32 to vector<16xi32>
    %add3A_1433 = arith.addi %iota3A, %add3A_1432 : vector<16xi32>
    tpu.vector_store_idx %arg16[%add3A_1433, %broadcast_in_dim3A_5], %get3A_1430 : memref<640x16xf32, #tpu.memory_space<vmem>>[vector<16xi32>, vector<16xi32>], vector<16xf32>,
    %get3A_1434 = arith.constant 6 : i32
    %get3A_1435 = arith.index_cast %get3A_1434 : i32 to index
    %get3A_1436 = arith.constant 0 : index
    %get3A_1437 = tpu.vector_load %arg14[%get3A_1435, %get3A_1436] {strides = array<i32>} : memref<640x16xf32, #tpu.memory_space<vmem>>, vector<16xf32>,
    %add3A_1438 = arith.constant 96 : i32
    %add3A_1439 = vector.broadcast %add3A_1438 : i32 to vector<16xi32>
    %add3A_1440 = arith.addi %iota3A, %add3A_1439 : vector<16xi32>
    tpu.vector_store_idx %arg16[%add3A_1440, %broadcast_in_dim3A_5], %get3A_1437 : memref<640x16xf32, #tpu.memory_space<vmem>>[vector<16xi32>, vector<16xi32>], vector<16xf32>,
    %get3A_1441 = arith.constant 7 : i32
    %get3A_1442 = arith.index_cast %get3A_1441 : i32 to index
    %get3A_1443 = arith.constant 0 : index
    %get3A_1444 = tpu.vector_load %arg14[%get3A_1442, %get3A_1443] {strides = array<i32>} : memref<640x16xf32, #tpu.memory_space<vmem>>, vector<16xf32>,
    %add3A_1445 = arith.constant 112 : i32
    %add3A_1446 = vector.broadcast %add3A_1445 : i32 to vector<16xi32>
    %add3A_1447 = arith.addi %iota3A, %add3A_1446 : vector<16xi32>
    tpu.vector_store_idx %arg16[%add3A_1447, %broadcast_in_dim3A_5], %get3A_1444 : memref<640x16xf32, #tpu.memory_space<vmem>>[vector<16xi32>, vector<16xi32>], vector<16xf32>,
    %get3A_1448 = arith.constant 8 : i32
    %get3A_1449 = arith.index_cast %get3A_1448 : i32 to index
    %get3A_1450 = arith.constant 0 : index
    %get3A_1451 = tpu.vector_load %arg14[%get3A_1449, %get3A_1450] {strides = array<i32>} : memref<640x16xf32, #tpu.memory_space<vmem>>, vector<16xf32>,
    %add3A_1452 = arith.constant 128 : i32
    %add3A_1453 = vector.broadcast %add3A_1452 : i32 to vector<16xi32>
    %add3A_1454 = arith.addi %iota3A, %add3A_1453 : vector<16xi32>
    tpu.vector_store_idx %arg16[%add3A_1454, %broadcast_in_dim3A_5], %get3A_1451 : memref<640x16xf32, #tpu.memory_space<vmem>>[vector<16xi32>, vector<16xi32>], vector<16xf32>,
    %get3A_1455 = arith.constant 9 : i32
    %get3A_1456 = arith.index_cast %get3A_1455 : i32 to index
    %get3A_1457 = arith.constant 0 : index
    %get3A_1458 = tpu.vector_load %arg14[%get3A_1456, %get3A_1457] {strides = array<i32>} : memref<640x16xf32, #tpu.memory_space<vmem>>, vector<16xf32>,
    %add3A_1459 = arith.constant 144 : i32
    %add3A_1460 = vector.broadcast %add3A_1459 : i32 to vector<16xi32>
    %add3A_1461 = arith.addi %iota3A, %add3A_1460 : vector<16xi32>
    tpu.vector_store_idx %arg16[%add3A_1461, %broadcast_in_dim3A_5], %get3A_1458 : memref<640x16xf32, #tpu.memory_space<vmem>>[vector<16xi32>, vector<16xi32>], vector<16xf32>,
    %get3A_1462 = arith.constant 10 : i32
    %get3A_1463 = arith.index_cast %get3A_1462 : i32 to index
    %get3A_1464 = arith.constant 0 : index
    %get3A_1465 = tpu.vector_load %arg14[%get3A_1463, %get3A_1464] {strides = array<i32>} : memref<640x16xf32, #tpu.memory_space<vmem>>, vector<16xf32>,
    %add3A_1466 = arith.constant 160 : i32
    %add3A_1467 = vector.broadcast %add3A_1466 : i32 to vector<16xi32>
    %add3A_1468 = arith.addi %iota3A, %add3A_1467 : vector<16xi32>
    tpu.vector_store_idx %arg16[%add3A_1468, %broadcast_in_dim3A_5], %get3A_1465 : memref<640x16xf32, #tpu.memory_space<vmem>>[vector<16xi32>, vector<16xi32>], vector<16xf32>,
    %get3A_1469 = arith.constant 11 : i32
    %get3A_1470 = arith.index_cast %get3A_1469 : i32 to index
    %get3A_1471 = arith.constant 0 : index
    %get3A_1472 = tpu.vector_load %arg14[%get3A_1470, %get3A_1471] {strides = array<i32>} : memref<640x16xf32, #tpu.memory_space<vmem>>, vector<16xf32>,
    %add3A_1473 = arith.constant 176 : i32
    %add3A_1474 = vector.broadcast %add3A_1473 : i32 to vector<16xi32>
    %add3A_1475 = arith.addi %iota3A, %add3A_1474 : vector<16xi32>
    tpu.vector_store_idx %arg16[%add3A_1475, %broadcast_in_dim3A_5], %get3A_1472 : memref<640x16xf32, #tpu.memory_space<vmem>>[vector<16xi32>, vector<16xi32>], vector<16xf32>,
    %get3A_1476 = arith.constant 12 : i32
    %get3A_1477 = arith.index_cast %get3A_1476 : i32 to index
    %get3A_1478 = arith.constant 0 : index
    %get3A_1479 = tpu.vector_load %arg14[%get3A_1477, %get3A_1478] {strides = array<i32>} : memref<640x16xf32, #tpu.memory_space<vmem>>, vector<16xf32>,
    %add3A_1480 = arith.constant 192 : i32
    %add3A_1481 = vector.broadcast %add3A_1480 : i32 to vector<16xi32>
    %add3A_1482 = arith.addi %iota3A, %add3A_1481 : vector<16xi32>
    tpu.vector_store_idx %arg16[%add3A_1482, %broadcast_in_dim3A_5], %get3A_1479 : memref<640x16xf32, #tpu.memory_space<vmem>>[vector<16xi32>, vector<16xi32>], vector<16xf32>,
    %get3A_1483 = arith.constant 13 : i32
    %get3A_1484 = arith.index_cast %get3A_1483 : i32 to index
    %get3A_1485 = arith.constant 0 : index
    %get3A_1486 = tpu.vector_load %arg14[%get3A_1484, %get3A_1485] {strides = array<i32>} : memref<640x16xf32, #tpu.memory_space<vmem>>, vector<16xf32>,
    %add3A_1487 = arith.constant 208 : i32
    %add3A_1488 = vector.broadcast %add3A_1487 : i32 to vector<16xi32>
    %add3A_1489 = arith.addi %iota3A, %add3A_1488 : vector<16xi32>
    tpu.vector_store_idx %arg16[%add3A_1489, %broadcast_in_dim3A_5], %get3A_1486 : memref<640x16xf32, #tpu.memory_space<vmem>>[vector<16xi32>, vector<16xi32>], vector<16xf32>,
    %get3A_1490 = arith.constant 14 : i32
    %get3A_1491 = arith.index_cast %get3A_1490 : i32 to index
    %get3A_1492 = arith.constant 0 : index
    %get3A_1493 = tpu.vector_load %arg14[%get3A_1491, %get3A_1492] {strides = array<i32>} : memref<640x16xf32, #tpu.memory_space<vmem>>, vector<16xf32>,
    %add3A_1494 = arith.constant 224 : i32
    %add3A_1495 = vector.broadcast %add3A_1494 : i32 to vector<16xi32>
    %add3A_1496 = arith.addi %iota3A, %add3A_1495 : vector<16xi32>
    tpu.vector_store_idx %arg16[%add3A_1496, %broadcast_in_dim3A_5], %get3A_1493 : memref<640x16xf32, #tpu.memory_space<vmem>>[vector<16xi32>, vector<16xi32>], vector<16xf32>,
    %get3A_1497 = arith.constant 15 : i32
    %get3A_1498 = arith.index_cast %get3A_1497 : i32 to index
    %get3A_1499 = arith.constant 0 : index
    %get3A_1500 = tpu.vector_load %arg14[%get3A_1498, %get3A_1499] {strides = array<i32>} : memref<640x16xf32, #tpu.memory_space<vmem>>, vector<16xf32>,
    %add3A_1501 = arith.constant 240 : i32
    %add3A_1502 = vector.broadcast %add3A_1501 : i32 to vector<16xi32>
    %add3A_1503 = arith.addi %iota3A, %add3A_1502 : vector<16xi32>
    tpu.vector_store_idx %arg16[%add3A_1503, %broadcast_in_dim3A_5], %get3A_1500 : memref<640x16xf32, #tpu.memory_space<vmem>>[vector<16xi32>, vector<16xi32>], vector<16xf32>,
    %get3A_1504 = arith.constant 16 : i32
    %get3A_1505 = arith.index_cast %get3A_1504 : i32 to index
    %get3A_1506 = arith.constant 0 : index
    %get3A_1507 = tpu.vector_load %arg14[%get3A_1505, %get3A_1506] {strides = array<i32>} : memref<640x16xf32, #tpu.memory_space<vmem>>, vector<16xf32>,
    %add3A_1508 = arith.constant 256 : i32
    %add3A_1509 = vector.broadcast %add3A_1508 : i32 to vector<16xi32>
    %add3A_1510 = arith.addi %iota3A, %add3A_1509 : vector<16xi32>
    tpu.vector_store_idx %arg16[%add3A_1510, %broadcast_in_dim3A_5], %get3A_1507 : memref<640x16xf32, #tpu.memory_space<vmem>>[vector<16xi32>, vector<16xi32>], vector<16xf32>,
    %get3A_1511 = arith.constant 17 : i32
    %get3A_1512 = arith.index_cast %get3A_1511 : i32 to index
    %get3A_1513 = arith.constant 0 : index
    %get3A_1514 = tpu.vector_load %arg14[%get3A_1512, %get3A_1513] {strides = array<i32>} : memref<640x16xf32, #tpu.memory_space<vmem>>, vector<16xf32>,
    %add3A_1515 = arith.constant 272 : i32
    %add3A_1516 = vector.broadcast %add3A_1515 : i32 to vector<16xi32>
    %add3A_1517 = arith.addi %iota3A, %add3A_1516 : vector<16xi32>
    tpu.vector_store_idx %arg16[%add3A_1517, %broadcast_in_dim3A_5], %get3A_1514 : memref<640x16xf32, #tpu.memory_space<vmem>>[vector<16xi32>, vector<16xi32>], vector<16xf32>,
    %get3A_1518 = arith.constant 18 : i32
    %get3A_1519 = arith.index_cast %get3A_1518 : i32 to index
    %get3A_1520 = arith.constant 0 : index
    %get3A_1521 = tpu.vector_load %arg14[%get3A_1519, %get3A_1520] {strides = array<i32>} : memref<640x16xf32, #tpu.memory_space<vmem>>, vector<16xf32>,
    %add3A_1522 = arith.constant 288 : i32
    %add3A_1523 = vector.broadcast %add3A_1522 : i32 to vector<16xi32>
    %add3A_1524 = arith.addi %iota3A, %add3A_1523 : vector<16xi32>
    tpu.vector_store_idx %arg16[%add3A_1524, %broadcast_in_dim3A_5], %get3A_1521 : memref<640x16xf32, #tpu.memory_space<vmem>>[vector<16xi32>, vector<16xi32>], vector<16xf32>,
    %get3A_1525 = arith.constant 19 : i32
    %get3A_1526 = arith.index_cast %get3A_1525 : i32 to index
    %get3A_1527 = arith.constant 0 : index
    %get3A_1528 = tpu.vector_load %arg14[%get3A_1526, %get3A_1527] {strides = array<i32>} : memref<640x16xf32, #tpu.memory_space<vmem>>, vector<16xf32>,
    %add3A_1529 = arith.constant 304 : i32
    %add3A_1530 = vector.broadcast %add3A_1529 : i32 to vector<16xi32>
    %add3A_1531 = arith.addi %iota3A, %add3A_1530 : vector<16xi32>
    tpu.vector_store_idx %arg16[%add3A_1531, %broadcast_in_dim3A_5], %get3A_1528 : memref<640x16xf32, #tpu.memory_space<vmem>>[vector<16xi32>, vector<16xi32>], vector<16xf32>,
    %get3A_1532 = arith.constant 20 : i32
    %get3A_1533 = arith.index_cast %get3A_1532 : i32 to index
    %get3A_1534 = arith.constant 0 : index
    %get3A_1535 = tpu.vector_load %arg14[%get3A_1533, %get3A_1534] {strides = array<i32>} : memref<640x16xf32, #tpu.memory_space<vmem>>, vector<16xf32>,
    %add3A_1536 = arith.constant 320 : i32
    %add3A_1537 = vector.broadcast %add3A_1536 : i32 to vector<16xi32>
    %add3A_1538 = arith.addi %iota3A, %add3A_1537 : vector<16xi32>
    tpu.vector_store_idx %arg16[%add3A_1538, %broadcast_in_dim3A_5], %get3A_1535 : memref<640x16xf32, #tpu.memory_space<vmem>>[vector<16xi32>, vector<16xi32>], vector<16xf32>,
    %get3A_1539 = arith.constant 21 : i32
    %get3A_1540 = arith.index_cast %get3A_1539 : i32 to index
    %get3A_1541 = arith.constant 0 : index
    %get3A_1542 = tpu.vector_load %arg14[%get3A_1540, %get3A_1541] {strides = array<i32>} : memref<640x16xf32, #tpu.memory_space<vmem>>, vector<16xf32>,
    %add3A_1543 = arith.constant 336 : i32
    %add3A_1544 = vector.broadcast %add3A_1543 : i32 to vector<16xi32>
    %add3A_1545 = arith.addi %iota3A, %add3A_1544 : vector<16xi32>
    tpu.vector_store_idx %arg16[%add3A_1545, %broadcast_in_dim3A_5], %get3A_1542 : memref<640x16xf32, #tpu.memory_space<vmem>>[vector<16xi32>, vector<16xi32>], vector<16xf32>,
    %get3A_1546 = arith.constant 22 : i32
    %get3A_1547 = arith.index_cast %get3A_1546 : i32 to index
    %get3A_1548 = arith.constant 0 : index
    %get3A_1549 = tpu.vector_load %arg14[%get3A_1547, %get3A_1548] {strides = array<i32>} : memref<640x16xf32, #tpu.memory_space<vmem>>, vector<16xf32>,
    %add3A_1550 = arith.constant 352 : i32
    %add3A_1551 = vector.broadcast %add3A_1550 : i32 to vector<16xi32>
    %add3A_1552 = arith.addi %iota3A, %add3A_1551 : vector<16xi32>
    tpu.vector_store_idx %arg16[%add3A_1552, %broadcast_in_dim3A_5], %get3A_1549 : memref<640x16xf32, #tpu.memory_space<vmem>>[vector<16xi32>, vector<16xi32>], vector<16xf32>,
    %get3A_1553 = arith.constant 23 : i32
    %get3A_1554 = arith.index_cast %get3A_1553 : i32 to index
    %get3A_1555 = arith.constant 0 : index
    %get3A_1556 = tpu.vector_load %arg14[%get3A_1554, %get3A_1555] {strides = array<i32>} : memref<640x16xf32, #tpu.memory_space<vmem>>, vector<16xf32>,
    %add3A_1557 = arith.constant 368 : i32
    %add3A_1558 = vector.broadcast %add3A_1557 : i32 to vector<16xi32>
    %add3A_1559 = arith.addi %iota3A, %add3A_1558 : vector<16xi32>
    tpu.vector_store_idx %arg16[%add3A_1559, %broadcast_in_dim3A_5], %get3A_1556 : memref<640x16xf32, #tpu.memory_space<vmem>>[vector<16xi32>, vector<16xi32>], vector<16xf32>,
    %get3A_1560 = arith.constant 24 : i32
    %get3A_1561 = arith.index_cast %get3A_1560 : i32 to index
    %get3A_1562 = arith.constant 0 : index
    %get3A_1563 = tpu.vector_load %arg14[%get3A_1561, %get3A_1562] {strides = array<i32>} : memref<640x16xf32, #tpu.memory_space<vmem>>, vector<16xf32>,
    %add3A_1564 = arith.constant 384 : i32
    %add3A_1565 = vector.broadcast %add3A_1564 : i32 to vector<16xi32>
    %add3A_1566 = arith.addi %iota3A, %add3A_1565 : vector<16xi32>
    tpu.vector_store_idx %arg16[%add3A_1566, %broadcast_in_dim3A_5], %get3A_1563 : memref<640x16xf32, #tpu.memory_space<vmem>>[vector<16xi32>, vector<16xi32>], vector<16xf32>,
    %get3A_1567 = arith.constant 25 : i32
    %get3A_1568 = arith.index_cast %get3A_1567 : i32 to index
    %get3A_1569 = arith.constant 0 : index
    %get3A_1570 = tpu.vector_load %arg14[%get3A_1568, %get3A_1569] {strides = array<i32>} : memref<640x16xf32, #tpu.memory_space<vmem>>, vector<16xf32>,
    %add3A_1571 = arith.constant 400 : i32
    %add3A_1572 = vector.broadcast %add3A_1571 : i32 to vector<16xi32>
    %add3A_1573 = arith.addi %iota3A, %add3A_1572 : vector<16xi32>
    tpu.vector_store_idx %arg16[%add3A_1573, %broadcast_in_dim3A_5], %get3A_1570 : memref<640x16xf32, #tpu.memory_space<vmem>>[vector<16xi32>, vector<16xi32>], vector<16xf32>,
    %get3A_1574 = arith.constant 26 : i32
    %get3A_1575 = arith.index_cast %get3A_1574 : i32 to index
    %get3A_1576 = arith.constant 0 : index
    %get3A_1577 = tpu.vector_load %arg14[%get3A_1575, %get3A_1576] {strides = array<i32>} : memref<640x16xf32, #tpu.memory_space<vmem>>, vector<16xf32>,
    %add3A_1578 = arith.constant 416 : i32
    %add3A_1579 = vector.broadcast %add3A_1578 : i32 to vector<16xi32>
    %add3A_1580 = arith.addi %iota3A, %add3A_1579 : vector<16xi32>
    tpu.vector_store_idx %arg16[%add3A_1580, %broadcast_in_dim3A_5], %get3A_1577 : memref<640x16xf32, #tpu.memory_space<vmem>>[vector<16xi32>, vector<16xi32>], vector<16xf32>,
    %get3A_1581 = arith.constant 27 : i32
    %get3A_1582 = arith.index_cast %get3A_1581 : i32 to index
    %get3A_1583 = arith.constant 0 : index
    %get3A_1584 = tpu.vector_load %arg14[%get3A_1582, %get3A_1583] {strides = array<i32>} : memref<640x16xf32, #tpu.memory_space<vmem>>, vector<16xf32>,
    %add3A_1585 = arith.constant 432 : i32
    %add3A_1586 = vector.broadcast %add3A_1585 : i32 to vector<16xi32>
    %add3A_1587 = arith.addi %iota3A, %add3A_1586 : vector<16xi32>
    tpu.vector_store_idx %arg16[%add3A_1587, %broadcast_in_dim3A_5], %get3A_1584 : memref<640x16xf32, #tpu.memory_space<vmem>>[vector<16xi32>, vector<16xi32>], vector<16xf32>,
    %get3A_1588 = arith.constant 28 : i32
    %get3A_1589 = arith.index_cast %get3A_1588 : i32 to index
    %get3A_1590 = arith.constant 0 : index
    %get3A_1591 = tpu.vector_load %arg14[%get3A_1589, %get3A_1590] {strides = array<i32>} : memref<640x16xf32, #tpu.memory_space<vmem>>, vector<16xf32>,
    %add3A_1592 = arith.constant 448 : i32
    %add3A_1593 = vector.broadcast %add3A_1592 : i32 to vector<16xi32>
    %add3A_1594 = arith.addi %iota3A, %add3A_1593 : vector<16xi32>
    tpu.vector_store_idx %arg16[%add3A_1594, %broadcast_in_dim3A_5], %get3A_1591 : memref<640x16xf32, #tpu.memory_space<vmem>>[vector<16xi32>, vector<16xi32>], vector<16xf32>,
    %get3A_1595 = arith.constant 29 : i32
    %get3A_1596 = arith.index_cast %get3A_1595 : i32 to index
    %get3A_1597 = arith.constant 0 : index
    %get3A_1598 = tpu.vector_load %arg14[%get3A_1596, %get3A_1597] {strides = array<i32>} : memref<640x16xf32, #tpu.memory_space<vmem>>, vector<16xf32>,
    %add3A_1599 = arith.constant 464 : i32
    %add3A_1600 = vector.broadcast %add3A_1599 : i32 to vector<16xi32>
    %add3A_1601 = arith.addi %iota3A, %add3A_1600 : vector<16xi32>
    tpu.vector_store_idx %arg16[%add3A_1601, %broadcast_in_dim3A_5], %get3A_1598 : memref<640x16xf32, #tpu.memory_space<vmem>>[vector<16xi32>, vector<16xi32>], vector<16xf32>,
    %get3A_1602 = arith.constant 30 : i32
    %get3A_1603 = arith.index_cast %get3A_1602 : i32 to index
    %get3A_1604 = arith.constant 0 : index
    %get3A_1605 = tpu.vector_load %arg14[%get3A_1603, %get3A_1604] {strides = array<i32>} : memref<640x16xf32, #tpu.memory_space<vmem>>, vector<16xf32>,
    %add3A_1606 = arith.constant 480 : i32
    %add3A_1607 = vector.broadcast %add3A_1606 : i32 to vector<16xi32>
    %add3A_1608 = arith.addi %iota3A, %add3A_1607 : vector<16xi32>
    tpu.vector_store_idx %arg16[%add3A_1608, %broadcast_in_dim3A_5], %get3A_1605 : memref<640x16xf32, #tpu.memory_space<vmem>>[vector<16xi32>, vector<16xi32>], vector<16xf32>,
    %get3A_1609 = arith.constant 31 : i32
    %get3A_1610 = arith.index_cast %get3A_1609 : i32 to index
    %get3A_1611 = arith.constant 0 : index
    %get3A_1612 = tpu.vector_load %arg14[%get3A_1610, %get3A_1611] {strides = array<i32>} : memref<640x16xf32, #tpu.memory_space<vmem>>, vector<16xf32>,
    %add3A_1613 = arith.constant 496 : i32
    %add3A_1614 = vector.broadcast %add3A_1613 : i32 to vector<16xi32>
    %add3A_1615 = arith.addi %iota3A, %add3A_1614 : vector<16xi32>
    tpu.vector_store_idx %arg16[%add3A_1615, %broadcast_in_dim3A_5], %get3A_1612 : memref<640x16xf32, #tpu.memory_space<vmem>>[vector<16xi32>, vector<16xi32>], vector<16xf32>,
    %get3A_1616 = arith.constant 32 : i32
    %get3A_1617 = arith.index_cast %get3A_1616 : i32 to index
    %get3A_1618 = arith.constant 0 : index
    %get3A_1619 = tpu.vector_load %arg14[%get3A_1617, %get3A_1618] {strides = array<i32>} : memref<640x16xf32, #tpu.memory_space<vmem>>, vector<16xf32>,
    %add3A_1620 = arith.constant 512 : i32
    %add3A_1621 = vector.broadcast %add3A_1620 : i32 to vector<16xi32>
    %add3A_1622 = arith.addi %iota3A, %add3A_1621 : vector<16xi32>
    tpu.vector_store_idx %arg16[%add3A_1622, %broadcast_in_dim3A_5], %get3A_1619 : memref<640x16xf32, #tpu.memory_space<vmem>>[vector<16xi32>, vector<16xi32>], vector<16xf32>,
    %get3A_1623 = arith.constant 33 : i32
    %get3A_1624 = arith.index_cast %get3A_1623 : i32 to index
    %get3A_1625 = arith.constant 0 : index
    %get3A_1626 = tpu.vector_load %arg14[%get3A_1624, %get3A_1625] {strides = array<i32>} : memref<640x16xf32, #tpu.memory_space<vmem>>, vector<16xf32>,
    %add3A_1627 = arith.constant 528 : i32
    %add3A_1628 = vector.broadcast %add3A_1627 : i32 to vector<16xi32>
    %add3A_1629 = arith.addi %iota3A, %add3A_1628 : vector<16xi32>
    tpu.vector_store_idx %arg16[%add3A_1629, %broadcast_in_dim3A_5], %get3A_1626 : memref<640x16xf32, #tpu.memory_space<vmem>>[vector<16xi32>, vector<16xi32>], vector<16xf32>,
    %get3A_1630 = arith.constant 34 : i32
    %get3A_1631 = arith.index_cast %get3A_1630 : i32 to index
    %get3A_1632 = arith.constant 0 : index
    %get3A_1633 = tpu.vector_load %arg14[%get3A_1631, %get3A_1632] {strides = array<i32>} : memref<640x16xf32, #tpu.memory_space<vmem>>, vector<16xf32>,
    %add3A_1634 = arith.constant 544 : i32
    %add3A_1635 = vector.broadcast %add3A_1634 : i32 to vector<16xi32>
    %add3A_1636 = arith.addi %iota3A, %add3A_1635 : vector<16xi32>
    tpu.vector_store_idx %arg16[%add3A_1636, %broadcast_in_dim3A_5], %get3A_1633 : memref<640x16xf32, #tpu.memory_space<vmem>>[vector<16xi32>, vector<16xi32>], vector<16xf32>,
    %get3A_1637 = arith.constant 35 : i32
    %get3A_1638 = arith.index_cast %get3A_1637 : i32 to index
    %get3A_1639 = arith.constant 0 : index
    %get3A_1640 = tpu.vector_load %arg14[%get3A_1638, %get3A_1639] {strides = array<i32>} : memref<640x16xf32, #tpu.memory_space<vmem>>, vector<16xf32>,
    %add3A_1641 = arith.constant 560 : i32
    %add3A_1642 = vector.broadcast %add3A_1641 : i32 to vector<16xi32>
    %add3A_1643 = arith.addi %iota3A, %add3A_1642 : vector<16xi32>
    tpu.vector_store_idx %arg16[%add3A_1643, %broadcast_in_dim3A_5], %get3A_1640 : memref<640x16xf32, #tpu.memory_space<vmem>>[vector<16xi32>, vector<16xi32>], vector<16xf32>,
    %get3A_1644 = arith.constant 36 : i32
    %get3A_1645 = arith.index_cast %get3A_1644 : i32 to index
    %get3A_1646 = arith.constant 0 : index
    %get3A_1647 = tpu.vector_load %arg14[%get3A_1645, %get3A_1646] {strides = array<i32>} : memref<640x16xf32, #tpu.memory_space<vmem>>, vector<16xf32>,
    %add3A_1648 = arith.constant 576 : i32
    %add3A_1649 = vector.broadcast %add3A_1648 : i32 to vector<16xi32>
    %add3A_1650 = arith.addi %iota3A, %add3A_1649 : vector<16xi32>
    tpu.vector_store_idx %arg16[%add3A_1650, %broadcast_in_dim3A_5], %get3A_1647 : memref<640x16xf32, #tpu.memory_space<vmem>>[vector<16xi32>, vector<16xi32>], vector<16xf32>,
    %get3A_1651 = arith.constant 37 : i32
    %get3A_1652 = arith.index_cast %get3A_1651 : i32 to index
    %get3A_1653 = arith.constant 0 : index
    %get3A_1654 = tpu.vector_load %arg14[%get3A_1652, %get3A_1653] {strides = array<i32>} : memref<640x16xf32, #tpu.memory_space<vmem>>, vector<16xf32>,
    %add3A_1655 = arith.constant 592 : i32
    %add3A_1656 = vector.broadcast %add3A_1655 : i32 to vector<16xi32>
    %add3A_1657 = arith.addi %iota3A, %add3A_1656 : vector<16xi32>
    tpu.vector_store_idx %arg16[%add3A_1657, %broadcast_in_dim3A_5], %get3A_1654 : memref<640x16xf32, #tpu.memory_space<vmem>>[vector<16xi32>, vector<16xi32>], vector<16xf32>,
    %get3A_1658 = arith.constant 38 : i32
    %get3A_1659 = arith.index_cast %get3A_1658 : i32 to index
    %get3A_1660 = arith.constant 0 : index
    %get3A_1661 = tpu.vector_load %arg14[%get3A_1659, %get3A_1660] {strides = array<i32>} : memref<640x16xf32, #tpu.memory_space<vmem>>, vector<16xf32>,
    %add3A_1662 = arith.constant 608 : i32
    %add3A_1663 = vector.broadcast %add3A_1662 : i32 to vector<16xi32>
    %add3A_1664 = arith.addi %iota3A, %add3A_1663 : vector<16xi32>
    tpu.vector_store_idx %arg16[%add3A_1664, %broadcast_in_dim3A_5], %get3A_1661 : memref<640x16xf32, #tpu.memory_space<vmem>>[vector<16xi32>, vector<16xi32>], vector<16xf32>,
    %get3A_1665 = arith.constant 39 : i32
    %get3A_1666 = arith.index_cast %get3A_1665 : i32 to index
    %get3A_1667 = arith.constant 0 : index
    %get3A_1668 = tpu.vector_load %arg14[%get3A_1666, %get3A_1667] {strides = array<i32>} : memref<640x16xf32, #tpu.memory_space<vmem>>, vector<16xf32>,
    %add3A_1669 = arith.constant 624 : i32
    %add3A_1670 = vector.broadcast %add3A_1669 : i32 to vector<16xi32>
    %add3A_1671 = arith.addi %iota3A, %add3A_1670 : vector<16xi32>
    tpu.vector_store_idx %arg16[%add3A_1671, %broadcast_in_dim3A_5], %get3A_1668 : memref<640x16xf32, #tpu.memory_space<vmem>>[vector<16xi32>, vector<16xi32>], vector<16xf32>,
    %mul3A_1672 = arith.constant 16 : i32
    %mul3A_1673 = arith.muli %arg0, %mul3A_1672 : i32
    %add3A_1674 = arith.addi %mul3A_1673, %arg1 : i32
    %mul3A_1675 = arith.constant 40 : i32
    %mul3A_1676 = arith.muli %add3A_1674, %mul3A_1675 : i32
    %mul3A_1677 = arith.constant 16 : i32
    %mul3A_1678 = arith.muli %mul3A_1676, %mul3A_1677 : i32
    "tpu.region"() ({
      %run_scoped3A_1679 = tpu.sem_alloc : memref<!tpu.dma_semaphore, #tpu.memory_space<semaphore_mem>>
      %dma_start3A_1680 = arith.constant 0 : i32
      %dma_start3A_1681 = tpu.memref_slice %arg6[%mul3A_1678, %dma_start3A_1680] : memref<20480x16xf32, #tpu.memory_space<hbm>> -> memref<640x16xf32, #tpu.memory_space<hbm>>
      %dma_start3A_1682 = arith.constant 0 : i32
      %dma_start3A_1683 = tpu.memref_slice %arg6[%mul3A_1678, %dma_start3A_1682] : memref<20480x16xf32, #tpu.memory_space<hbm>> -> memref<640x16xf32, #tpu.memory_space<hbm>>
      tpu.enqueue_dma source(%arg16 : memref<640x16xf32, #tpu.memory_space<vmem>>) target(%dma_start3A_1683 : memref<640x16xf32, #tpu.memory_space<hbm>>) target_semaphore(%run_scoped3A_1679 : memref<!tpu.dma_semaphore, #tpu.memory_space<semaphore_mem>>)
      %dma_wait3A_1684 = arith.constant 0 : i32
      %dma_wait3A_1685 = tpu.memref_slice %arg6[%mul3A_1678, %dma_wait3A_1684] : memref<20480x16xf32, #tpu.memory_space<hbm>> -> memref<640x16xf32, #tpu.memory_space<hbm>>
      %dma_wait3A_1686 = arith.constant 0 : i32
      %dma_wait3A_1687 = tpu.memref_slice %arg6[%mul3A_1678, %dma_wait3A_1686] : memref<20480x16xf32, #tpu.memory_space<hbm>> -> memref<640x16xf32, #tpu.memory_space<hbm>>
      tpu.wait_dma2 semaphore(%run_scoped3A_1679 : memref<!tpu.dma_semaphore, #tpu.memory_space<semaphore_mem>>) src(%arg16 : memref<640x16xf32, #tpu.memory_space<vmem>>) dst(%dma_wait3A_1687 : memref<640x16xf32, #tpu.memory_space<hbm>>)
      tpu.yield
    }) : () -> ()
    return
  }
}

module attributes {stable_mosaic.version = 14 : i64} {
  func.func @_mm_body(%arg0: i32, %arg1: memref<2000x128xf32, #tpu.memory_space<vmem>>, %arg2: memref<256x64xf32, #tpu.memory_space<vmem>>, %arg3: memref<1x64xf32, #tpu.memory_space<vmem>>, %arg4: memref<2x64000xi32, #tpu.memory_space<vmem>>, %arg5: memref<2000x64xf32, #tpu.memory_space<vmem>>, %arg6: memref<2000x64xf32, #tpu.memory_space<vmem>>, %arg7: memref<320000xi32, #tpu.memory_space<vmem>>, %arg8: memref<320000xi32, #tpu.memory_space<vmem>>) attributes {dimension_semantics = [#tpu.dimension_semantics<arbitrary>], iteration_bounds = array<i64: 5>, scalar_prefetch = 0 : i64, scratch_operands = 0 : i64, tpu.core_type = #tpu.core_type<tc>, window_params = [{transform_indices = @transform_0, window_bounds = array<i64: 2000, 128>}, {pipeline_mode = #tpu.pipeline_mode<synchronous>, transform_indices = @transform_1, window_bounds = array<i64: 256, 64>}, {pipeline_mode = #tpu.pipeline_mode<synchronous>, transform_indices = @transform_2, window_bounds = array<i64: 1, 64>}, {transform_indices = @transform_3, window_bounds = array<i64: 2, 64000>}, {transform_indices = @transform_4, window_bounds = array<i64: 2000, 64>}, {transform_indices = @transform_5, window_bounds = array<i64: 2000, 64>}, {pipeline_mode = #tpu.pipeline_mode<synchronous>, transform_indices = @transform_6, window_bounds = array<i64: 320000>}, {pipeline_mode = #tpu.pipeline_mode<synchronous>, transform_indices = @transform_7, window_bounds = array<i64: 320000>}]} {
    %get3A = arith.constant 0 : index
    %get3A_0 = arith.constant 0 : index
    %get3A_1 = vector.load %arg1[%get3A, %get3A_0] : memref<2000x128xf32, #tpu.memory_space<vmem>>, vector<2000x128xf32>
    %get3A_2 = arith.constant 0 : index
    %get3A_3 = arith.constant 0 : index
    %get3A_4 = vector.load %arg2[%get3A_2, %get3A_3] : memref<256x64xf32, #tpu.memory_space<vmem>>, vector<256x64xf32>
    %slice3A = vector.extract_strided_slice %get3A_4 {offsets = [0, 0], sizes = [128, 64], strides = [1, 1]} : vector<256x64xf32> to vector<128x64xf32>
    %dot_general3A = arith.constant dense<0.000000e+00> : vector<2000x64xf32>
    %dot_general3A_5 = tpu.matmul %get3A_1, %slice3A, %dot_general3A {dimension_numbers = #tpu.dot_dimension_numbers<[1], [0], [0], [1], [0, 0, 1, 1], [], []>, transpose_lhs_hint = false} : vector<2000x128xf32>, vector<128x64xf32>, vector<2000x64xf32> -> vector<2000x64xf32>
    %get3A_6 = arith.constant 0 : index
    %get3A_7 = arith.constant 0 : index
    %get3A_8 = vector.load %arg3[%get3A_6, %get3A_7] : memref<1x64xf32, #tpu.memory_space<vmem>>, vector<1x64xf32>
    %add3A = vector.broadcast %get3A_8 : vector<1x64xf32> to vector<2000x64xf32>
    %add3A_9 = arith.addf %dot_general3A_5, %add3A : vector<2000x64xf32>
    %swap3A = arith.constant 0 : index
    %swap3A_10 = arith.constant 0 : index
    %swap3A_11 = vector.load %arg5[%swap3A, %swap3A_10] : memref<2000x64xf32, #tpu.memory_space<vmem>>, vector<2000x64xf32>
    tpu.vector_store %arg5[%swap3A, %swap3A_10], %add3A_9 {strides = array<i32>} : memref<2000x64xf32, #tpu.memory_space<vmem>>, vector<2000x64xf32>,
    %slice3A_12 = vector.extract_strided_slice %get3A_4 {offsets = [128, 0], sizes = [128, 64], strides = [1, 1]} : vector<256x64xf32> to vector<128x64xf32>
    %dot_general3A_13 = arith.constant dense<0.000000e+00> : vector<2000x64xf32>
    %dot_general3A_14 = tpu.matmul %get3A_1, %slice3A_12, %dot_general3A_13 {dimension_numbers = #tpu.dot_dimension_numbers<[1], [0], [0], [1], [0, 0, 1, 1], [], []>, transpose_lhs_hint = false} : vector<2000x128xf32>, vector<128x64xf32>, vector<2000x64xf32> -> vector<2000x64xf32>
    %swap3A_15 = arith.constant 0 : index
    %swap3A_16 = arith.constant 0 : index
    %swap3A_17 = vector.load %arg6[%swap3A_15, %swap3A_16] : memref<2000x64xf32, #tpu.memory_space<vmem>>, vector<2000x64xf32>
    tpu.vector_store %arg6[%swap3A_15, %swap3A_16], %dot_general3A_14 {strides = array<i32>} : memref<2000x64xf32, #tpu.memory_space<vmem>>, vector<2000x64xf32>,
    %get3A_18 = arith.constant 0 : index
    %get3A_19 = arith.constant 0 : index
    %get3A_20 = vector.load %arg4[%get3A_18, %get3A_19] : memref<2x64000xi32, #tpu.memory_space<vmem>>, vector<2x64000xi32>
    %slice3A_21 = vector.extract_strided_slice %get3A_20 {offsets = [0, 0], sizes = [1, 64000], strides = [1, 1]} : vector<2x64000xi32> to vector<1x64000xi32>
    %squeeze3A = vector.shape_cast %slice3A_21 : vector<1x64000xi32> to vector<64000xi32>
    %mul3A = arith.constant 64000 : i32
    %mul3A_22 = arith.muli %arg0, %mul3A : i32
    %swap3A_23 = arith.index_cast %mul3A_22 : i32 to index
    %swap3A_24 = vector.load %arg7[%swap3A_23] : memref<320000xi32, #tpu.memory_space<vmem>>, vector<64000xi32>
    tpu.vector_store %arg7[%swap3A_23], %squeeze3A {strides = array<i32>} : memref<320000xi32, #tpu.memory_space<vmem>>, vector<64000xi32>,
    %slice3A_25 = vector.extract_strided_slice %get3A_20 {offsets = [1, 0], sizes = [1, 64000], strides = [1, 1]} : vector<2x64000xi32> to vector<1x64000xi32>
    %squeeze3A_26 = vector.shape_cast %slice3A_25 : vector<1x64000xi32> to vector<64000xi32>
    %mul3A_27 = arith.constant 64000 : i32
    %mul3A_28 = arith.muli %arg0, %mul3A_27 : i32
    %swap3A_29 = arith.index_cast %mul3A_28 : i32 to index
    %swap3A_30 = vector.load %arg8[%swap3A_29] : memref<320000xi32, #tpu.memory_space<vmem>>, vector<64000xi32>
    tpu.vector_store %arg8[%swap3A_29], %squeeze3A_26 {strides = array<i32>} : memref<320000xi32, #tpu.memory_space<vmem>>, vector<64000xi32>,
    return
  }
  func.func @transform_0(%arg0: i32) -> (i32, i32) {
    %c0_i32 = arith.constant 0 : i32
    %c0_i32_0 = arith.constant 0 : i32
    return %arg0, %c0_i32 : i32, i32
  }
  func.func @transform_1(%arg0: i32) -> (i32, i32) {
    %c0_i32 = arith.constant 0 : i32
    %c0_i32_0 = arith.constant 0 : i32
    %c0_i32_1 = arith.constant 0 : i32
    return %c0_i32, %c0_i32_0 : i32, i32
  }
  func.func @transform_2(%arg0: i32) -> (i32, i32) {
    %c0_i32 = arith.constant 0 : i32
    %c0_i32_0 = arith.constant 0 : i32
    %c0_i32_1 = arith.constant 0 : i32
    return %c0_i32, %c0_i32_0 : i32, i32
  }
  func.func @transform_3(%arg0: i32) -> (i32, i32) {
    %c0_i32 = arith.constant 0 : i32
    %c0_i32_0 = arith.constant 0 : i32
    return %c0_i32, %arg0 : i32, i32
  }
  func.func @transform_4(%arg0: i32) -> (i32, i32) {
    %c0_i32 = arith.constant 0 : i32
    %c0_i32_0 = arith.constant 0 : i32
    return %arg0, %c0_i32 : i32, i32
  }
  func.func @transform_5(%arg0: i32) -> (i32, i32) {
    %c0_i32 = arith.constant 0 : i32
    %c0_i32_0 = arith.constant 0 : i32
    return %arg0, %c0_i32 : i32, i32
  }
  func.func @transform_6(%arg0: i32) -> i32 {
    %c0_i32 = arith.constant 0 : i32
    %c0_i32_0 = arith.constant 0 : i32
    return %c0_i32 : i32
  }
  func.func @transform_7(%arg0: i32) -> i32 {
    %c0_i32 = arith.constant 0 : i32
    %c0_i32_0 = arith.constant 0 : i32
    return %c0_i32 : i32
  }
}

module attributes {stable_mosaic.version = 14 : i64} {
  func.func @_fin_body(%arg0: i32, %arg1: memref<2000x64xf32, #tpu.memory_space<vmem>>, %arg2: memref<2000x128xf32, #tpu.memory_space<vmem>>, %arg3: memref<1x2000x16xf32, #tpu.memory_space<vmem>>, %arg4: memref<1x2000x16xf32, #tpu.memory_space<vmem>>, %arg5: memref<64x19xf32, #tpu.memory_space<vmem>>, %arg6: memref<1x19xf32, #tpu.memory_space<vmem>>, %arg7: memref<1x19xf32, #tpu.memory_space<vmem>>, %arg8: memref<1x64xf32, #tpu.memory_space<vmem>>) attributes {dimension_semantics = [#tpu.dimension_semantics<arbitrary>], iteration_bounds = array<i64: 5>, scalar_prefetch = 0 : i64, scratch_operands = 1 : i64, tpu.core_type = #tpu.core_type<tc>, window_params = [{transform_indices = @transform_0, window_bounds = array<i64: 2000, 64>}, {transform_indices = @transform_1, window_bounds = array<i64: 2000, 128>}, {transform_indices = @transform_2, window_bounds = array<i64: 1, 2000, 16>}, {transform_indices = @transform_3, window_bounds = array<i64: 1, 2000, 16>}, {pipeline_mode = #tpu.pipeline_mode<synchronous>, transform_indices = @transform_4, window_bounds = array<i64: 64, 19>}, {pipeline_mode = #tpu.pipeline_mode<synchronous>, transform_indices = @transform_5, window_bounds = array<i64: 1, 19>}, {pipeline_mode = #tpu.pipeline_mode<synchronous>, transform_indices = @transform_6, window_bounds = array<i64: 1, 19>}]} {
    %get3A = arith.constant 0 : index
    %get3A_0 = arith.constant 0 : index
    %get3A_1 = vector.load %arg2[%get3A, %get3A_0] : memref<2000x128xf32, #tpu.memory_space<vmem>>, vector<2000x128xf32>
    %slice3A = vector.extract_strided_slice %get3A_1 {offsets = [0, 0], sizes = [2000, 64], strides = [1, 1]} : vector<2000x128xf32> to vector<2000x64xf32>
    %slice3A_2 = vector.extract_strided_slice %get3A_1 {offsets = [0, 64], sizes = [2000, 64], strides = [1, 1]} : vector<2000x128xf32> to vector<2000x64xf32>
    %add3A = arith.addf %slice3A, %slice3A_2 : vector<2000x64xf32>
    %get3A_3 = arith.constant 0 : index
    %get3A_4 = arith.constant 0 : index
    %get3A_5 = arith.constant 0 : index
    %get3A_6 = vector.load %arg3[%get3A_3, %get3A_4, %get3A_5] : memref<1x2000x16xf32, #tpu.memory_space<vmem>>, vector<1x2000x16xf32>
    %get3A_7 = vector.shape_cast %get3A_6 : vector<1x2000x16xf32> to vector<2000x16xf32>
    %slice3A_8 = vector.extract_strided_slice %get3A_7 {offsets = [0, 0], sizes = [2000, 1], strides = [1, 1]} : vector<2000x16xf32> to vector<2000x1xf32>
    %get3A_9 = arith.constant 0 : index
    %get3A_10 = arith.constant 0 : index
    %get3A_11 = arith.constant 0 : index
    %get3A_12 = vector.load %arg4[%get3A_9, %get3A_10, %get3A_11] : memref<1x2000x16xf32, #tpu.memory_space<vmem>>, vector<1x2000x16xf32>
    %get3A_13 = vector.shape_cast %get3A_12 : vector<1x2000x16xf32> to vector<2000x16xf32>
    %slice3A_14 = vector.extract_strided_slice %get3A_13 {offsets = [0, 0], sizes = [2000, 1], strides = [1, 1]} : vector<2000x16xf32> to vector<2000x1xf32>
    %add3A_15 = arith.addf %slice3A_8, %slice3A_14 : vector<2000x1xf32>
    %get3A_16 = arith.constant 0 : index
    %get3A_17 = arith.constant 0 : index
    %get3A_18 = vector.load %arg1[%get3A_16, %get3A_17] : memref<2000x64xf32, #tpu.memory_space<vmem>>, vector<2000x64xf32>
    %max3A = arith.constant 1.000000e+00 : f32
    %max3A_19 = vector.broadcast %max3A : f32 to vector<2000x1xf32>
    %max3A_20 = arith.maximumf %add3A_15, %max3A_19 : vector<2000x1xf32>
    %div3A = vector.broadcast %max3A_20 : vector<2000x1xf32> to vector<2000x64xf32>
    %div3A_21 = arith.divf %add3A, %div3A : vector<2000x64xf32>
    %add3A_22 = arith.addf %get3A_18, %div3A_21 : vector<2000x64xf32>
    %mul3A = arith.mulf %add3A_22, %add3A_22 : vector<2000x64xf32>
    %reduce_sum3A = arith.constant dense<0.000000e+00> : vector<2000xf32>
    %reduce_sum3A_23 = vector.multi_reduction <add>, %mul3A, %reduce_sum3A [1] : vector<2000x64xf32> to vector<2000xf32>
    %broadcast_in_dim3A = vector.shape_cast %reduce_sum3A_23 : vector<2000xf32> to vector<2000x1xf32>
    %max3A_24 = arith.constant 9.99999996E-13 : f32
    %max3A_25 = vector.broadcast %max3A_24 : f32 to vector<2000x1xf32>
    %max3A_26 = arith.maximumf %broadcast_in_dim3A, %max3A_25 : vector<2000x1xf32>
    %rsqrt3A = math.rsqrt %max3A_26 : vector<2000x1xf32>
    %mul3A_27 = vector.broadcast %rsqrt3A : vector<2000x1xf32> to vector<2000x64xf32>
    %mul3A_28 = arith.mulf %add3A_22, %mul3A_27 : vector<2000x64xf32>
    %max3A_29 = arith.constant 0.000000e+00 : f32
    %max3A_30 = vector.broadcast %max3A_29 : f32 to vector<2000x64xf32>
    %max3A_31 = arith.maximumf %mul3A_28, %max3A_30 : vector<2000x64xf32>
    %reduce_sum3A_32 = arith.constant dense<0.000000e+00> : vector<64xf32>
    %reduce_sum3A_33 = vector.multi_reduction <add>, %max3A_31, %reduce_sum3A_32 [0] : vector<2000x64xf32> to vector<64xf32>
    %broadcast_in_dim3A_34 = vector.shape_cast %reduce_sum3A_33 : vector<64xf32> to vector<1x64xf32>
    %eq3A = arith.constant 0 : i32
    %eq3A_35 = arith.cmpi eq, %arg0, %eq3A : i32
    %convert_element_type3A = arith.extui %eq3A_35 : i1 to i32
    %cond3A = arith.constant 0 : i32
    %cond3A_36 = arith.cmpi ne, %convert_element_type3A, %cond3A : i32
    scf.if %cond3A_36 {
      %broadcast_in_dim3A_48 = arith.constant 0.000000e+00 : f32
      %broadcast_in_dim3A_49 = vector.broadcast %broadcast_in_dim3A_48 : f32 to vector<1x64xf32>
      %swap3A_50 = arith.constant 0 : index
      %swap3A_51 = arith.constant 0 : index
      %swap3A_52 = vector.load %arg8[%swap3A_50, %swap3A_51] : memref<1x64xf32, #tpu.memory_space<vmem>>, vector<1x64xf32>
      tpu.vector_store %arg8[%swap3A_50, %swap3A_51], %broadcast_in_dim3A_49 {strides = array<i32>} : memref<1x64xf32, #tpu.memory_space<vmem>>, vector<1x64xf32>,
    } else {
    }
    %get3A_37 = arith.constant 0 : index
    %get3A_38 = arith.constant 0 : index
    %get3A_39 = vector.load %arg8[%get3A_37, %get3A_38] : memref<1x64xf32, #tpu.memory_space<vmem>>, vector<1x64xf32>
    %add3A_40 = arith.addf %get3A_39, %broadcast_in_dim3A_34 : vector<1x64xf32>
    %swap3A = arith.constant 0 : index
    %swap3A_41 = arith.constant 0 : index
    %swap3A_42 = vector.load %arg8[%swap3A, %swap3A_41] : memref<1x64xf32, #tpu.memory_space<vmem>>, vector<1x64xf32>
    tpu.vector_store %arg8[%swap3A, %swap3A_41], %add3A_40 {strides = array<i32>} : memref<1x64xf32, #tpu.memory_space<vmem>>, vector<1x64xf32>,
    %eq3A_43 = arith.constant 4 : i32
    %eq3A_44 = arith.cmpi eq, %arg0, %eq3A_43 : i32
    %convert_element_type3A_45 = arith.extui %eq3A_44 : i1 to i32
    %cond3A_46 = arith.constant 0 : i32
    %cond3A_47 = arith.cmpi ne, %convert_element_type3A_45, %cond3A_46 : i32
    scf.if %cond3A_47 {
      %get3A_48 = arith.constant 0 : index
      %get3A_49 = arith.constant 0 : index
      %get3A_50 = vector.load %arg8[%get3A_48, %get3A_49] : memref<1x64xf32, #tpu.memory_space<vmem>>, vector<1x64xf32>
      %get3A_51 = arith.constant 0 : index
      %get3A_52 = arith.constant 0 : index
      %get3A_53 = vector.load %arg5[%get3A_51, %get3A_52] : memref<64x19xf32, #tpu.memory_space<vmem>>, vector<64x19xf32>
      %dot_general3A = arith.constant dense<0.000000e+00> : vector<1x19xf32>
      %dot_general3A_54 = tpu.matmul %get3A_50, %get3A_53, %dot_general3A {dimension_numbers = #tpu.dot_dimension_numbers<[1], [0], [0], [1], [0, 0, 1, 1], [], []>, transpose_lhs_hint = false} : vector<1x64xf32>, vector<64x19xf32>, vector<1x19xf32> -> vector<1x19xf32>
      %get3A_55 = arith.constant 0 : index
      %get3A_56 = arith.constant 0 : index
      %get3A_57 = vector.load %arg6[%get3A_55, %get3A_56] : memref<1x19xf32, #tpu.memory_space<vmem>>, vector<1x19xf32>
      %add3A_58 = arith.addf %dot_general3A_54, %get3A_57 : vector<1x19xf32>
      %swap3A_59 = arith.constant 0 : index
      %swap3A_60 = arith.constant 0 : index
      %swap3A_61 = vector.load %arg7[%swap3A_59, %swap3A_60] : memref<1x19xf32, #tpu.memory_space<vmem>>, vector<1x19xf32>
      tpu.vector_store %arg7[%swap3A_59, %swap3A_60], %add3A_58 {strides = array<i32>} : memref<1x19xf32, #tpu.memory_space<vmem>>, vector<1x19xf32>,
    } else {
    }
    return
  }
  func.func @transform_0(%arg0: i32) -> (i32, i32) {
    %c0_i32 = arith.constant 0 : i32
    %c0_i32_0 = arith.constant 0 : i32
    return %arg0, %c0_i32 : i32, i32
  }
  func.func @transform_1(%arg0: i32) -> (i32, i32) {
    %c0_i32 = arith.constant 0 : i32
    %c0_i32_0 = arith.constant 0 : i32
    return %arg0, %c0_i32 : i32, i32
  }
  func.func @transform_2(%arg0: i32) -> (i32, i32, i32) {
    %c0_i32 = arith.constant 0 : i32
    %c0_i32_0 = arith.constant 0 : i32
    %c0_i32_1 = arith.constant 0 : i32
    return %c0_i32, %arg0, %c0_i32_0 : i32, i32, i32
  }
  func.func @transform_3(%arg0: i32) -> (i32, i32, i32) {
    %c1_i32 = arith.constant 1 : i32
    %c0_i32 = arith.constant 0 : i32
    %c0_i32_0 = arith.constant 0 : i32
    return %c1_i32, %arg0, %c0_i32 : i32, i32, i32
  }
  func.func @transform_4(%arg0: i32) -> (i32, i32) {
    %c0_i32 = arith.constant 0 : i32
    %c0_i32_0 = arith.constant 0 : i32
    %c0_i32_1 = arith.constant 0 : i32
    return %c0_i32, %c0_i32_0 : i32, i32
  }
  func.func @transform_5(%arg0: i32) -> (i32, i32) {
    %c0_i32 = arith.constant 0 : i32
    %c0_i32_0 = arith.constant 0 : i32
    %c0_i32_1 = arith.constant 0 : i32
    return %c0_i32, %c0_i32_0 : i32, i32
  }
  func.func @transform_6(%arg0: i32) -> (i32, i32) {
    %c0_i32 = arith.constant 0 : i32
    %c0_i32_0 = arith.constant 0 : i32
    %c0_i32_1 = arith.constant 0 : i32
    return %c0_i32, %c0_i32_0 : i32, i32
  }
}

</mosaic_0001>

<sc_bundles>
// kernel: kernel.5.cloned.1.call-start
scs
__scs_entry_jumppad:
0x0: {  	(pc) =	sbr.rel $0x88, $3  }
0x1: {  	(tag) =	ssettag $0x0;
	lr =	simm.s32 $0x1  }
0x2: {  	[smem:$0x3F9B] =	sst lr;
	_ =	strace $0xD0000000  }
0x3: {  	_ = 	snop  }
0x4: {  	_ = 	snop  }
0x5: {  	_ = 	snop  }
0x6: {  	_ = 	snop  }
0x7: {  	_ = 	snop  }
__scs_overlays_trampoline_lowered:
0x8: {  	[smem:$0x3FAA] =	sst s0  }
0x9: {  	[smem:$0x3FAB] =	sst s1  }
0xa: {  	[smem:$0x3FAC] =	sst s2  }
0xb: {  	[smem:$0x3FAD] =	sst s3  }
0xc: {  	[smem:$0x3FAE] =	sst s4  }
0xd: {  	[smem:$0x3FAF] =	sst s5  }
0xe: {  	[smem:$0x3FB0] =	sst s6  }
0xf: {  	[smem:$0x3FB1] =	sst s7  }
0x10: {  	[smem:$0x3FB2] =	sst s8  }
0x11: {  	[smem:$0x3FB3] =	sst s9;
	s0 =	simm.s32 @!p0 $0x0  }
0x12: {  	s1 =	sld [smem:$0x3F99];
	s0 =	simm.s32 @p0 $0x1  }
0x13: {  	[smem:$0x3FB4] =	sst s0;
	s0 =	simm.s32 @!p1 $0x0  }
0x14: {  	s2 =	sld [smem:$0x3F98];
	s0 =	simm.s32 @p1 $0x1  }
0x15: {  	[smem:$0x3FB5] =	sst s0;
	s0 =	simm.s32 @!p2 $0x0  }
0x16: {  	s3 =	sld [smem:$0x3FDB];
	s0 =	simm.s32 @p2 $0x1  }
0x17: {  	s4 =	simm.s32 $0x1BF5;
	[smem:$0x3FB7] =	sst s0  }
0x18: {  	s0 =	sld [smem:$0x3F9A];
	_ =	swait.ge [sflag:s4], $0x0  }
0x19: {  	s7 =	sld [smem:$0x3F9B]  }
0x1a: {  	s8 =	sadd.s32 $0xFFFFE003, lr  }
0x1b: {  	s9 =	sadd.s32 $0xFFFFFEF7, lr;
	s5 =	simm.s32 $0xFFFFFFFF;
	p2 =	slt.u32 s8, $0xFFFFF086  }
0x1c: {  	p1 =	slt.u32 s9, $0xF7A;
	s5 =	simm.s32 @!p2 $0x0  }
0x1d: {  	s5 =	simm.s32 @p1 $0x1;
	p0 =	seq.s32 s7, s2  }
0x1e: {  	s7 =	smul.u32 @!p0 $0xF7A, s2;
	p2 =	seq.s32 @!p0 s5, $0x0  }
0x1f: {  	s9 =	smul.u32 $0xF7A, s1;
	s8 =	simm.s32 @!p0 $0x1BF5;
	p2 =	por !p2, p0  }
0x20: {  	[sflag:s8] =	ssyncset.s32 @!p0 $0xFFFFF086;
	s6 =	sadd.s32 @!p0 s3, s7;
	s7 =	simm.s32 @!p0 $0x108  }
0x21: {  	s3 =	sadd.s32 s3, s9;
	s6 =	sadd.s32 @!p0 $0x88, s6;
	s7 =	simm.s32 @p2 $0x1082  }
0x22: {  	[simem:s7], [sflag:s8] =	dma.local @!p0 [hbm:s6], $0xF7A  }
0x23: {  	s9 =	sor.u32 $0xD0000000, s2;
	s6 =	simm.s32 $0x108;
	_ =	swait.ge @!p0 [sflag:s8], $0x0  }
0x24: {  	s3 =	sadd.s32 $0x88, s3;
	s6 =	simm.s32 @!p1 $0x1082;
	[sflag:s4] =	ssyncset.s32 $0xFFFFF086  }
0x25: {  	[simem:s6], [sflag:s4] =	dma.local [hbm:s3], $0xF7A  }
0x26: {  	[smem:$0x3F9B] =	sst s1;
	(tag) =	ssettag s2;
	_ =	strace s9  }
0x27: {  	s1 =	sld [smem:$0x3FAB]  }
0x28: {  	s2 =	sld [smem:$0x3FAC]  }
0x29: {  	s4 =	sld [smem:$0x3FAE]  }
0x2a: {  	p0 =	seq.s32 s5, $0x0;
	s5 =	sld [smem:$0x3FAF]  }
0x2b: {  	s6 =	sld [smem:$0x3FB0]  }
0x2c: {  	s7 =	sld [smem:$0x3FB1]  }
0x2d: {  	s3 =	simm.s32 $0x108;
	s8 =	sld [smem:$0x3FB2]  }
0x2e: {  	s3 =	simm.s32 @!p0 $0x1082;
	s9 =	sld [smem:$0x3FB3]  }
0x2f: {  	lr =	sadd.s32 s0, s3;
	s0 =	sld [smem:$0x3FAA]  }
0x30: {  	s3 =	sld [smem:$0x3FAD]  }
0x31: {  	[smem:$0x3FB6] =	sst s10  }
0x32: {  	s10 =	sld [smem:$0x3FB4];
	_ =	sdelay $0x3  }
0x33: {  	p0 =	seq.s32 s10, $0x1;
	s10 =	sld [smem:$0x3FB6];
	_ =	sdelay $0x3  }
0x34: {  	[smem:$0x3FB6] =	sst s10  }
0x35: {  	s10 =	sld [smem:$0x3FB5];
	_ =	sdelay $0x3  }
0x36: {  	p1 =	seq.s32 s10, $0x1;
	s10 =	sld [smem:$0x3FB6];
	_ =	sdelay $0x3  }
0x37: {  	[smem:$0x3FB6] =	sst s10  }
0x38: {  	s10 =	sld [smem:$0x3FB7]  }
0x39: {  	_ = 	snop;
	(pc) =	sbr.ind lr, $3  }
0x3a: {  	_ = 	snop  }
0x3b: {  	_ = 	snop  }
0x3c: {  	p2 =	seq.s32 s10, $0x1;
	s10 =	sld [smem:$0x3FB6]  }
0x3d: {  	_ =	shalt  }
0x3e: {  	_ =	shalt  }
0x3f: {  	_ =	shalt  }
0x40: {  	_ =	shalt  }
0x41: {  	_ =	shalt  }
0x42: {  	_ =	shalt  }
0x43: {  	_ =	shalt  }
0x44: {  	_ =	shalt  }
0x45: {  	_ =	shalt  }
0x46: {  	_ =	shalt  }
0x47: {  	_ =	shalt  }
0x48: {  	_ =	shalt  }
0x49: {  	_ =	shalt  }
0x4a: {  	_ =	shalt  }
0x4b: {  	_ =	shalt  }
0x4c: {  	_ =	shalt  }
0x4d: {  	_ =	shalt  }
0x4e: {  	_ =	shalt  }
0x4f: {  	_ =	shalt  }
0x50: {  	_ =	shalt  }
0x51: {  	_ =	shalt  }
0x52: {  	_ =	shalt  }
0x53: {  	_ =	shalt  }
0x54: {  	_ =	shalt  }
0x55: {  	_ =	shalt  }
0x56: {  	_ =	shalt  }
0x57: {  	_ =	shalt  }
0x58: {  	_ =	shalt  }
0x59: {  	_ =	shalt  }
0x5a: {  	_ =	shalt  }
0x5b: {  	_ =	shalt  }
0x5c: {  	_ =	shalt  }
0x5d: {  	_ =	shalt  }
0x5e: {  	_ =	shalt  }
0x5f: {  	_ =	shalt  }
0x60: {  	_ =	shalt  }
0x61: {  	_ =	shalt  }
0x62: {  	_ =	shalt  }
0x63: {  	_ =	shalt  }
0x64: {  	_ =	shalt  }
0x65: {  	_ =	shalt  }
0x66: {  	_ =	shalt  }
0x67: {  	_ =	shalt  }
0x68: {  	_ =	shalt  }
0x69: {  	_ =	shalt  }
0x6a: {  	_ =	shalt  }
0x6b: {  	_ =	shalt  }
0x6c: {  	_ =	shalt  }
0x6d: {  	_ =	shalt  }
0x6e: {  	_ =	shalt  }
0x6f: {  	_ =	shalt  }
0x70: {  	_ =	shalt  }
0x71: {  	_ =	shalt  }
0x72: {  	_ =	shalt  }
0x73: {  	_ =	shalt  }
0x74: {  	_ =	shalt  }
0x75: {  	_ =	shalt  }
0x76: {  	_ =	shalt  }
0x77: {  	_ =	shalt  }
0x78: {  	_ =	shalt  }
0x79: {  	_ =	shalt  }
0x7a: {  	_ =	shalt  }
0x7b: {  	_ =	shalt  }
0x7c: {  	_ =	shalt  }
0x7d: {  	_ =	shalt  }
0x7e: {  	_ =	shalt  }
0x7f: {  	_ =	shalt  }
0x80: {  	_ =	shalt  }
0x81: {  	_ =	shalt  }
0x82: {  	_ =	shalt  }
0x83: {  	_ =	shalt  }
0x84: {  	_ =	shalt  }
0x85: {  	_ =	shalt  }
0x86: {  	_ =	shalt  }
0x87: {  	_ =	shalt  }
.Lfunc_end0:
.L_simem_size_0:
called_computation_lowered:
.L_overlay_start_0:
0x88: {  	s2 =	sld [smem:$0x3FD9]  }
0x89: {  	s3 =	sld [smem:$0x3FFE];
	_ =	sdelay $0x1  }
0x8a: {  	s1 =	srdreg.scid  }
0x8b: {  	s0 =	sand.u32 $0x1, s1  }
0x8c: {  	s16 =	sshll.u32 s0, $0xA;
	s2 =	sadd.s32 s3, s2  }
0x8d: {  	s2 =	sadd.s32 s2, s16  }
0x8e: {  	[smem:$0x3FC2] =	sst s2  }
0x8f: {  	_ = 	snop  }
0x90: {  	(tm) =	ssettm $0x1  }
0x91: {  	s17 =	sld [smem:$0x3FFB];
	_ =	sdelay $0x3  }
0x92: {  	_ =	strace s17  }
0x93: {  	s2 =	sld [smem:$0x3FFC];
	_ =	sdelay $0x3  }
0x94: {  	_ =	strace s2  }
0x95: {  	s2 =	sld [smem:$0x3FFD];
	_ =	sdelay $0x3  }
0x96: {  	_ =	strace s2  }
0x97: {  	_ =	strace $0x8FFFFFFF  }
0x98: {  	s18 =	sld [smem:$0x3FDB];
	_ =	sdelay $0x1  }
0x99: {  	s19 =	simm.s32 $_scs_section_size  }
0x9a: {  	s4 =	simm.s32 $_size__tile_overlayer_lowered;
	s5 =	simm.s32 $_tile_overlayer_lowered  }
0x9b: {  	s22 =	simm.s32 $0x1BFF;
	s21 =	sshll.u32 s5, $0x1;
	s2 =	sadd.s32 s19, s18  }
0x9c: {  	s6 =	simm.s32 $0x0;
	s20 =	sshll.u32 s4, $0x1;
	s4 =	sadd.s32 s21, s2  }
0x9d: {  	[timem:s6], [sflag:s22] =	dma.local [hbm:s4], s20  }
0x9e: {  	_ =	swait.ge [sflag:s22], s20  }
0x9f: {  	s3 =	ssub.s32 $0x0, s20;
	[sflag:s22] =	ssyncset.done $0x0  }
0xa0: {  	[sflag:s22] =	ssyncadd.s32 s3;
	_ =	sdelay $0x1  }
0xa1: {  	s23 =	simm.s32 $0x1B8B  }
0xa2: {  	_ =	swait.ge [sflag:s23], $0x1  }
0xa3: {  	[sflag:s23] =	ssyncset.done $0x0  }
0xa4: {  	s25 =	simm.s32 $0x1B8E;
	s24 =	sld [smem:$0x3FFE];
	[sflag:s23] =	ssyncadd.s32 $0xFFFFFFFF  }
0xa5: {  	s26 =	simm.s32 $execute0_lowered;
	[smem:$0x3FD2] =	sst s25  }
0xa6: {  	s4 =	sshll.u32 s26, $0x1;
	_ =	strace $0x80000046;
	[dreg:$0x1] =	wrdreg $0xFFFFFFFF  }
0xa7: {  	s28 =	simm.s32 $_size_execute0_lowered;
	s2 =	sadd.s32 s2, s4;
	[dreg:$0x0] =	wrdreg $0x0  }
0xa8: {  	s4 =	sshll.u32 s28, $0x1;
	[dreg:$0x2] =	wrdreg s2  }
0xa9: {  	[dreg:$0x3] =	wrdreg s4  }
0xaa: {  	[dreg:$0x4] =	wrdreg $0xC0  }
0xab: {  	_ =	task [dreg:s6], $0x5FFFF  }
0xac: {  	[dreg:$0x1] =	wrdreg $0xFFFFFFFF  }
0xad: {  	[dreg:$0x0] =	wrdreg $0x60  }
0xae: {  	[dreg:$0x2] =	wrdreg s24  }
0xaf: {  	[dreg:$0x3] =	wrdreg $0x1F3700  }
0xb0: {  	[dreg:$0x4] =	wrdreg $0x157300  }
0xb1: {  	[dreg:$0x5] =	wrdreg $0x9  }
0xb2: {  	_ =	task.clear_ibuf [dreg:s6], $0x6FFFF;
	_ =	strace $0x90000046  }
0xb3: {  	s29 =	simm.s32 $0x9;
	_ =	strace $0x80000048  }
0xb4: {  	_ =	swait.ge [sflag:s29], $0x1  }
0xb5: {  	[sflag:s29] =	ssyncadd.s32 $0xFFFFFFFF  }
0xb6: {  	_ =	strace $0x90000048  }
0xb7: {  	_ =	sfence  }
0xb8: {  	s30 =	sld [smem:$0x0];
	_ =	sdelay $0x2  }
0xb9: {  	s31 =	sshll.u32 s1, $0xD;
	s1 =	sshrl.u32 s1, $0x2  }
0xba: {  	s3 =	sand.u32 $0x4000, s31;
	s1 =	sadd.s32 s1, s30  }
0xbb: {  	s0 =	sor.u32 s3, s0;
	s1 =	sshll.u32 s1, $0x11  }
0xbc: {  	s0 =	sor.u32 s1, s0  }
0xbd: {  	s0 =	sadd.s32 $0x8F2B, s0  }
0xbe: {  	[sflag:s0] =	ssyncadd.remote.s32 $0x1  }
0xbf: {  	_ =	sfence.sel $0xFFFF  }
0xc0: {  	[dreg:$0x0] =	wrdreg $0xFFFFFFFF;
	(pc) =	sbr.abs _section_cstart, $3  }
0xc1: {  	[dreg:$0x1] =	wrdreg $0xFFFFFFFF  }
0xc2: {  	_ =	task.clear_ibuf [dreg:s6], $0x2FFFF;
	_ =	strace $0x9FFFFFFF  }
0xc3: {  	(tm) =	ssettm $0x7FFFFFFF  }
tec
execute0_lowered:
.L_overlay_start_1:
0x0: {  	(tag) =	ssettag $0x1  }
0x1: {  	s1 =	rddreg [dreg:$0x0]  }
0x2: {  	s18 =	rddreg [dreg:$0x1]  }
0x3: {  	s2 =	rddreg [dreg:$0x2];
	s0 =	srdreg.scid  }
0x4: {  	s17 =	stileid.u32;
	s4 =	simm.s32 $0x0;
	s28 =	simm.s32 $0xA  }
0x5: {  	s29 =	simm.s32 $0x2;
	s30 =	simm.s32 $0x4EA0;
	s31 =	simm.s32 $0x0  }
0x6: {  	s0 =	sand.u32 $0x1, s0;
	s3 =	sshll.u32 s17, $0x1;
	[smem:$0x7FF] =	sst s4  }
0x7: {  	s8 =	sor.u32 $0x10, s17;
	s9 =	sor.u32 $0x20, s17;
	s10 =	sor.u32 $0x30, s17  }
0x8: {  	s11 =	sor.u32 $0x40, s17;
	s12 =	sor.u32 $0x50, s17;
	s13 =	sor.u32 $0x60, s17  }
0x9: {  	s14 =	sor.u32 $0x70, s17;
	s15 =	sshll.u32 s17, $0xA;
	s3 =	sor.u32 s0, s3  }
0xa: {  	s20 =	sshll.u32 s0, $0x4;
	s5 =	ssub.s32 $0x2, s0;
	s0 =	sshll.u32 s0, $0x3  }
0xb: {  	s21 =	sshll.u32 s8, $0xA;
	s22 =	sshll.u32 s9, $0xA;
	s16 =	sshll.u32 s10, $0xA  }
0xc: {  	s24 =	sshll.u32 s11, $0xA;
	s25 =	sshll.u32 s12, $0xA;
	s26 =	sshll.u32 s13, $0xA  }
0xd: {  	s9 =	sshll.u32 s9, $0xC;
	s10 =	sshll.u32 s10, $0xC;
	s3 =	smul.u32 $0x4E2, s3  }
0xe: {  	s4 =	sor.u32 s17, s20;
	s6 =	sshrl.u32 s5, $0x1;
	s7 =	sadd.s32 s0, s1  }
0xf: {  	s0 =	sor.u32 $0x80, s17;
	s5 =	ssub.s32 s5, s6;
	s6 =	sadd.s32 $0x33000, s7  }
0x10: {  	s20 =	sshll.u32 s14, $0xA;
	s4 =	smul.u32 $0x500, s4;
	s15 =	sadd.s32 s15, s6  }
0x11: {  	s23 =	sadd.s32 s16, s6;
	s19 =	sadd.s32 s26, s6;
	[dreg:$0x4] =	wrdreg s15  }
0x12: {  	s16 =	sor.u32 $0x90, s17;
	s3 =	sadd.s32 s3, s1;
	[dreg:$0x7] =	wrdreg s23  }
0x13: {  	s15 =	sadd.s32 s21, s6;
	[dreg:$0xa] =	wrdreg s19;
	s21 =	sshll.u32 s0, $0xA  }
0x14: {  	s23 =	smul.u32 $0x280, s17;
	s4 =	sadd.s32 s4, s1;
	s19 =	sshll.u32 s11, $0xC  }
0x15: {  	p0 =	slt.u32 s16, $0x9C;
	s0 =	sshll.u32 s0, $0xC;
	s11 =	simm.s32 $0x10  }
0x16: {  	[dreg:$0x5] =	wrdreg s15;
	s15 =	sadd.s32 s22, s6;
	s22 =	sshll.u32 s16, $0xA  }
0x17: {  	s4 =	sadd.s32 $0x29000, s4;
	p1 =	sne.s32 @!p0 s17, $0xC;
	s0 =	sadd.s32 s0, s2  }
0x18: {  	[dreg:$0x6] =	wrdreg s15;
	s15 =	sadd.s32 s24, s6;
	s24 =	sadd.s32 $0x1A00, s3  }
0x19: {  	s18 =	sadd.s32 s23, s18;
	[dreg:$0x8] =	wrdreg s15;
	s15 =	sadd.s32 s25, s6  }
0x1a: {  	v0 =	vlaneseq.u32;
	s26 =	sadd.s32 $0x104B0, s23;
	[dreg:$0x9] =	wrdreg s15;
	s15 =	sadd.s32 s20, s6  }
0x1b: {  	v1 =	vimm.f32 $0.0e+00;
	v42 =	vimm.f32 $1.000000000e+00;
	v2 =	vor.u32 $0x10, v0;
	s23 =	sshll.u32 s14, $0xC;
	[dreg:$0xb] =	wrdreg s15;
	s15 =	sadd.s32 s21, s6  }
0x1c: {  	v4 =	vor.u32 $0x30, v0;
	v5 =	vor.u32 $0x40, v0;
	v6 =	vor.u32 $0x50, v0;
	p1 =	por p1, p0;
	s6 =	sadd.s32 s22, s6;
	[dreg:$0xc] =	wrdreg s15  }
0x1d: {  	v7 =	vor.u32 $0x60, v0;
	v8 =	vor.u32 $0x70, v0;
	v9 =	vor.u32 $0x80, v0;
	s14 =	simm.s32 $0x1;
	s25 =	sadd.s32 $0xB800, s3;
	[dreg:$0xd] =	wrdreg s6  }
0x1e: {  	v10 =	vor.u32 $0x90, v0;
	v11 =	vor.u32 $0xA0, v0;
	v12 =	vor.u32 $0xB0, v0;
	s3 =	sadd.s32 $0x5A000, s7;
	_ =	strace $0x80000047;
	[dreg:$0xe] =	wrdreg s24  }
0x1f: {  	v13 =	vor.u32 $0xC0, v0;
	v14 =	vor.u32 $0xD0, v0;
	v15 =	vor.u32 $0xE0, v0;
	s7 =	sshll.u32 s8, $0xC;
	s8 =	sshll.u32 s17, $0xC;
	[dreg:$0xf] =	wrdreg s25  }
0x20: {  	v16 =	vor.u32 $0xF0, v0;
	v17 =	vor.u32 $0x100, v0;
	v18 =	vor.u32 $0x110, v0;
	s17 =	simm.s32 $0x12F30;
	s20 =	sadd.s32 s19, s2;
	[dreg:$0x11] =	wrdreg s26  }
0x21: {  	v19 =	vor.u32 $0x120, v0;
	v20 =	vor.u32 $0x130, v0;
	v21 =	vor.u32 $0x140, v0;
	s19 =	simm.s32 $0x70B0;
	s21 =	sshll.u32 s12, $0xC;
	[dreg:$0x12] =	wrdreg s3  }
0x22: {  	v22 =	vor.u32 $0x150, v0;
	v23 =	vor.u32 $0x160, v0;
	v24 =	vor.u32 $0x170, v0;
	s22 =	sshll.u32 s13, $0xC;
	s6 =	smax.u32 s5, $0x1;
	[dreg:$0x13] =	wrdreg s4  }
0x23: {  	v25 =	vor.u32 $0x180, v0;
	v26 =	vor.u32 $0x190, v0;
	v27 =	vor.u32 $0x1A0, v0;
	s15 =	sadd.s32 $0x15600, s1;
	s1 =	sadd.s32 s7, s2;
	[dreg:$0x14] =	wrdreg s6  }
0x24: {  	v28 =	vor.u32 $0x1B0, v0;
	v29 =	vor.u32 $0x1C0, v0;
	v30 =	vor.u32 $0x1D0, v0;
	s13 =	simm.s32 $0x104B0;
	s12 =	simm.s32 $0x90B0;
	[dreg:$0x16] =	wrdreg s1  }
0x25: {  	v31 =	vor.u32 $0x1E0, v0;
	v32 =	vor.u32 $0x1F0, v0;
	v33 =	vor.u32 $0x200, v0;
	s5 =	simm.s32 $0xC;
	s7 =	simm.s32 $0x6;
	[dreg:$0x19] =	wrdreg s20  }
0x26: {  	v34 =	vor.u32 $0x210, v0;
	v35 =	vor.u32 $0x220, v0;
	v39 =	vmul.u32 $0x10, v0;
	s3 =	sadd.s32 s8, s2;
	s1 =	sadd.s32 s9, s2;
	[dreg:$0x1d] =	wrdreg s0  }
0x27: {  	v36 =	vor.u32 $0x230, v0;
	v37 =	vor.u32 $0x240, v0;
	v38 =	vor.u32 $0x250, v0;
	s24 =	sadd.s32 s23, s2;
	s25 =	sshll.u32 s16, $0xC;
	[dreg:$0x10] =	wrdreg s18  }
0x28: {  	v40 =	vor.u32 $0x260, v0;
	v41 =	vor.u32 $0x270, v0;
	v43 =	vor.u32 $0x100, v39;
	s0 =	simm.s32 $0x0;
	s26 =	sadd.s32 $0x9C000, s2;
	[dreg:$0x15] =	wrdreg s3  }
0x29: {  	v44 =	vor.u32 $0x200, v39;
	v45 =	vor.u32 $0x300, v39;
	v46 =	vor.u32 $0x400, v39;
	s6 =	simm.s32 $0xF4B0;
	s9 =	simm.s32 $0x8;
	[dreg:$0x17] =	wrdreg s1  }
0x2a: {  	v47 =	vor.u32 $0x500, v39;
	v48 =	vor.u32 $0x600, v39;
	v49 =	vor.u32 $0x700, v39;
	s16 =	simm.s32 $0x80;
	s20 =	simm.s32 $0x4;
	[dreg:$0x1c] =	wrdreg s24  }
.Ltmp0:
0x2b: {  	v50 =	vor.u32 $0x800, v39;
	v51 =	vor.u32 $0x900, v39;
	v52 =	vor.u32 $0xA00, v39;
	s1 =	sadd.s32 s10, s2;
	[dreg:$0x1f] =	wrdreg s26;
	(pc) =	sbr.rel .LBB2_1-.Ltmp0, $4  }
0x2c: {  	v53 =	vor.u32 $0xB00, v39;
	v54 =	vor.u32 $0xC00, v39;
	v55 =	vor.u32 $0xD00, v39;
	s23 =	simm.s32 $0xD0B0;
	[dreg:$0x18] =	wrdreg s1;
	s1 =	sadd.s32 s21, s2  }
0x2d: {  	v56 =	vor.u32 $0xE00, v39;
	v57 =	vor.u32 $0xF00, v39;
	v58 =	vor.u32 $0x1000, v39;
	s3 =	simm.s32 $0x5;
	[dreg:$0x1a] =	wrdreg s1;
	s1 =	sadd.s32 s22, s2  }
0x2e: {  	v59 =	vor.u32 $0x1100, v39;
	v60 =	vor.u32 $0x1200, v39;
	[tilespmem:$0x1FFE0] =	vst v2;
	v2 =	vor.u32 $0x20, v0;
	s24 =	simm.s32 $0x9;
	[dreg:$0x1b] =	wrdreg s1;
	s1 =	sadd.s32 s25, s2  }
0x2f: {  	v61 =	vor.u32 $0x1300, v39;
	v62 =	vor.u32 $0x1400, v39;
	v63 =	vor.u32 $0x1500, v39;
	[tilespmem:$0x1FFF0] =	vst v2;
	s26 =	simm.s32 $0x50B0;
	s25 =	simm.s32 $0x4E20;
	[dreg:$0x1e] =	wrdreg s1  }
.LBB2_20:
0x30: {  	_ =	swait.ge [sflag:s9], $0x2000  }
0x31: {  	[sflag:s9] =	ssyncset.done $0x0  }
0x32: {  	[sflag:s9] =	ssyncadd.s32 $0xFFFFE000  }
.LBB2_18:
0x33: {  	s0 =	simm.s32 $0x2700;
	s1 =	simm.s32 $0xF0B0  }
0x34: {  	[tilespmem:s1], [sflag:$0x1] =	stream.indirect.gather [hbm4b:s15+s11], $0x40, s0, s11, $0xb8;
	[tilespmem:$0x1F5F0] =	vst v63  }
0x35: {  	v2 =	vld [tilespmem:$0x4E10];
	_ =	sdelay $0x6  }
0x36: {  	[tilespmem:$0x50A0] =	vst v2  }
0x37: {  	[tilespmem:v2+s13+$0x0] =	vst.idx.add.f32.msk $0xffff, v42  }
0x38: {  	_ =	swait.ge [sflag:s14], $0x400  }
0x39: {  	[sflag:s14] =	ssyncset.done $0x0  }
0x3a: {  	s18 =	simm.s32 $0x50A0;
	[sflag:s14] =	ssyncadd.s32 $0xFFFFFC00  }
0x3b: {  	[spmem:s2] =	stream.indirect.scatter.add.f32 [tilespmem:s1], [sflag:$0xC], $0x40, s18, s11, $0xb8;
	[tilespmem:$0x1F5F0] =	vst v63  }
0x3c: {  	_ =	swait.ge [sflag:s5], $0x400  }
0x3d: {  	[sflag:s5] =	ssyncset.done $0x0  }
0x3e: {  	[sflag:s5] =	ssyncadd.s32 $0xFFFFFC00  }
0x3f: {  	s21 =	simm.s32 $0x12CB0;
	s0 =	rddreg [dreg:$0x1]  }
0x40: {  	[spmem:s0] =	stream.indirect.scatter.add.f32 [tilespmem:s13], [sflag:$0xC], $0x10, s21, s16, $0xb8;
	[tilespmem:$0x1F5F0] =	vst v63  }
0x41: {  	_ =	swait.ge [sflag:s5], $0x800  }
0x42: {  	[sflag:s5] =	ssyncset.done $0x0  }
0x43: {  	s22 =	simm.s32 $0x12D30;
	s4 =	simm.s32 $0x10CB0;
	[sflag:s5] =	ssyncadd.s32 $0xFFFFF800  }
0x44: {  	[spmem:s0] =	stream.indirect.scatter.add.f32 [tilespmem:s4], [sflag:$0xC], $0x10, s22, s16, $0xb8;
	[tilespmem:$0x1F5F0] =	vst v63  }
0x45: {  	_ =	swait.ge [sflag:s5], $0x800  }
0x46: {  	[sflag:s5] =	ssyncset.done $0x0  }
0x47: {  	s8 =	simm.s32 $0x114B0;
	s4 =	simm.s32 $0x12DB0;
	[sflag:s5] =	ssyncadd.s32 $0xFFFFF800  }
0x48: {  	[spmem:s0] =	stream.indirect.scatter.add.f32 [tilespmem:s8], [sflag:$0xC], $0x10, s4, s16, $0xb8;
	[tilespmem:$0x1F5F0] =	vst v63  }
0x49: {  	_ =	swait.ge [sflag:s5], $0x800  }
0x4a: {  	[sflag:s5] =	ssyncset.done $0x0  }
0x4b: {  	s10 =	simm.s32 $0x12E30;
	s18 =	simm.s32 $0x11CB0;
	[sflag:s5] =	ssyncadd.s32 $0xFFFFF800  }
0x4c: {  	[spmem:s0] =	stream.indirect.scatter.add.f32 [tilespmem:s18], [sflag:$0xC], $0x10, s10, s16, $0xb8;
	[tilespmem:$0x1F5F0] =	vst v63  }
0x4d: {  	_ =	swait.ge [sflag:s5], $0x800  }
0x4e: {  	[sflag:s5] =	ssyncset.done $0x0  }
0x4f: {  	s21 =	simm.s32 $0x12EB0;
	s22 =	simm.s32 $0x124B0;
	[sflag:s5] =	ssyncadd.s32 $0xFFFFF800  }
0x50: {  	[spmem:s0] =	stream.indirect.scatter.add.f32 [tilespmem:s22], [sflag:$0xC], $0x10, s21, s16, $0xb8;
	[tilespmem:$0x1F5F0] =	vst v63  }
0x51: {  	_ =	swait.ge [sflag:s5], $0x800  }
0x52: {  	[sflag:s5] =	ssyncset.done $0x0  }
0x53: {  	[sflag:s5] =	ssyncadd.s32 $0xFFFFF800  }
0x54: {  	s8 =	stileid.u32;
	[bflag:$0x0] =	sbarrier.arrive $0xFFFF  }
0x55: {  	s0 =	sshll.u32 s8, $0x6;
	s10 =	rddreg [dreg:$0x15]  }
0x56: {  	s0 =	sor.u32 $0x1C06, s0;
	s18 =	rddreg [dreg:$0x4];
	s1 =	sshrl.u32 s10, $0x3  }
0x57: {  	[hbm:s18@s11], [sflag:s0] =	dma.strided [spmem:s1@s9], $0x200, s14, $0x8   }
0x58: {  	s1 =	rddreg [dreg:$0x16]  }
0x59: {  	s4 =	rddreg [dreg:$0x5];
	s1 =	sshrl.u32 s1, $0x3  }
0x5a: {  	[hbm:s4@s11], [sflag:s0] =	dma.strided [spmem:s1@s9], $0x200, s14, $0x8   }
0x5b: {  	s1 =	rddreg [dreg:$0x17]  }
0x5c: {  	s4 =	rddreg [dreg:$0x6];
	s1 =	sshrl.u32 s1, $0x3  }
0x5d: {  	[hbm:s4@s11], [sflag:s0] =	dma.strided [spmem:s1@s9], $0x200, s14, $0x8   }
0x5e: {  	s1 =	rddreg [dreg:$0x18]  }
0x5f: {  	s4 =	rddreg [dreg:$0x7];
	s1 =	sshrl.u32 s1, $0x3  }
0x60: {  	[hbm:s4@s11], [sflag:s0] =	dma.strided [spmem:s1@s9], $0x200, s14, $0x8   }
0x61: {  	s1 =	rddreg [dreg:$0x19]  }
0x62: {  	s4 =	rddreg [dreg:$0x8];
	s1 =	sshrl.u32 s1, $0x3  }
0x63: {  	[hbm:s4@s11], [sflag:s0] =	dma.strided [spmem:s1@s9], $0x200, s14, $0x8   }
0x64: {  	s1 =	rddreg [dreg:$0x1a]  }
0x65: {  	s4 =	rddreg [dreg:$0x9];
	s1 =	sshrl.u32 s1, $0x3  }
0x66: {  	[hbm:s4@s11], [sflag:s0] =	dma.strided [spmem:s1@s9], $0x200, s14, $0x8   }
0x67: {  	s1 =	rddreg [dreg:$0x1b]  }
0x68: {  	s4 =	rddreg [dreg:$0xa];
	s1 =	sshrl.u32 s1, $0x3  }
0x69: {  	[hbm:s4@s11], [sflag:s0] =	dma.strided [spmem:s1@s9], $0x200, s14, $0x8   }
0x6a: {  	s1 =	rddreg [dreg:$0x1c]  }
0x6b: {  	s4 =	rddreg [dreg:$0xb];
	s1 =	sshrl.u32 s1, $0x3  }
0x6c: {  	[hbm:s4@s11], [sflag:s0] =	dma.strided [spmem:s1@s9], $0x200, s14, $0x8   }
0x6d: {  	s1 =	rddreg [dreg:$0x1d]  }
0x6e: {  	s4 =	rddreg [dreg:$0xc];
	s1 =	sshrl.u32 s1, $0x3  }
0x6f: {  	[hbm:s4@s11], [sflag:s0] =	dma.strided [spmem:s1@s9], $0x200, s14, $0x8   }
0x70: {  	s8 =	simm.s32 @p0 $0x10;
	s10 =	simm.s32 @p0 $0x8;
	s1 =	rddreg [dreg:$0x1e]  }
0x71: {  	s4 =	simm.s32 @p0 $0x1;
	s18 =	rddreg [dreg:$0xd];
	s1 =	sshrl.u32 @p0 s1, $0x3  }
0x72: {  	[hbm:s18@s8], [sflag:s0] =	dma.strided @p0 [spmem:s1@s10], $0x200, s4, $0x8   }
0x73: {  	s4 =	simm.s32 @!p1 $0x1;
	s8 =	simm.s32 @!p1 $0x10;
	s1 =	rddreg [dreg:$0x1f]  }
0x74: {  	s10 =	simm.s32 @!p1 $0x8;
	s18 =	rddreg [dreg:$0x12];
	s1 =	sshrl.u32 @!p1 s1, $0x3  }
0x75: {  	[hbm:s18@s8], [sflag:s0] =	dma.strided @!p1 [spmem:s1@s10], $0x80, s4, $0x8   }
0x76: {  	_ =	swait.ge [sflag:s7], $0x200  }
0x77: {  	[sflag:s7] =	ssyncset.done $0x0  }
0x78: {  	[sflag:s7] =	ssyncadd.s32 $0xFFFFFE00  }
0x79: {  	_ =	swait.ge [sflag:s7], $0x200  }
0x7a: {  	[sflag:s7] =	ssyncset.done $0x0  }
0x7b: {  	[sflag:s7] =	ssyncadd.s32 $0xFFFFFE00  }
0x7c: {  	_ =	swait.ge [sflag:s7], $0x200  }
0x7d: {  	[sflag:s7] =	ssyncset.done $0x0  }
0x7e: {  	[sflag:s7] =	ssyncadd.s32 $0xFFFFFE00  }
0x7f: {  	_ =	swait.ge [sflag:s7], $0x200  }
0x80: {  	[sflag:s7] =	ssyncset.done $0x0  }
0x81: {  	[sflag:s7] =	ssyncadd.s32 $0xFFFFFE00  }
0x82: {  	_ =	swait.ge [sflag:s7], $0x200  }
0x83: {  	[sflag:s7] =	ssyncset.done $0x0  }
0x84: {  	[sflag:s7] =	ssyncadd.s32 $0xFFFFFE00  }
0x85: {  	_ =	swait.ge [sflag:s7], $0x200  }
0x86: {  	[sflag:s7] =	ssyncset.done $0x0  }
0x87: {  	[sflag:s7] =	ssyncadd.s32 $0xFFFFFE00  }
0x88: {  	_ =	swait.ge [sflag:s7], $0x200  }
0x89: {  	[sflag:s7] =	ssyncset.done $0x0  }
0x8a: {  	[sflag:s7] =	ssyncadd.s32 $0xFFFFFE00  }
0x8b: {  	_ =	swait.ge [sflag:s7], $0x200  }
0x8c: {  	[sflag:s7] =	ssyncset.done $0x0  }
0x8d: {  	[sflag:s7] =	ssyncadd.s32 $0xFFFFFE00  }
0x8e: {  	_ =	swait.ge [sflag:s7], $0x200  }
0x8f: {  	[sflag:s7] =	ssyncset.done $0x0  }
0x90: {  	s0 =	simm.s32 @p0 $0x6;
	[sflag:s7] =	ssyncadd.s32 $0xFFFFFE00  }
0x91: {  	_ =	swait.ge @p0 [sflag:s0], $0x200  }
0x92: {  	[sflag:s0] =	ssyncset.done @p0 $0x0  }
0x93: {  	[sflag:s0] =	ssyncadd.s32 @p0 $0xFFFFFE00;
	s0 =	simm.s32 @!p1 $0x6  }
0x94: {  	_ =	swait.ge @!p1 [sflag:s0], $0x80  }
0x95: {  	[sflag:s0] =	ssyncset.done @!p1 $0x0  }
0x96: {  	s18 =	rddreg [dreg:$0x10];
	[sflag:s0] =	ssyncadd.s32 @!p1 $0xFFFFFF80  }
0x97: {  	[tilespmem:s13], [sflag:$0xC] =	stream.linear.gather [spmem:s18], $0x280, $0x38;
	[tilespmem:$0x1F5F0] =	vst v63  }
0x98: {  	_ =	swait.ge [sflag:s5], $0x280  }
0x99: {  	[sflag:s5] =	ssyncset.done $0x0  }
0x9a: {  	[sflag:s5] =	ssyncadd.s32 $0xFFFFFD80  }
0x9b: {  	v2 =	vld [tilespmem:$0x104B0];
	_ =	sdelay $0x4  }
0x9c: {  	[tilespmem:v39+s17+$0x0] =	vst.idx.msk $0xffff, v2  }
0x9d: {  	v2 =	vld [tilespmem:$0x104C0];
	_ =	sdelay $0x4  }
0x9e: {  	[tilespmem:v43+s17+$0x0] =	vst.idx.msk $0xffff, v2  }
0x9f: {  	v2 =	vld [tilespmem:$0x104D0];
	_ =	sdelay $0x4  }
0xa0: {  	[tilespmem:v44+s17+$0x0] =	vst.idx.msk $0xffff, v2  }
0xa1: {  	v2 =	vld [tilespmem:$0x104E0];
	_ =	sdelay $0x4  }
0xa2: {  	[tilespmem:v45+s17+$0x0] =	vst.idx.msk $0xffff, v2  }
0xa3: {  	v2 =	vld [tilespmem:$0x104F0];
	_ =	sdelay $0x4  }
0xa4: {  	[tilespmem:v46+s17+$0x0] =	vst.idx.msk $0xffff, v2  }
0xa5: {  	v2 =	vld [tilespmem:$0x10500];
	_ =	sdelay $0x4  }
0xa6: {  	[tilespmem:v47+s17+$0x0] =	vst.idx.msk $0xffff, v2  }
0xa7: {  	v2 =	vld [tilespmem:$0x10510];
	_ =	sdelay $0x4  }
0xa8: {  	[tilespmem:v48+s17+$0x0] =	vst.idx.msk $0xffff, v2  }
0xa9: {  	v2 =	vld [tilespmem:$0x10520];
	_ =	sdelay $0x4  }
0xaa: {  	[tilespmem:v49+s17+$0x0] =	vst.idx.msk $0xffff, v2  }
0xab: {  	v2 =	vld [tilespmem:$0x10530];
	_ =	sdelay $0x4  }
0xac: {  	[tilespmem:v50+s17+$0x0] =	vst.idx.msk $0xffff, v2  }
0xad: {  	v2 =	vld [tilespmem:$0x10540];
	_ =	sdelay $0x4  }
0xae: {  	[tilespmem:v51+s17+$0x0] =	vst.idx.msk $0xffff, v2  }
0xaf: {  	v2 =	vld [tilespmem:$0x10550];
	_ =	sdelay $0x4  }
0xb0: {  	[tilespmem:v52+s17+$0x0] =	vst.idx.msk $0xffff, v2  }
0xb1: {  	v2 =	vld [tilespmem:$0x10560];
	_ =	sdelay $0x4  }
0xb2: {  	[tilespmem:v53+s17+$0x0] =	vst.idx.msk $0xffff, v2  }
0xb3: {  	v2 =	vld [tilespmem:$0x10570];
	_ =	sdelay $0x4  }
0xb4: {  	[tilespmem:v54+s17+$0x0] =	vst.idx.msk $0xffff, v2  }
0xb5: {  	v2 =	vld [tilespmem:$0x10580];
	_ =	sdelay $0x4  }
0xb6: {  	[tilespmem:v55+s17+$0x0] =	vst.idx.msk $0xffff, v2  }
0xb7: {  	v2 =	vld [tilespmem:$0x10590];
	_ =	sdelay $0x4  }
0xb8: {  	[tilespmem:v56+s17+$0x0] =	vst.idx.msk $0xffff, v2  }
0xb9: {  	v2 =	vld [tilespmem:$0x105A0];
	_ =	sdelay $0x4  }
0xba: {  	[tilespmem:v57+s17+$0x0] =	vst.idx.msk $0xffff, v2  }
0xbb: {  	v2 =	vld [tilespmem:$0x105B0];
	_ =	sdelay $0x4  }
0xbc: {  	[tilespmem:v58+s17+$0x0] =	vst.idx.msk $0xffff, v2  }
0xbd: {  	v2 =	vld [tilespmem:$0x105C0];
	_ =	sdelay $0x4  }
0xbe: {  	[tilespmem:v59+s17+$0x0] =	vst.idx.msk $0xffff, v2  }
0xbf: {  	v2 =	vld [tilespmem:$0x105D0];
	_ =	sdelay $0x4  }
0xc0: {  	[tilespmem:v60+s17+$0x0] =	vst.idx.msk $0xffff, v2  }
0xc1: {  	v2 =	vld [tilespmem:$0x105E0];
	_ =	sdelay $0x4  }
0xc2: {  	[tilespmem:v61+s17+$0x0] =	vst.idx.msk $0xffff, v2  }
0xc3: {  	v2 =	vld [tilespmem:$0x105F0];
	_ =	sdelay $0x4  }
0xc4: {  	[tilespmem:v62+s17+$0x0] =	vst.idx.msk $0xffff, v2  }
0xc5: {  	v2 =	vld [tilespmem:$0x10600];
	_ =	sdelay $0x4  }
0xc6: {  	[tilespmem:v63+s17+$0x0] =	vst.idx.msk $0xffff, v2  }
0xc7: {  	v3 =	vor.u32 $0x1600, v39;
	v2 =	vld [tilespmem:$0x10610];
	_ =	sdelay $0x4  }
0xc8: {  	[tilespmem:v3+s17+$0x0] =	vst.idx.msk $0xffff, v2  }
0xc9: {  	v3 =	vor.u32 $0x1700, v39;
	v2 =	vld [tilespmem:$0x10620];
	_ =	sdelay $0x4  }
0xca: {  	[tilespmem:v3+s17+$0x0] =	vst.idx.msk $0xffff, v2  }
0xcb: {  	v3 =	vor.u32 $0x1800, v39;
	v2 =	vld [tilespmem:$0x10630];
	_ =	sdelay $0x4  }
0xcc: {  	[tilespmem:v3+s17+$0x0] =	vst.idx.msk $0xffff, v2  }
0xcd: {  	v3 =	vor.u32 $0x1900, v39;
	v2 =	vld [tilespmem:$0x10640];
	_ =	sdelay $0x4  }
0xce: {  	[tilespmem:v3+s17+$0x0] =	vst.idx.msk $0xffff, v2  }
0xcf: {  	v3 =	vor.u32 $0x1A00, v39;
	v2 =	vld [tilespmem:$0x10650];
	_ =	sdelay $0x4  }
0xd0: {  	[tilespmem:v3+s17+$0x0] =	vst.idx.msk $0xffff, v2  }
0xd1: {  	v3 =	vor.u32 $0x1B00, v39;
	v2 =	vld [tilespmem:$0x10660];
	_ =	sdelay $0x4  }
0xd2: {  	[tilespmem:v3+s17+$0x0] =	vst.idx.msk $0xffff, v2  }
0xd3: {  	v3 =	vor.u32 $0x1C00, v39;
	v2 =	vld [tilespmem:$0x10670];
	_ =	sdelay $0x4  }
0xd4: {  	[tilespmem:v3+s17+$0x0] =	vst.idx.msk $0xffff, v2  }
0xd5: {  	v3 =	vor.u32 $0x1D00, v39;
	v2 =	vld [tilespmem:$0x10680];
	_ =	sdelay $0x4  }
0xd6: {  	[tilespmem:v3+s17+$0x0] =	vst.idx.msk $0xffff, v2  }
0xd7: {  	v3 =	vor.u32 $0x1E00, v39;
	v2 =	vld [tilespmem:$0x10690];
	_ =	sdelay $0x4  }
0xd8: {  	[tilespmem:v3+s17+$0x0] =	vst.idx.msk $0xffff, v2  }
0xd9: {  	v3 =	vor.u32 $0x1F00, v39;
	v2 =	vld [tilespmem:$0x106A0];
	_ =	sdelay $0x4  }
0xda: {  	[tilespmem:v3+s17+$0x0] =	vst.idx.msk $0xffff, v2  }
0xdb: {  	v3 =	vor.u32 $0x2000, v39;
	v2 =	vld [tilespmem:$0x106B0];
	_ =	sdelay $0x4  }
0xdc: {  	[tilespmem:v3+s17+$0x0] =	vst.idx.msk $0xffff, v2  }
0xdd: {  	v3 =	vor.u32 $0x2100, v39;
	v2 =	vld [tilespmem:$0x106C0];
	_ =	sdelay $0x4  }
0xde: {  	[tilespmem:v3+s17+$0x0] =	vst.idx.msk $0xffff, v2  }
0xdf: {  	v3 =	vor.u32 $0x2200, v39;
	v2 =	vld [tilespmem:$0x106D0];
	_ =	sdelay $0x4  }
0xe0: {  	[tilespmem:v3+s17+$0x0] =	vst.idx.msk $0xffff, v2  }
0xe1: {  	v3 =	vor.u32 $0x2300, v39;
	v2 =	vld [tilespmem:$0x106E0];
	_ =	sdelay $0x4  }
0xe2: {  	[tilespmem:v3+s17+$0x0] =	vst.idx.msk $0xffff, v2  }
0xe3: {  	v3 =	vor.u32 $0x2400, v39;
	v2 =	vld [tilespmem:$0x106F0];
	_ =	sdelay $0x4  }
0xe4: {  	[tilespmem:v3+s17+$0x0] =	vst.idx.msk $0xffff, v2  }
0xe5: {  	v3 =	vor.u32 $0x2500, v39;
	v2 =	vld [tilespmem:$0x10700];
	_ =	sdelay $0x4  }
0xe6: {  	[tilespmem:v3+s17+$0x0] =	vst.idx.msk $0xffff, v2  }
0xe7: {  	v3 =	vor.u32 $0x2600, v39;
	v2 =	vld [tilespmem:$0x10710];
	_ =	sdelay $0x4  }
0xe8: {  	[tilespmem:v3+s17+$0x0] =	vst.idx.msk $0xffff, v2  }
0xe9: {  	v3 =	vor.u32 $0x2700, v39;
	v2 =	vld [tilespmem:$0x10720];
	_ =	sdelay $0x4  }
0xea: {  	s0 =	simm.s32 $0x0;
	s21 =	rddreg [dreg:$0x13];
	[tilespmem:v3+s17+$0x0] =	vst.idx.msk $0xffff, v2  }
0xeb: {  	[hbm4b:s21+s0] =	stream.linear.scatter [tilespmem:s17], [sflag:$0xC], $0x2800, $0x38;
	[tilespmem:$0x1F5F0] =	vst v63  }
0xec: {  	_ =	swait.ge [sflag:s5], $0x2800  }
0xed: {  	s31 =	sadd.s32 $0x1, s31;
	s22 =	rddreg [dreg:$0x14]  }
0xee: {  	p2 =	sne.s32 s31, s22  }
.Ltmp1:
0xef: {  	_ = 	snop;
	(pc) =	sbr.rel @!p2 .LBB2_19-.Ltmp1, $3  }
0xf0: {  	_ =	sdelay $0x1  }
0xf1: {  	[sflag:s5] =	ssyncset.done $0x0  }
0xf2: {  	[sflag:s5] =	ssyncadd.s32 $0xFFFFD800  }
.LBB2_1:
0xf3: {  	s1 =	rddreg [dreg:$0xe]  }
0xf4: {  	[tilespmem:s0], [sflag:$0xB] =	stream.linear.gather [hbm4b:s1+s0], $0x2710, $0x38;
	[tilespmem:$0x1F5F0] =	vst v63  }
0xf5: {  	s22 =	rddreg [dreg:$0xf];
	s4 =	simm.s32 $0x2710  }
0xf6: {  	[tilespmem:s4], [sflag:$0xB] =	stream.linear.gather [hbm4b:s22+s0], $0x2710, $0x38;
	[tilespmem:$0x1F5F0] =	vst v63  }
0xf7: {  	[tilespmem:$0xF4B0] =	vst v1  }
0xf8: {  	[tilespmem:$0xF4C0] =	vst v1  }
0xf9: {  	[tilespmem:$0xF4D0] =	vst v1  }
0xfa: {  	[tilespmem:$0xF4E0] =	vst v1  }
0xfb: {  	[tilespmem:$0xF4F0] =	vst v1  }
0xfc: {  	[tilespmem:$0xF500] =	vst v1  }
0xfd: {  	[tilespmem:$0xF510] =	vst v1  }
0xfe: {  	[tilespmem:$0xF520] =	vst v1  }
0xff: {  	[tilespmem:$0xF530] =	vst v1  }
0x100: {  	[tilespmem:$0xF540] =	vst v1  }
0x101: {  	[tilespmem:$0xF550] =	vst v1  }
0x102: {  	[tilespmem:$0xF560] =	vst v1  }
0x103: {  	[tilespmem:$0xF570] =	vst v1  }
0x104: {  	[tilespmem:$0xF580] =	vst v1  }
0x105: {  	[tilespmem:$0xF590] =	vst v1  }
0x106: {  	[tilespmem:$0xF5A0] =	vst v1  }
0x107: {  	[tilespmem:$0xF5B0] =	vst v1  }
0x108: {  	[tilespmem:$0xF5C0] =	vst v1  }
0x109: {  	[tilespmem:$0xF5D0] =	vst v1  }
0x10a: {  	[tilespmem:$0xF5E0] =	vst v1  }
0x10b: {  	[tilespmem:$0xF5F0] =	vst v1  }
0x10c: {  	[tilespmem:$0xF600] =	vst v1  }
0x10d: {  	[tilespmem:$0xF610] =	vst v1  }
0x10e: {  	[tilespmem:$0xF620] =	vst v1  }
0x10f: {  	[tilespmem:$0xF630] =	vst v1  }
0x110: {  	[tilespmem:$0xF640] =	vst v1  }
0x111: {  	[tilespmem:$0xF650] =	vst v1  }
0x112: {  	[tilespmem:$0xF660] =	vst v1  }
0x113: {  	[tilespmem:$0xF670] =	vst v1  }
0x114: {  	[tilespmem:$0xF680] =	vst v1  }
0x115: {  	[tilespmem:$0xF690] =	vst v1  }
0x116: {  	[tilespmem:$0xF6A0] =	vst v1  }
0x117: {  	[tilespmem:$0xF6B0] =	vst v1  }
0x118: {  	[tilespmem:$0xF6C0] =	vst v1  }
0x119: {  	[tilespmem:$0xF6D0] =	vst v1  }
0x11a: {  	[tilespmem:$0xF6E0] =	vst v1  }
0x11b: {  	[tilespmem:$0xF6F0] =	vst v1  }
0x11c: {  	[tilespmem:$0xF700] =	vst v1  }
0x11d: {  	[tilespmem:$0xF710] =	vst v1  }
0x11e: {  	[tilespmem:$0xF720] =	vst v1  }
0x11f: {  	[tilespmem:$0xF730] =	vst v1  }
0x120: {  	[tilespmem:$0xF740] =	vst v1  }
0x121: {  	[tilespmem:$0xF750] =	vst v1  }
0x122: {  	[tilespmem:$0xF760] =	vst v1  }
0x123: {  	[tilespmem:$0xF770] =	vst v1  }
0x124: {  	[tilespmem:$0xF780] =	vst v1  }
0x125: {  	[tilespmem:$0xF790] =	vst v1  }
0x126: {  	[tilespmem:$0xF7A0] =	vst v1  }
0x127: {  	[tilespmem:$0xF7B0] =	vst v1  }
0x128: {  	[tilespmem:$0xF7C0] =	vst v1  }
0x129: {  	[tilespmem:$0xF7D0] =	vst v1  }
0x12a: {  	[tilespmem:$0xF7E0] =	vst v1  }
0x12b: {  	[tilespmem:$0xF7F0] =	vst v1  }
0x12c: {  	[tilespmem:$0xF800] =	vst v1  }
0x12d: {  	[tilespmem:$0xF810] =	vst v1  }
0x12e: {  	[tilespmem:$0xF820] =	vst v1  }
0x12f: {  	[tilespmem:$0xF830] =	vst v1  }
0x130: {  	[tilespmem:$0xF840] =	vst v1  }
0x131: {  	[tilespmem:$0xF850] =	vst v1  }
0x132: {  	[tilespmem:$0xF860] =	vst v1  }
0x133: {  	[tilespmem:$0xF870] =	vst v1  }
0x134: {  	[tilespmem:$0xF880] =	vst v1  }
0x135: {  	[tilespmem:$0xF890] =	vst v1  }
0x136: {  	[tilespmem:$0xF8A0] =	vst v1  }
0x137: {  	[tilespmem:$0xF8B0] =	vst v1  }
0x138: {  	[tilespmem:$0xF8C0] =	vst v1  }
0x139: {  	[tilespmem:$0xF8D0] =	vst v1  }
0x13a: {  	[tilespmem:$0xF8E0] =	vst v1  }
0x13b: {  	[tilespmem:$0xF8F0] =	vst v1  }
0x13c: {  	[tilespmem:$0xF900] =	vst v1  }
0x13d: {  	[tilespmem:$0xF910] =	vst v1  }
0x13e: {  	[tilespmem:$0xF920] =	vst v1  }
0x13f: {  	[tilespmem:$0xF930] =	vst v1  }
0x140: {  	[tilespmem:$0xF940] =	vst v1  }
0x141: {  	[tilespmem:$0xF950] =	vst v1  }
0x142: {  	[tilespmem:$0xF960] =	vst v1  }
0x143: {  	[tilespmem:$0xF970] =	vst v1  }
0x144: {  	[tilespmem:$0xF980] =	vst v1  }
0x145: {  	[tilespmem:$0xF990] =	vst v1  }
0x146: {  	[tilespmem:$0xF9A0] =	vst v1  }
0x147: {  	[tilespmem:$0xF9B0] =	vst v1  }
0x148: {  	[tilespmem:$0xF9C0] =	vst v1  }
0x149: {  	[tilespmem:$0xF9D0] =	vst v1  }
0x14a: {  	[tilespmem:$0xF9E0] =	vst v1  }
0x14b: {  	[tilespmem:$0xF9F0] =	vst v1  }
0x14c: {  	[tilespmem:$0xFA00] =	vst v1  }
0x14d: {  	[tilespmem:$0xFA10] =	vst v1  }
0x14e: {  	[tilespmem:$0xFA20] =	vst v1  }
0x14f: {  	[tilespmem:$0xFA30] =	vst v1  }
0x150: {  	[tilespmem:$0xFA40] =	vst v1  }
0x151: {  	[tilespmem:$0xFA50] =	vst v1  }
0x152: {  	[tilespmem:$0xFA60] =	vst v1  }
0x153: {  	[tilespmem:$0xFA70] =	vst v1  }
0x154: {  	[tilespmem:$0xFA80] =	vst v1  }
0x155: {  	[tilespmem:$0xFA90] =	vst v1  }
0x156: {  	[tilespmem:$0xFAA0] =	vst v1  }
0x157: {  	[tilespmem:$0xFAB0] =	vst v1  }
0x158: {  	[tilespmem:$0xFAC0] =	vst v1  }
0x159: {  	[tilespmem:$0xFAD0] =	vst v1  }
0x15a: {  	[tilespmem:$0xFAE0] =	vst v1  }
0x15b: {  	[tilespmem:$0xFAF0] =	vst v1  }
0x15c: {  	[tilespmem:$0xFB00] =	vst v1  }
0x15d: {  	[tilespmem:$0xFB10] =	vst v1  }
0x15e: {  	[tilespmem:$0xFB20] =	vst v1  }
0x15f: {  	[tilespmem:$0xFB30] =	vst v1  }
0x160: {  	[tilespmem:$0xFB40] =	vst v1  }
0x161: {  	[tilespmem:$0xFB50] =	vst v1  }
0x162: {  	[tilespmem:$0xFB60] =	vst v1  }
0x163: {  	[tilespmem:$0xFB70] =	vst v1  }
0x164: {  	[tilespmem:$0xFB80] =	vst v1  }
0x165: {  	[tilespmem:$0xFB90] =	vst v1  }
0x166: {  	[tilespmem:$0xFBA0] =	vst v1  }
0x167: {  	[tilespmem:$0xFBB0] =	vst v1  }
0x168: {  	[tilespmem:$0xFBC0] =	vst v1  }
0x169: {  	[tilespmem:$0xFBD0] =	vst v1  }
0x16a: {  	[tilespmem:$0xFBE0] =	vst v1  }
0x16b: {  	[tilespmem:$0xFBF0] =	vst v1  }
0x16c: {  	[tilespmem:$0xFC00] =	vst v1  }
0x16d: {  	[tilespmem:$0xFC10] =	vst v1  }
0x16e: {  	[tilespmem:$0xFC20] =	vst v1  }
0x16f: {  	[tilespmem:$0xFC30] =	vst v1  }
0x170: {  	[tilespmem:$0xFC40] =	vst v1  }
0x171: {  	[tilespmem:$0xFC50] =	vst v1  }
0x172: {  	[tilespmem:$0xFC60] =	vst v1  }
0x173: {  	[tilespmem:$0xFC70] =	vst v1  }
0x174: {  	[tilespmem:$0xFC80] =	vst v1  }
0x175: {  	[tilespmem:$0xFC90] =	vst v1  }
0x176: {  	[tilespmem:$0xFCA0] =	vst v1  }
0x177: {  	[tilespmem:$0xFCB0] =	vst v1  }
0x178: {  	[tilespmem:$0xFCC0] =	vst v1  }
0x179: {  	[tilespmem:$0xFCD0] =	vst v1  }
0x17a: {  	[tilespmem:$0xFCE0] =	vst v1  }
0x17b: {  	[tilespmem:$0xFCF0] =	vst v1  }
0x17c: {  	[tilespmem:$0xFD00] =	vst v1  }
0x17d: {  	[tilespmem:$0xFD10] =	vst v1  }
0x17e: {  	[tilespmem:$0xFD20] =	vst v1  }
0x17f: {  	[tilespmem:$0xFD30] =	vst v1  }
0x180: {  	[tilespmem:$0xFD40] =	vst v1  }
0x181: {  	[tilespmem:$0xFD50] =	vst v1  }
0x182: {  	[tilespmem:$0xFD60] =	vst v1  }
0x183: {  	[tilespmem:$0xFD70] =	vst v1  }
0x184: {  	[tilespmem:$0xFD80] =	vst v1  }
0x185: {  	[tilespmem:$0xFD90] =	vst v1  }
0x186: {  	[tilespmem:$0xFDA0] =	vst v1  }
0x187: {  	[tilespmem:$0xFDB0] =	vst v1  }
0x188: {  	[tilespmem:$0xFDC0] =	vst v1  }
0x189: {  	[tilespmem:$0xFDD0] =	vst v1  }
0x18a: {  	[tilespmem:$0xFDE0] =	vst v1  }
0x18b: {  	[tilespmem:$0xFDF0] =	vst v1  }
0x18c: {  	[tilespmem:$0xFE00] =	vst v1  }
0x18d: {  	[tilespmem:$0xFE10] =	vst v1  }
0x18e: {  	[tilespmem:$0xFE20] =	vst v1  }
0x18f: {  	[tilespmem:$0xFE30] =	vst v1  }
0x190: {  	[tilespmem:$0xFE40] =	vst v1  }
0x191: {  	[tilespmem:$0xFE50] =	vst v1  }
0x192: {  	[tilespmem:$0xFE60] =	vst v1  }
0x193: {  	[tilespmem:$0xFE70] =	vst v1  }
0x194: {  	[tilespmem:$0xFE80] =	vst v1  }
0x195: {  	[tilespmem:$0xFE90] =	vst v1  }
0x196: {  	[tilespmem:$0xFEA0] =	vst v1  }
0x197: {  	[tilespmem:$0xFEB0] =	vst v1  }
0x198: {  	[tilespmem:$0xFEC0] =	vst v1  }
0x199: {  	[tilespmem:$0xFED0] =	vst v1  }
0x19a: {  	[tilespmem:$0xFEE0] =	vst v1  }
0x19b: {  	[tilespmem:$0xFEF0] =	vst v1  }
0x19c: {  	[tilespmem:$0xFF00] =	vst v1  }
0x19d: {  	[tilespmem:$0xFF10] =	vst v1  }
0x19e: {  	[tilespmem:$0xFF20] =	vst v1  }
0x19f: {  	[tilespmem:$0xFF30] =	vst v1  }
0x1a0: {  	[tilespmem:$0xFF40] =	vst v1  }
0x1a1: {  	[tilespmem:$0xFF50] =	vst v1  }
0x1a2: {  	[tilespmem:$0xFF60] =	vst v1  }
0x1a3: {  	[tilespmem:$0xFF70] =	vst v1  }
0x1a4: {  	[tilespmem:$0xFF80] =	vst v1  }
0x1a5: {  	[tilespmem:$0xFF90] =	vst v1  }
0x1a6: {  	[tilespmem:$0xFFA0] =	vst v1  }
0x1a7: {  	[tilespmem:$0xFFB0] =	vst v1  }
0x1a8: {  	[tilespmem:$0xFFC0] =	vst v1  }
0x1a9: {  	[tilespmem:$0xFFD0] =	vst v1  }
0x1aa: {  	[tilespmem:$0xFFE0] =	vst v1  }
0x1ab: {  	[tilespmem:$0xFFF0] =	vst v1  }
0x1ac: {  	[tilespmem:$0x10000] =	vst v1  }
0x1ad: {  	[tilespmem:$0x10010] =	vst v1  }
0x1ae: {  	[tilespmem:$0x10020] =	vst v1  }
0x1af: {  	[tilespmem:$0x10030] =	vst v1  }
0x1b0: {  	[tilespmem:$0x10040] =	vst v1  }
0x1b1: {  	[tilespmem:$0x10050] =	vst v1  }
0x1b2: {  	[tilespmem:$0x10060] =	vst v1  }
0x1b3: {  	[tilespmem:$0x10070] =	vst v1  }
0x1b4: {  	[tilespmem:$0x10080] =	vst v1  }
0x1b5: {  	[tilespmem:$0x10090] =	vst v1  }
0x1b6: {  	[tilespmem:$0x100A0] =	vst v1  }
0x1b7: {  	[tilespmem:$0x100B0] =	vst v1  }
0x1b8: {  	[tilespmem:$0x100C0] =	vst v1  }
0x1b9: {  	[tilespmem:$0x100D0] =	vst v1  }
0x1ba: {  	[tilespmem:$0x100E0] =	vst v1  }
0x1bb: {  	[tilespmem:$0x100F0] =	vst v1  }
0x1bc: {  	[tilespmem:$0x10100] =	vst v1  }
0x1bd: {  	[tilespmem:$0x10110] =	vst v1  }
0x1be: {  	[tilespmem:$0x10120] =	vst v1  }
0x1bf: {  	[tilespmem:$0x10130] =	vst v1  }
0x1c0: {  	[tilespmem:$0x10140] =	vst v1  }
0x1c1: {  	[tilespmem:$0x10150] =	vst v1  }
0x1c2: {  	[tilespmem:$0x10160] =	vst v1  }
0x1c3: {  	[tilespmem:$0x10170] =	vst v1  }
0x1c4: {  	[tilespmem:$0x10180] =	vst v1  }
0x1c5: {  	[tilespmem:$0x10190] =	vst v1  }
0x1c6: {  	[tilespmem:$0x101A0] =	vst v1  }
0x1c7: {  	[tilespmem:$0x101B0] =	vst v1  }
0x1c8: {  	[tilespmem:$0x101C0] =	vst v1  }
0x1c9: {  	[tilespmem:$0x101D0] =	vst v1  }
0x1ca: {  	[tilespmem:$0x101E0] =	vst v1  }
0x1cb: {  	[tilespmem:$0x101F0] =	vst v1  }
0x1cc: {  	[tilespmem:$0x10200] =	vst v1  }
0x1cd: {  	[tilespmem:$0x10210] =	vst v1  }
0x1ce: {  	[tilespmem:$0x10220] =	vst v1  }
0x1cf: {  	[tilespmem:$0x10230] =	vst v1  }
0x1d0: {  	[tilespmem:$0x10240] =	vst v1  }
0x1d1: {  	[tilespmem:$0x10250] =	vst v1  }
0x1d2: {  	[tilespmem:$0x10260] =	vst v1  }
0x1d3: {  	[tilespmem:$0x10270] =	vst v1  }
0x1d4: {  	[tilespmem:$0x10280] =	vst v1  }
0x1d5: {  	[tilespmem:$0x10290] =	vst v1  }
0x1d6: {  	[tilespmem:$0x102A0] =	vst v1  }
0x1d7: {  	[tilespmem:$0x102B0] =	vst v1  }
0x1d8: {  	[tilespmem:$0x102C0] =	vst v1  }
0x1d9: {  	[tilespmem:$0x102D0] =	vst v1  }
0x1da: {  	[tilespmem:$0x102E0] =	vst v1  }
0x1db: {  	[tilespmem:$0x102F0] =	vst v1  }
0x1dc: {  	[tilespmem:$0x10300] =	vst v1  }
0x1dd: {  	[tilespmem:$0x10310] =	vst v1  }
0x1de: {  	[tilespmem:$0x10320] =	vst v1  }
0x1df: {  	[tilespmem:$0x10330] =	vst v1  }
0x1e0: {  	[tilespmem:$0x10340] =	vst v1  }
0x1e1: {  	[tilespmem:$0x10350] =	vst v1  }
0x1e2: {  	[tilespmem:$0x10360] =	vst v1  }
0x1e3: {  	[tilespmem:$0x10370] =	vst v1  }
0x1e4: {  	[tilespmem:$0x10380] =	vst v1  }
0x1e5: {  	[tilespmem:$0x10390] =	vst v1  }
0x1e6: {  	[tilespmem:$0x103A0] =	vst v1  }
0x1e7: {  	[tilespmem:$0x103B0] =	vst v1  }
0x1e8: {  	[tilespmem:$0x103C0] =	vst v1  }
0x1e9: {  	[tilespmem:$0x103D0] =	vst v1  }
0x1ea: {  	[tilespmem:$0x103E0] =	vst v1  }
0x1eb: {  	[tilespmem:$0x103F0] =	vst v1  }
0x1ec: {  	[tilespmem:$0x10400] =	vst v1  }
0x1ed: {  	[tilespmem:$0x10410] =	vst v1  }
0x1ee: {  	[tilespmem:$0x10420] =	vst v1  }
0x1ef: {  	[tilespmem:$0x10430] =	vst v1  }
0x1f0: {  	[tilespmem:$0x10440] =	vst v1  }
0x1f1: {  	[tilespmem:$0x10450] =	vst v1  }
0x1f2: {  	[tilespmem:$0x10460] =	vst v1  }
0x1f3: {  	[tilespmem:$0x10470] =	vst v1  }
0x1f4: {  	[tilespmem:$0x10480] =	vst v1  }
0x1f5: {  	[tilespmem:$0x10490] =	vst v1  }
0x1f6: {  	s1 =	simm.s32 $0x0;
	s0 =	simm.s32 $0x40;
	[tilespmem:$0x104A0] =	vst v1  }
.LBB2_2:
0x1f7: {  	p2 =	sne.s32 s0, $0x9FC0;
	[tilespmem:s1+$0x104B0] =	vst v1;
	s1 =	smov.u32 s0;
	s0 =	sadd.s32 $0x40, s0  }
.Ltmp2:
0x1f8: {  	(pc) =	sbr.rel @p2 .LBB2_2-.Ltmp2, $2  }
0x1f9: {  	_ =	sdelay $0x2  }
0x1fa: {  	s1 =	sshra.s32 s1, $0x2  }
0x1fb: {  	[tilespmem:s1+$0x104B0] =	vst v1  }
0x1fc: {  	[tilespmem:$0x12CB0] =	vst v0  }
0x1fd: {  	[tilespmem:$0x12CE0] =	vst v4  }
0x1fe: {  	[tilespmem:$0x12CF0] =	vst v5  }
0x1ff: {  	[tilespmem:$0x12D00] =	vst v6  }
0x200: {  	[tilespmem:$0x12D10] =	vst v7  }
0x201: {  	[tilespmem:$0x12D20] =	vst v8  }
0x202: {  	[tilespmem:$0x12D30] =	vst v9  }
0x203: {  	[tilespmem:$0x12D40] =	vst v10  }
0x204: {  	[tilespmem:$0x12D50] =	vst v11  }
0x205: {  	[tilespmem:$0x12D60] =	vst v12  }
0x206: {  	[tilespmem:$0x12D70] =	vst v13  }
0x207: {  	[tilespmem:$0x12D80] =	vst v14  }
0x208: {  	[tilespmem:$0x12D90] =	vst v15  }
0x209: {  	[tilespmem:$0x12DA0] =	vst v16  }
0x20a: {  	[tilespmem:$0x12DB0] =	vst v17  }
0x20b: {  	[tilespmem:$0x12DC0] =	vst v18  }
0x20c: {  	[tilespmem:$0x12DD0] =	vst v19  }
0x20d: {  	[tilespmem:$0x12DE0] =	vst v20  }
0x20e: {  	[tilespmem:$0x12DF0] =	vst v21  }
0x20f: {  	[tilespmem:$0x12E00] =	vst v22  }
0x210: {  	[tilespmem:$0x12E10] =	vst v23  }
0x211: {  	[tilespmem:$0x12E20] =	vst v24  }
0x212: {  	[tilespmem:$0x12E30] =	vst v25  }
0x213: {  	[tilespmem:$0x12E40] =	vst v26  }
0x214: {  	[tilespmem:$0x12E50] =	vst v27  }
0x215: {  	[tilespmem:$0x12E60] =	vst v28  }
0x216: {  	[tilespmem:$0x12E70] =	vst v29  }
0x217: {  	[tilespmem:$0x12E80] =	vst v30  }
0x218: {  	[tilespmem:$0x12E90] =	vst v31  }
0x219: {  	v2 =	vld [tilespmem:$0x1FFE0];
	[tilespmem:$0x12EA0] =	vst v32  }
0x21a: {  	[tilespmem:$0x12EB0] =	vst v33  }
0x21b: {  	[tilespmem:$0x12EC0] =	vst v34  }
0x21c: {  	[tilespmem:$0x12ED0] =	vst v35  }
0x21d: {  	[tilespmem:$0x12EE0] =	vst v36  }
0x21e: {  	[tilespmem:$0x12CC0] =	vst v2;
	v2 =	vld [tilespmem:$0x1FFF0]  }
0x21f: {  	[tilespmem:$0x12EF0] =	vst v37  }
0x220: {  	[tilespmem:$0x12F00] =	vst v38  }
0x221: {  	[tilespmem:$0x12F10] =	vst v40  }
0x222: {  	[tilespmem:$0x12F20] =	vst v41  }
0x223: {  	s0 =	rddreg [dreg:$0x11];
	[tilespmem:$0x12CD0] =	vst v2  }
0x224: {  	[spmem:s18] =	stream.linear.scatter [tilespmem:s0], [sflag:$0xC], $0x280, $0x38;
	[tilespmem:$0x1F5F0] =	vst v63  }
0x225: {  	_ =	swait.ge [sflag:s5], $0x280  }
0x226: {  	[sflag:s5] =	ssyncset.done $0x0  }
0x227: {  	s18 =	rddreg [dreg:$0x15];
	[sflag:s5] =	ssyncadd.s32 $0xFFFFFD80  }
0x228: {  	[spmem:s18] =	stream.linear.scatter [tilespmem:s6], [sflag:$0x6], $0x1000, $0x38;
	[tilespmem:$0x1F5F0] =	vst v63  }
0x229: {  	s21 =	rddreg [dreg:$0x16]  }
0x22a: {  	[spmem:s21] =	stream.linear.scatter [tilespmem:s6], [sflag:$0x6], $0x1000, $0x38;
	[tilespmem:$0x1F5F0] =	vst v63  }
0x22b: {  	s22 =	rddreg [dreg:$0x17]  }
0x22c: {  	[spmem:s22] =	stream.linear.scatter [tilespmem:s6], [sflag:$0x6], $0x1000, $0x38;
	[tilespmem:$0x1F5F0] =	vst v63  }
0x22d: {  	s1 =	rddreg [dreg:$0x18]  }
0x22e: {  	[spmem:s1] =	stream.linear.scatter [tilespmem:s6], [sflag:$0x6], $0x1000, $0x38;
	[tilespmem:$0x1F5F0] =	vst v63  }
0x22f: {  	s4 =	rddreg [dreg:$0x19]  }
0x230: {  	[spmem:s4] =	stream.linear.scatter [tilespmem:s6], [sflag:$0x6], $0x1000, $0x38;
	[tilespmem:$0x1F5F0] =	vst v63  }
0x231: {  	s8 =	rddreg [dreg:$0x1a]  }
0x232: {  	[spmem:s8] =	stream.linear.scatter [tilespmem:s6], [sflag:$0x6], $0x1000, $0x38;
	[tilespmem:$0x1F5F0] =	vst v63  }
0x233: {  	s10 =	rddreg [dreg:$0x1b]  }
0x234: {  	[spmem:s10] =	stream.linear.scatter [tilespmem:s6], [sflag:$0x6], $0x1000, $0x38;
	[tilespmem:$0x1F5F0] =	vst v63  }
0x235: {  	s18 =	rddreg [dreg:$0x1c]  }
0x236: {  	[spmem:s18] =	stream.linear.scatter [tilespmem:s6], [sflag:$0x6], $0x1000, $0x38;
	[tilespmem:$0x1F5F0] =	vst v63  }
0x237: {  	s21 =	rddreg [dreg:$0x1d]  }
0x238: {  	[spmem:s21] =	stream.linear.scatter [tilespmem:s6], [sflag:$0x6], $0x1000, $0x38;
	[tilespmem:$0x1F5F0] =	vst v63  }
0x239: {  	s0 =	simm.s32 @p0 $0xF4B0;
	s1 =	rddreg [dreg:$0x1e]  }
0x23a: {  	[spmem:s1] =	stream.linear.scatter @p0 [tilespmem:s0], [sflag:$0x6], $0x1000, $0x38;
	[tilespmem:$0x1F5F0] =	vst v63  }
0x23b: {  	s0 =	simm.s32 @!p1 $0xF4B0;
	s1 =	rddreg [dreg:$0x1f]  }
0x23c: {  	[spmem:s1] =	stream.linear.scatter @!p1 [tilespmem:s0], [sflag:$0x6], $0x400, $0x38;
	[tilespmem:$0x1F5F0] =	vst v63  }
0x23d: {  	_ =	swait.ge [sflag:s7], $0x1000  }
0x23e: {  	[sflag:s7] =	ssyncset.done $0x0  }
0x23f: {  	[sflag:s7] =	ssyncadd.s32 $0xFFFFF000  }
0x240: {  	_ =	swait.ge [sflag:s7], $0x1000  }
0x241: {  	[sflag:s7] =	ssyncset.done $0x0  }
0x242: {  	[sflag:s7] =	ssyncadd.s32 $0xFFFFF000  }
0x243: {  	_ =	swait.ge [sflag:s7], $0x1000  }
0x244: {  	[sflag:s7] =	ssyncset.done $0x0  }
0x245: {  	[sflag:s7] =	ssyncadd.s32 $0xFFFFF000  }
0x246: {  	_ =	swait.ge [sflag:s7], $0x1000  }
0x247: {  	[sflag:s7] =	ssyncset.done $0x0  }
0x248: {  	[sflag:s7] =	ssyncadd.s32 $0xFFFFF000  }
0x249: {  	_ =	swait.ge [sflag:s7], $0x1000  }
0x24a: {  	[sflag:s7] =	ssyncset.done $0x0  }
0x24b: {  	[sflag:s7] =	ssyncadd.s32 $0xFFFFF000  }
0x24c: {  	_ =	swait.ge [sflag:s7], $0x1000  }
0x24d: {  	[sflag:s7] =	ssyncset.done $0x0  }
0x24e: {  	[sflag:s7] =	ssyncadd.s32 $0xFFFFF000  }
0x24f: {  	_ =	swait.ge [sflag:s7], $0x1000  }
0x250: {  	[sflag:s7] =	ssyncset.done $0x0  }
0x251: {  	[sflag:s7] =	ssyncadd.s32 $0xFFFFF000  }
0x252: {  	_ =	swait.ge [sflag:s7], $0x1000  }
0x253: {  	[sflag:s7] =	ssyncset.done $0x0  }
0x254: {  	[sflag:s7] =	ssyncadd.s32 $0xFFFFF000  }
0x255: {  	_ =	swait.ge [sflag:s7], $0x1000  }
0x256: {  	[sflag:s7] =	ssyncset.done $0x0  }
0x257: {  	s0 =	simm.s32 @p0 $0x6;
	[sflag:s7] =	ssyncadd.s32 $0xFFFFF000  }
0x258: {  	_ =	swait.ge @p0 [sflag:s0], $0x1000  }
0x259: {  	[sflag:s0] =	ssyncset.done @p0 $0x0  }
0x25a: {  	[sflag:s0] =	ssyncadd.s32 @p0 $0xFFFFF000;
	s0 =	simm.s32 @!p1 $0x6  }
0x25b: {  	_ =	swait.ge @!p1 [sflag:s0], $0x400  }
0x25c: {  	[sflag:s0] =	ssyncset.done @!p1 $0x0  }
0x25d: {  	s22 =	simm.s32 $0xB;
	[sflag:s0] =	ssyncadd.s32 @!p1 $0xFFFFFC00  }
0x25e: {  	_ =	swait.ge [sflag:s22], $0x2710  }
0x25f: {  	[sflag:s22] =	ssyncset.done $0x0  }
0x260: {  	[sflag:s22] =	ssyncadd.s32 $0xFFFFD8F0  }
.Ltmp3:
0x261: {  	_ =	swait.ge [sflag:s22], $0x2710;
	(pc) =	sbr.rel .LBB2_4-.Ltmp3, $4  }
0x262: {  	[sflag:s22] =	ssyncset.done $0x0  }
0x263: {  	[sflag:s22] =	ssyncadd.s32 $0xFFFFD8F0  }
0x264: {  	[bflag:$0x0] =	sbarrier.arrive $0xFFFF  }
0x265: {  	s4 =	simm.s32 $0x0;
	s10 =	simm.s32 $0x0;
	s0 =	simm.s32 $0xFFFFFFFB  }
.LBB2_16:
0x266: {  	s8 =	sadd.s32 $0x200, s1  }
0x267: {  	[tilespmem:s23], [sflag:$0x5] =	stream.indirect.gather [hbm4b:s15+s16], $0x40, s8, s16, $0xb8;
	[tilespmem:$0x1F5F0] =	vst v63  }
0x268: {  	v2 =	vld [tilespmem:s1+$0x2910];
	_ =	sdelay $0x6  }
0x269: {  	[tilespmem:$0x5020] =	vst v2  }
0x26a: {  	[tilespmem:v2+s13+$0x0] =	vst.idx.add.f32.msk $0xffff, v42  }
0x26b: {  	v2 =	vld [tilespmem:s1+$0x2920];
	_ =	sdelay $0x6  }
0x26c: {  	[tilespmem:$0x5030] =	vst v2  }
0x26d: {  	[tilespmem:v2+s13+$0x0] =	vst.idx.add.f32.msk $0xffff, v42  }
0x26e: {  	v2 =	vld [tilespmem:s1+$0x2930];
	_ =	sdelay $0x6  }
0x26f: {  	[tilespmem:$0x5040] =	vst v2  }
0x270: {  	[tilespmem:v2+s13+$0x0] =	vst.idx.add.f32.msk $0xffff, v42  }
0x271: {  	v2 =	vld [tilespmem:s1+$0x2940];
	_ =	sdelay $0x6  }
0x272: {  	[tilespmem:$0x5050] =	vst v2  }
0x273: {  	[tilespmem:v2+s13+$0x0] =	vst.idx.add.f32.msk $0xffff, v42  }
0x274: {  	v2 =	vld [tilespmem:s1+$0x2950];
	_ =	sdelay $0x6  }
0x275: {  	[tilespmem:$0x5060] =	vst v2  }
0x276: {  	[tilespmem:v2+s13+$0x0] =	vst.idx.add.f32.msk $0xffff, v42  }
0x277: {  	v2 =	vld [tilespmem:s1+$0x2960];
	_ =	sdelay $0x6  }
0x278: {  	[tilespmem:$0x5070] =	vst v2  }
0x279: {  	[tilespmem:v2+s13+$0x0] =	vst.idx.add.f32.msk $0xffff, v42  }
0x27a: {  	v2 =	vld [tilespmem:s1+$0x2970];
	_ =	sdelay $0x6  }
0x27b: {  	[tilespmem:$0x5080] =	vst v2  }
0x27c: {  	[tilespmem:v2+s13+$0x0] =	vst.idx.add.f32.msk $0xffff, v42  }
0x27d: {  	v2 =	vld [tilespmem:s1+$0x2980];
	_ =	sdelay $0x6  }
0x27e: {  	[tilespmem:$0x5090] =	vst v2  }
0x27f: {  	[tilespmem:v2+s13+$0x0] =	vst.idx.add.f32.msk $0xffff, v42  }
.LBB2_17:
0x280: {  	s10 =	sadd.s32 $0xA00, s10  }
0x281: {  	p2 =	sne.s32 s10, $0xAA00  }
.Ltmp4:
0x282: {  	_ = 	snop;
	(pc) =	sbr.rel @!p2 .LBB2_18-.Ltmp4, $4  }
0x283: {  	_ =	swait.ge [sflag:s29], $0x2000  }
0x284: {  	[sflag:s29] =	ssyncset.done $0x0  }
0x285: {  	s4 =	sadd.s32 $0x1, s4;
	s0 =	sadd.s32 $0x5, s0;
	[sflag:s29] =	ssyncadd.s32 $0xFFFFE000  }
0x286: {  	[spmem:s2] =	stream.indirect.scatter.add.f32 [tilespmem:s19], [sflag:$0x7], $0x40, s30, s16, $0xb8;
	[tilespmem:$0x1F5F0] =	vst v63  }
.LBB2_4:
0x287: {  	p2 =	sgt.u32 s0, $0x4D  }
0x288: {  	s1 =	simm.s32 @!p2 $0x6  }
0x289: {  	_ =	swait.ge @!p2 [sflag:s1], $0x2000  }
0x28a: {  	[sflag:s1] =	ssyncset.done @!p2 $0x0  }
0x28b: {  	[sflag:s1] =	ssyncadd.s32 @!p2 $0xFFFFE000;
	p2 =	seq.s32 s10, $0xA000  }
0x28c: {  	s1 =	sshra.s32 @!p2 s10, $0x2;
	s8 =	simm.s32 @!p2 $0x80;
	s21 =	simm.s32 @!p2 $0x50B0  }
0x28d: {  	[tilespmem:s21], [sflag:$0x1] =	stream.indirect.gather @!p2 [hbm4b:s15+s8], $0x40, s1, s8, $0xb8;
	[tilespmem:$0x1F5F0] =	vst v63  }
0x28e: {  	v2 =	vld @!p2 [tilespmem:s1+$0x2710];
	_ =	sdelay $0x6  }
0x28f: {  	v3 =	vimm.f32 @!p2 $1.000000000e+00;
	s8 =	simm.s32 @!p2 $0x104B0;
	[tilespmem:$0x4E20] =	vst @!p2 v2  }
0x290: {  	[tilespmem:v2+s8+$0x0] =	vst.idx.add.f32.msk @!p2 $0xffff, v3  }
0x291: {  	v2 =	vld @!p2 [tilespmem:s1+$0x2720];
	_ =	sdelay $0x6  }
0x292: {  	[tilespmem:$0x4E30] =	vst @!p2 v2  }
0x293: {  	[tilespmem:v2+s8+$0x0] =	vst.idx.add.f32.msk @!p2 $0xffff, v3  }
0x294: {  	v2 =	vld @!p2 [tilespmem:s1+$0x2730];
	_ =	sdelay $0x6  }
0x295: {  	[tilespmem:$0x4E40] =	vst @!p2 v2  }
0x296: {  	[tilespmem:v2+s8+$0x0] =	vst.idx.add.f32.msk @!p2 $0xffff, v3  }
0x297: {  	v2 =	vld @!p2 [tilespmem:s1+$0x2740];
	_ =	sdelay $0x6  }
0x298: {  	[tilespmem:$0x4E50] =	vst @!p2 v2  }
0x299: {  	[tilespmem:v2+s8+$0x0] =	vst.idx.add.f32.msk @!p2 $0xffff, v3  }
0x29a: {  	v2 =	vld @!p2 [tilespmem:s1+$0x2750];
	_ =	sdelay $0x6  }
0x29b: {  	[tilespmem:$0x4E60] =	vst @!p2 v2  }
0x29c: {  	[tilespmem:v2+s8+$0x0] =	vst.idx.add.f32.msk @!p2 $0xffff, v3  }
0x29d: {  	v2 =	vld @!p2 [tilespmem:s1+$0x2760];
	_ =	sdelay $0x6  }
0x29e: {  	[tilespmem:$0x4E70] =	vst @!p2 v2  }
0x29f: {  	[tilespmem:v2+s8+$0x0] =	vst.idx.add.f32.msk @!p2 $0xffff, v3  }
0x2a0: {  	v2 =	vld @!p2 [tilespmem:s1+$0x2770];
	_ =	sdelay $0x6  }
0x2a1: {  	[tilespmem:$0x4E80] =	vst @!p2 v2  }
0x2a2: {  	[tilespmem:v2+s8+$0x0] =	vst.idx.add.f32.msk @!p2 $0xffff, v3  }
0x2a3: {  	v2 =	vld @!p2 [tilespmem:s1+$0x2780];
	_ =	sdelay $0x4  }
0x2a4: {  	s1 =	sadd.s32 @!p2 $0x2, s0  }
0x2a5: {  	p3 =	sgt.u32 @!p2 s1, $0x4D  }
0x2a6: {  	p3 =	por p2, !p3;
	[tilespmem:$0x4E90] =	vst @!p2 v2  }
0x2a7: {  	s1 =	simm.s32 @p3 $0x3;
	[tilespmem:v2+s8+$0x0] =	vst.idx.add.f32.msk @!p2 $0xffff, v3  }
0x2a8: {  	_ =	swait.ge @p3 [sflag:s1], $0x2000  }
0x2a9: {  	s21 =	simm.s32 @p3 $0x90B0;
	[sflag:s1] =	ssyncset.done @p3 $0x0  }
0x2aa: {  	s8 =	simm.s32 @p3 $0x4F20;
	[sflag:s1] =	ssyncadd.s32 @p3 $0xFFFFE000;
	s1 =	simm.s32 @p3 $0x80  }
0x2ab: {  	[spmem:s2] =	stream.indirect.scatter.add.f32 @p3 [tilespmem:s21], [sflag:$0x8], $0x40, s8, s1, $0xb8;
	[tilespmem:$0x1F5F0] =	vst v63  }
0x2ac: {  	p5 =	seq.s32 @p3 s10, $0xA000;
	s1 =	sadd.s32 @p3 $0x1, s0  }
0x2ad: {  	p5 =	por !p3, !p5;
	p4 =	sgt.u32 @p3 s1, $0x4D  }
.Ltmp5:
0x2ae: {  	p4 =	por p4, !p3;
	(pc) =	sbr.rel @!p5 .LBB2_20-.Ltmp5, $4  }
0x2af: {  	s1 =	simm.s32 @!p4 $0x7  }
0x2b0: {  	_ =	swait.ge @!p4 [sflag:s1], $0x2000  }
0x2b1: {  	[sflag:s1] =	ssyncset.done @!p4 $0x0  }
0x2b2: {  	[sflag:s1] =	ssyncadd.s32 @!p4 $0xFFFFE000  }
0x2b3: {  	s1 =	sshra.s32 s10, $0x2  }
0x2b4: {  	s8 =	sadd.s32 $0x80, s1  }
0x2b5: {  	[tilespmem:s19], [sflag:$0x2] =	stream.indirect.gather [hbm4b:s15+s16], $0x40, s8, s16, $0xb8;
	[tilespmem:$0x1F5F0] =	vst v63  }
0x2b6: {  	v2 =	vld [tilespmem:s1+$0x2790];
	_ =	sdelay $0x6  }
0x2b7: {  	[tilespmem:$0x4EA0] =	vst v2  }
0x2b8: {  	[tilespmem:v2+s13+$0x0] =	vst.idx.add.f32.msk $0xffff, v42  }
0x2b9: {  	v2 =	vld [tilespmem:s1+$0x27A0];
	_ =	sdelay $0x6  }
0x2ba: {  	[tilespmem:$0x4EB0] =	vst v2  }
0x2bb: {  	[tilespmem:v2+s13+$0x0] =	vst.idx.add.f32.msk $0xffff, v42  }
0x2bc: {  	v2 =	vld [tilespmem:s1+$0x27B0];
	_ =	sdelay $0x6  }
0x2bd: {  	[tilespmem:$0x4EC0] =	vst v2  }
0x2be: {  	[tilespmem:v2+s13+$0x0] =	vst.idx.add.f32.msk $0xffff, v42  }
0x2bf: {  	v2 =	vld [tilespmem:s1+$0x27C0];
	_ =	sdelay $0x6  }
0x2c0: {  	[tilespmem:$0x4ED0] =	vst v2  }
0x2c1: {  	[tilespmem:v2+s13+$0x0] =	vst.idx.add.f32.msk $0xffff, v42  }
0x2c2: {  	v2 =	vld [tilespmem:s1+$0x27D0];
	_ =	sdelay $0x6  }
0x2c3: {  	[tilespmem:$0x4EE0] =	vst v2  }
0x2c4: {  	[tilespmem:v2+s13+$0x0] =	vst.idx.add.f32.msk $0xffff, v42  }
0x2c5: {  	v2 =	vld [tilespmem:s1+$0x27E0];
	_ =	sdelay $0x6  }
0x2c6: {  	[tilespmem:$0x4EF0] =	vst v2  }
0x2c7: {  	[tilespmem:v2+s13+$0x0] =	vst.idx.add.f32.msk $0xffff, v42  }
0x2c8: {  	v2 =	vld [tilespmem:s1+$0x27F0];
	_ =	sdelay $0x6  }
0x2c9: {  	[tilespmem:$0x4F00] =	vst v2  }
0x2ca: {  	[tilespmem:v2+s13+$0x0] =	vst.idx.add.f32.msk $0xffff, v42  }
0x2cb: {  	v2 =	vld [tilespmem:s1+$0x2800];
	_ =	sdelay $0x1  }
0x2cc: {  	s8 =	sadd.s32 $0x3, s0  }
0x2cd: {  	p4 =	sgt.u32 s8, $0x4D  }
.Ltmp6:
0x2ce: {  	_ = 	snop;
	(pc) =	sbr.rel @p4 .LBB2_7-.Ltmp6, $3  }
0x2cf: {  	_ =	sdelay $0x1  }
0x2d0: {  	p5 =	por @!p2 $0x0, $0x0;
	p2 =	por @p3 $0x1, $0x1;
	[tilespmem:$0x4F10] =	vst v2  }
0x2d1: {  	p2 =	por @!p3 p5, p5;
	[tilespmem:v2+s13+$0x0] =	vst.idx.add.f32.msk $0xffff, v42  }
.Ltmp7:
0x2d2: {  	(pc) =	sbr.rel @p2 .LBB2_8-.Ltmp7, $4  }
.Ltmp8:
0x2d3: {  	_ =	swait.ge [sflag:s20], $0x2000;
	(pc) =	sbr.rel @!p2 .LBB2_9-.Ltmp8, $4  }
0x2d4: {  	[sflag:s20] =	ssyncset.done $0x0  }
0x2d5: {  	s18 =	simm.s32 $0x4FA0;
	s21 =	simm.s32 $0xB0B0;
	[sflag:s20] =	ssyncadd.s32 $0xFFFFE000  }
0x2d6: {  	[spmem:s2] =	stream.indirect.scatter.add.f32 [tilespmem:s21], [sflag:$0x9], $0x40, s18, s16, $0xb8;
	[tilespmem:$0x1F5F0] =	vst v63  }
0x2d7: {  	_ = 	snop  }
.LBB2_7:
.Ltmp9:
0x2d8: {  	(pc) =	sbr.rel @!p2 .LBB2_9-.Ltmp9, $1  }
0x2d9: {  	_ =	sdelay $0x3  }
.LBB2_8:
0x2da: {  	_ =	swait.ge [sflag:s9], $0x2000  }
0x2db: {  	[sflag:s9] =	ssyncset.done $0x0  }
0x2dc: {  	[sflag:s9] =	ssyncadd.s32 $0xFFFFE000  }
.LBB2_9:
0x2dd: {  	s21 =	sadd.s32 $0x100, s1  }
0x2de: {  	[tilespmem:s12], [sflag:$0x3] =	stream.indirect.gather [hbm4b:s15+s16], $0x40, s21, s16, $0xb8;
	[tilespmem:$0x1F5F0] =	vst v63  }
0x2df: {  	v2 =	vld [tilespmem:s1+$0x2810];
	_ =	sdelay $0x6  }
0x2e0: {  	[tilespmem:$0x4F20] =	vst v2  }
0x2e1: {  	[tilespmem:v2+s13+$0x0] =	vst.idx.add.f32.msk $0xffff, v42  }
0x2e2: {  	v2 =	vld [tilespmem:s1+$0x2820];
	_ =	sdelay $0x6  }
0x2e3: {  	[tilespmem:$0x4F30] =	vst v2  }
0x2e4: {  	[tilespmem:v2+s13+$0x0] =	vst.idx.add.f32.msk $0xffff, v42  }
0x2e5: {  	v2 =	vld [tilespmem:s1+$0x2830];
	_ =	sdelay $0x6  }
0x2e6: {  	[tilespmem:$0x4F40] =	vst v2  }
0x2e7: {  	[tilespmem:v2+s13+$0x0] =	vst.idx.add.f32.msk $0xffff, v42  }
0x2e8: {  	v2 =	vld [tilespmem:s1+$0x2840];
	_ =	sdelay $0x6  }
0x2e9: {  	[tilespmem:$0x4F50] =	vst v2  }
0x2ea: {  	[tilespmem:v2+s13+$0x0] =	vst.idx.add.f32.msk $0xffff, v42  }
0x2eb: {  	v2 =	vld [tilespmem:s1+$0x2850];
	_ =	sdelay $0x6  }
0x2ec: {  	[tilespmem:$0x4F60] =	vst v2  }
0x2ed: {  	[tilespmem:v2+s13+$0x0] =	vst.idx.add.f32.msk $0xffff, v42  }
0x2ee: {  	v2 =	vld [tilespmem:s1+$0x2860];
	_ =	sdelay $0x6  }
0x2ef: {  	[tilespmem:$0x4F70] =	vst v2  }
0x2f0: {  	[tilespmem:v2+s13+$0x0] =	vst.idx.add.f32.msk $0xffff, v42  }
0x2f1: {  	v2 =	vld [tilespmem:s1+$0x2870];
	_ =	sdelay $0x6  }
0x2f2: {  	[tilespmem:$0x4F80] =	vst v2  }
0x2f3: {  	[tilespmem:v2+s13+$0x0] =	vst.idx.add.f32.msk $0xffff, v42  }
0x2f4: {  	v2 =	vld [tilespmem:s1+$0x2880];
	_ =	sdelay $0x1  }
0x2f5: {  	s22 =	sadd.s32 $0x4, s0  }
0x2f6: {  	p2 =	sgt.u32 s22, $0x4D  }
.Ltmp10:
0x2f7: {  	_ = 	snop;
	(pc) =	sbr.rel @p2 .LBB2_11-.Ltmp10, $3  }
0x2f8: {  	_ =	sdelay $0x1  }
0x2f9: {  	[tilespmem:$0x4F90] =	vst v2  }
0x2fa: {  	[tilespmem:v2+s13+$0x0] =	vst.idx.add.f32.msk $0xffff, v42  }
0x2fb: {  	p3 =	slt.u32 s8, $0x4E  }
.Ltmp11:
0x2fc: {  	_ = 	snop;
	(pc) =	sbr.rel @p3 .LBB2_12-.Ltmp11, $4  }
.Ltmp12:
0x2fd: {  	_ =	swait.ge [sflag:s3], $0x2000;
	(pc) =	sbr.rel @!p3 .LBB2_13-.Ltmp12, $4  }
0x2fe: {  	[sflag:s3] =	ssyncset.done $0x0  }
0x2ff: {  	s18 =	simm.s32 $0x5020;
	[sflag:s3] =	ssyncadd.s32 $0xFFFFE000  }
0x300: {  	[spmem:s2] =	stream.indirect.scatter.add.f32 [tilespmem:s23], [sflag:$0xA], $0x40, s18, s16, $0xb8;
	[tilespmem:$0x1F5F0] =	vst v63  }
0x301: {  	_ = 	snop  }
.LBB2_11:
.Ltmp13:
0x302: {  	(pc) =	sbr.rel @p4 .LBB2_13-.Ltmp13, $1  }
0x303: {  	_ =	sdelay $0x3  }
.LBB2_12:
0x304: {  	_ =	swait.ge [sflag:s24], $0x2000  }
0x305: {  	[sflag:s24] =	ssyncset.done $0x0  }
0x306: {  	[sflag:s24] =	ssyncadd.s32 $0xFFFFE000  }
.LBB2_13:
0x307: {  	p3 =	sgt.u32 s4, $0xE  }
0x308: {  	s8 =	sshra.s32 @!p3 s10, $0x2  }
0x309: {  	s22 =	simm.s32 @!p3 $0x80;
	s18 =	simm.s32 @!p3 $0xB0B0;
	s21 =	sadd.s32 @!p3 $0x180, s8  }
0x30a: {  	[tilespmem:s18], [sflag:$0x4] =	stream.indirect.gather @!p3 [hbm4b:s15+s22], $0x40, s21, s22, $0xb8;
	[tilespmem:$0x1F5F0] =	vst v63  }
0x30b: {  	v2 =	vld @!p3 [tilespmem:s8+$0x2890];
	_ =	sdelay $0x6  }
0x30c: {  	v3 =	vimm.f32 @!p3 $1.000000000e+00;
	s18 =	simm.s32 @!p3 $0x104B0;
	[tilespmem:$0x4FA0] =	vst @!p3 v2  }
0x30d: {  	[tilespmem:v2+s18+$0x0] =	vst.idx.add.f32.msk @!p3 $0xffff, v3  }
0x30e: {  	v2 =	vld @!p3 [tilespmem:s8+$0x28A0];
	_ =	sdelay $0x6  }
0x30f: {  	[tilespmem:$0x4FB0] =	vst @!p3 v2  }
0x310: {  	[tilespmem:v2+s18+$0x0] =	vst.idx.add.f32.msk @!p3 $0xffff, v3  }
0x311: {  	v2 =	vld @!p3 [tilespmem:s8+$0x28B0];
	_ =	sdelay $0x6  }
0x312: {  	[tilespmem:$0x4FC0] =	vst @!p3 v2  }
0x313: {  	[tilespmem:v2+s18+$0x0] =	vst.idx.add.f32.msk @!p3 $0xffff, v3  }
0x314: {  	v2 =	vld @!p3 [tilespmem:s8+$0x28C0];
	_ =	sdelay $0x6  }
0x315: {  	[tilespmem:$0x4FD0] =	vst @!p3 v2  }
0x316: {  	[tilespmem:v2+s18+$0x0] =	vst.idx.add.f32.msk @!p3 $0xffff, v3  }
0x317: {  	v2 =	vld @!p3 [tilespmem:s8+$0x28D0];
	_ =	sdelay $0x6  }
0x318: {  	[tilespmem:$0x4FE0] =	vst @!p3 v2  }
0x319: {  	[tilespmem:v2+s18+$0x0] =	vst.idx.add.f32.msk @!p3 $0xffff, v3  }
0x31a: {  	v2 =	vld @!p3 [tilespmem:s8+$0x28E0];
	_ =	sdelay $0x6  }
0x31b: {  	[tilespmem:$0x4FF0] =	vst @!p3 v2  }
0x31c: {  	[tilespmem:v2+s18+$0x0] =	vst.idx.add.f32.msk @!p3 $0xffff, v3  }
0x31d: {  	v2 =	vld @!p3 [tilespmem:s8+$0x28F0];
	_ =	sdelay $0x6  }
0x31e: {  	[tilespmem:$0x5000] =	vst @!p3 v2  }
0x31f: {  	[tilespmem:v2+s18+$0x0] =	vst.idx.add.f32.msk @!p3 $0xffff, v3  }
0x320: {  	v2 =	vld @!p3 [tilespmem:s8+$0x2900];
	_ =	sdelay $0x6  }
0x321: {  	[tilespmem:$0x5010] =	vst @!p3 v2  }
.Ltmp14:
0x322: {  	[tilespmem:v2+s18+$0x0] =	vst.idx.add.f32.msk @!p3 $0xffff, v3;
	(pc) =	sbr.rel @p2 .LBB2_15-.Ltmp14, $4  }
0x323: {  	_ =	swait.ge [sflag:s14], $0x2000  }
0x324: {  	[sflag:s14] =	ssyncset.done $0x0  }
0x325: {  	[sflag:s14] =	ssyncadd.s32 $0xFFFFE000  }
0x326: {  	[spmem:s2] =	stream.indirect.scatter.add.f32 [tilespmem:s26], [sflag:$0x6], $0x40, s25, s16, $0xb8;
	[tilespmem:$0x1F5F0] =	vst v63  }
0x327: {  	p2 =	slt.u32 s4, $0xF  }
.Ltmp15:
0x328: {  	_ = 	snop;
	(pc) =	sbr.rel @p2 .LBB2_16-.Ltmp15, $4  }
.Ltmp16:
0x329: {  	_ = 	snop;
	(pc) =	sbr.rel @!p2 .LBB2_17-.Ltmp16, $4  }
0x32a: {  	_ =	swait.ge [sflag:s28], $0x2000  }
0x32b: {  	[sflag:s28] =	ssyncset.done $0x0  }
0x32c: {  	[sflag:s28] =	ssyncadd.s32 $0xFFFFE000  }
0x32d: {  	_ = 	snop  }
.LBB2_15:
.Ltmp17:
0x32e: {  	(pc) =	sbr.rel @p3 .LBB2_17-.Ltmp17, $4  }
.Ltmp18:
0x32f: {  	(pc) =	sbr.rel @!p3 .LBB2_16-.Ltmp18, $4  }
0x330: {  	_ = 	snop  }
0x331: {  	_ = 	snop  }
0x332: {  	_ = 	snop  }
0x333: {  	_ = 	snop  }
.LBB2_19:
0x334: {  	_ =	sfence.sel $0x180000  }
0x335: {  	[bflag:$0x0] =	sbarrier.arrive $0xFFFF  }
0x336: {  	_ =	strace $0x90000047  }
0x337: {  	s0 =	stileid.u32;
	[bflag:$0x2] =	sbarrier.arrive $0xFFFF  }
0x338: {  	p0 =	sne.s32 s0, $0x0;
	s0 =	rddreg [dreg:$0x3]  }
0x339: {  	s0 =	sadd.s32 @!p0 $0x100000, s0  }
0x33a: {  	[sflag:s0] =	ssyncadd.tile.s32 @!p0 $0x1;
	_ =	shalt  }
.Lfunc_end2:
_tile_overlayer_lowered:
.L_overlay_start_2:
0x33b: {  	(tag) =	ssettag $0x2  }
0x33c: {  	s0 =	rddreg [dreg:$0x0];
	s2 =	stileid.u32  }
0x33d: {  	s1 =	rddreg [dreg:$0x1];
	p0 =	sne.s32 s2, $0x0  }
0x33e: {  	s3 =	rddreg [dreg:$0x2];
	[bflag:$0x3] =	sbarrier.arrive $0xFFFF;
	s2 =	simm.s32 @!p0 $0x1C0C  }
0x33f: {  	[timem:s3], [sflag:s2] =	dma.local @!p0 [hbm:s0], s1  }
0x340: {  	s0 =	simm.s32 @!p0 $0xC  }
0x341: {  	_ =	swait.ge @!p0 [sflag:s0], s1  }
0x342: {  	s1 =	ssub.s32 @!p0 $0x0, s1;
	[sflag:s0] =	ssyncset.done @!p0 $0x0  }
0x343: {  	[sflag:s0] =	ssyncadd.s32 @!p0 s1  }
0x344: {  	[bflag:$0x3] =	sbarrier.arrive $0xFFFF  }
0x345: {  	_ =	shalt  }

</sc_bundles>
